<compile_context>
chip_gen: v7x
topology: tpu7x:2x2x1
jax: 0.10.2.dev20260603
libtpu: 0.0.44.dev20260713+nightly
codegen_flags: <defaults>
</compile_context>

<pallas_src>
import functools

import jax
import jax.numpy as jnp
from jax import lax
from jax.experimental import pallas as pl
from jax.experimental.pallas import tpu as pltpu
from jax.experimental.pallas import tpu_sc as plsc

B, N1, N2, C1, C2 = 8, 4096, 1024, 128, 256
CO1, CO2 = 256, 256
IN_CH = C1 + C2
TN = 2048
Q = B * N1
NW = 32
QPW = Q // NW
CH = 16
NCH = QPW // CH
NBUF = 4


def _knn_body(p1_ref, p2_ref, idx_ref, w_ref):
    b = pl.program_id(0)
    p1 = p1_ref[0]
    p2 = p2_ref[0]
    dot = lax.dot_general(p1, p2, (((1,), (1,)), ((), ())),
                          preferred_element_type=jnp.float32)
    p1s = jnp.sum(p1 * p1, axis=1, keepdims=True)
    p2s = jnp.sum(p2 * p2, axis=1)[None, :]
    d2 = p1s + p2s - 2.0 * dot
    iota = lax.broadcasted_iota(jnp.int32, (TN, N2), 1)
    cur = d2
    vals, idxs = [], []
    for k in range(3):
        mv = jnp.min(cur, axis=1, keepdims=True)
        eq = cur == mv
        mi = jnp.min(jnp.where(eq, iota, N2), axis=1, keepdims=True)
        vals.append(mv)
        idxs.append(mi)
        if k < 2:
            cur = jnp.where(eq, jnp.float32(jnp.inf), cur)
    dist = jnp.concatenate(vals, axis=1)
    ind = jnp.concatenate(idxs, axis=1)
    rec = 1.0 / (dist + 1e-8)
    w_ref[0] = rec / jnp.sum(rec, axis=1, keepdims=True)
    idx_ref[0] = ind + b * N2


def _knn(points_1, points_2):
    return pl.pallas_call(
        _knn_body,
        grid=(B, N1 // TN),
        in_specs=[
            pl.BlockSpec((1, TN, 3), lambda b, t: (b, t, 0)),
            pl.BlockSpec((1, N2, 3), lambda b, t: (b, 0, 0)),
        ],
        out_specs=[
            pl.BlockSpec((1, TN, 3), lambda b, t: (b, t, 0)),
            pl.BlockSpec((1, TN, 3), lambda b, t: (b, t, 0)),
        ],
        out_shape=[
            jax.ShapeDtypeStruct((B, N1, 3), jnp.int32),
            jax.ShapeDtypeStruct((B, N1, 3), jnp.float32),
        ],
    )(points_1, points_2)


@functools.lru_cache(maxsize=1)
def _make_gather_combine():
    mesh = plsc.VectorSubcoreMesh(core_axis_name="c", subcore_axis_name="s")

    @functools.partial(
        pl.kernel,
        mesh=mesh,
        out_type=jax.ShapeDtypeStruct((Q, C2), jnp.float32),
        scratch_types=[
            pltpu.VMEM((3 * QPW,), jnp.int32),
            pltpu.VMEM((3 * QPW + 16,), jnp.float32),
            pltpu.VMEM((NBUF, 3 * CH, C2), jnp.float32),
            pltpu.VMEM((NBUF, CH, C2), jnp.float32),
        ] + [pltpu.SemaphoreType.DMA] * (2 * NBUF),
    )
    def gather_combine(f2_hbm, idx_hbm, w_hbm, out_hbm,
                       idx_v, w_v, rows_v, out_v, *sems):
        gsem = sems[:NBUF]
        osem = sems[NBUF:]
        wid = lax.axis_index("s") * 2 + lax.axis_index("c")
        qbase = wid * QPW
        pltpu.sync_copy(idx_hbm.at[pl.ds(3 * qbase, 3 * QPW)], idx_v)
        pltpu.sync_copy(w_hbm.at[pl.ds(3 * qbase, 3 * QPW)],
                        w_v.at[pl.ds(0, 3 * QPW)])

        def start_gather(ci, slot):
            pltpu.async_copy(f2_hbm.at[idx_v.at[pl.ds(3 * CH * ci, 3 * CH)]],
                             rows_v.at[slot], gsem[slot])

        def combine(ci, slot):
            def per_q(qi, c):
                wvec = w_v[pl.ds(3 * CH * ci + 3 * qi, 16)]
                w0 = wvec[0]
                w1 = wvec[1]
                w2 = wvec[2]
                for j in range(C2 // 16):
                    sl = pl.ds(j * 16, 16)
                    out_v[slot, qi, sl] = (w0 * rows_v[slot, 3 * qi, sl]
                                           + w1 * rows_v[slot, 3 * qi + 1, sl]
                                           + w2 * rows_v[slot, 3 * qi + 2, sl])
                return c

            lax.fori_loop(0, CH, per_q, 0)

        def wait_gather(slot):
            pltpu.make_async_copy(f2_hbm.at[pl.ds(0, 3 * CH)],
                                  rows_v.at[slot], gsem[slot]).wait()

        def wait_out(slot):
            pltpu.make_async_copy(out_v.at[slot],
                                  out_hbm.at[pl.ds(qbase, CH)],
                                  osem[slot]).wait()

        for s in range(NBUF - 1):
            start_gather(s, s)

        def step(i4, carry):
            for b in range(NBUF):
                ci = NBUF * i4 + b
                slot = b
                nxt = ci + (NBUF - 1)

                @pl.when(nxt < NCH)
                def _pre():
                    start_gather(nxt, (b + NBUF - 1) % NBUF)

                wait_gather(slot)

                @pl.when(ci >= NBUF)
                def _drain():
                    wait_out(slot)

                combine(ci, slot)
                pltpu.async_copy(out_v.at[slot],
                                 out_hbm.at[pl.ds(qbase + ci * CH, CH)],
                                 osem[slot])
            return carry

        lax.fori_loop(0, NCH // NBUF, step, 0)
        for s in range(NBUF):
            wait_out(s)

    return gather_combine


def _sc_gather(f2flat, idxf, wf):
    return _make_gather_combine()(f2flat, idxf, wf)


def _mlp1_body(recv_ref, f1_ref, w1_ref, h_ref, st_ref):
    x = jnp.concatenate([recv_ref[0], f1_ref[0]], axis=1)
    h = lax.dot_general(x, w1_ref[...], (((1,), (1,)), ((), ())),
                        preferred_element_type=jnp.float32)

    @pl.when((pl.program_id(0) == 0) & (pl.program_id(1) == 0))
    def _init():
        st_ref[...] = jnp.zeros_like(st_ref)

    h_ref[0] = h.astype(jnp.bfloat16)
    st_ref[0:1, :] += jnp.sum(h, axis=0, keepdims=True)
    st_ref[1:2, :] += jnp.sum(h * h, axis=0, keepdims=True)


def _mlp2_body(h1_ref, st1_ref, g1_ref, b1_ref, w2_ref, h2_ref, st2_ref):
    n = jnp.float32(B * N1)
    mean = st1_ref[0:1, :] / n
    var = st1_ref[1:2, :] / n - mean * mean
    scale = g1_ref[...] * lax.rsqrt(var + 1e-5)
    shift = b1_ref[...] - mean * scale
    x = jnp.maximum(h1_ref[0].astype(jnp.float32) * scale + shift, 0.0)
    h2 = lax.dot_general(x, w2_ref[...], (((1,), (1,)), ((), ())),
                         preferred_element_type=jnp.float32)

    @pl.when((pl.program_id(0) == 0) & (pl.program_id(1) == 0))
    def _init():
        st2_ref[...] = jnp.zeros_like(st2_ref)

    h2_ref[0] = h2.astype(jnp.bfloat16)
    st2_ref[0:1, :] += jnp.sum(h2, axis=0, keepdims=True)
    st2_ref[1:2, :] += jnp.sum(h2 * h2, axis=0, keepdims=True)


def _bn_relu_body(h_ref, st_ref, g_ref, b_ref, o_ref):
    n = jnp.float32(B * N1)
    mean = st_ref[0:1, :] / n
    var = st_ref[1:2, :] / n - mean * mean
    scale = g_ref[...] * lax.rsqrt(var + 1e-5)
    shift = b_ref[...] - mean * scale
    o_ref[0] = jnp.maximum(h_ref[0].astype(jnp.float32) * scale + shift, 0.0)


def _row_spec():
    return pl.BlockSpec((1, TN, CO1), lambda b, t: (b, t, 0))


def _full_spec(shape):
    return pl.BlockSpec(shape, lambda b, t: tuple(0 for _ in shape))


def _mlp1_call(recv, features_1, W1):
    return pl.pallas_call(
        _mlp1_body,
        grid=(B, N1 // TN),
        in_specs=[
            pl.BlockSpec((1, TN, C2), lambda b, t: (b, t, 0)),
            pl.BlockSpec((1, TN, C1), lambda b, t: (b, t, 0)),
            _full_spec((CO1, IN_CH)),
        ],
        out_specs=[_row_spec(), _full_spec((2, CO1))],
        out_shape=[
            jax.ShapeDtypeStruct((B, N1, CO1), jnp.bfloat16),
            jax.ShapeDtypeStruct((2, CO1), jnp.float32),
        ],
    )(recv, features_1, W1)


def _mlp2_call(h1, st1, gamma1, beta1, W2):
    return pl.pallas_call(
        _mlp2_body,
        grid=(B, N1 // TN),
        in_specs=[
            _row_spec(),
            _full_spec((2, CO1)),
            _full_spec((1, CO1)),
            _full_spec((1, CO1)),
            _full_spec((CO2, CO1)),
        ],
        out_specs=[_row_spec(), _full_spec((2, CO2))],
        out_shape=[
            jax.ShapeDtypeStruct((B, N1, CO2), jnp.bfloat16),
            jax.ShapeDtypeStruct((2, CO2), jnp.float32),
        ],
    )(h1, st1, gamma1.reshape(1, CO1), beta1.reshape(1, CO1), W2)


def _bn3_call(h2, st2, gamma2, beta2):
    return pl.pallas_call(
        _bn_relu_body,
        grid=(B, N1 // TN),
        in_specs=[
            _row_spec(),
            _full_spec((2, CO2)),
            _full_spec((1, CO2)),
            _full_spec((1, CO2)),
        ],
        out_specs=_row_spec(),
        out_shape=jax.ShapeDtypeStruct((B, N1, CO2), jnp.float32),
    )(h2, st2, gamma2.reshape(1, CO2), beta2.reshape(1, CO2))


def kernel(points_1, features_1, points_2, features_2,
           W1, gamma1, beta1, W2, gamma2, beta2):
    idx, w = _knn(points_1, points_2)
    recv = _sc_gather(features_2.reshape(B * N2, C2),
                      idx.reshape(Q * 3), w.reshape(Q * 3))
    h1, st1 = _mlp1_call(recv.reshape(B, N1, C2), features_1, W1)
    h2, st2 = _mlp2_call(h1, st1, gamma1, beta1, W2)
    return _bn3_call(h2, st2, gamma2, beta2)

# --- scband reference (transcript-rebuilt; emitter-appended) ---
"""Pipeline reference for scband-point-feature-propagation-layer-10101763080204 (READ-ONLY COPY).

The authoritative reference and input builder live on the scoring server;
editing this copy changes nothing except your own understanding.
"""

import jax, jax.numpy as jnp
import numpy as np

B, N1, N2, C1, C2 = 8, 4096, 1024, 128, 256
MLP = [256, 256]
IN_CH = C1 + C2


def setup_inputs(seed: int = 0):
    key = jax.random.key(seed)
    ks = jax.random.split(key, 8)
    points_1 = jax.random.normal(ks[0], (B, N1, 3), dtype=jnp.float32)
    features_1 = jax.random.normal(ks[1], (B, N1, C1), dtype=jnp.float32)
    points_2 = jax.random.normal(ks[2], (B, N2, 3), dtype=jnp.float32)
    features_2 = jax.random.normal(ks[3], (B, N2, C2), dtype=jnp.float32)
    W1 = jax.random.normal(ks[4], (MLP[0], IN_CH), dtype=jnp.float32) * (1.0 / np.sqrt(IN_CH))
    gamma1 = jnp.ones((MLP[0],), jnp.float32)
    beta1 = jnp.zeros((MLP[0],), jnp.float32)
    W2 = jax.random.normal(ks[5], (MLP[1], MLP[0]), dtype=jnp.float32) * (1.0 / np.sqrt(MLP[0]))
    gamma2 = jnp.ones((MLP[1],), jnp.float32)
    beta2 = jnp.zeros((MLP[1],), jnp.float32)
    return {"points_1": points_1, "features_1": features_1, "points_2": points_2,
            "features_2": features_2, "W1": W1, "gamma1": gamma1, "beta1": beta1,
            "W2": W2, "gamma2": gamma2, "beta2": beta2}


def _bn(x, gamma, beta):
    # BatchNorm1d in training mode: stats over (batch, length) per channel. x: (b, c, n)
    mean = jnp.mean(x, axis=(0, 2), keepdims=True)
    var = jnp.var(x, axis=(0, 2), keepdims=True)
    xn = (x - mean) / jnp.sqrt(var + 1e-5)
    return xn * gamma[None, :, None] + beta[None, :, None]


def reference(points_1, features_1, points_2, features_2, W1, gamma1, beta1, W2, gamma2, beta2):
    # brute-force squared-distance kNN (k=3): queries points_1, references points_2
    p1_sq = jnp.sum(points_1 ** 2, axis=-1)  # (b, n1)
    p2_sq = jnp.sum(points_2 ** 2, axis=-1)  # (b, n2)
    d2 = p1_sq[:, :, None] + p2_sq[:, None, :] - 2.0 * jnp.einsum('bnd,bmd->bnm', points_1, points_2)
    neg_vals, idx = jax.lax.top_k(-d2, 3)          # (b, n1, 3)
    distance = -neg_vals                            # squared distances, ascending
    # gather corresponding features: (b, n1, 3, c2)
    gathered = jnp.take_along_axis(features_2[:, None, :, :], idx[:, :, :, None], axis=2)
    dist_recip = 1.0 / (distance + 1e-08)
    norm_term = jnp.sum(dist_recip, axis=-1, keepdims=True)
    weights = dist_recip / norm_term                # (b, n1, 3)
    receive = jnp.sum(weights[:, :, :, None] * gathered, axis=2)  # (b, n1, c2)
    # channel order matches torch cat((receive_features, features_1.T), dim=1)
    final = jnp.concatenate([receive.transpose(0, 2, 1), features_1.transpose(0, 2, 1)], axis=1)  # (b, c2+c1, n1)
    h = jnp.einsum('oc,bcn->bon', W1, final)
    h = jax.nn.relu(_bn(h, gamma1, beta1))
    h = jnp.einsum('oc,bcn->bon', W2, h)
    h = jax.nn.relu(_bn(h, gamma2, beta2))
    return h.transpose(0, 2, 1)  # (b, n1, mlp[-1])

if __name__ == "__main__":
    import jax
    _d = setup_inputs()
    print(jax.jit(kernel)(*tuple(_d.values())))

</pallas_src>

<mosaic_0001>
#map = affine_map<(d0, d1) -> (0, 0)>
#map1 = affine_map<(d0, d1) -> (0)>
module attributes {stable_mosaic.version = 14 : i64} {
  func.func @gather_combine(%arg0: i32, %arg1: i32, %arg2: memref<8192x256xf32, #tpu.memory_space<hbm>>, %arg3: memref<98304xi32, #tpu.memory_space<hbm>>, %arg4: memref<98304xf32, #tpu.memory_space<hbm>>, %arg5: memref<32768x256xf32, #tpu.memory_space<hbm>>, %arg6: memref<3072xi32, #tpu.memory_space<vmem>>, %arg7: memref<3088xf32, #tpu.memory_space<vmem>>, %arg8: memref<4x48x256xf32, #tpu.memory_space<vmem>>, %arg9: memref<4x16x256xf32, #tpu.memory_space<vmem>>, %arg10: memref<!tpu.dma_semaphore, #tpu.memory_space<semaphore_mem>>, %arg11: memref<!tpu.dma_semaphore, #tpu.memory_space<semaphore_mem>>, %arg12: memref<!tpu.dma_semaphore, #tpu.memory_space<semaphore_mem>>, %arg13: memref<!tpu.dma_semaphore, #tpu.memory_space<semaphore_mem>>, %arg14: memref<!tpu.dma_semaphore, #tpu.memory_space<semaphore_mem>>, %arg15: memref<!tpu.dma_semaphore, #tpu.memory_space<semaphore_mem>>, %arg16: memref<!tpu.dma_semaphore, #tpu.memory_space<semaphore_mem>>, %arg17: memref<!tpu.dma_semaphore, #tpu.memory_space<semaphore_mem>>) attributes {dimension_semantics = [#tpu.dimension_semantics<core_parallel>, #tpu.dimension_semantics<subcore_parallel>], iteration_bounds = array<i64: 2, 16>, scalar_prefetch = 0 : i64, scratch_operands = 12 : i64, tpu.core_type = #tpu.core_type<sc_vector_subcore>, window_params = [{transform_indices = #map}, {transform_indices = #map1}, {transform_indices = #map1}, {transform_indices = #map}]} {
    %mul3A = arith.constant 2 : i32
    %mul3A_0 = arith.muli %arg1, %mul3A : i32
    %add3A = arith.addi %mul3A_0, %arg0 : i32
    %mul3A_1 = arith.constant 1024 : i32
    %mul3A_2 = arith.muli %add3A, %mul3A_1 : i32
    %mul3A_3 = arith.constant 3 : i32
    %mul3A_4 = arith.muli %mul3A_3, %mul3A_2 : i32
    "tpu.region"() ({
      %run_scoped3A = tpu.sem_alloc : memref<!tpu.dma_semaphore, #tpu.memory_space<semaphore_mem>>
      %dma_start3A_92 = tpu.memref_slice %arg3[%mul3A_4] : memref<98304xi32, #tpu.memory_space<hbm>> -> memref<3072xi32, #tpu.memory_space<hbm>>
      %dma_start3A_93 = tpu.memref_slice %arg3[%mul3A_4] : memref<98304xi32, #tpu.memory_space<hbm>> -> memref<3072xi32, #tpu.memory_space<hbm>>
      tpu.enqueue_dma source(%dma_start3A_93 : memref<3072xi32, #tpu.memory_space<hbm>>) target(%arg6 : memref<3072xi32, #tpu.memory_space<vmem>>) target_semaphore(%run_scoped3A : memref<!tpu.dma_semaphore, #tpu.memory_space<semaphore_mem>>)
      %dma_wait3A_94 = tpu.memref_slice %arg3[%mul3A_4] : memref<98304xi32, #tpu.memory_space<hbm>> -> memref<3072xi32, #tpu.memory_space<hbm>>
      %dma_wait3A_95 = tpu.memref_slice %arg3[%mul3A_4] : memref<98304xi32, #tpu.memory_space<hbm>> -> memref<3072xi32, #tpu.memory_space<hbm>>
      tpu.wait_dma2 semaphore(%run_scoped3A : memref<!tpu.dma_semaphore, #tpu.memory_space<semaphore_mem>>) src(%dma_wait3A_95 : memref<3072xi32, #tpu.memory_space<hbm>>) dst(%arg6 : memref<3072xi32, #tpu.memory_space<vmem>>)
      tpu.yield
    }) : () -> ()
    %mul3A_5 = arith.constant 3 : i32
    %mul3A_6 = arith.muli %mul3A_5, %mul3A_2 : i32
    "tpu.region"() ({
      %run_scoped3A = tpu.sem_alloc : memref<!tpu.dma_semaphore, #tpu.memory_space<semaphore_mem>>
      %dma_start3A_92 = arith.constant 0 : i32
      %dma_start3A_93 = tpu.memref_slice %arg7[%dma_start3A_92] : memref<3088xf32, #tpu.memory_space<vmem>> -> memref<3072xf32, #tpu.memory_space<vmem>>
      %dma_start3A_94 = tpu.memref_slice %arg4[%mul3A_6] : memref<98304xf32, #tpu.memory_space<hbm>> -> memref<3072xf32, #tpu.memory_space<hbm>>
      %dma_start3A_95 = arith.constant 0 : i32
      %dma_start3A_96 = tpu.memref_slice %arg7[%dma_start3A_95] : memref<3088xf32, #tpu.memory_space<vmem>> -> memref<3072xf32, #tpu.memory_space<vmem>>
      %dma_start3A_97 = tpu.memref_slice %arg4[%mul3A_6] : memref<98304xf32, #tpu.memory_space<hbm>> -> memref<3072xf32, #tpu.memory_space<hbm>>
      tpu.enqueue_dma source(%dma_start3A_97 : memref<3072xf32, #tpu.memory_space<hbm>>) target(%dma_start3A_96 : memref<3072xf32, #tpu.memory_space<vmem>>) target_semaphore(%run_scoped3A : memref<!tpu.dma_semaphore, #tpu.memory_space<semaphore_mem>>)
      %dma_wait3A_98 = arith.constant 0 : i32
      %dma_wait3A_99 = tpu.memref_slice %arg7[%dma_wait3A_98] : memref<3088xf32, #tpu.memory_space<vmem>> -> memref<3072xf32, #tpu.memory_space<vmem>>
      %dma_wait3A_100 = tpu.memref_slice %arg4[%mul3A_6] : memref<98304xf32, #tpu.memory_space<hbm>> -> memref<3072xf32, #tpu.memory_space<hbm>>
      %dma_wait3A_101 = arith.constant 0 : i32
      %dma_wait3A_102 = tpu.memref_slice %arg7[%dma_wait3A_101] : memref<3088xf32, #tpu.memory_space<vmem>> -> memref<3072xf32, #tpu.memory_space<vmem>>
      %dma_wait3A_103 = tpu.memref_slice %arg4[%mul3A_6] : memref<98304xf32, #tpu.memory_space<hbm>> -> memref<3072xf32, #tpu.memory_space<hbm>>
      tpu.wait_dma2 semaphore(%run_scoped3A : memref<!tpu.dma_semaphore, #tpu.memory_space<semaphore_mem>>) src(%dma_wait3A_103 : memref<3072xf32, #tpu.memory_space<hbm>>) dst(%dma_wait3A_102 : memref<3072xf32, #tpu.memory_space<vmem>>)
      tpu.yield
    }) : () -> ()
    %dma_start3A = arith.constant 0 : i32
    %dma_start3A_7 = arith.constant 0 : i32
    %dma_start3A_8 = arith.constant 0 : i32
    %dma_start3A_9 = tpu.memref_slice %arg8[%dma_start3A, %dma_start3A_7, %dma_start3A_8] : memref<4x48x256xf32, #tpu.memory_space<vmem>> -> memref<1x48x256xf32, #tpu.memory_space<vmem>>
    %dma_start3A_10 = tpu.memref_squeeze %dma_start3A_9 : memref<1x48x256xf32, #tpu.memory_space<vmem>> -> memref<48x256xf32, #tpu.memory_space<vmem>>
    %dma_start3A_11 = arith.constant 0 : i32
    %dma_start3A_12 = tpu.memref_slice %arg6[%dma_start3A_11] : memref<3072xi32, #tpu.memory_space<vmem>> -> memref<48xi32, #tpu.memory_space<vmem>>
    %dma_start3A_13 = arith.constant 0 : i32
    %dma_start3A_14 = arith.constant 0 : i32
    %dma_start3A_15 = tpu.memref_slice %arg2[%dma_start3A_13, %dma_start3A_14] : memref<8192x256xf32, #tpu.memory_space<hbm>> -> memref<8192x256xf32, #tpu.memory_space<hbm>>
    tpu.enqueue_indirect_dma source(%dma_start3A_15 : memref<8192x256xf32, #tpu.memory_space<hbm>>) target(%dma_start3A_10 : memref<48x256xf32, #tpu.memory_space<vmem>>) offsets(%dma_start3A_12 : memref<48xi32, #tpu.memory_space<vmem>>) semaphore(%arg10 : memref<!tpu.dma_semaphore, #tpu.memory_space<semaphore_mem>>)
    %dma_start3A_16 = arith.constant 1 : i32
    %dma_start3A_17 = arith.constant 0 : i32
    %dma_start3A_18 = arith.constant 0 : i32
    %dma_start3A_19 = tpu.memref_slice %arg8[%dma_start3A_16, %dma_start3A_17, %dma_start3A_18] : memref<4x48x256xf32, #tpu.memory_space<vmem>> -> memref<1x48x256xf32, #tpu.memory_space<vmem>>
    %dma_start3A_20 = tpu.memref_squeeze %dma_start3A_19 : memref<1x48x256xf32, #tpu.memory_space<vmem>> -> memref<48x256xf32, #tpu.memory_space<vmem>>
    %dma_start3A_21 = arith.constant 48 : i32
    %dma_start3A_22 = tpu.memref_slice %arg6[%dma_start3A_21] : memref<3072xi32, #tpu.memory_space<vmem>> -> memref<48xi32, #tpu.memory_space<vmem>>
    %dma_start3A_23 = arith.constant 0 : i32
    %dma_start3A_24 = arith.constant 0 : i32
    %dma_start3A_25 = tpu.memref_slice %arg2[%dma_start3A_23, %dma_start3A_24] : memref<8192x256xf32, #tpu.memory_space<hbm>> -> memref<8192x256xf32, #tpu.memory_space<hbm>>
    tpu.enqueue_indirect_dma source(%dma_start3A_25 : memref<8192x256xf32, #tpu.memory_space<hbm>>) target(%dma_start3A_20 : memref<48x256xf32, #tpu.memory_space<vmem>>) offsets(%dma_start3A_22 : memref<48xi32, #tpu.memory_space<vmem>>) semaphore(%arg11 : memref<!tpu.dma_semaphore, #tpu.memory_space<semaphore_mem>>)
    %dma_start3A_26 = arith.constant 2 : i32
    %dma_start3A_27 = arith.constant 0 : i32
    %dma_start3A_28 = arith.constant 0 : i32
    %dma_start3A_29 = tpu.memref_slice %arg8[%dma_start3A_26, %dma_start3A_27, %dma_start3A_28] : memref<4x48x256xf32, #tpu.memory_space<vmem>> -> memref<1x48x256xf32, #tpu.memory_space<vmem>>
    %dma_start3A_30 = tpu.memref_squeeze %dma_start3A_29 : memref<1x48x256xf32, #tpu.memory_space<vmem>> -> memref<48x256xf32, #tpu.memory_space<vmem>>
    %dma_start3A_31 = arith.constant 96 : i32
    %dma_start3A_32 = tpu.memref_slice %arg6[%dma_start3A_31] : memref<3072xi32, #tpu.memory_space<vmem>> -> memref<48xi32, #tpu.memory_space<vmem>>
    %dma_start3A_33 = arith.constant 0 : i32
    %dma_start3A_34 = arith.constant 0 : i32
    %dma_start3A_35 = tpu.memref_slice %arg2[%dma_start3A_33, %dma_start3A_34] : memref<8192x256xf32, #tpu.memory_space<hbm>> -> memref<8192x256xf32, #tpu.memory_space<hbm>>
    tpu.enqueue_indirect_dma source(%dma_start3A_35 : memref<8192x256xf32, #tpu.memory_space<hbm>>) target(%dma_start3A_30 : memref<48x256xf32, #tpu.memory_space<vmem>>) offsets(%dma_start3A_32 : memref<48xi32, #tpu.memory_space<vmem>>) semaphore(%arg12 : memref<!tpu.dma_semaphore, #tpu.memory_space<semaphore_mem>>)
    %scan3A = arith.constant 0 : i32
    %scan3A_36 = arith.constant 0 : i32
    %scan3A_37 = arith.constant 16 : i32
    %scan3A_38 = arith.addi %scan3A_36, %scan3A_37 : i32
    %scan3A_39 = arith.constant 1 : i32
    scf.for %scan3A_92 = %scan3A_36 to %scan3A_38 step %scan3A_39  : i32 {
      %mul3A_93 = arith.constant 4 : i32
      %mul3A_94 = arith.muli %mul3A_93, %scan3A_92 : i32
      %add3A_95 = arith.constant 0 : i32
      %add3A_96 = arith.addi %mul3A_94, %add3A_95 : i32
      %add3A_97 = arith.constant 3 : i32
      %add3A_98 = arith.addi %add3A_96, %add3A_97 : i32
      %lt3A = arith.constant 64 : i32
      %lt3A_99 = arith.cmpi slt, %add3A_98, %lt3A : i32
      %convert_element_type3A = arith.extui %lt3A_99 : i1 to i32
      %cond3A = arith.constant 0 : i32
      %cond3A_100 = arith.cmpi ne, %convert_element_type3A, %cond3A : i32
      scf.if %cond3A_100 {
        %mul3A_301 = arith.constant 48 : i32
        %mul3A_302 = arith.muli %mul3A_301, %add3A_98 : i32
        %dma_start3A_303 = arith.constant 3 : i32
        %dma_start3A_304 = arith.constant 0 : i32
        %dma_start3A_305 = arith.constant 0 : i32
        %dma_start3A_306 = tpu.memref_slice %arg8[%dma_start3A_303, %dma_start3A_304, %dma_start3A_305] : memref<4x48x256xf32, #tpu.memory_space<vmem>> -> memref<1x48x256xf32, #tpu.memory_space<vmem>>
        %dma_start3A_307 = tpu.memref_squeeze %dma_start3A_306 : memref<1x48x256xf32, #tpu.memory_space<vmem>> -> memref<48x256xf32, #tpu.memory_space<vmem>>
        %dma_start3A_308 = tpu.memref_slice %arg6[%mul3A_302] : memref<3072xi32, #tpu.memory_space<vmem>> -> memref<48xi32, #tpu.memory_space<vmem>>
        %dma_start3A_309 = arith.constant 0 : i32
        %dma_start3A_310 = arith.constant 0 : i32
        %dma_start3A_311 = tpu.memref_slice %arg2[%dma_start3A_309, %dma_start3A_310] : memref<8192x256xf32, #tpu.memory_space<hbm>> -> memref<8192x256xf32, #tpu.memory_space<hbm>>
        tpu.enqueue_indirect_dma source(%dma_start3A_311 : memref<8192x256xf32, #tpu.memory_space<hbm>>) target(%dma_start3A_307 : memref<48x256xf32, #tpu.memory_space<vmem>>) offsets(%dma_start3A_308 : memref<48xi32, #tpu.memory_space<vmem>>) semaphore(%arg13 : memref<!tpu.dma_semaphore, #tpu.memory_space<semaphore_mem>>)
      } else {
      }
      %dma_wait3A_101 = arith.constant 0 : i32
      %dma_wait3A_102 = arith.constant 0 : i32
      %dma_wait3A_103 = arith.constant 0 : i32
      %dma_wait3A_104 = tpu.memref_slice %arg8[%dma_wait3A_101, %dma_wait3A_102, %dma_wait3A_103] : memref<4x48x256xf32, #tpu.memory_space<vmem>> -> memref<1x48x256xf32, #tpu.memory_space<vmem>>
      %dma_wait3A_105 = tpu.memref_squeeze %dma_wait3A_104 : memref<1x48x256xf32, #tpu.memory_space<vmem>> -> memref<48x256xf32, #tpu.memory_space<vmem>>
      %dma_wait3A_106 = arith.constant 0 : i32
      %dma_wait3A_107 = arith.constant 0 : i32
      %dma_wait3A_108 = tpu.memref_slice %arg2[%dma_wait3A_106, %dma_wait3A_107] : memref<8192x256xf32, #tpu.memory_space<hbm>> -> memref<48x256xf32, #tpu.memory_space<hbm>>
      %dma_wait3A_109 = arith.constant 0 : i32
      %dma_wait3A_110 = arith.constant 0 : i32
      %dma_wait3A_111 = tpu.memref_slice %arg8[%dma_wait3A_101, %dma_wait3A_109, %dma_wait3A_110] : memref<4x48x256xf32, #tpu.memory_space<vmem>> -> memref<1x48x256xf32, #tpu.memory_space<vmem>>
      %dma_wait3A_112 = tpu.memref_squeeze %dma_wait3A_111 : memref<1x48x256xf32, #tpu.memory_space<vmem>> -> memref<48x256xf32, #tpu.memory_space<vmem>>
      %dma_wait3A_113 = arith.constant 0 : i32
      %dma_wait3A_114 = arith.constant 0 : i32
      %dma_wait3A_115 = tpu.memref_slice %arg2[%dma_wait3A_113, %dma_wait3A_114] : memref<8192x256xf32, #tpu.memory_space<hbm>> -> memref<48x256xf32, #tpu.memory_space<hbm>>
      tpu.wait_dma2 semaphore(%arg10 : memref<!tpu.dma_semaphore, #tpu.memory_space<semaphore_mem>>) src(%dma_wait3A_115 : memref<48x256xf32, #tpu.memory_space<hbm>>) dst(%dma_wait3A_112 : memref<48x256xf32, #tpu.memory_space<vmem>>)
      %ge3A = arith.constant 4 : i32
      %ge3A_116 = arith.cmpi sge, %add3A_96, %ge3A : i32
      %convert_element_type3A_117 = arith.extui %ge3A_116 : i1 to i32
      %cond3A_118 = arith.constant 0 : i32
      %cond3A_119 = arith.cmpi ne, %convert_element_type3A_117, %cond3A_118 : i32
      scf.if %cond3A_119 {
        %dma_wait3A_301 = arith.constant 0 : i32
        %dma_wait3A_302 = arith.constant 0 : i32
        %dma_wait3A_303 = arith.constant 0 : i32
        %dma_wait3A_304 = tpu.memref_slice %arg9[%dma_wait3A_301, %dma_wait3A_302, %dma_wait3A_303] : memref<4x16x256xf32, #tpu.memory_space<vmem>> -> memref<1x16x256xf32, #tpu.memory_space<vmem>>
        %dma_wait3A_305 = tpu.memref_squeeze %dma_wait3A_304 : memref<1x16x256xf32, #tpu.memory_space<vmem>> -> memref<16x256xf32, #tpu.memory_space<vmem>>
        %dma_wait3A_306 = arith.constant 0 : i32
        %dma_wait3A_307 = tpu.memref_slice %arg5[%mul3A_2, %dma_wait3A_306] : memref<32768x256xf32, #tpu.memory_space<hbm>> -> memref<16x256xf32, #tpu.memory_space<hbm>>
        %dma_wait3A_308 = arith.constant 0 : i32
        %dma_wait3A_309 = tpu.memref_slice %arg5[%mul3A_2, %dma_wait3A_308] : memref<32768x256xf32, #tpu.memory_space<hbm>> -> memref<16x256xf32, #tpu.memory_space<hbm>>
        %dma_wait3A_310 = arith.constant 0 : i32
        %dma_wait3A_311 = arith.constant 0 : i32
        %dma_wait3A_312 = tpu.memref_slice %arg9[%dma_wait3A_301, %dma_wait3A_310, %dma_wait3A_311] : memref<4x16x256xf32, #tpu.memory_space<vmem>> -> memref<1x16x256xf32, #tpu.memory_space<vmem>>
        %dma_wait3A_313 = tpu.memref_squeeze %dma_wait3A_312 : memref<1x16x256xf32, #tpu.memory_space<vmem>> -> memref<16x256xf32, #tpu.memory_space<vmem>>
        tpu.wait_dma2 semaphore(%arg14 : memref<!tpu.dma_semaphore, #tpu.memory_space<semaphore_mem>>) src(%dma_wait3A_313 : memref<16x256xf32, #tpu.memory_space<vmem>>) dst(%dma_wait3A_309 : memref<16x256xf32, #tpu.memory_space<hbm>>)
      } else {
      }
      %scan3A_120 = arith.constant 0 : i32
      %scan3A_121 = arith.constant 0 : i32
      %scan3A_122 = arith.constant 16 : i32
      %scan3A_123 = arith.addi %scan3A_121, %scan3A_122 : i32
      %scan3A_124 = arith.constant 1 : i32
      scf.for %scan3A_301 = %scan3A_121 to %scan3A_123 step %scan3A_124  : i32 {
        %mul3A_302 = arith.constant 48 : i32
        %mul3A_303 = arith.muli %mul3A_302, %add3A_96 : i32
        %mul3A_304 = arith.constant 3 : i32
        %mul3A_305 = arith.muli %mul3A_304, %scan3A_301 : i32
        %add3A_306 = arith.addi %mul3A_303, %mul3A_305 : i32
        %get3A = arith.index_cast %add3A_306 : i32 to index
        %get3A_307 = tpu.vector_load %arg7[%get3A] {strides = array<i32>} : memref<3088xf32, #tpu.memory_space<vmem>>, vector<16xf32>,
        %get3A_308 = vector.shape_cast %get3A_307 : vector<16xf32> to vector<16xf32>
        %slice3A = vector.extract_strided_slice %get3A_308 {offsets = [0], sizes = [1], strides = [1]} : vector<16xf32> to vector<1xf32>
        %squeeze3A = vector.extract %slice3A[0] : f32 from vector<1xf32>
        %slice3A_309 = vector.extract_strided_slice %get3A_308 {offsets = [1], sizes = [1], strides = [1]} : vector<16xf32> to vector<1xf32>
        %squeeze3A_310 = vector.extract %slice3A_309[0] : f32 from vector<1xf32>
        %slice3A_311 = vector.extract_strided_slice %get3A_308 {offsets = [2], sizes = [1], strides = [1]} : vector<16xf32> to vector<1xf32>
        %squeeze3A_312 = vector.extract %slice3A_311[0] : f32 from vector<1xf32>
        %mul3A_313 = arith.constant 3 : i32
        %mul3A_314 = arith.muli %mul3A_313, %scan3A_301 : i32
        %get3A_315 = arith.constant 0 : i32
        %get3A_316 = arith.index_cast %get3A_315 : i32 to index
        %get3A_317 = arith.index_cast %mul3A_314 : i32 to index
        %get3A_318 = arith.constant 0 : index
        %get3A_319 = tpu.vector_load %arg8[%get3A_316, %get3A_317, %get3A_318] {strides = array<i32>} : memref<4x48x256xf32, #tpu.memory_space<vmem>>, vector<1x1x16xf32>,
        %get3A_320 = vector.shape_cast %get3A_319 : vector<1x1x16xf32> to vector<16xf32>
        %mul3A_321 = vector.broadcast %squeeze3A : f32 to vector<16xf32>
        %mul3A_322 = arith.mulf %mul3A_321, %get3A_320 : vector<16xf32>
        %mul3A_323 = arith.constant 3 : i32
        %mul3A_324 = arith.muli %mul3A_323, %scan3A_301 : i32
        %add3A_325 = arith.constant 1 : i32
        %add3A_326 = arith.addi %mul3A_324, %add3A_325 : i32
        %get3A_327 = arith.constant 0 : i32
        %get3A_328 = arith.index_cast %get3A_327 : i32 to index
        %get3A_329 = arith.index_cast %add3A_326 : i32 to index
        %get3A_330 = arith.constant 0 : index
        %get3A_331 = tpu.vector_load %arg8[%get3A_328, %get3A_329, %get3A_330] {strides = array<i32>} : memref<4x48x256xf32, #tpu.memory_space<vmem>>, vector<1x1x16xf32>,
        %get3A_332 = vector.shape_cast %get3A_331 : vector<1x1x16xf32> to vector<16xf32>
        %mul3A_333 = vector.broadcast %squeeze3A_310 : f32 to vector<16xf32>
        %mul3A_334 = arith.mulf %mul3A_333, %get3A_332 : vector<16xf32>
        %add3A_335 = arith.addf %mul3A_322, %mul3A_334 : vector<16xf32>
        %mul3A_336 = arith.constant 3 : i32
        %mul3A_337 = arith.muli %mul3A_336, %scan3A_301 : i32
        %add3A_338 = arith.constant 2 : i32
        %add3A_339 = arith.addi %mul3A_337, %add3A_338 : i32
        %get3A_340 = arith.constant 0 : i32
        %get3A_341 = arith.index_cast %get3A_340 : i32 to index
        %get3A_342 = arith.index_cast %add3A_339 : i32 to index
        %get3A_343 = arith.constant 0 : index
        %get3A_344 = tpu.vector_load %arg8[%get3A_341, %get3A_342, %get3A_343] {strides = array<i32>} : memref<4x48x256xf32, #tpu.memory_space<vmem>>, vector<1x1x16xf32>,
        %get3A_345 = vector.shape_cast %get3A_344 : vector<1x1x16xf32> to vector<16xf32>
        %mul3A_346 = vector.broadcast %squeeze3A_312 : f32 to vector<16xf32>
        %mul3A_347 = arith.mulf %mul3A_346, %get3A_345 : vector<16xf32>
        %add3A_348 = arith.addf %add3A_335, %mul3A_347 : vector<16xf32>
        %swap3A = arith.constant 0 : i32
        %swap3A_349 = arith.index_cast %swap3A : i32 to index
        %swap3A_350 = arith.index_cast %scan3A_301 : i32 to index
        %swap3A_351 = arith.constant 0 : index
        %swap3A_352 = tpu.vector_load %arg9[%swap3A_349, %swap3A_350, %swap3A_351] {strides = array<i32>} : memref<4x16x256xf32, #tpu.memory_space<vmem>>, vector<1x1x16xf32>,
        %swap3A_353 = vector.shape_cast %swap3A_352 : vector<1x1x16xf32> to vector<16xf32>
        %swap3A_354 = vector.shape_cast %add3A_348 : vector<16xf32> to vector<1x1x16xf32>
        tpu.vector_store %arg9[%swap3A_349, %swap3A_350, %swap3A_351], %swap3A_354 {strides = array<i32>} : memref<4x16x256xf32, #tpu.memory_space<vmem>>, vector<1x1x16xf32>,
        %mul3A_355 = arith.constant 3 : i32
        %mul3A_356 = arith.muli %mul3A_355, %scan3A_301 : i32
        %get3A_357 = arith.constant 0 : i32
        %get3A_358 = arith.index_cast %get3A_357 : i32 to index
        %get3A_359 = arith.index_cast %mul3A_356 : i32 to index
        %get3A_360 = arith.constant 16 : index
        %get3A_361 = tpu.vector_load %arg8[%get3A_358, %get3A_359, %get3A_360] {strides = array<i32>} : memref<4x48x256xf32, #tpu.memory_space<vmem>>, vector<1x1x16xf32>,
        %get3A_362 = vector.shape_cast %get3A_361 : vector<1x1x16xf32> to vector<16xf32>
        %mul3A_363 = vector.broadcast %squeeze3A : f32 to vector<16xf32>
        %mul3A_364 = arith.mulf %mul3A_363, %get3A_362 : vector<16xf32>
        %mul3A_365 = arith.constant 3 : i32
        %mul3A_366 = arith.muli %mul3A_365, %scan3A_301 : i32
        %add3A_367 = arith.constant 1 : i32
        %add3A_368 = arith.addi %mul3A_366, %add3A_367 : i32
        %get3A_369 = arith.constant 0 : i32
        %get3A_370 = arith.index_cast %get3A_369 : i32 to index
        %get3A_371 = arith.index_cast %add3A_368 : i32 to index
        %get3A_372 = arith.constant 16 : index
        %get3A_373 = tpu.vector_load %arg8[%get3A_370, %get3A_371, %get3A_372] {strides = array<i32>} : memref<4x48x256xf32, #tpu.memory_space<vmem>>, vector<1x1x16xf32>,
        %get3A_374 = vector.shape_cast %get3A_373 : vector<1x1x16xf32> to vector<16xf32>
        %mul3A_375 = vector.broadcast %squeeze3A_310 : f32 to vector<16xf32>
        %mul3A_376 = arith.mulf %mul3A_375, %get3A_374 : vector<16xf32>
        %add3A_377 = arith.addf %mul3A_364, %mul3A_376 : vector<16xf32>
        %mul3A_378 = arith.constant 3 : i32
        %mul3A_379 = arith.muli %mul3A_378, %scan3A_301 : i32
        %add3A_380 = arith.constant 2 : i32
        %add3A_381 = arith.addi %mul3A_379, %add3A_380 : i32
        %get3A_382 = arith.constant 0 : i32
        %get3A_383 = arith.index_cast %get3A_382 : i32 to index
        %get3A_384 = arith.index_cast %add3A_381 : i32 to index
        %get3A_385 = arith.constant 16 : index
        %get3A_386 = tpu.vector_load %arg8[%get3A_383, %get3A_384, %get3A_385] {strides = array<i32>} : memref<4x48x256xf32, #tpu.memory_space<vmem>>, vector<1x1x16xf32>,
        %get3A_387 = vector.shape_cast %get3A_386 : vector<1x1x16xf32> to vector<16xf32>
        %mul3A_388 = vector.broadcast %squeeze3A_312 : f32 to vector<16xf32>
        %mul3A_389 = arith.mulf %mul3A_388, %get3A_387 : vector<16xf32>
        %add3A_390 = arith.addf %add3A_377, %mul3A_389 : vector<16xf32>
        %swap3A_391 = arith.constant 0 : i32
        %swap3A_392 = arith.index_cast %swap3A_391 : i32 to index
        %swap3A_393 = arith.index_cast %scan3A_301 : i32 to index
        %swap3A_394 = arith.constant 16 : index
        %swap3A_395 = tpu.vector_load %arg9[%swap3A_392, %swap3A_393, %swap3A_394] {strides = array<i32>} : memref<4x16x256xf32, #tpu.memory_space<vmem>>, vector<1x1x16xf32>,
        %swap3A_396 = vector.shape_cast %swap3A_395 : vector<1x1x16xf32> to vector<16xf32>
        %swap3A_397 = vector.shape_cast %add3A_390 : vector<16xf32> to vector<1x1x16xf32>
        tpu.vector_store %arg9[%swap3A_392, %swap3A_393, %swap3A_394], %swap3A_397 {strides = array<i32>} : memref<4x16x256xf32, #tpu.memory_space<vmem>>, vector<1x1x16xf32>,
        %mul3A_398 = arith.constant 3 : i32
        %mul3A_399 = arith.muli %mul3A_398, %scan3A_301 : i32
        %get3A_400 = arith.constant 0 : i32
        %get3A_401 = arith.index_cast %get3A_400 : i32 to index
        %get3A_402 = arith.index_cast %mul3A_399 : i32 to index
        %get3A_403 = arith.constant 32 : index
        %get3A_404 = tpu.vector_load %arg8[%get3A_401, %get3A_402, %get3A_403] {strides = array<i32>} : memref<4x48x256xf32, #tpu.memory_space<vmem>>, vector<1x1x16xf32>,
        %get3A_405 = vector.shape_cast %get3A_404 : vector<1x1x16xf32> to vector<16xf32>
        %mul3A_406 = vector.broadcast %squeeze3A : f32 to vector<16xf32>
        %mul3A_407 = arith.mulf %mul3A_406, %get3A_405 : vector<16xf32>
        %mul3A_408 = arith.constant 3 : i32
        %mul3A_409 = arith.muli %mul3A_408, %scan3A_301 : i32
        %add3A_410 = arith.constant 1 : i32
        %add3A_411 = arith.addi %mul3A_409, %add3A_410 : i32
        %get3A_412 = arith.constant 0 : i32
        %get3A_413 = arith.index_cast %get3A_412 : i32 to index
        %get3A_414 = arith.index_cast %add3A_411 : i32 to index
        %get3A_415 = arith.constant 32 : index
        %get3A_416 = tpu.vector_load %arg8[%get3A_413, %get3A_414, %get3A_415] {strides = array<i32>} : memref<4x48x256xf32, #tpu.memory_space<vmem>>, vector<1x1x16xf32>,
        %get3A_417 = vector.shape_cast %get3A_416 : vector<1x1x16xf32> to vector<16xf32>
        %mul3A_418 = vector.broadcast %squeeze3A_310 : f32 to vector<16xf32>
        %mul3A_419 = arith.mulf %mul3A_418, %get3A_417 : vector<16xf32>
        %add3A_420 = arith.addf %mul3A_407, %mul3A_419 : vector<16xf32>
        %mul3A_421 = arith.constant 3 : i32
        %mul3A_422 = arith.muli %mul3A_421, %scan3A_301 : i32
        %add3A_423 = arith.constant 2 : i32
        %add3A_424 = arith.addi %mul3A_422, %add3A_423 : i32
        %get3A_425 = arith.constant 0 : i32
        %get3A_426 = arith.index_cast %get3A_425 : i32 to index
        %get3A_427 = arith.index_cast %add3A_424 : i32 to index
        %get3A_428 = arith.constant 32 : index
        %get3A_429 = tpu.vector_load %arg8[%get3A_426, %get3A_427, %get3A_428] {strides = array<i32>} : memref<4x48x256xf32, #tpu.memory_space<vmem>>, vector<1x1x16xf32>,
        %get3A_430 = vector.shape_cast %get3A_429 : vector<1x1x16xf32> to vector<16xf32>
        %mul3A_431 = vector.broadcast %squeeze3A_312 : f32 to vector<16xf32>
        %mul3A_432 = arith.mulf %mul3A_431, %get3A_430 : vector<16xf32>
        %add3A_433 = arith.addf %add3A_420, %mul3A_432 : vector<16xf32>
        %swap3A_434 = arith.constant 0 : i32
        %swap3A_435 = arith.index_cast %swap3A_434 : i32 to index
        %swap3A_436 = arith.index_cast %scan3A_301 : i32 to index
        %swap3A_437 = arith.constant 32 : index
        %swap3A_438 = tpu.vector_load %arg9[%swap3A_435, %swap3A_436, %swap3A_437] {strides = array<i32>} : memref<4x16x256xf32, #tpu.memory_space<vmem>>, vector<1x1x16xf32>,
        %swap3A_439 = vector.shape_cast %swap3A_438 : vector<1x1x16xf32> to vector<16xf32>
        %swap3A_440 = vector.shape_cast %add3A_433 : vector<16xf32> to vector<1x1x16xf32>
        tpu.vector_store %arg9[%swap3A_435, %swap3A_436, %swap3A_437], %swap3A_440 {strides = array<i32>} : memref<4x16x256xf32, #tpu.memory_space<vmem>>, vector<1x1x16xf32>,
        %mul3A_441 = arith.constant 3 : i32
        %mul3A_442 = arith.muli %mul3A_441, %scan3A_301 : i32
        %get3A_443 = arith.constant 0 : i32
        %get3A_444 = arith.index_cast %get3A_443 : i32 to index
        %get3A_445 = arith.index_cast %mul3A_442 : i32 to index
        %get3A_446 = arith.constant 48 : index
        %get3A_447 = tpu.vector_load %arg8[%get3A_444, %get3A_445, %get3A_446] {strides = array<i32>} : memref<4x48x256xf32, #tpu.memory_space<vmem>>, vector<1x1x16xf32>,
        %get3A_448 = vector.shape_cast %get3A_447 : vector<1x1x16xf32> to vector<16xf32>
        %mul3A_449 = vector.broadcast %squeeze3A : f32 to vector<16xf32>
        %mul3A_450 = arith.mulf %mul3A_449, %get3A_448 : vector<16xf32>
        %mul3A_451 = arith.constant 3 : i32
        %mul3A_452 = arith.muli %mul3A_451, %scan3A_301 : i32
        %add3A_453 = arith.constant 1 : i32
        %add3A_454 = arith.addi %mul3A_452, %add3A_453 : i32
        %get3A_455 = arith.constant 0 : i32
        %get3A_456 = arith.index_cast %get3A_455 : i32 to index
        %get3A_457 = arith.index_cast %add3A_454 : i32 to index
        %get3A_458 = arith.constant 48 : index
        %get3A_459 = tpu.vector_load %arg8[%get3A_456, %get3A_457, %get3A_458] {strides = array<i32>} : memref<4x48x256xf32, #tpu.memory_space<vmem>>, vector<1x1x16xf32>,
        %get3A_460 = vector.shape_cast %get3A_459 : vector<1x1x16xf32> to vector<16xf32>
        %mul3A_461 = vector.broadcast %squeeze3A_310 : f32 to vector<16xf32>
        %mul3A_462 = arith.mulf %mul3A_461, %get3A_460 : vector<16xf32>
        %add3A_463 = arith.addf %mul3A_450, %mul3A_462 : vector<16xf32>
        %mul3A_464 = arith.constant 3 : i32
        %mul3A_465 = arith.muli %mul3A_464, %scan3A_301 : i32
        %add3A_466 = arith.constant 2 : i32
        %add3A_467 = arith.addi %mul3A_465, %add3A_466 : i32
        %get3A_468 = arith.constant 0 : i32
        %get3A_469 = arith.index_cast %get3A_468 : i32 to index
        %get3A_470 = arith.index_cast %add3A_467 : i32 to index
        %get3A_471 = arith.constant 48 : index
        %get3A_472 = tpu.vector_load %arg8[%get3A_469, %get3A_470, %get3A_471] {strides = array<i32>} : memref<4x48x256xf32, #tpu.memory_space<vmem>>, vector<1x1x16xf32>,
        %get3A_473 = vector.shape_cast %get3A_472 : vector<1x1x16xf32> to vector<16xf32>
        %mul3A_474 = vector.broadcast %squeeze3A_312 : f32 to vector<16xf32>
        %mul3A_475 = arith.mulf %mul3A_474, %get3A_473 : vector<16xf32>
        %add3A_476 = arith.addf %add3A_463, %mul3A_475 : vector<16xf32>
        %swap3A_477 = arith.constant 0 : i32
        %swap3A_478 = arith.index_cast %swap3A_477 : i32 to index
        %swap3A_479 = arith.index_cast %scan3A_301 : i32 to index
        %swap3A_480 = arith.constant 48 : index
        %swap3A_481 = tpu.vector_load %arg9[%swap3A_478, %swap3A_479, %swap3A_480] {strides = array<i32>} : memref<4x16x256xf32, #tpu.memory_space<vmem>>, vector<1x1x16xf32>,
        %swap3A_482 = vector.shape_cast %swap3A_481 : vector<1x1x16xf32> to vector<16xf32>
        %swap3A_483 = vector.shape_cast %add3A_476 : vector<16xf32> to vector<1x1x16xf32>
        tpu.vector_store %arg9[%swap3A_478, %swap3A_479, %swap3A_480], %swap3A_483 {strides = array<i32>} : memref<4x16x256xf32, #tpu.memory_space<vmem>>, vector<1x1x16xf32>,
        %mul3A_484 = arith.constant 3 : i32
        %mul3A_485 = arith.muli %mul3A_484, %scan3A_301 : i32
        %get3A_486 = arith.constant 0 : i32
        %get3A_487 = arith.index_cast %get3A_486 : i32 to index
        %get3A_488 = arith.index_cast %mul3A_485 : i32 to index
        %get3A_489 = arith.constant 64 : index
        %get3A_490 = tpu.vector_load %arg8[%get3A_487, %get3A_488, %get3A_489] {strides = array<i32>} : memref<4x48x256xf32, #tpu.memory_space<vmem>>, vector<1x1x16xf32>,
        %get3A_491 = vector.shape_cast %get3A_490 : vector<1x1x16xf32> to vector<16xf32>
        %mul3A_492 = vector.broadcast %squeeze3A : f32 to vector<16xf32>
        %mul3A_493 = arith.mulf %mul3A_492, %get3A_491 : vector<16xf32>
        %mul3A_494 = arith.constant 3 : i32
        %mul3A_495 = arith.muli %mul3A_494, %scan3A_301 : i32
        %add3A_496 = arith.constant 1 : i32
        %add3A_497 = arith.addi %mul3A_495, %add3A_496 : i32
        %get3A_498 = arith.constant 0 : i32
        %get3A_499 = arith.index_cast %get3A_498 : i32 to index
        %get3A_500 = arith.index_cast %add3A_497 : i32 to index
        %get3A_501 = arith.constant 64 : index
        %get3A_502 = tpu.vector_load %arg8[%get3A_499, %get3A_500, %get3A_501] {strides = array<i32>} : memref<4x48x256xf32, #tpu.memory_space<vmem>>, vector<1x1x16xf32>,
        %get3A_503 = vector.shape_cast %get3A_502 : vector<1x1x16xf32> to vector<16xf32>
        %mul3A_504 = vector.broadcast %squeeze3A_310 : f32 to vector<16xf32>
        %mul3A_505 = arith.mulf %mul3A_504, %get3A_503 : vector<16xf32>
        %add3A_506 = arith.addf %mul3A_493, %mul3A_505 : vector<16xf32>
        %mul3A_507 = arith.constant 3 : i32
        %mul3A_508 = arith.muli %mul3A_507, %scan3A_301 : i32
        %add3A_509 = arith.constant 2 : i32
        %add3A_510 = arith.addi %mul3A_508, %add3A_509 : i32
        %get3A_511 = arith.constant 0 : i32
        %get3A_512 = arith.index_cast %get3A_511 : i32 to index
        %get3A_513 = arith.index_cast %add3A_510 : i32 to index
        %get3A_514 = arith.constant 64 : index
        %get3A_515 = tpu.vector_load %arg8[%get3A_512, %get3A_513, %get3A_514] {strides = array<i32>} : memref<4x48x256xf32, #tpu.memory_space<vmem>>, vector<1x1x16xf32>,
        %get3A_516 = vector.shape_cast %get3A_515 : vector<1x1x16xf32> to vector<16xf32>
        %mul3A_517 = vector.broadcast %squeeze3A_312 : f32 to vector<16xf32>
        %mul3A_518 = arith.mulf %mul3A_517, %get3A_516 : vector<16xf32>
        %add3A_519 = arith.addf %add3A_506, %mul3A_518 : vector<16xf32>
        %swap3A_520 = arith.constant 0 : i32
        %swap3A_521 = arith.index_cast %swap3A_520 : i32 to index
        %swap3A_522 = arith.index_cast %scan3A_301 : i32 to index
        %swap3A_523 = arith.constant 64 : index
        %swap3A_524 = tpu.vector_load %arg9[%swap3A_521, %swap3A_522, %swap3A_523] {strides = array<i32>} : memref<4x16x256xf32, #tpu.memory_space<vmem>>, vector<1x1x16xf32>,
        %swap3A_525 = vector.shape_cast %swap3A_524 : vector<1x1x16xf32> to vector<16xf32>
        %swap3A_526 = vector.shape_cast %add3A_519 : vector<16xf32> to vector<1x1x16xf32>
        tpu.vector_store %arg9[%swap3A_521, %swap3A_522, %swap3A_523], %swap3A_526 {strides = array<i32>} : memref<4x16x256xf32, #tpu.memory_space<vmem>>, vector<1x1x16xf32>,
        %mul3A_527 = arith.constant 3 : i32
        %mul3A_528 = arith.muli %mul3A_527, %scan3A_301 : i32
        %get3A_529 = arith.constant 0 : i32
        %get3A_530 = arith.index_cast %get3A_529 : i32 to index
        %get3A_531 = arith.index_cast %mul3A_528 : i32 to index
        %get3A_532 = arith.constant 80 : index
        %get3A_533 = tpu.vector_load %arg8[%get3A_530, %get3A_531, %get3A_532] {strides = array<i32>} : memref<4x48x256xf32, #tpu.memory_space<vmem>>, vector<1x1x16xf32>,
        %get3A_534 = vector.shape_cast %get3A_533 : vector<1x1x16xf32> to vector<16xf32>
        %mul3A_535 = vector.broadcast %squeeze3A : f32 to vector<16xf32>
        %mul3A_536 = arith.mulf %mul3A_535, %get3A_534 : vector<16xf32>
        %mul3A_537 = arith.constant 3 : i32
        %mul3A_538 = arith.muli %mul3A_537, %scan3A_301 : i32
        %add3A_539 = arith.constant 1 : i32
        %add3A_540 = arith.addi %mul3A_538, %add3A_539 : i32
        %get3A_541 = arith.constant 0 : i32
        %get3A_542 = arith.index_cast %get3A_541 : i32 to index
        %get3A_543 = arith.index_cast %add3A_540 : i32 to index
        %get3A_544 = arith.constant 80 : index
        %get3A_545 = tpu.vector_load %arg8[%get3A_542, %get3A_543, %get3A_544] {strides = array<i32>} : memref<4x48x256xf32, #tpu.memory_space<vmem>>, vector<1x1x16xf32>,
        %get3A_546 = vector.shape_cast %get3A_545 : vector<1x1x16xf32> to vector<16xf32>
        %mul3A_547 = vector.broadcast %squeeze3A_310 : f32 to vector<16xf32>
        %mul3A_548 = arith.mulf %mul3A_547, %get3A_546 : vector<16xf32>
        %add3A_549 = arith.addf %mul3A_536, %mul3A_548 : vector<16xf32>
        %mul3A_550 = arith.constant 3 : i32
        %mul3A_551 = arith.muli %mul3A_550, %scan3A_301 : i32
        %add3A_552 = arith.constant 2 : i32
        %add3A_553 = arith.addi %mul3A_551, %add3A_552 : i32
        %get3A_554 = arith.constant 0 : i32
        %get3A_555 = arith.index_cast %get3A_554 : i32 to index
        %get3A_556 = arith.index_cast %add3A_553 : i32 to index
        %get3A_557 = arith.constant 80 : index
        %get3A_558 = tpu.vector_load %arg8[%get3A_555, %get3A_556, %get3A_557] {strides = array<i32>} : memref<4x48x256xf32, #tpu.memory_space<vmem>>, vector<1x1x16xf32>,
        %get3A_559 = vector.shape_cast %get3A_558 : vector<1x1x16xf32> to vector<16xf32>
        %mul3A_560 = vector.broadcast %squeeze3A_312 : f32 to vector<16xf32>
        %mul3A_561 = arith.mulf %mul3A_560, %get3A_559 : vector<16xf32>
        %add3A_562 = arith.addf %add3A_549, %mul3A_561 : vector<16xf32>
        %swap3A_563 = arith.constant 0 : i32
        %swap3A_564 = arith.index_cast %swap3A_563 : i32 to index
        %swap3A_565 = arith.index_cast %scan3A_301 : i32 to index
        %swap3A_566 = arith.constant 80 : index
        %swap3A_567 = tpu.vector_load %arg9[%swap3A_564, %swap3A_565, %swap3A_566] {strides = array<i32>} : memref<4x16x256xf32, #tpu.memory_space<vmem>>, vector<1x1x16xf32>,
        %swap3A_568 = vector.shape_cast %swap3A_567 : vector<1x1x16xf32> to vector<16xf32>
        %swap3A_569 = vector.shape_cast %add3A_562 : vector<16xf32> to vector<1x1x16xf32>
        tpu.vector_store %arg9[%swap3A_564, %swap3A_565, %swap3A_566], %swap3A_569 {strides = array<i32>} : memref<4x16x256xf32, #tpu.memory_space<vmem>>, vector<1x1x16xf32>,
        %mul3A_570 = arith.constant 3 : i32
        %mul3A_571 = arith.muli %mul3A_570, %scan3A_301 : i32
        %get3A_572 = arith.constant 0 : i32
        %get3A_573 = arith.index_cast %get3A_572 : i32 to index
        %get3A_574 = arith.index_cast %mul3A_571 : i32 to index
        %get3A_575 = arith.constant 96 : index
        %get3A_576 = tpu.vector_load %arg8[%get3A_573, %get3A_574, %get3A_575] {strides = array<i32>} : memref<4x48x256xf32, #tpu.memory_space<vmem>>, vector<1x1x16xf32>,
        %get3A_577 = vector.shape_cast %get3A_576 : vector<1x1x16xf32> to vector<16xf32>
        %mul3A_578 = vector.broadcast %squeeze3A : f32 to vector<16xf32>
        %mul3A_579 = arith.mulf %mul3A_578, %get3A_577 : vector<16xf32>
        %mul3A_580 = arith.constant 3 : i32
        %mul3A_581 = arith.muli %mul3A_580, %scan3A_301 : i32
        %add3A_582 = arith.constant 1 : i32
        %add3A_583 = arith.addi %mul3A_581, %add3A_582 : i32
        %get3A_584 = arith.constant 0 : i32
        %get3A_585 = arith.index_cast %get3A_584 : i32 to index
        %get3A_586 = arith.index_cast %add3A_583 : i32 to index
        %get3A_587 = arith.constant 96 : index
        %get3A_588 = tpu.vector_load %arg8[%get3A_585, %get3A_586, %get3A_587] {strides = array<i32>} : memref<4x48x256xf32, #tpu.memory_space<vmem>>, vector<1x1x16xf32>,
        %get3A_589 = vector.shape_cast %get3A_588 : vector<1x1x16xf32> to vector<16xf32>
        %mul3A_590 = vector.broadcast %squeeze3A_310 : f32 to vector<16xf32>
        %mul3A_591 = arith.mulf %mul3A_590, %get3A_589 : vector<16xf32>
        %add3A_592 = arith.addf %mul3A_579, %mul3A_591 : vector<16xf32>
        %mul3A_593 = arith.constant 3 : i32
        %mul3A_594 = arith.muli %mul3A_593, %scan3A_301 : i32
        %add3A_595 = arith.constant 2 : i32
        %add3A_596 = arith.addi %mul3A_594, %add3A_595 : i32
        %get3A_597 = arith.constant 0 : i32
        %get3A_598 = arith.index_cast %get3A_597 : i32 to index
        %get3A_599 = arith.index_cast %add3A_596 : i32 to index
        %get3A_600 = arith.constant 96 : index
        %get3A_601 = tpu.vector_load %arg8[%get3A_598, %get3A_599, %get3A_600] {strides = array<i32>} : memref<4x48x256xf32, #tpu.memory_space<vmem>>, vector<1x1x16xf32>,
        %get3A_602 = vector.shape_cast %get3A_601 : vector<1x1x16xf32> to vector<16xf32>
        %mul3A_603 = vector.broadcast %squeeze3A_312 : f32 to vector<16xf32>
        %mul3A_604 = arith.mulf %mul3A_603, %get3A_602 : vector<16xf32>
        %add3A_605 = arith.addf %add3A_592, %mul3A_604 : vector<16xf32>
        %swap3A_606 = arith.constant 0 : i32
        %swap3A_607 = arith.index_cast %swap3A_606 : i32 to index
        %swap3A_608 = arith.index_cast %scan3A_301 : i32 to index
        %swap3A_609 = arith.constant 96 : index
        %swap3A_610 = tpu.vector_load %arg9[%swap3A_607, %swap3A_608, %swap3A_609] {strides = array<i32>} : memref<4x16x256xf32, #tpu.memory_space<vmem>>, vector<1x1x16xf32>,
        %swap3A_611 = vector.shape_cast %swap3A_610 : vector<1x1x16xf32> to vector<16xf32>
        %swap3A_612 = vector.shape_cast %add3A_605 : vector<16xf32> to vector<1x1x16xf32>
        tpu.vector_store %arg9[%swap3A_607, %swap3A_608, %swap3A_609], %swap3A_612 {strides = array<i32>} : memref<4x16x256xf32, #tpu.memory_space<vmem>>, vector<1x1x16xf32>,
        %mul3A_613 = arith.constant 3 : i32
        %mul3A_614 = arith.muli %mul3A_613, %scan3A_301 : i32
        %get3A_615 = arith.constant 0 : i32
        %get3A_616 = arith.index_cast %get3A_615 : i32 to index
        %get3A_617 = arith.index_cast %mul3A_614 : i32 to index
        %get3A_618 = arith.constant 112 : index
        %get3A_619 = tpu.vector_load %arg8[%get3A_616, %get3A_617, %get3A_618] {strides = array<i32>} : memref<4x48x256xf32, #tpu.memory_space<vmem>>, vector<1x1x16xf32>,
        %get3A_620 = vector.shape_cast %get3A_619 : vector<1x1x16xf32> to vector<16xf32>
        %mul3A_621 = vector.broadcast %squeeze3A : f32 to vector<16xf32>
        %mul3A_622 = arith.mulf %mul3A_621, %get3A_620 : vector<16xf32>
        %mul3A_623 = arith.constant 3 : i32
        %mul3A_624 = arith.muli %mul3A_623, %scan3A_301 : i32
        %add3A_625 = arith.constant 1 : i32
        %add3A_626 = arith.addi %mul3A_624, %add3A_625 : i32
        %get3A_627 = arith.constant 0 : i32
        %get3A_628 = arith.index_cast %get3A_627 : i32 to index
        %get3A_629 = arith.index_cast %add3A_626 : i32 to index
        %get3A_630 = arith.constant 112 : index
        %get3A_631 = tpu.vector_load %arg8[%get3A_628, %get3A_629, %get3A_630] {strides = array<i32>} : memref<4x48x256xf32, #tpu.memory_space<vmem>>, vector<1x1x16xf32>,
        %get3A_632 = vector.shape_cast %get3A_631 : vector<1x1x16xf32> to vector<16xf32>
        %mul3A_633 = vector.broadcast %squeeze3A_310 : f32 to vector<16xf32>
        %mul3A_634 = arith.mulf %mul3A_633, %get3A_632 : vector<16xf32>
        %add3A_635 = arith.addf %mul3A_622, %mul3A_634 : vector<16xf32>
        %mul3A_636 = arith.constant 3 : i32
        %mul3A_637 = arith.muli %mul3A_636, %scan3A_301 : i32
        %add3A_638 = arith.constant 2 : i32
        %add3A_639 = arith.addi %mul3A_637, %add3A_638 : i32
        %get3A_640 = arith.constant 0 : i32
        %get3A_641 = arith.index_cast %get3A_640 : i32 to index
        %get3A_642 = arith.index_cast %add3A_639 : i32 to index
        %get3A_643 = arith.constant 112 : index
        %get3A_644 = tpu.vector_load %arg8[%get3A_641, %get3A_642, %get3A_643] {strides = array<i32>} : memref<4x48x256xf32, #tpu.memory_space<vmem>>, vector<1x1x16xf32>,
        %get3A_645 = vector.shape_cast %get3A_644 : vector<1x1x16xf32> to vector<16xf32>
        %mul3A_646 = vector.broadcast %squeeze3A_312 : f32 to vector<16xf32>
        %mul3A_647 = arith.mulf %mul3A_646, %get3A_645 : vector<16xf32>
        %add3A_648 = arith.addf %add3A_635, %mul3A_647 : vector<16xf32>
        %swap3A_649 = arith.constant 0 : i32
        %swap3A_650 = arith.index_cast %swap3A_649 : i32 to index
        %swap3A_651 = arith.index_cast %scan3A_301 : i32 to index
        %swap3A_652 = arith.constant 112 : index
        %swap3A_653 = tpu.vector_load %arg9[%swap3A_650, %swap3A_651, %swap3A_652] {strides = array<i32>} : memref<4x16x256xf32, #tpu.memory_space<vmem>>, vector<1x1x16xf32>,
        %swap3A_654 = vector.shape_cast %swap3A_653 : vector<1x1x16xf32> to vector<16xf32>
        %swap3A_655 = vector.shape_cast %add3A_648 : vector<16xf32> to vector<1x1x16xf32>
        tpu.vector_store %arg9[%swap3A_650, %swap3A_651, %swap3A_652], %swap3A_655 {strides = array<i32>} : memref<4x16x256xf32, #tpu.memory_space<vmem>>, vector<1x1x16xf32>,
        %mul3A_656 = arith.constant 3 : i32
        %mul3A_657 = arith.muli %mul3A_656, %scan3A_301 : i32
        %get3A_658 = arith.constant 0 : i32
        %get3A_659 = arith.index_cast %get3A_658 : i32 to index
        %get3A_660 = arith.index_cast %mul3A_657 : i32 to index
        %get3A_661 = arith.constant 128 : index
        %get3A_662 = tpu.vector_load %arg8[%get3A_659, %get3A_660, %get3A_661] {strides = array<i32>} : memref<4x48x256xf32, #tpu.memory_space<vmem>>, vector<1x1x16xf32>,
        %get3A_663 = vector.shape_cast %get3A_662 : vector<1x1x16xf32> to vector<16xf32>
        %mul3A_664 = vector.broadcast %squeeze3A : f32 to vector<16xf32>
        %mul3A_665 = arith.mulf %mul3A_664, %get3A_663 : vector<16xf32>
        %mul3A_666 = arith.constant 3 : i32
        %mul3A_667 = arith.muli %mul3A_666, %scan3A_301 : i32
        %add3A_668 = arith.constant 1 : i32
        %add3A_669 = arith.addi %mul3A_667, %add3A_668 : i32
        %get3A_670 = arith.constant 0 : i32
        %get3A_671 = arith.index_cast %get3A_670 : i32 to index
        %get3A_672 = arith.index_cast %add3A_669 : i32 to index
        %get3A_673 = arith.constant 128 : index
        %get3A_674 = tpu.vector_load %arg8[%get3A_671, %get3A_672, %get3A_673] {strides = array<i32>} : memref<4x48x256xf32, #tpu.memory_space<vmem>>, vector<1x1x16xf32>,
        %get3A_675 = vector.shape_cast %get3A_674 : vector<1x1x16xf32> to vector<16xf32>
        %mul3A_676 = vector.broadcast %squeeze3A_310 : f32 to vector<16xf32>
        %mul3A_677 = arith.mulf %mul3A_676, %get3A_675 : vector<16xf32>
        %add3A_678 = arith.addf %mul3A_665, %mul3A_677 : vector<16xf32>
        %mul3A_679 = arith.constant 3 : i32
        %mul3A_680 = arith.muli %mul3A_679, %scan3A_301 : i32
        %add3A_681 = arith.constant 2 : i32
        %add3A_682 = arith.addi %mul3A_680, %add3A_681 : i32
        %get3A_683 = arith.constant 0 : i32
        %get3A_684 = arith.index_cast %get3A_683 : i32 to index
        %get3A_685 = arith.index_cast %add3A_682 : i32 to index
        %get3A_686 = arith.constant 128 : index
        %get3A_687 = tpu.vector_load %arg8[%get3A_684, %get3A_685, %get3A_686] {strides = array<i32>} : memref<4x48x256xf32, #tpu.memory_space<vmem>>, vector<1x1x16xf32>,
        %get3A_688 = vector.shape_cast %get3A_687 : vector<1x1x16xf32> to vector<16xf32>
        %mul3A_689 = vector.broadcast %squeeze3A_312 : f32 to vector<16xf32>
        %mul3A_690 = arith.mulf %mul3A_689, %get3A_688 : vector<16xf32>
        %add3A_691 = arith.addf %add3A_678, %mul3A_690 : vector<16xf32>
        %swap3A_692 = arith.constant 0 : i32
        %swap3A_693 = arith.index_cast %swap3A_692 : i32 to index
        %swap3A_694 = arith.index_cast %scan3A_301 : i32 to index
        %swap3A_695 = arith.constant 128 : index
        %swap3A_696 = tpu.vector_load %arg9[%swap3A_693, %swap3A_694, %swap3A_695] {strides = array<i32>} : memref<4x16x256xf32, #tpu.memory_space<vmem>>, vector<1x1x16xf32>,
        %swap3A_697 = vector.shape_cast %swap3A_696 : vector<1x1x16xf32> to vector<16xf32>
        %swap3A_698 = vector.shape_cast %add3A_691 : vector<16xf32> to vector<1x1x16xf32>
        tpu.vector_store %arg9[%swap3A_693, %swap3A_694, %swap3A_695], %swap3A_698 {strides = array<i32>} : memref<4x16x256xf32, #tpu.memory_space<vmem>>, vector<1x1x16xf32>,
        %mul3A_699 = arith.constant 3 : i32
        %mul3A_700 = arith.muli %mul3A_699, %scan3A_301 : i32
        %get3A_701 = arith.constant 0 : i32
        %get3A_702 = arith.index_cast %get3A_701 : i32 to index
        %get3A_703 = arith.index_cast %mul3A_700 : i32 to index
        %get3A_704 = arith.constant 144 : index
        %get3A_705 = tpu.vector_load %arg8[%get3A_702, %get3A_703, %get3A_704] {strides = array<i32>} : memref<4x48x256xf32, #tpu.memory_space<vmem>>, vector<1x1x16xf32>,
        %get3A_706 = vector.shape_cast %get3A_705 : vector<1x1x16xf32> to vector<16xf32>
        %mul3A_707 = vector.broadcast %squeeze3A : f32 to vector<16xf32>
        %mul3A_708 = arith.mulf %mul3A_707, %get3A_706 : vector<16xf32>
        %mul3A_709 = arith.constant 3 : i32
        %mul3A_710 = arith.muli %mul3A_709, %scan3A_301 : i32
        %add3A_711 = arith.constant 1 : i32
        %add3A_712 = arith.addi %mul3A_710, %add3A_711 : i32
        %get3A_713 = arith.constant 0 : i32
        %get3A_714 = arith.index_cast %get3A_713 : i32 to index
        %get3A_715 = arith.index_cast %add3A_712 : i32 to index
        %get3A_716 = arith.constant 144 : index
        %get3A_717 = tpu.vector_load %arg8[%get3A_714, %get3A_715, %get3A_716] {strides = array<i32>} : memref<4x48x256xf32, #tpu.memory_space<vmem>>, vector<1x1x16xf32>,
        %get3A_718 = vector.shape_cast %get3A_717 : vector<1x1x16xf32> to vector<16xf32>
        %mul3A_719 = vector.broadcast %squeeze3A_310 : f32 to vector<16xf32>
        %mul3A_720 = arith.mulf %mul3A_719, %get3A_718 : vector<16xf32>
        %add3A_721 = arith.addf %mul3A_708, %mul3A_720 : vector<16xf32>
        %mul3A_722 = arith.constant 3 : i32
        %mul3A_723 = arith.muli %mul3A_722, %scan3A_301 : i32
        %add3A_724 = arith.constant 2 : i32
        %add3A_725 = arith.addi %mul3A_723, %add3A_724 : i32
        %get3A_726 = arith.constant 0 : i32
        %get3A_727 = arith.index_cast %get3A_726 : i32 to index
        %get3A_728 = arith.index_cast %add3A_725 : i32 to index
        %get3A_729 = arith.constant 144 : index
        %get3A_730 = tpu.vector_load %arg8[%get3A_727, %get3A_728, %get3A_729] {strides = array<i32>} : memref<4x48x256xf32, #tpu.memory_space<vmem>>, vector<1x1x16xf32>,
        %get3A_731 = vector.shape_cast %get3A_730 : vector<1x1x16xf32> to vector<16xf32>
        %mul3A_732 = vector.broadcast %squeeze3A_312 : f32 to vector<16xf32>
        %mul3A_733 = arith.mulf %mul3A_732, %get3A_731 : vector<16xf32>
        %add3A_734 = arith.addf %add3A_721, %mul3A_733 : vector<16xf32>
        %swap3A_735 = arith.constant 0 : i32
        %swap3A_736 = arith.index_cast %swap3A_735 : i32 to index
        %swap3A_737 = arith.index_cast %scan3A_301 : i32 to index
        %swap3A_738 = arith.constant 144 : index
        %swap3A_739 = tpu.vector_load %arg9[%swap3A_736, %swap3A_737, %swap3A_738] {strides = array<i32>} : memref<4x16x256xf32, #tpu.memory_space<vmem>>, vector<1x1x16xf32>,
        %swap3A_740 = vector.shape_cast %swap3A_739 : vector<1x1x16xf32> to vector<16xf32>
        %swap3A_741 = vector.shape_cast %add3A_734 : vector<16xf32> to vector<1x1x16xf32>
        tpu.vector_store %arg9[%swap3A_736, %swap3A_737, %swap3A_738], %swap3A_741 {strides = array<i32>} : memref<4x16x256xf32, #tpu.memory_space<vmem>>, vector<1x1x16xf32>,
        %mul3A_742 = arith.constant 3 : i32
        %mul3A_743 = arith.muli %mul3A_742, %scan3A_301 : i32
        %get3A_744 = arith.constant 0 : i32
        %get3A_745 = arith.index_cast %get3A_744 : i32 to index
        %get3A_746 = arith.index_cast %mul3A_743 : i32 to index
        %get3A_747 = arith.constant 160 : index
        %get3A_748 = tpu.vector_load %arg8[%get3A_745, %get3A_746, %get3A_747] {strides = array<i32>} : memref<4x48x256xf32, #tpu.memory_space<vmem>>, vector<1x1x16xf32>,
        %get3A_749 = vector.shape_cast %get3A_748 : vector<1x1x16xf32> to vector<16xf32>
        %mul3A_750 = vector.broadcast %squeeze3A : f32 to vector<16xf32>
        %mul3A_751 = arith.mulf %mul3A_750, %get3A_749 : vector<16xf32>
        %mul3A_752 = arith.constant 3 : i32
        %mul3A_753 = arith.muli %mul3A_752, %scan3A_301 : i32
        %add3A_754 = arith.constant 1 : i32
        %add3A_755 = arith.addi %mul3A_753, %add3A_754 : i32
        %get3A_756 = arith.constant 0 : i32
        %get3A_757 = arith.index_cast %get3A_756 : i32 to index
        %get3A_758 = arith.index_cast %add3A_755 : i32 to index
        %get3A_759 = arith.constant 160 : index
        %get3A_760 = tpu.vector_load %arg8[%get3A_757, %get3A_758, %get3A_759] {strides = array<i32>} : memref<4x48x256xf32, #tpu.memory_space<vmem>>, vector<1x1x16xf32>,
        %get3A_761 = vector.shape_cast %get3A_760 : vector<1x1x16xf32> to vector<16xf32>
        %mul3A_762 = vector.broadcast %squeeze3A_310 : f32 to vector<16xf32>
        %mul3A_763 = arith.mulf %mul3A_762, %get3A_761 : vector<16xf32>
        %add3A_764 = arith.addf %mul3A_751, %mul3A_763 : vector<16xf32>
        %mul3A_765 = arith.constant 3 : i32
        %mul3A_766 = arith.muli %mul3A_765, %scan3A_301 : i32
        %add3A_767 = arith.constant 2 : i32
        %add3A_768 = arith.addi %mul3A_766, %add3A_767 : i32
        %get3A_769 = arith.constant 0 : i32
        %get3A_770 = arith.index_cast %get3A_769 : i32 to index
        %get3A_771 = arith.index_cast %add3A_768 : i32 to index
        %get3A_772 = arith.constant 160 : index
        %get3A_773 = tpu.vector_load %arg8[%get3A_770, %get3A_771, %get3A_772] {strides = array<i32>} : memref<4x48x256xf32, #tpu.memory_space<vmem>>, vector<1x1x16xf32>,
        %get3A_774 = vector.shape_cast %get3A_773 : vector<1x1x16xf32> to vector<16xf32>
        %mul3A_775 = vector.broadcast %squeeze3A_312 : f32 to vector<16xf32>
        %mul3A_776 = arith.mulf %mul3A_775, %get3A_774 : vector<16xf32>
        %add3A_777 = arith.addf %add3A_764, %mul3A_776 : vector<16xf32>
        %swap3A_778 = arith.constant 0 : i32
        %swap3A_779 = arith.index_cast %swap3A_778 : i32 to index
        %swap3A_780 = arith.index_cast %scan3A_301 : i32 to index
        %swap3A_781 = arith.constant 160 : index
        %swap3A_782 = tpu.vector_load %arg9[%swap3A_779, %swap3A_780, %swap3A_781] {strides = array<i32>} : memref<4x16x256xf32, #tpu.memory_space<vmem>>, vector<1x1x16xf32>,
        %swap3A_783 = vector.shape_cast %swap3A_782 : vector<1x1x16xf32> to vector<16xf32>
        %swap3A_784 = vector.shape_cast %add3A_777 : vector<16xf32> to vector<1x1x16xf32>
        tpu.vector_store %arg9[%swap3A_779, %swap3A_780, %swap3A_781], %swap3A_784 {strides = array<i32>} : memref<4x16x256xf32, #tpu.memory_space<vmem>>, vector<1x1x16xf32>,
        %mul3A_785 = arith.constant 3 : i32
        %mul3A_786 = arith.muli %mul3A_785, %scan3A_301 : i32
        %get3A_787 = arith.constant 0 : i32
        %get3A_788 = arith.index_cast %get3A_787 : i32 to index
        %get3A_789 = arith.index_cast %mul3A_786 : i32 to index
        %get3A_790 = arith.constant 176 : index
        %get3A_791 = tpu.vector_load %arg8[%get3A_788, %get3A_789, %get3A_790] {strides = array<i32>} : memref<4x48x256xf32, #tpu.memory_space<vmem>>, vector<1x1x16xf32>,
        %get3A_792 = vector.shape_cast %get3A_791 : vector<1x1x16xf32> to vector<16xf32>
        %mul3A_793 = vector.broadcast %squeeze3A : f32 to vector<16xf32>
        %mul3A_794 = arith.mulf %mul3A_793, %get3A_792 : vector<16xf32>
        %mul3A_795 = arith.constant 3 : i32
        %mul3A_796 = arith.muli %mul3A_795, %scan3A_301 : i32
        %add3A_797 = arith.constant 1 : i32
        %add3A_798 = arith.addi %mul3A_796, %add3A_797 : i32
        %get3A_799 = arith.constant 0 : i32
        %get3A_800 = arith.index_cast %get3A_799 : i32 to index
        %get3A_801 = arith.index_cast %add3A_798 : i32 to index
        %get3A_802 = arith.constant 176 : index
        %get3A_803 = tpu.vector_load %arg8[%get3A_800, %get3A_801, %get3A_802] {strides = array<i32>} : memref<4x48x256xf32, #tpu.memory_space<vmem>>, vector<1x1x16xf32>,
        %get3A_804 = vector.shape_cast %get3A_803 : vector<1x1x16xf32> to vector<16xf32>
        %mul3A_805 = vector.broadcast %squeeze3A_310 : f32 to vector<16xf32>
        %mul3A_806 = arith.mulf %mul3A_805, %get3A_804 : vector<16xf32>
        %add3A_807 = arith.addf %mul3A_794, %mul3A_806 : vector<16xf32>
        %mul3A_808 = arith.constant 3 : i32
        %mul3A_809 = arith.muli %mul3A_808, %scan3A_301 : i32
        %add3A_810 = arith.constant 2 : i32
        %add3A_811 = arith.addi %mul3A_809, %add3A_810 : i32
        %get3A_812 = arith.constant 0 : i32
        %get3A_813 = arith.index_cast %get3A_812 : i32 to index
        %get3A_814 = arith.index_cast %add3A_811 : i32 to index
        %get3A_815 = arith.constant 176 : index
        %get3A_816 = tpu.vector_load %arg8[%get3A_813, %get3A_814, %get3A_815] {strides = array<i32>} : memref<4x48x256xf32, #tpu.memory_space<vmem>>, vector<1x1x16xf32>,
        %get3A_817 = vector.shape_cast %get3A_816 : vector<1x1x16xf32> to vector<16xf32>
        %mul3A_818 = vector.broadcast %squeeze3A_312 : f32 to vector<16xf32>
        %mul3A_819 = arith.mulf %mul3A_818, %get3A_817 : vector<16xf32>
        %add3A_820 = arith.addf %add3A_807, %mul3A_819 : vector<16xf32>
        %swap3A_821 = arith.constant 0 : i32
        %swap3A_822 = arith.index_cast %swap3A_821 : i32 to index
        %swap3A_823 = arith.index_cast %scan3A_301 : i32 to index
        %swap3A_824 = arith.constant 176 : index
        %swap3A_825 = tpu.vector_load %arg9[%swap3A_822, %swap3A_823, %swap3A_824] {strides = array<i32>} : memref<4x16x256xf32, #tpu.memory_space<vmem>>, vector<1x1x16xf32>,
        %swap3A_826 = vector.shape_cast %swap3A_825 : vector<1x1x16xf32> to vector<16xf32>
        %swap3A_827 = vector.shape_cast %add3A_820 : vector<16xf32> to vector<1x1x16xf32>
        tpu.vector_store %arg9[%swap3A_822, %swap3A_823, %swap3A_824], %swap3A_827 {strides = array<i32>} : memref<4x16x256xf32, #tpu.memory_space<vmem>>, vector<1x1x16xf32>,
        %mul3A_828 = arith.constant 3 : i32
        %mul3A_829 = arith.muli %mul3A_828, %scan3A_301 : i32
        %get3A_830 = arith.constant 0 : i32
        %get3A_831 = arith.index_cast %get3A_830 : i32 to index
        %get3A_832 = arith.index_cast %mul3A_829 : i32 to index
        %get3A_833 = arith.constant 192 : index
        %get3A_834 = tpu.vector_load %arg8[%get3A_831, %get3A_832, %get3A_833] {strides = array<i32>} : memref<4x48x256xf32, #tpu.memory_space<vmem>>, vector<1x1x16xf32>,
        %get3A_835 = vector.shape_cast %get3A_834 : vector<1x1x16xf32> to vector<16xf32>
        %mul3A_836 = vector.broadcast %squeeze3A : f32 to vector<16xf32>
        %mul3A_837 = arith.mulf %mul3A_836, %get3A_835 : vector<16xf32>
        %mul3A_838 = arith.constant 3 : i32
        %mul3A_839 = arith.muli %mul3A_838, %scan3A_301 : i32
        %add3A_840 = arith.constant 1 : i32
        %add3A_841 = arith.addi %mul3A_839, %add3A_840 : i32
        %get3A_842 = arith.constant 0 : i32
        %get3A_843 = arith.index_cast %get3A_842 : i32 to index
        %get3A_844 = arith.index_cast %add3A_841 : i32 to index
        %get3A_845 = arith.constant 192 : index
        %get3A_846 = tpu.vector_load %arg8[%get3A_843, %get3A_844, %get3A_845] {strides = array<i32>} : memref<4x48x256xf32, #tpu.memory_space<vmem>>, vector<1x1x16xf32>,
        %get3A_847 = vector.shape_cast %get3A_846 : vector<1x1x16xf32> to vector<16xf32>
        %mul3A_848 = vector.broadcast %squeeze3A_310 : f32 to vector<16xf32>
        %mul3A_849 = arith.mulf %mul3A_848, %get3A_847 : vector<16xf32>
        %add3A_850 = arith.addf %mul3A_837, %mul3A_849 : vector<16xf32>
        %mul3A_851 = arith.constant 3 : i32
        %mul3A_852 = arith.muli %mul3A_851, %scan3A_301 : i32
        %add3A_853 = arith.constant 2 : i32
        %add3A_854 = arith.addi %mul3A_852, %add3A_853 : i32
        %get3A_855 = arith.constant 0 : i32
        %get3A_856 = arith.index_cast %get3A_855 : i32 to index
        %get3A_857 = arith.index_cast %add3A_854 : i32 to index
        %get3A_858 = arith.constant 192 : index
        %get3A_859 = tpu.vector_load %arg8[%get3A_856, %get3A_857, %get3A_858] {strides = array<i32>} : memref<4x48x256xf32, #tpu.memory_space<vmem>>, vector<1x1x16xf32>,
        %get3A_860 = vector.shape_cast %get3A_859 : vector<1x1x16xf32> to vector<16xf32>
        %mul3A_861 = vector.broadcast %squeeze3A_312 : f32 to vector<16xf32>
        %mul3A_862 = arith.mulf %mul3A_861, %get3A_860 : vector<16xf32>
        %add3A_863 = arith.addf %add3A_850, %mul3A_862 : vector<16xf32>
        %swap3A_864 = arith.constant 0 : i32
        %swap3A_865 = arith.index_cast %swap3A_864 : i32 to index
        %swap3A_866 = arith.index_cast %scan3A_301 : i32 to index
        %swap3A_867 = arith.constant 192 : index
        %swap3A_868 = tpu.vector_load %arg9[%swap3A_865, %swap3A_866, %swap3A_867] {strides = array<i32>} : memref<4x16x256xf32, #tpu.memory_space<vmem>>, vector<1x1x16xf32>,
        %swap3A_869 = vector.shape_cast %swap3A_868 : vector<1x1x16xf32> to vector<16xf32>
        %swap3A_870 = vector.shape_cast %add3A_863 : vector<16xf32> to vector<1x1x16xf32>
        tpu.vector_store %arg9[%swap3A_865, %swap3A_866, %swap3A_867], %swap3A_870 {strides = array<i32>} : memref<4x16x256xf32, #tpu.memory_space<vmem>>, vector<1x1x16xf32>,
        %mul3A_871 = arith.constant 3 : i32
        %mul3A_872 = arith.muli %mul3A_871, %scan3A_301 : i32
        %get3A_873 = arith.constant 0 : i32
        %get3A_874 = arith.index_cast %get3A_873 : i32 to index
        %get3A_875 = arith.index_cast %mul3A_872 : i32 to index
        %get3A_876 = arith.constant 208 : index
        %get3A_877 = tpu.vector_load %arg8[%get3A_874, %get3A_875, %get3A_876] {strides = array<i32>} : memref<4x48x256xf32, #tpu.memory_space<vmem>>, vector<1x1x16xf32>,
        %get3A_878 = vector.shape_cast %get3A_877 : vector<1x1x16xf32> to vector<16xf32>
        %mul3A_879 = vector.broadcast %squeeze3A : f32 to vector<16xf32>
        %mul3A_880 = arith.mulf %mul3A_879, %get3A_878 : vector<16xf32>
        %mul3A_881 = arith.constant 3 : i32
        %mul3A_882 = arith.muli %mul3A_881, %scan3A_301 : i32
        %add3A_883 = arith.constant 1 : i32
        %add3A_884 = arith.addi %mul3A_882, %add3A_883 : i32
        %get3A_885 = arith.constant 0 : i32
        %get3A_886 = arith.index_cast %get3A_885 : i32 to index
        %get3A_887 = arith.index_cast %add3A_884 : i32 to index
        %get3A_888 = arith.constant 208 : index
        %get3A_889 = tpu.vector_load %arg8[%get3A_886, %get3A_887, %get3A_888] {strides = array<i32>} : memref<4x48x256xf32, #tpu.memory_space<vmem>>, vector<1x1x16xf32>,
        %get3A_890 = vector.shape_cast %get3A_889 : vector<1x1x16xf32> to vector<16xf32>
        %mul3A_891 = vector.broadcast %squeeze3A_310 : f32 to vector<16xf32>
        %mul3A_892 = arith.mulf %mul3A_891, %get3A_890 : vector<16xf32>
        %add3A_893 = arith.addf %mul3A_880, %mul3A_892 : vector<16xf32>
        %mul3A_894 = arith.constant 3 : i32
        %mul3A_895 = arith.muli %mul3A_894, %scan3A_301 : i32
        %add3A_896 = arith.constant 2 : i32
        %add3A_897 = arith.addi %mul3A_895, %add3A_896 : i32
        %get3A_898 = arith.constant 0 : i32
        %get3A_899 = arith.index_cast %get3A_898 : i32 to index
        %get3A_900 = arith.index_cast %add3A_897 : i32 to index
        %get3A_901 = arith.constant 208 : index
        %get3A_902 = tpu.vector_load %arg8[%get3A_899, %get3A_900, %get3A_901] {strides = array<i32>} : memref<4x48x256xf32, #tpu.memory_space<vmem>>, vector<1x1x16xf32>,
        %get3A_903 = vector.shape_cast %get3A_902 : vector<1x1x16xf32> to vector<16xf32>
        %mul3A_904 = vector.broadcast %squeeze3A_312 : f32 to vector<16xf32>
        %mul3A_905 = arith.mulf %mul3A_904, %get3A_903 : vector<16xf32>
        %add3A_906 = arith.addf %add3A_893, %mul3A_905 : vector<16xf32>
        %swap3A_907 = arith.constant 0 : i32
        %swap3A_908 = arith.index_cast %swap3A_907 : i32 to index
        %swap3A_909 = arith.index_cast %scan3A_301 : i32 to index
        %swap3A_910 = arith.constant 208 : index
        %swap3A_911 = tpu.vector_load %arg9[%swap3A_908, %swap3A_909, %swap3A_910] {strides = array<i32>} : memref<4x16x256xf32, #tpu.memory_space<vmem>>, vector<1x1x16xf32>,
        %swap3A_912 = vector.shape_cast %swap3A_911 : vector<1x1x16xf32> to vector<16xf32>
        %swap3A_913 = vector.shape_cast %add3A_906 : vector<16xf32> to vector<1x1x16xf32>
        tpu.vector_store %arg9[%swap3A_908, %swap3A_909, %swap3A_910], %swap3A_913 {strides = array<i32>} : memref<4x16x256xf32, #tpu.memory_space<vmem>>, vector<1x1x16xf32>,
        %mul3A_914 = arith.constant 3 : i32
        %mul3A_915 = arith.muli %mul3A_914, %scan3A_301 : i32
        %get3A_916 = arith.constant 0 : i32
        %get3A_917 = arith.index_cast %get3A_916 : i32 to index
        %get3A_918 = arith.index_cast %mul3A_915 : i32 to index
        %get3A_919 = arith.constant 224 : index
        %get3A_920 = tpu.vector_load %arg8[%get3A_917, %get3A_918, %get3A_919] {strides = array<i32>} : memref<4x48x256xf32, #tpu.memory_space<vmem>>, vector<1x1x16xf32>,
        %get3A_921 = vector.shape_cast %get3A_920 : vector<1x1x16xf32> to vector<16xf32>
        %mul3A_922 = vector.broadcast %squeeze3A : f32 to vector<16xf32>
        %mul3A_923 = arith.mulf %mul3A_922, %get3A_921 : vector<16xf32>
        %mul3A_924 = arith.constant 3 : i32
        %mul3A_925 = arith.muli %mul3A_924, %scan3A_301 : i32
        %add3A_926 = arith.constant 1 : i32
        %add3A_927 = arith.addi %mul3A_925, %add3A_926 : i32
        %get3A_928 = arith.constant 0 : i32
        %get3A_929 = arith.index_cast %get3A_928 : i32 to index
        %get3A_930 = arith.index_cast %add3A_927 : i32 to index
        %get3A_931 = arith.constant 224 : index
        %get3A_932 = tpu.vector_load %arg8[%get3A_929, %get3A_930, %get3A_931] {strides = array<i32>} : memref<4x48x256xf32, #tpu.memory_space<vmem>>, vector<1x1x16xf32>,
        %get3A_933 = vector.shape_cast %get3A_932 : vector<1x1x16xf32> to vector<16xf32>
        %mul3A_934 = vector.broadcast %squeeze3A_310 : f32 to vector<16xf32>
        %mul3A_935 = arith.mulf %mul3A_934, %get3A_933 : vector<16xf32>
        %add3A_936 = arith.addf %mul3A_923, %mul3A_935 : vector<16xf32>
        %mul3A_937 = arith.constant 3 : i32
        %mul3A_938 = arith.muli %mul3A_937, %scan3A_301 : i32
        %add3A_939 = arith.constant 2 : i32
        %add3A_940 = arith.addi %mul3A_938, %add3A_939 : i32
        %get3A_941 = arith.constant 0 : i32
        %get3A_942 = arith.index_cast %get3A_941 : i32 to index
        %get3A_943 = arith.index_cast %add3A_940 : i32 to index
        %get3A_944 = arith.constant 224 : index
        %get3A_945 = tpu.vector_load %arg8[%get3A_942, %get3A_943, %get3A_944] {strides = array<i32>} : memref<4x48x256xf32, #tpu.memory_space<vmem>>, vector<1x1x16xf32>,
        %get3A_946 = vector.shape_cast %get3A_945 : vector<1x1x16xf32> to vector<16xf32>
        %mul3A_947 = vector.broadcast %squeeze3A_312 : f32 to vector<16xf32>
        %mul3A_948 = arith.mulf %mul3A_947, %get3A_946 : vector<16xf32>
        %add3A_949 = arith.addf %add3A_936, %mul3A_948 : vector<16xf32>
        %swap3A_950 = arith.constant 0 : i32
        %swap3A_951 = arith.index_cast %swap3A_950 : i32 to index
        %swap3A_952 = arith.index_cast %scan3A_301 : i32 to index
        %swap3A_953 = arith.constant 224 : index
        %swap3A_954 = tpu.vector_load %arg9[%swap3A_951, %swap3A_952, %swap3A_953] {strides = array<i32>} : memref<4x16x256xf32, #tpu.memory_space<vmem>>, vector<1x1x16xf32>,
        %swap3A_955 = vector.shape_cast %swap3A_954 : vector<1x1x16xf32> to vector<16xf32>
        %swap3A_956 = vector.shape_cast %add3A_949 : vector<16xf32> to vector<1x1x16xf32>
        tpu.vector_store %arg9[%swap3A_951, %swap3A_952, %swap3A_953], %swap3A_956 {strides = array<i32>} : memref<4x16x256xf32, #tpu.memory_space<vmem>>, vector<1x1x16xf32>,
        %mul3A_957 = arith.constant 3 : i32
        %mul3A_958 = arith.muli %mul3A_957, %scan3A_301 : i32
        %get3A_959 = arith.constant 0 : i32
        %get3A_960 = arith.index_cast %get3A_959 : i32 to index
        %get3A_961 = arith.index_cast %mul3A_958 : i32 to index
        %get3A_962 = arith.constant 240 : index
        %get3A_963 = tpu.vector_load %arg8[%get3A_960, %get3A_961, %get3A_962] {strides = array<i32>} : memref<4x48x256xf32, #tpu.memory_space<vmem>>, vector<1x1x16xf32>,
        %get3A_964 = vector.shape_cast %get3A_963 : vector<1x1x16xf32> to vector<16xf32>
        %mul3A_965 = vector.broadcast %squeeze3A : f32 to vector<16xf32>
        %mul3A_966 = arith.mulf %mul3A_965, %get3A_964 : vector<16xf32>
        %mul3A_967 = arith.constant 3 : i32
        %mul3A_968 = arith.muli %mul3A_967, %scan3A_301 : i32
        %add3A_969 = arith.constant 1 : i32
        %add3A_970 = arith.addi %mul3A_968, %add3A_969 : i32
        %get3A_971 = arith.constant 0 : i32
        %get3A_972 = arith.index_cast %get3A_971 : i32 to index
        %get3A_973 = arith.index_cast %add3A_970 : i32 to index
        %get3A_974 = arith.constant 240 : index
        %get3A_975 = tpu.vector_load %arg8[%get3A_972, %get3A_973, %get3A_974] {strides = array<i32>} : memref<4x48x256xf32, #tpu.memory_space<vmem>>, vector<1x1x16xf32>,
        %get3A_976 = vector.shape_cast %get3A_975 : vector<1x1x16xf32> to vector<16xf32>
        %mul3A_977 = vector.broadcast %squeeze3A_310 : f32 to vector<16xf32>
        %mul3A_978 = arith.mulf %mul3A_977, %get3A_976 : vector<16xf32>
        %add3A_979 = arith.addf %mul3A_966, %mul3A_978 : vector<16xf32>
        %mul3A_980 = arith.constant 3 : i32
        %mul3A_981 = arith.muli %mul3A_980, %scan3A_301 : i32
        %add3A_982 = arith.constant 2 : i32
        %add3A_983 = arith.addi %mul3A_981, %add3A_982 : i32
        %get3A_984 = arith.constant 0 : i32
        %get3A_985 = arith.index_cast %get3A_984 : i32 to index
        %get3A_986 = arith.index_cast %add3A_983 : i32 to index
        %get3A_987 = arith.constant 240 : index
        %get3A_988 = tpu.vector_load %arg8[%get3A_985, %get3A_986, %get3A_987] {strides = array<i32>} : memref<4x48x256xf32, #tpu.memory_space<vmem>>, vector<1x1x16xf32>,
        %get3A_989 = vector.shape_cast %get3A_988 : vector<1x1x16xf32> to vector<16xf32>
        %mul3A_990 = vector.broadcast %squeeze3A_312 : f32 to vector<16xf32>
        %mul3A_991 = arith.mulf %mul3A_990, %get3A_989 : vector<16xf32>
        %add3A_992 = arith.addf %add3A_979, %mul3A_991 : vector<16xf32>
        %swap3A_993 = arith.constant 0 : i32
        %swap3A_994 = arith.index_cast %swap3A_993 : i32 to index
        %swap3A_995 = arith.index_cast %scan3A_301 : i32 to index
        %swap3A_996 = arith.constant 240 : index
        %swap3A_997 = tpu.vector_load %arg9[%swap3A_994, %swap3A_995, %swap3A_996] {strides = array<i32>} : memref<4x16x256xf32, #tpu.memory_space<vmem>>, vector<1x1x16xf32>,
        %swap3A_998 = vector.shape_cast %swap3A_997 : vector<1x1x16xf32> to vector<16xf32>
        %swap3A_999 = vector.shape_cast %add3A_992 : vector<16xf32> to vector<1x1x16xf32>
        tpu.vector_store %arg9[%swap3A_994, %swap3A_995, %swap3A_996], %swap3A_999 {strides = array<i32>} : memref<4x16x256xf32, #tpu.memory_space<vmem>>, vector<1x1x16xf32>,
      }
      %scan3A_125 = arith.constant 16 : i32
      %mul3A_126 = arith.constant 16 : i32
      %mul3A_127 = arith.muli %add3A_96, %mul3A_126 : i32
      %add3A_128 = arith.addi %mul3A_2, %mul3A_127 : i32
      %dma_start3A_129 = arith.constant 0 : i32
      %dma_start3A_130 = arith.constant 0 : i32
      %dma_start3A_131 = arith.constant 0 : i32
      %dma_start3A_132 = tpu.memref_slice %arg9[%dma_start3A_129, %dma_start3A_130, %dma_start3A_131] : memref<4x16x256xf32, #tpu.memory_space<vmem>> -> memref<1x16x256xf32, #tpu.memory_space<vmem>>
      %dma_start3A_133 = tpu.memref_squeeze %dma_start3A_132 : memref<1x16x256xf32, #tpu.memory_space<vmem>> -> memref<16x256xf32, #tpu.memory_space<vmem>>
      %dma_start3A_134 = arith.constant 0 : i32
      %dma_start3A_135 = tpu.memref_slice %arg5[%add3A_128, %dma_start3A_134] : memref<32768x256xf32, #tpu.memory_space<hbm>> -> memref<16x256xf32, #tpu.memory_space<hbm>>
      %dma_start3A_136 = arith.constant 0 : i32
      %dma_start3A_137 = tpu.memref_slice %arg5[%add3A_128, %dma_start3A_136] : memref<32768x256xf32, #tpu.memory_space<hbm>> -> memref<16x256xf32, #tpu.memory_space<hbm>>
      %dma_start3A_138 = arith.constant 0 : i32
      %dma_start3A_139 = arith.constant 0 : i32
      %dma_start3A_140 = tpu.memref_slice %arg9[%dma_start3A_129, %dma_start3A_138, %dma_start3A_139] : memref<4x16x256xf32, #tpu.memory_space<vmem>> -> memref<1x16x256xf32, #tpu.memory_space<vmem>>
      %dma_start3A_141 = tpu.memref_squeeze %dma_start3A_140 : memref<1x16x256xf32, #tpu.memory_space<vmem>> -> memref<16x256xf32, #tpu.memory_space<vmem>>
      tpu.enqueue_dma source(%dma_start3A_141 : memref<16x256xf32, #tpu.memory_space<vmem>>) target(%dma_start3A_137 : memref<16x256xf32, #tpu.memory_space<hbm>>) target_semaphore(%arg14 : memref<!tpu.dma_semaphore, #tpu.memory_space<semaphore_mem>>)
      %mul3A_142 = arith.constant 4 : i32
      %mul3A_143 = arith.muli %mul3A_142, %scan3A_92 : i32
      %add3A_144 = arith.constant 1 : i32
      %add3A_145 = arith.addi %mul3A_143, %add3A_144 : i32
      %add3A_146 = arith.constant 3 : i32
      %add3A_147 = arith.addi %add3A_145, %add3A_146 : i32
      %lt3A_148 = arith.constant 64 : i32
      %lt3A_149 = arith.cmpi slt, %add3A_147, %lt3A_148 : i32
      %convert_element_type3A_150 = arith.extui %lt3A_149 : i1 to i32
      %cond3A_151 = arith.constant 0 : i32
      %cond3A_152 = arith.cmpi ne, %convert_element_type3A_150, %cond3A_151 : i32
      scf.if %cond3A_152 {
        %mul3A_301 = arith.constant 48 : i32
        %mul3A_302 = arith.muli %mul3A_301, %add3A_147 : i32
        %dma_start3A_303 = arith.constant 0 : i32
        %dma_start3A_304 = arith.constant 0 : i32
        %dma_start3A_305 = arith.constant 0 : i32
        %dma_start3A_306 = tpu.memref_slice %arg8[%dma_start3A_303, %dma_start3A_304, %dma_start3A_305] : memref<4x48x256xf32, #tpu.memory_space<vmem>> -> memref<1x48x256xf32, #tpu.memory_space<vmem>>
        %dma_start3A_307 = tpu.memref_squeeze %dma_start3A_306 : memref<1x48x256xf32, #tpu.memory_space<vmem>> -> memref<48x256xf32, #tpu.memory_space<vmem>>
        %dma_start3A_308 = tpu.memref_slice %arg6[%mul3A_302] : memref<3072xi32, #tpu.memory_space<vmem>> -> memref<48xi32, #tpu.memory_space<vmem>>
        %dma_start3A_309 = arith.constant 0 : i32
        %dma_start3A_310 = arith.constant 0 : i32
        %dma_start3A_311 = tpu.memref_slice %arg2[%dma_start3A_309, %dma_start3A_310] : memref<8192x256xf32, #tpu.memory_space<hbm>> -> memref<8192x256xf32, #tpu.memory_space<hbm>>
        tpu.enqueue_indirect_dma source(%dma_start3A_311 : memref<8192x256xf32, #tpu.memory_space<hbm>>) target(%dma_start3A_307 : memref<48x256xf32, #tpu.memory_space<vmem>>) offsets(%dma_start3A_308 : memref<48xi32, #tpu.memory_space<vmem>>) semaphore(%arg10 : memref<!tpu.dma_semaphore, #tpu.memory_space<semaphore_mem>>)
      } else {
      }
      %dma_wait3A_153 = arith.constant 1 : i32
      %dma_wait3A_154 = arith.constant 0 : i32
      %dma_wait3A_155 = arith.constant 0 : i32
      %dma_wait3A_156 = tpu.memref_slice %arg8[%dma_wait3A_153, %dma_wait3A_154, %dma_wait3A_155] : memref<4x48x256xf32, #tpu.memory_space<vmem>> -> memref<1x48x256xf32, #tpu.memory_space<vmem>>
      %dma_wait3A_157 = tpu.memref_squeeze %dma_wait3A_156 : memref<1x48x256xf32, #tpu.memory_space<vmem>> -> memref<48x256xf32, #tpu.memory_space<vmem>>
      %dma_wait3A_158 = arith.constant 0 : i32
      %dma_wait3A_159 = arith.constant 0 : i32
      %dma_wait3A_160 = tpu.memref_slice %arg2[%dma_wait3A_158, %dma_wait3A_159] : memref<8192x256xf32, #tpu.memory_space<hbm>> -> memref<48x256xf32, #tpu.memory_space<hbm>>
      %dma_wait3A_161 = arith.constant 0 : i32
      %dma_wait3A_162 = arith.constant 0 : i32
      %dma_wait3A_163 = tpu.memref_slice %arg8[%dma_wait3A_153, %dma_wait3A_161, %dma_wait3A_162] : memref<4x48x256xf32, #tpu.memory_space<vmem>> -> memref<1x48x256xf32, #tpu.memory_space<vmem>>
      %dma_wait3A_164 = tpu.memref_squeeze %dma_wait3A_163 : memref<1x48x256xf32, #tpu.memory_space<vmem>> -> memref<48x256xf32, #tpu.memory_space<vmem>>
      %dma_wait3A_165 = arith.constant 0 : i32
      %dma_wait3A_166 = arith.constant 0 : i32
      %dma_wait3A_167 = tpu.memref_slice %arg2[%dma_wait3A_165, %dma_wait3A_166] : memref<8192x256xf32, #tpu.memory_space<hbm>> -> memref<48x256xf32, #tpu.memory_space<hbm>>
      tpu.wait_dma2 semaphore(%arg11 : memref<!tpu.dma_semaphore, #tpu.memory_space<semaphore_mem>>) src(%dma_wait3A_167 : memref<48x256xf32, #tpu.memory_space<hbm>>) dst(%dma_wait3A_164 : memref<48x256xf32, #tpu.memory_space<vmem>>)
      %ge3A_168 = arith.constant 4 : i32
      %ge3A_169 = arith.cmpi sge, %add3A_145, %ge3A_168 : i32
      %convert_element_type3A_170 = arith.extui %ge3A_169 : i1 to i32
      %cond3A_171 = arith.constant 0 : i32
      %cond3A_172 = arith.cmpi ne, %convert_element_type3A_170, %cond3A_171 : i32
      scf.if %cond3A_172 {
        %dma_wait3A_301 = arith.constant 1 : i32
        %dma_wait3A_302 = arith.constant 0 : i32
        %dma_wait3A_303 = arith.constant 0 : i32
        %dma_wait3A_304 = tpu.memref_slice %arg9[%dma_wait3A_301, %dma_wait3A_302, %dma_wait3A_303] : memref<4x16x256xf32, #tpu.memory_space<vmem>> -> memref<1x16x256xf32, #tpu.memory_space<vmem>>
        %dma_wait3A_305 = tpu.memref_squeeze %dma_wait3A_304 : memref<1x16x256xf32, #tpu.memory_space<vmem>> -> memref<16x256xf32, #tpu.memory_space<vmem>>
        %dma_wait3A_306 = arith.constant 0 : i32
        %dma_wait3A_307 = tpu.memref_slice %arg5[%mul3A_2, %dma_wait3A_306] : memref<32768x256xf32, #tpu.memory_space<hbm>> -> memref<16x256xf32, #tpu.memory_space<hbm>>
        %dma_wait3A_308 = arith.constant 0 : i32
        %dma_wait3A_309 = tpu.memref_slice %arg5[%mul3A_2, %dma_wait3A_308] : memref<32768x256xf32, #tpu.memory_space<hbm>> -> memref<16x256xf32, #tpu.memory_space<hbm>>
        %dma_wait3A_310 = arith.constant 0 : i32
        %dma_wait3A_311 = arith.constant 0 : i32
        %dma_wait3A_312 = tpu.memref_slice %arg9[%dma_wait3A_301, %dma_wait3A_310, %dma_wait3A_311] : memref<4x16x256xf32, #tpu.memory_space<vmem>> -> memref<1x16x256xf32, #tpu.memory_space<vmem>>
        %dma_wait3A_313 = tpu.memref_squeeze %dma_wait3A_312 : memref<1x16x256xf32, #tpu.memory_space<vmem>> -> memref<16x256xf32, #tpu.memory_space<vmem>>
        tpu.wait_dma2 semaphore(%arg15 : memref<!tpu.dma_semaphore, #tpu.memory_space<semaphore_mem>>) src(%dma_wait3A_313 : memref<16x256xf32, #tpu.memory_space<vmem>>) dst(%dma_wait3A_309 : memref<16x256xf32, #tpu.memory_space<hbm>>)
      } else {
      }
      %scan3A_173 = arith.constant 0 : i32
      %scan3A_174 = arith.constant 0 : i32
      %scan3A_175 = arith.constant 16 : i32
      %scan3A_176 = arith.addi %scan3A_174, %scan3A_175 : i32
      %scan3A_177 = arith.constant 1 : i32
      scf.for %scan3A_301 = %scan3A_174 to %scan3A_176 step %scan3A_177  : i32 {
        %mul3A_302 = arith.constant 48 : i32
        %mul3A_303 = arith.muli %mul3A_302, %add3A_145 : i32
        %mul3A_304 = arith.constant 3 : i32
        %mul3A_305 = arith.muli %mul3A_304, %scan3A_301 : i32
        %add3A_306 = arith.addi %mul3A_303, %mul3A_305 : i32
        %get3A = arith.index_cast %add3A_306 : i32 to index
        %get3A_307 = tpu.vector_load %arg7[%get3A] {strides = array<i32>} : memref<3088xf32, #tpu.memory_space<vmem>>, vector<16xf32>,
        %get3A_308 = vector.shape_cast %get3A_307 : vector<16xf32> to vector<16xf32>
        %slice3A = vector.extract_strided_slice %get3A_308 {offsets = [0], sizes = [1], strides = [1]} : vector<16xf32> to vector<1xf32>
        %squeeze3A = vector.extract %slice3A[0] : f32 from vector<1xf32>
        %slice3A_309 = vector.extract_strided_slice %get3A_308 {offsets = [1], sizes = [1], strides = [1]} : vector<16xf32> to vector<1xf32>
        %squeeze3A_310 = vector.extract %slice3A_309[0] : f32 from vector<1xf32>
        %slice3A_311 = vector.extract_strided_slice %get3A_308 {offsets = [2], sizes = [1], strides = [1]} : vector<16xf32> to vector<1xf32>
        %squeeze3A_312 = vector.extract %slice3A_311[0] : f32 from vector<1xf32>
        %mul3A_313 = arith.constant 3 : i32
        %mul3A_314 = arith.muli %mul3A_313, %scan3A_301 : i32
        %get3A_315 = arith.constant 1 : i32
        %get3A_316 = arith.index_cast %get3A_315 : i32 to index
        %get3A_317 = arith.index_cast %mul3A_314 : i32 to index
        %get3A_318 = arith.constant 0 : index
        %get3A_319 = tpu.vector_load %arg8[%get3A_316, %get3A_317, %get3A_318] {strides = array<i32>} : memref<4x48x256xf32, #tpu.memory_space<vmem>>, vector<1x1x16xf32>,
        %get3A_320 = vector.shape_cast %get3A_319 : vector<1x1x16xf32> to vector<16xf32>
        %mul3A_321 = vector.broadcast %squeeze3A : f32 to vector<16xf32>
        %mul3A_322 = arith.mulf %mul3A_321, %get3A_320 : vector<16xf32>
        %mul3A_323 = arith.constant 3 : i32
        %mul3A_324 = arith.muli %mul3A_323, %scan3A_301 : i32
        %add3A_325 = arith.constant 1 : i32
        %add3A_326 = arith.addi %mul3A_324, %add3A_325 : i32
        %get3A_327 = arith.constant 1 : i32
        %get3A_328 = arith.index_cast %get3A_327 : i32 to index
        %get3A_329 = arith.index_cast %add3A_326 : i32 to index
        %get3A_330 = arith.constant 0 : index
        %get3A_331 = tpu.vector_load %arg8[%get3A_328, %get3A_329, %get3A_330] {strides = array<i32>} : memref<4x48x256xf32, #tpu.memory_space<vmem>>, vector<1x1x16xf32>,
        %get3A_332 = vector.shape_cast %get3A_331 : vector<1x1x16xf32> to vector<16xf32>
        %mul3A_333 = vector.broadcast %squeeze3A_310 : f32 to vector<16xf32>
        %mul3A_334 = arith.mulf %mul3A_333, %get3A_332 : vector<16xf32>
        %add3A_335 = arith.addf %mul3A_322, %mul3A_334 : vector<16xf32>
        %mul3A_336 = arith.constant 3 : i32
        %mul3A_337 = arith.muli %mul3A_336, %scan3A_301 : i32
        %add3A_338 = arith.constant 2 : i32
        %add3A_339 = arith.addi %mul3A_337, %add3A_338 : i32
        %get3A_340 = arith.constant 1 : i32
        %get3A_341 = arith.index_cast %get3A_340 : i32 to index
        %get3A_342 = arith.index_cast %add3A_339 : i32 to index
        %get3A_343 = arith.constant 0 : index
        %get3A_344 = tpu.vector_load %arg8[%get3A_341, %get3A_342, %get3A_343] {strides = array<i32>} : memref<4x48x256xf32, #tpu.memory_space<vmem>>, vector<1x1x16xf32>,
        %get3A_345 = vector.shape_cast %get3A_344 : vector<1x1x16xf32> to vector<16xf32>
        %mul3A_346 = vector.broadcast %squeeze3A_312 : f32 to vector<16xf32>
        %mul3A_347 = arith.mulf %mul3A_346, %get3A_345 : vector<16xf32>
        %add3A_348 = arith.addf %add3A_335, %mul3A_347 : vector<16xf32>
        %swap3A = arith.constant 1 : i32
        %swap3A_349 = arith.index_cast %swap3A : i32 to index
        %swap3A_350 = arith.index_cast %scan3A_301 : i32 to index
        %swap3A_351 = arith.constant 0 : index
        %swap3A_352 = tpu.vector_load %arg9[%swap3A_349, %swap3A_350, %swap3A_351] {strides = array<i32>} : memref<4x16x256xf32, #tpu.memory_space<vmem>>, vector<1x1x16xf32>,
        %swap3A_353 = vector.shape_cast %swap3A_352 : vector<1x1x16xf32> to vector<16xf32>
        %swap3A_354 = vector.shape_cast %add3A_348 : vector<16xf32> to vector<1x1x16xf32>
        tpu.vector_store %arg9[%swap3A_349, %swap3A_350, %swap3A_351], %swap3A_354 {strides = array<i32>} : memref<4x16x256xf32, #tpu.memory_space<vmem>>, vector<1x1x16xf32>,
        %mul3A_355 = arith.constant 3 : i32
        %mul3A_356 = arith.muli %mul3A_355, %scan3A_301 : i32
        %get3A_357 = arith.constant 1 : i32
        %get3A_358 = arith.index_cast %get3A_357 : i32 to index
        %get3A_359 = arith.index_cast %mul3A_356 : i32 to index
        %get3A_360 = arith.constant 16 : index
        %get3A_361 = tpu.vector_load %arg8[%get3A_358, %get3A_359, %get3A_360] {strides = array<i32>} : memref<4x48x256xf32, #tpu.memory_space<vmem>>, vector<1x1x16xf32>,
        %get3A_362 = vector.shape_cast %get3A_361 : vector<1x1x16xf32> to vector<16xf32>
        %mul3A_363 = vector.broadcast %squeeze3A : f32 to vector<16xf32>
        %mul3A_364 = arith.mulf %mul3A_363, %get3A_362 : vector<16xf32>
        %mul3A_365 = arith.constant 3 : i32
        %mul3A_366 = arith.muli %mul3A_365, %scan3A_301 : i32
        %add3A_367 = arith.constant 1 : i32
        %add3A_368 = arith.addi %mul3A_366, %add3A_367 : i32
        %get3A_369 = arith.constant 1 : i32
        %get3A_370 = arith.index_cast %get3A_369 : i32 to index
        %get3A_371 = arith.index_cast %add3A_368 : i32 to index
        %get3A_372 = arith.constant 16 : index
        %get3A_373 = tpu.vector_load %arg8[%get3A_370, %get3A_371, %get3A_372] {strides = array<i32>} : memref<4x48x256xf32, #tpu.memory_space<vmem>>, vector<1x1x16xf32>,
        %get3A_374 = vector.shape_cast %get3A_373 : vector<1x1x16xf32> to vector<16xf32>
        %mul3A_375 = vector.broadcast %squeeze3A_310 : f32 to vector<16xf32>
        %mul3A_376 = arith.mulf %mul3A_375, %get3A_374 : vector<16xf32>
        %add3A_377 = arith.addf %mul3A_364, %mul3A_376 : vector<16xf32>
        %mul3A_378 = arith.constant 3 : i32
        %mul3A_379 = arith.muli %mul3A_378, %scan3A_301 : i32
        %add3A_380 = arith.constant 2 : i32
        %add3A_381 = arith.addi %mul3A_379, %add3A_380 : i32
        %get3A_382 = arith.constant 1 : i32
        %get3A_383 = arith.index_cast %get3A_382 : i32 to index
        %get3A_384 = arith.index_cast %add3A_381 : i32 to index
        %get3A_385 = arith.constant 16 : index
        %get3A_386 = tpu.vector_load %arg8[%get3A_383, %get3A_384, %get3A_385] {strides = array<i32>} : memref<4x48x256xf32, #tpu.memory_space<vmem>>, vector<1x1x16xf32>,
        %get3A_387 = vector.shape_cast %get3A_386 : vector<1x1x16xf32> to vector<16xf32>
        %mul3A_388 = vector.broadcast %squeeze3A_312 : f32 to vector<16xf32>
        %mul3A_389 = arith.mulf %mul3A_388, %get3A_387 : vector<16xf32>
        %add3A_390 = arith.addf %add3A_377, %mul3A_389 : vector<16xf32>
        %swap3A_391 = arith.constant 1 : i32
        %swap3A_392 = arith.index_cast %swap3A_391 : i32 to index
        %swap3A_393 = arith.index_cast %scan3A_301 : i32 to index
        %swap3A_394 = arith.constant 16 : index
        %swap3A_395 = tpu.vector_load %arg9[%swap3A_392, %swap3A_393, %swap3A_394] {strides = array<i32>} : memref<4x16x256xf32, #tpu.memory_space<vmem>>, vector<1x1x16xf32>,
        %swap3A_396 = vector.shape_cast %swap3A_395 : vector<1x1x16xf32> to vector<16xf32>
        %swap3A_397 = vector.shape_cast %add3A_390 : vector<16xf32> to vector<1x1x16xf32>
        tpu.vector_store %arg9[%swap3A_392, %swap3A_393, %swap3A_394], %swap3A_397 {strides = array<i32>} : memref<4x16x256xf32, #tpu.memory_space<vmem>>, vector<1x1x16xf32>,
        %mul3A_398 = arith.constant 3 : i32
        %mul3A_399 = arith.muli %mul3A_398, %scan3A_301 : i32
        %get3A_400 = arith.constant 1 : i32
        %get3A_401 = arith.index_cast %get3A_400 : i32 to index
        %get3A_402 = arith.index_cast %mul3A_399 : i32 to index
        %get3A_403 = arith.constant 32 : index
        %get3A_404 = tpu.vector_load %arg8[%get3A_401, %get3A_402, %get3A_403] {strides = array<i32>} : memref<4x48x256xf32, #tpu.memory_space<vmem>>, vector<1x1x16xf32>,
        %get3A_405 = vector.shape_cast %get3A_404 : vector<1x1x16xf32> to vector<16xf32>
        %mul3A_406 = vector.broadcast %squeeze3A : f32 to vector<16xf32>
        %mul3A_407 = arith.mulf %mul3A_406, %get3A_405 : vector<16xf32>
        %mul3A_408 = arith.constant 3 : i32
        %mul3A_409 = arith.muli %mul3A_408, %scan3A_301 : i32
        %add3A_410 = arith.constant 1 : i32
        %add3A_411 = arith.addi %mul3A_409, %add3A_410 : i32
        %get3A_412 = arith.constant 1 : i32
        %get3A_413 = arith.index_cast %get3A_412 : i32 to index
        %get3A_414 = arith.index_cast %add3A_411 : i32 to index
        %get3A_415 = arith.constant 32 : index
        %get3A_416 = tpu.vector_load %arg8[%get3A_413, %get3A_414, %get3A_415] {strides = array<i32>} : memref<4x48x256xf32, #tpu.memory_space<vmem>>, vector<1x1x16xf32>,
        %get3A_417 = vector.shape_cast %get3A_416 : vector<1x1x16xf32> to vector<16xf32>
        %mul3A_418 = vector.broadcast %squeeze3A_310 : f32 to vector<16xf32>
        %mul3A_419 = arith.mulf %mul3A_418, %get3A_417 : vector<16xf32>
        %add3A_420 = arith.addf %mul3A_407, %mul3A_419 : vector<16xf32>
        %mul3A_421 = arith.constant 3 : i32
        %mul3A_422 = arith.muli %mul3A_421, %scan3A_301 : i32
        %add3A_423 = arith.constant 2 : i32
        %add3A_424 = arith.addi %mul3A_422, %add3A_423 : i32
        %get3A_425 = arith.constant 1 : i32
        %get3A_426 = arith.index_cast %get3A_425 : i32 to index
        %get3A_427 = arith.index_cast %add3A_424 : i32 to index
        %get3A_428 = arith.constant 32 : index
        %get3A_429 = tpu.vector_load %arg8[%get3A_426, %get3A_427, %get3A_428] {strides = array<i32>} : memref<4x48x256xf32, #tpu.memory_space<vmem>>, vector<1x1x16xf32>,
        %get3A_430 = vector.shape_cast %get3A_429 : vector<1x1x16xf32> to vector<16xf32>
        %mul3A_431 = vector.broadcast %squeeze3A_312 : f32 to vector<16xf32>
        %mul3A_432 = arith.mulf %mul3A_431, %get3A_430 : vector<16xf32>
        %add3A_433 = arith.addf %add3A_420, %mul3A_432 : vector<16xf32>
        %swap3A_434 = arith.constant 1 : i32
        %swap3A_435 = arith.index_cast %swap3A_434 : i32 to index
        %swap3A_436 = arith.index_cast %scan3A_301 : i32 to index
        %swap3A_437 = arith.constant 32 : index
        %swap3A_438 = tpu.vector_load %arg9[%swap3A_435, %swap3A_436, %swap3A_437] {strides = array<i32>} : memref<4x16x256xf32, #tpu.memory_space<vmem>>, vector<1x1x16xf32>,
        %swap3A_439 = vector.shape_cast %swap3A_438 : vector<1x1x16xf32> to vector<16xf32>
        %swap3A_440 = vector.shape_cast %add3A_433 : vector<16xf32> to vector<1x1x16xf32>
        tpu.vector_store %arg9[%swap3A_435, %swap3A_436, %swap3A_437], %swap3A_440 {strides = array<i32>} : memref<4x16x256xf32, #tpu.memory_space<vmem>>, vector<1x1x16xf32>,
        %mul3A_441 = arith.constant 3 : i32
        %mul3A_442 = arith.muli %mul3A_441, %scan3A_301 : i32
        %get3A_443 = arith.constant 1 : i32
        %get3A_444 = arith.index_cast %get3A_443 : i32 to index
        %get3A_445 = arith.index_cast %mul3A_442 : i32 to index
        %get3A_446 = arith.constant 48 : index
        %get3A_447 = tpu.vector_load %arg8[%get3A_444, %get3A_445, %get3A_446] {strides = array<i32>} : memref<4x48x256xf32, #tpu.memory_space<vmem>>, vector<1x1x16xf32>,
        %get3A_448 = vector.shape_cast %get3A_447 : vector<1x1x16xf32> to vector<16xf32>
        %mul3A_449 = vector.broadcast %squeeze3A : f32 to vector<16xf32>
        %mul3A_450 = arith.mulf %mul3A_449, %get3A_448 : vector<16xf32>
        %mul3A_451 = arith.constant 3 : i32
        %mul3A_452 = arith.muli %mul3A_451, %scan3A_301 : i32
        %add3A_453 = arith.constant 1 : i32
        %add3A_454 = arith.addi %mul3A_452, %add3A_453 : i32
        %get3A_455 = arith.constant 1 : i32
        %get3A_456 = arith.index_cast %get3A_455 : i32 to index
        %get3A_457 = arith.index_cast %add3A_454 : i32 to index
        %get3A_458 = arith.constant 48 : index
        %get3A_459 = tpu.vector_load %arg8[%get3A_456, %get3A_457, %get3A_458] {strides = array<i32>} : memref<4x48x256xf32, #tpu.memory_space<vmem>>, vector<1x1x16xf32>,
        %get3A_460 = vector.shape_cast %get3A_459 : vector<1x1x16xf32> to vector<16xf32>
        %mul3A_461 = vector.broadcast %squeeze3A_310 : f32 to vector<16xf32>
        %mul3A_462 = arith.mulf %mul3A_461, %get3A_460 : vector<16xf32>
        %add3A_463 = arith.addf %mul3A_450, %mul3A_462 : vector<16xf32>
        %mul3A_464 = arith.constant 3 : i32
        %mul3A_465 = arith.muli %mul3A_464, %scan3A_301 : i32
        %add3A_466 = arith.constant 2 : i32
        %add3A_467 = arith.addi %mul3A_465, %add3A_466 : i32
        %get3A_468 = arith.constant 1 : i32
        %get3A_469 = arith.index_cast %get3A_468 : i32 to index
        %get3A_470 = arith.index_cast %add3A_467 : i32 to index
        %get3A_471 = arith.constant 48 : index
        %get3A_472 = tpu.vector_load %arg8[%get3A_469, %get3A_470, %get3A_471] {strides = array<i32>} : memref<4x48x256xf32, #tpu.memory_space<vmem>>, vector<1x1x16xf32>,
        %get3A_473 = vector.shape_cast %get3A_472 : vector<1x1x16xf32> to vector<16xf32>
        %mul3A_474 = vector.broadcast %squeeze3A_312 : f32 to vector<16xf32>
        %mul3A_475 = arith.mulf %mul3A_474, %get3A_473 : vector<16xf32>
        %add3A_476 = arith.addf %add3A_463, %mul3A_475 : vector<16xf32>
        %swap3A_477 = arith.constant 1 : i32
        %swap3A_478 = arith.index_cast %swap3A_477 : i32 to index
        %swap3A_479 = arith.index_cast %scan3A_301 : i32 to index
        %swap3A_480 = arith.constant 48 : index
        %swap3A_481 = tpu.vector_load %arg9[%swap3A_478, %swap3A_479, %swap3A_480] {strides = array<i32>} : memref<4x16x256xf32, #tpu.memory_space<vmem>>, vector<1x1x16xf32>,
        %swap3A_482 = vector.shape_cast %swap3A_481 : vector<1x1x16xf32> to vector<16xf32>
        %swap3A_483 = vector.shape_cast %add3A_476 : vector<16xf32> to vector<1x1x16xf32>
        tpu.vector_store %arg9[%swap3A_478, %swap3A_479, %swap3A_480], %swap3A_483 {strides = array<i32>} : memref<4x16x256xf32, #tpu.memory_space<vmem>>, vector<1x1x16xf32>,
        %mul3A_484 = arith.constant 3 : i32
        %mul3A_485 = arith.muli %mul3A_484, %scan3A_301 : i32
        %get3A_486 = arith.constant 1 : i32
        %get3A_487 = arith.index_cast %get3A_486 : i32 to index
        %get3A_488 = arith.index_cast %mul3A_485 : i32 to index
        %get3A_489 = arith.constant 64 : index
        %get3A_490 = tpu.vector_load %arg8[%get3A_487, %get3A_488, %get3A_489] {strides = array<i32>} : memref<4x48x256xf32, #tpu.memory_space<vmem>>, vector<1x1x16xf32>,
        %get3A_491 = vector.shape_cast %get3A_490 : vector<1x1x16xf32> to vector<16xf32>
        %mul3A_492 = vector.broadcast %squeeze3A : f32 to vector<16xf32>
        %mul3A_493 = arith.mulf %mul3A_492, %get3A_491 : vector<16xf32>
        %mul3A_494 = arith.constant 3 : i32
        %mul3A_495 = arith.muli %mul3A_494, %scan3A_301 : i32
        %add3A_496 = arith.constant 1 : i32
        %add3A_497 = arith.addi %mul3A_495, %add3A_496 : i32
        %get3A_498 = arith.constant 1 : i32
        %get3A_499 = arith.index_cast %get3A_498 : i32 to index
        %get3A_500 = arith.index_cast %add3A_497 : i32 to index
        %get3A_501 = arith.constant 64 : index
        %get3A_502 = tpu.vector_load %arg8[%get3A_499, %get3A_500, %get3A_501] {strides = array<i32>} : memref<4x48x256xf32, #tpu.memory_space<vmem>>, vector<1x1x16xf32>,
        %get3A_503 = vector.shape_cast %get3A_502 : vector<1x1x16xf32> to vector<16xf32>
        %mul3A_504 = vector.broadcast %squeeze3A_310 : f32 to vector<16xf32>
        %mul3A_505 = arith.mulf %mul3A_504, %get3A_503 : vector<16xf32>
        %add3A_506 = arith.addf %mul3A_493, %mul3A_505 : vector<16xf32>
        %mul3A_507 = arith.constant 3 : i32
        %mul3A_508 = arith.muli %mul3A_507, %scan3A_301 : i32
        %add3A_509 = arith.constant 2 : i32
        %add3A_510 = arith.addi %mul3A_508, %add3A_509 : i32
        %get3A_511 = arith.constant 1 : i32
        %get3A_512 = arith.index_cast %get3A_511 : i32 to index
        %get3A_513 = arith.index_cast %add3A_510 : i32 to index
        %get3A_514 = arith.constant 64 : index
        %get3A_515 = tpu.vector_load %arg8[%get3A_512, %get3A_513, %get3A_514] {strides = array<i32>} : memref<4x48x256xf32, #tpu.memory_space<vmem>>, vector<1x1x16xf32>,
        %get3A_516 = vector.shape_cast %get3A_515 : vector<1x1x16xf32> to vector<16xf32>
        %mul3A_517 = vector.broadcast %squeeze3A_312 : f32 to vector<16xf32>
        %mul3A_518 = arith.mulf %mul3A_517, %get3A_516 : vector<16xf32>
        %add3A_519 = arith.addf %add3A_506, %mul3A_518 : vector<16xf32>
        %swap3A_520 = arith.constant 1 : i32
        %swap3A_521 = arith.index_cast %swap3A_520 : i32 to index
        %swap3A_522 = arith.index_cast %scan3A_301 : i32 to index
        %swap3A_523 = arith.constant 64 : index
        %swap3A_524 = tpu.vector_load %arg9[%swap3A_521, %swap3A_522, %swap3A_523] {strides = array<i32>} : memref<4x16x256xf32, #tpu.memory_space<vmem>>, vector<1x1x16xf32>,
        %swap3A_525 = vector.shape_cast %swap3A_524 : vector<1x1x16xf32> to vector<16xf32>
        %swap3A_526 = vector.shape_cast %add3A_519 : vector<16xf32> to vector<1x1x16xf32>
        tpu.vector_store %arg9[%swap3A_521, %swap3A_522, %swap3A_523], %swap3A_526 {strides = array<i32>} : memref<4x16x256xf32, #tpu.memory_space<vmem>>, vector<1x1x16xf32>,
        %mul3A_527 = arith.constant 3 : i32
        %mul3A_528 = arith.muli %mul3A_527, %scan3A_301 : i32
        %get3A_529 = arith.constant 1 : i32
        %get3A_530 = arith.index_cast %get3A_529 : i32 to index
        %get3A_531 = arith.index_cast %mul3A_528 : i32 to index
        %get3A_532 = arith.constant 80 : index
        %get3A_533 = tpu.vector_load %arg8[%get3A_530, %get3A_531, %get3A_532] {strides = array<i32>} : memref<4x48x256xf32, #tpu.memory_space<vmem>>, vector<1x1x16xf32>,
        %get3A_534 = vector.shape_cast %get3A_533 : vector<1x1x16xf32> to vector<16xf32>
        %mul3A_535 = vector.broadcast %squeeze3A : f32 to vector<16xf32>
        %mul3A_536 = arith.mulf %mul3A_535, %get3A_534 : vector<16xf32>
        %mul3A_537 = arith.constant 3 : i32
        %mul3A_538 = arith.muli %mul3A_537, %scan3A_301 : i32
        %add3A_539 = arith.constant 1 : i32
        %add3A_540 = arith.addi %mul3A_538, %add3A_539 : i32
        %get3A_541 = arith.constant 1 : i32
        %get3A_542 = arith.index_cast %get3A_541 : i32 to index
        %get3A_543 = arith.index_cast %add3A_540 : i32 to index
        %get3A_544 = arith.constant 80 : index
        %get3A_545 = tpu.vector_load %arg8[%get3A_542, %get3A_543, %get3A_544] {strides = array<i32>} : memref<4x48x256xf32, #tpu.memory_space<vmem>>, vector<1x1x16xf32>,
        %get3A_546 = vector.shape_cast %get3A_545 : vector<1x1x16xf32> to vector<16xf32>
        %mul3A_547 = vector.broadcast %squeeze3A_310 : f32 to vector<16xf32>
        %mul3A_548 = arith.mulf %mul3A_547, %get3A_546 : vector<16xf32>
        %add3A_549 = arith.addf %mul3A_536, %mul3A_548 : vector<16xf32>
        %mul3A_550 = arith.constant 3 : i32
        %mul3A_551 = arith.muli %mul3A_550, %scan3A_301 : i32
        %add3A_552 = arith.constant 2 : i32
        %add3A_553 = arith.addi %mul3A_551, %add3A_552 : i32
        %get3A_554 = arith.constant 1 : i32
        %get3A_555 = arith.index_cast %get3A_554 : i32 to index
        %get3A_556 = arith.index_cast %add3A_553 : i32 to index
        %get3A_557 = arith.constant 80 : index
        %get3A_558 = tpu.vector_load %arg8[%get3A_555, %get3A_556, %get3A_557] {strides = array<i32>} : memref<4x48x256xf32, #tpu.memory_space<vmem>>, vector<1x1x16xf32>,
        %get3A_559 = vector.shape_cast %get3A_558 : vector<1x1x16xf32> to vector<16xf32>
        %mul3A_560 = vector.broadcast %squeeze3A_312 : f32 to vector<16xf32>
        %mul3A_561 = arith.mulf %mul3A_560, %get3A_559 : vector<16xf32>
        %add3A_562 = arith.addf %add3A_549, %mul3A_561 : vector<16xf32>
        %swap3A_563 = arith.constant 1 : i32
        %swap3A_564 = arith.index_cast %swap3A_563 : i32 to index
        %swap3A_565 = arith.index_cast %scan3A_301 : i32 to index
        %swap3A_566 = arith.constant 80 : index
        %swap3A_567 = tpu.vector_load %arg9[%swap3A_564, %swap3A_565, %swap3A_566] {strides = array<i32>} : memref<4x16x256xf32, #tpu.memory_space<vmem>>, vector<1x1x16xf32>,
        %swap3A_568 = vector.shape_cast %swap3A_567 : vector<1x1x16xf32> to vector<16xf32>
        %swap3A_569 = vector.shape_cast %add3A_562 : vector<16xf32> to vector<1x1x16xf32>
        tpu.vector_store %arg9[%swap3A_564, %swap3A_565, %swap3A_566], %swap3A_569 {strides = array<i32>} : memref<4x16x256xf32, #tpu.memory_space<vmem>>, vector<1x1x16xf32>,
        %mul3A_570 = arith.constant 3 : i32
        %mul3A_571 = arith.muli %mul3A_570, %scan3A_301 : i32
        %get3A_572 = arith.constant 1 : i32
        %get3A_573 = arith.index_cast %get3A_572 : i32 to index
        %get3A_574 = arith.index_cast %mul3A_571 : i32 to index
        %get3A_575 = arith.constant 96 : index
        %get3A_576 = tpu.vector_load %arg8[%get3A_573, %get3A_574, %get3A_575] {strides = array<i32>} : memref<4x48x256xf32, #tpu.memory_space<vmem>>, vector<1x1x16xf32>,
        %get3A_577 = vector.shape_cast %get3A_576 : vector<1x1x16xf32> to vector<16xf32>
        %mul3A_578 = vector.broadcast %squeeze3A : f32 to vector<16xf32>
        %mul3A_579 = arith.mulf %mul3A_578, %get3A_577 : vector<16xf32>
        %mul3A_580 = arith.constant 3 : i32
        %mul3A_581 = arith.muli %mul3A_580, %scan3A_301 : i32
        %add3A_582 = arith.constant 1 : i32
        %add3A_583 = arith.addi %mul3A_581, %add3A_582 : i32
        %get3A_584 = arith.constant 1 : i32
        %get3A_585 = arith.index_cast %get3A_584 : i32 to index
        %get3A_586 = arith.index_cast %add3A_583 : i32 to index
        %get3A_587 = arith.constant 96 : index
        %get3A_588 = tpu.vector_load %arg8[%get3A_585, %get3A_586, %get3A_587] {strides = array<i32>} : memref<4x48x256xf32, #tpu.memory_space<vmem>>, vector<1x1x16xf32>,
        %get3A_589 = vector.shape_cast %get3A_588 : vector<1x1x16xf32> to vector<16xf32>
        %mul3A_590 = vector.broadcast %squeeze3A_310 : f32 to vector<16xf32>
        %mul3A_591 = arith.mulf %mul3A_590, %get3A_589 : vector<16xf32>
        %add3A_592 = arith.addf %mul3A_579, %mul3A_591 : vector<16xf32>
        %mul3A_593 = arith.constant 3 : i32
        %mul3A_594 = arith.muli %mul3A_593, %scan3A_301 : i32
        %add3A_595 = arith.constant 2 : i32
        %add3A_596 = arith.addi %mul3A_594, %add3A_595 : i32
        %get3A_597 = arith.constant 1 : i32
        %get3A_598 = arith.index_cast %get3A_597 : i32 to index
        %get3A_599 = arith.index_cast %add3A_596 : i32 to index
        %get3A_600 = arith.constant 96 : index
        %get3A_601 = tpu.vector_load %arg8[%get3A_598, %get3A_599, %get3A_600] {strides = array<i32>} : memref<4x48x256xf32, #tpu.memory_space<vmem>>, vector<1x1x16xf32>,
        %get3A_602 = vector.shape_cast %get3A_601 : vector<1x1x16xf32> to vector<16xf32>
        %mul3A_603 = vector.broadcast %squeeze3A_312 : f32 to vector<16xf32>
        %mul3A_604 = arith.mulf %mul3A_603, %get3A_602 : vector<16xf32>
        %add3A_605 = arith.addf %add3A_592, %mul3A_604 : vector<16xf32>
        %swap3A_606 = arith.constant 1 : i32
        %swap3A_607 = arith.index_cast %swap3A_606 : i32 to index
        %swap3A_608 = arith.index_cast %scan3A_301 : i32 to index
        %swap3A_609 = arith.constant 96 : index
        %swap3A_610 = tpu.vector_load %arg9[%swap3A_607, %swap3A_608, %swap3A_609] {strides = array<i32>} : memref<4x16x256xf32, #tpu.memory_space<vmem>>, vector<1x1x16xf32>,
        %swap3A_611 = vector.shape_cast %swap3A_610 : vector<1x1x16xf32> to vector<16xf32>
        %swap3A_612 = vector.shape_cast %add3A_605 : vector<16xf32> to vector<1x1x16xf32>
        tpu.vector_store %arg9[%swap3A_607, %swap3A_608, %swap3A_609], %swap3A_612 {strides = array<i32>} : memref<4x16x256xf32, #tpu.memory_space<vmem>>, vector<1x1x16xf32>,
        %mul3A_613 = arith.constant 3 : i32
        %mul3A_614 = arith.muli %mul3A_613, %scan3A_301 : i32
        %get3A_615 = arith.constant 1 : i32
        %get3A_616 = arith.index_cast %get3A_615 : i32 to index
        %get3A_617 = arith.index_cast %mul3A_614 : i32 to index
        %get3A_618 = arith.constant 112 : index
        %get3A_619 = tpu.vector_load %arg8[%get3A_616, %get3A_617, %get3A_618] {strides = array<i32>} : memref<4x48x256xf32, #tpu.memory_space<vmem>>, vector<1x1x16xf32>,
        %get3A_620 = vector.shape_cast %get3A_619 : vector<1x1x16xf32> to vector<16xf32>
        %mul3A_621 = vector.broadcast %squeeze3A : f32 to vector<16xf32>
        %mul3A_622 = arith.mulf %mul3A_621, %get3A_620 : vector<16xf32>
        %mul3A_623 = arith.constant 3 : i32
        %mul3A_624 = arith.muli %mul3A_623, %scan3A_301 : i32
        %add3A_625 = arith.constant 1 : i32
        %add3A_626 = arith.addi %mul3A_624, %add3A_625 : i32
        %get3A_627 = arith.constant 1 : i32
        %get3A_628 = arith.index_cast %get3A_627 : i32 to index
        %get3A_629 = arith.index_cast %add3A_626 : i32 to index
        %get3A_630 = arith.constant 112 : index
        %get3A_631 = tpu.vector_load %arg8[%get3A_628, %get3A_629, %get3A_630] {strides = array<i32>} : memref<4x48x256xf32, #tpu.memory_space<vmem>>, vector<1x1x16xf32>,
        %get3A_632 = vector.shape_cast %get3A_631 : vector<1x1x16xf32> to vector<16xf32>
        %mul3A_633 = vector.broadcast %squeeze3A_310 : f32 to vector<16xf32>
        %mul3A_634 = arith.mulf %mul3A_633, %get3A_632 : vector<16xf32>
        %add3A_635 = arith.addf %mul3A_622, %mul3A_634 : vector<16xf32>
        %mul3A_636 = arith.constant 3 : i32
        %mul3A_637 = arith.muli %mul3A_636, %scan3A_301 : i32
        %add3A_638 = arith.constant 2 : i32
        %add3A_639 = arith.addi %mul3A_637, %add3A_638 : i32
        %get3A_640 = arith.constant 1 : i32
        %get3A_641 = arith.index_cast %get3A_640 : i32 to index
        %get3A_642 = arith.index_cast %add3A_639 : i32 to index
        %get3A_643 = arith.constant 112 : index
        %get3A_644 = tpu.vector_load %arg8[%get3A_641, %get3A_642, %get3A_643] {strides = array<i32>} : memref<4x48x256xf32, #tpu.memory_space<vmem>>, vector<1x1x16xf32>,
        %get3A_645 = vector.shape_cast %get3A_644 : vector<1x1x16xf32> to vector<16xf32>
        %mul3A_646 = vector.broadcast %squeeze3A_312 : f32 to vector<16xf32>
        %mul3A_647 = arith.mulf %mul3A_646, %get3A_645 : vector<16xf32>
        %add3A_648 = arith.addf %add3A_635, %mul3A_647 : vector<16xf32>
        %swap3A_649 = arith.constant 1 : i32
        %swap3A_650 = arith.index_cast %swap3A_649 : i32 to index
        %swap3A_651 = arith.index_cast %scan3A_301 : i32 to index
        %swap3A_652 = arith.constant 112 : index
        %swap3A_653 = tpu.vector_load %arg9[%swap3A_650, %swap3A_651, %swap3A_652] {strides = array<i32>} : memref<4x16x256xf32, #tpu.memory_space<vmem>>, vector<1x1x16xf32>,
        %swap3A_654 = vector.shape_cast %swap3A_653 : vector<1x1x16xf32> to vector<16xf32>
        %swap3A_655 = vector.shape_cast %add3A_648 : vector<16xf32> to vector<1x1x16xf32>
        tpu.vector_store %arg9[%swap3A_650, %swap3A_651, %swap3A_652], %swap3A_655 {strides = array<i32>} : memref<4x16x256xf32, #tpu.memory_space<vmem>>, vector<1x1x16xf32>,
        %mul3A_656 = arith.constant 3 : i32
        %mul3A_657 = arith.muli %mul3A_656, %scan3A_301 : i32
        %get3A_658 = arith.constant 1 : i32
        %get3A_659 = arith.index_cast %get3A_658 : i32 to index
        %get3A_660 = arith.index_cast %mul3A_657 : i32 to index
        %get3A_661 = arith.constant 128 : index
        %get3A_662 = tpu.vector_load %arg8[%get3A_659, %get3A_660, %get3A_661] {strides = array<i32>} : memref<4x48x256xf32, #tpu.memory_space<vmem>>, vector<1x1x16xf32>,
        %get3A_663 = vector.shape_cast %get3A_662 : vector<1x1x16xf32> to vector<16xf32>
        %mul3A_664 = vector.broadcast %squeeze3A : f32 to vector<16xf32>
        %mul3A_665 = arith.mulf %mul3A_664, %get3A_663 : vector<16xf32>
        %mul3A_666 = arith.constant 3 : i32
        %mul3A_667 = arith.muli %mul3A_666, %scan3A_301 : i32
        %add3A_668 = arith.constant 1 : i32
        %add3A_669 = arith.addi %mul3A_667, %add3A_668 : i32
        %get3A_670 = arith.constant 1 : i32
        %get3A_671 = arith.index_cast %get3A_670 : i32 to index
        %get3A_672 = arith.index_cast %add3A_669 : i32 to index
        %get3A_673 = arith.constant 128 : index
        %get3A_674 = tpu.vector_load %arg8[%get3A_671, %get3A_672, %get3A_673] {strides = array<i32>} : memref<4x48x256xf32, #tpu.memory_space<vmem>>, vector<1x1x16xf32>,
        %get3A_675 = vector.shape_cast %get3A_674 : vector<1x1x16xf32> to vector<16xf32>
        %mul3A_676 = vector.broadcast %squeeze3A_310 : f32 to vector<16xf32>
        %mul3A_677 = arith.mulf %mul3A_676, %get3A_675 : vector<16xf32>
        %add3A_678 = arith.addf %mul3A_665, %mul3A_677 : vector<16xf32>
        %mul3A_679 = arith.constant 3 : i32
        %mul3A_680 = arith.muli %mul3A_679, %scan3A_301 : i32
        %add3A_681 = arith.constant 2 : i32
        %add3A_682 = arith.addi %mul3A_680, %add3A_681 : i32
        %get3A_683 = arith.constant 1 : i32
        %get3A_684 = arith.index_cast %get3A_683 : i32 to index
        %get3A_685 = arith.index_cast %add3A_682 : i32 to index
        %get3A_686 = arith.constant 128 : index
        %get3A_687 = tpu.vector_load %arg8[%get3A_684, %get3A_685, %get3A_686] {strides = array<i32>} : memref<4x48x256xf32, #tpu.memory_space<vmem>>, vector<1x1x16xf32>,
        %get3A_688 = vector.shape_cast %get3A_687 : vector<1x1x16xf32> to vector<16xf32>
        %mul3A_689 = vector.broadcast %squeeze3A_312 : f32 to vector<16xf32>
        %mul3A_690 = arith.mulf %mul3A_689, %get3A_688 : vector<16xf32>
        %add3A_691 = arith.addf %add3A_678, %mul3A_690 : vector<16xf32>
        %swap3A_692 = arith.constant 1 : i32
        %swap3A_693 = arith.index_cast %swap3A_692 : i32 to index
        %swap3A_694 = arith.index_cast %scan3A_301 : i32 to index
        %swap3A_695 = arith.constant 128 : index
        %swap3A_696 = tpu.vector_load %arg9[%swap3A_693, %swap3A_694, %swap3A_695] {strides = array<i32>} : memref<4x16x256xf32, #tpu.memory_space<vmem>>, vector<1x1x16xf32>,
        %swap3A_697 = vector.shape_cast %swap3A_696 : vector<1x1x16xf32> to vector<16xf32>
        %swap3A_698 = vector.shape_cast %add3A_691 : vector<16xf32> to vector<1x1x16xf32>
        tpu.vector_store %arg9[%swap3A_693, %swap3A_694, %swap3A_695], %swap3A_698 {strides = array<i32>} : memref<4x16x256xf32, #tpu.memory_space<vmem>>, vector<1x1x16xf32>,
        %mul3A_699 = arith.constant 3 : i32
        %mul3A_700 = arith.muli %mul3A_699, %scan3A_301 : i32
        %get3A_701 = arith.constant 1 : i32
        %get3A_702 = arith.index_cast %get3A_701 : i32 to index
        %get3A_703 = arith.index_cast %mul3A_700 : i32 to index
        %get3A_704 = arith.constant 144 : index
        %get3A_705 = tpu.vector_load %arg8[%get3A_702, %get3A_703, %get3A_704] {strides = array<i32>} : memref<4x48x256xf32, #tpu.memory_space<vmem>>, vector<1x1x16xf32>,
        %get3A_706 = vector.shape_cast %get3A_705 : vector<1x1x16xf32> to vector<16xf32>
        %mul3A_707 = vector.broadcast %squeeze3A : f32 to vector<16xf32>
        %mul3A_708 = arith.mulf %mul3A_707, %get3A_706 : vector<16xf32>
        %mul3A_709 = arith.constant 3 : i32
        %mul3A_710 = arith.muli %mul3A_709, %scan3A_301 : i32
        %add3A_711 = arith.constant 1 : i32
        %add3A_712 = arith.addi %mul3A_710, %add3A_711 : i32
        %get3A_713 = arith.constant 1 : i32
        %get3A_714 = arith.index_cast %get3A_713 : i32 to index
        %get3A_715 = arith.index_cast %add3A_712 : i32 to index
        %get3A_716 = arith.constant 144 : index
        %get3A_717 = tpu.vector_load %arg8[%get3A_714, %get3A_715, %get3A_716] {strides = array<i32>} : memref<4x48x256xf32, #tpu.memory_space<vmem>>, vector<1x1x16xf32>,
        %get3A_718 = vector.shape_cast %get3A_717 : vector<1x1x16xf32> to vector<16xf32>
        %mul3A_719 = vector.broadcast %squeeze3A_310 : f32 to vector<16xf32>
        %mul3A_720 = arith.mulf %mul3A_719, %get3A_718 : vector<16xf32>
        %add3A_721 = arith.addf %mul3A_708, %mul3A_720 : vector<16xf32>
        %mul3A_722 = arith.constant 3 : i32
        %mul3A_723 = arith.muli %mul3A_722, %scan3A_301 : i32
        %add3A_724 = arith.constant 2 : i32
        %add3A_725 = arith.addi %mul3A_723, %add3A_724 : i32
        %get3A_726 = arith.constant 1 : i32
        %get3A_727 = arith.index_cast %get3A_726 : i32 to index
        %get3A_728 = arith.index_cast %add3A_725 : i32 to index
        %get3A_729 = arith.constant 144 : index
        %get3A_730 = tpu.vector_load %arg8[%get3A_727, %get3A_728, %get3A_729] {strides = array<i32>} : memref<4x48x256xf32, #tpu.memory_space<vmem>>, vector<1x1x16xf32>,
        %get3A_731 = vector.shape_cast %get3A_730 : vector<1x1x16xf32> to vector<16xf32>
        %mul3A_732 = vector.broadcast %squeeze3A_312 : f32 to vector<16xf32>
        %mul3A_733 = arith.mulf %mul3A_732, %get3A_731 : vector<16xf32>
        %add3A_734 = arith.addf %add3A_721, %mul3A_733 : vector<16xf32>
        %swap3A_735 = arith.constant 1 : i32
        %swap3A_736 = arith.index_cast %swap3A_735 : i32 to index
        %swap3A_737 = arith.index_cast %scan3A_301 : i32 to index
        %swap3A_738 = arith.constant 144 : index
        %swap3A_739 = tpu.vector_load %arg9[%swap3A_736, %swap3A_737, %swap3A_738] {strides = array<i32>} : memref<4x16x256xf32, #tpu.memory_space<vmem>>, vector<1x1x16xf32>,
        %swap3A_740 = vector.shape_cast %swap3A_739 : vector<1x1x16xf32> to vector<16xf32>
        %swap3A_741 = vector.shape_cast %add3A_734 : vector<16xf32> to vector<1x1x16xf32>
        tpu.vector_store %arg9[%swap3A_736, %swap3A_737, %swap3A_738], %swap3A_741 {strides = array<i32>} : memref<4x16x256xf32, #tpu.memory_space<vmem>>, vector<1x1x16xf32>,
        %mul3A_742 = arith.constant 3 : i32
        %mul3A_743 = arith.muli %mul3A_742, %scan3A_301 : i32
        %get3A_744 = arith.constant 1 : i32
        %get3A_745 = arith.index_cast %get3A_744 : i32 to index
        %get3A_746 = arith.index_cast %mul3A_743 : i32 to index
        %get3A_747 = arith.constant 160 : index
        %get3A_748 = tpu.vector_load %arg8[%get3A_745, %get3A_746, %get3A_747] {strides = array<i32>} : memref<4x48x256xf32, #tpu.memory_space<vmem>>, vector<1x1x16xf32>,
        %get3A_749 = vector.shape_cast %get3A_748 : vector<1x1x16xf32> to vector<16xf32>
        %mul3A_750 = vector.broadcast %squeeze3A : f32 to vector<16xf32>
        %mul3A_751 = arith.mulf %mul3A_750, %get3A_749 : vector<16xf32>
        %mul3A_752 = arith.constant 3 : i32
        %mul3A_753 = arith.muli %mul3A_752, %scan3A_301 : i32
        %add3A_754 = arith.constant 1 : i32
        %add3A_755 = arith.addi %mul3A_753, %add3A_754 : i32
        %get3A_756 = arith.constant 1 : i32
        %get3A_757 = arith.index_cast %get3A_756 : i32 to index
        %get3A_758 = arith.index_cast %add3A_755 : i32 to index
        %get3A_759 = arith.constant 160 : index
        %get3A_760 = tpu.vector_load %arg8[%get3A_757, %get3A_758, %get3A_759] {strides = array<i32>} : memref<4x48x256xf32, #tpu.memory_space<vmem>>, vector<1x1x16xf32>,
        %get3A_761 = vector.shape_cast %get3A_760 : vector<1x1x16xf32> to vector<16xf32>
        %mul3A_762 = vector.broadcast %squeeze3A_310 : f32 to vector<16xf32>
        %mul3A_763 = arith.mulf %mul3A_762, %get3A_761 : vector<16xf32>
        %add3A_764 = arith.addf %mul3A_751, %mul3A_763 : vector<16xf32>
        %mul3A_765 = arith.constant 3 : i32
        %mul3A_766 = arith.muli %mul3A_765, %scan3A_301 : i32
        %add3A_767 = arith.constant 2 : i32
        %add3A_768 = arith.addi %mul3A_766, %add3A_767 : i32
        %get3A_769 = arith.constant 1 : i32
        %get3A_770 = arith.index_cast %get3A_769 : i32 to index
        %get3A_771 = arith.index_cast %add3A_768 : i32 to index
        %get3A_772 = arith.constant 160 : index
        %get3A_773 = tpu.vector_load %arg8[%get3A_770, %get3A_771, %get3A_772] {strides = array<i32>} : memref<4x48x256xf32, #tpu.memory_space<vmem>>, vector<1x1x16xf32>,
        %get3A_774 = vector.shape_cast %get3A_773 : vector<1x1x16xf32> to vector<16xf32>
        %mul3A_775 = vector.broadcast %squeeze3A_312 : f32 to vector<16xf32>
        %mul3A_776 = arith.mulf %mul3A_775, %get3A_774 : vector<16xf32>
        %add3A_777 = arith.addf %add3A_764, %mul3A_776 : vector<16xf32>
        %swap3A_778 = arith.constant 1 : i32
        %swap3A_779 = arith.index_cast %swap3A_778 : i32 to index
        %swap3A_780 = arith.index_cast %scan3A_301 : i32 to index
        %swap3A_781 = arith.constant 160 : index
        %swap3A_782 = tpu.vector_load %arg9[%swap3A_779, %swap3A_780, %swap3A_781] {strides = array<i32>} : memref<4x16x256xf32, #tpu.memory_space<vmem>>, vector<1x1x16xf32>,
        %swap3A_783 = vector.shape_cast %swap3A_782 : vector<1x1x16xf32> to vector<16xf32>
        %swap3A_784 = vector.shape_cast %add3A_777 : vector<16xf32> to vector<1x1x16xf32>
        tpu.vector_store %arg9[%swap3A_779, %swap3A_780, %swap3A_781], %swap3A_784 {strides = array<i32>} : memref<4x16x256xf32, #tpu.memory_space<vmem>>, vector<1x1x16xf32>,
        %mul3A_785 = arith.constant 3 : i32
        %mul3A_786 = arith.muli %mul3A_785, %scan3A_301 : i32
        %get3A_787 = arith.constant 1 : i32
        %get3A_788 = arith.index_cast %get3A_787 : i32 to index
        %get3A_789 = arith.index_cast %mul3A_786 : i32 to index
        %get3A_790 = arith.constant 176 : index
        %get3A_791 = tpu.vector_load %arg8[%get3A_788, %get3A_789, %get3A_790] {strides = array<i32>} : memref<4x48x256xf32, #tpu.memory_space<vmem>>, vector<1x1x16xf32>,
        %get3A_792 = vector.shape_cast %get3A_791 : vector<1x1x16xf32> to vector<16xf32>
        %mul3A_793 = vector.broadcast %squeeze3A : f32 to vector<16xf32>
        %mul3A_794 = arith.mulf %mul3A_793, %get3A_792 : vector<16xf32>
        %mul3A_795 = arith.constant 3 : i32
        %mul3A_796 = arith.muli %mul3A_795, %scan3A_301 : i32
        %add3A_797 = arith.constant 1 : i32
        %add3A_798 = arith.addi %mul3A_796, %add3A_797 : i32
        %get3A_799 = arith.constant 1 : i32
        %get3A_800 = arith.index_cast %get3A_799 : i32 to index
        %get3A_801 = arith.index_cast %add3A_798 : i32 to index
        %get3A_802 = arith.constant 176 : index
        %get3A_803 = tpu.vector_load %arg8[%get3A_800, %get3A_801, %get3A_802] {strides = array<i32>} : memref<4x48x256xf32, #tpu.memory_space<vmem>>, vector<1x1x16xf32>,
        %get3A_804 = vector.shape_cast %get3A_803 : vector<1x1x16xf32> to vector<16xf32>
        %mul3A_805 = vector.broadcast %squeeze3A_310 : f32 to vector<16xf32>
        %mul3A_806 = arith.mulf %mul3A_805, %get3A_804 : vector<16xf32>
        %add3A_807 = arith.addf %mul3A_794, %mul3A_806 : vector<16xf32>
        %mul3A_808 = arith.constant 3 : i32
        %mul3A_809 = arith.muli %mul3A_808, %scan3A_301 : i32
        %add3A_810 = arith.constant 2 : i32
        %add3A_811 = arith.addi %mul3A_809, %add3A_810 : i32
        %get3A_812 = arith.constant 1 : i32
        %get3A_813 = arith.index_cast %get3A_812 : i32 to index
        %get3A_814 = arith.index_cast %add3A_811 : i32 to index
        %get3A_815 = arith.constant 176 : index
        %get3A_816 = tpu.vector_load %arg8[%get3A_813, %get3A_814, %get3A_815] {strides = array<i32>} : memref<4x48x256xf32, #tpu.memory_space<vmem>>, vector<1x1x16xf32>,
        %get3A_817 = vector.shape_cast %get3A_816 : vector<1x1x16xf32> to vector<16xf32>
        %mul3A_818 = vector.broadcast %squeeze3A_312 : f32 to vector<16xf32>
        %mul3A_819 = arith.mulf %mul3A_818, %get3A_817 : vector<16xf32>
        %add3A_820 = arith.addf %add3A_807, %mul3A_819 : vector<16xf32>
        %swap3A_821 = arith.constant 1 : i32
        %swap3A_822 = arith.index_cast %swap3A_821 : i32 to index
        %swap3A_823 = arith.index_cast %scan3A_301 : i32 to index
        %swap3A_824 = arith.constant 176 : index
        %swap3A_825 = tpu.vector_load %arg9[%swap3A_822, %swap3A_823, %swap3A_824] {strides = array<i32>} : memref<4x16x256xf32, #tpu.memory_space<vmem>>, vector<1x1x16xf32>,
        %swap3A_826 = vector.shape_cast %swap3A_825 : vector<1x1x16xf32> to vector<16xf32>
        %swap3A_827 = vector.shape_cast %add3A_820 : vector<16xf32> to vector<1x1x16xf32>
        tpu.vector_store %arg9[%swap3A_822, %swap3A_823, %swap3A_824], %swap3A_827 {strides = array<i32>} : memref<4x16x256xf32, #tpu.memory_space<vmem>>, vector<1x1x16xf32>,
        %mul3A_828 = arith.constant 3 : i32
        %mul3A_829 = arith.muli %mul3A_828, %scan3A_301 : i32
        %get3A_830 = arith.constant 1 : i32
        %get3A_831 = arith.index_cast %get3A_830 : i32 to index
        %get3A_832 = arith.index_cast %mul3A_829 : i32 to index
        %get3A_833 = arith.constant 192 : index
        %get3A_834 = tpu.vector_load %arg8[%get3A_831, %get3A_832, %get3A_833] {strides = array<i32>} : memref<4x48x256xf32, #tpu.memory_space<vmem>>, vector<1x1x16xf32>,
        %get3A_835 = vector.shape_cast %get3A_834 : vector<1x1x16xf32> to vector<16xf32>
        %mul3A_836 = vector.broadcast %squeeze3A : f32 to vector<16xf32>
        %mul3A_837 = arith.mulf %mul3A_836, %get3A_835 : vector<16xf32>
        %mul3A_838 = arith.constant 3 : i32
        %mul3A_839 = arith.muli %mul3A_838, %scan3A_301 : i32
        %add3A_840 = arith.constant 1 : i32
        %add3A_841 = arith.addi %mul3A_839, %add3A_840 : i32
        %get3A_842 = arith.constant 1 : i32
        %get3A_843 = arith.index_cast %get3A_842 : i32 to index
        %get3A_844 = arith.index_cast %add3A_841 : i32 to index
        %get3A_845 = arith.constant 192 : index
        %get3A_846 = tpu.vector_load %arg8[%get3A_843, %get3A_844, %get3A_845] {strides = array<i32>} : memref<4x48x256xf32, #tpu.memory_space<vmem>>, vector<1x1x16xf32>,
        %get3A_847 = vector.shape_cast %get3A_846 : vector<1x1x16xf32> to vector<16xf32>
        %mul3A_848 = vector.broadcast %squeeze3A_310 : f32 to vector<16xf32>
        %mul3A_849 = arith.mulf %mul3A_848, %get3A_847 : vector<16xf32>
        %add3A_850 = arith.addf %mul3A_837, %mul3A_849 : vector<16xf32>
        %mul3A_851 = arith.constant 3 : i32
        %mul3A_852 = arith.muli %mul3A_851, %scan3A_301 : i32
        %add3A_853 = arith.constant 2 : i32
        %add3A_854 = arith.addi %mul3A_852, %add3A_853 : i32
        %get3A_855 = arith.constant 1 : i32
        %get3A_856 = arith.index_cast %get3A_855 : i32 to index
        %get3A_857 = arith.index_cast %add3A_854 : i32 to index
        %get3A_858 = arith.constant 192 : index
        %get3A_859 = tpu.vector_load %arg8[%get3A_856, %get3A_857, %get3A_858] {strides = array<i32>} : memref<4x48x256xf32, #tpu.memory_space<vmem>>, vector<1x1x16xf32>,
        %get3A_860 = vector.shape_cast %get3A_859 : vector<1x1x16xf32> to vector<16xf32>
        %mul3A_861 = vector.broadcast %squeeze3A_312 : f32 to vector<16xf32>
        %mul3A_862 = arith.mulf %mul3A_861, %get3A_860 : vector<16xf32>
        %add3A_863 = arith.addf %add3A_850, %mul3A_862 : vector<16xf32>
        %swap3A_864 = arith.constant 1 : i32
        %swap3A_865 = arith.index_cast %swap3A_864 : i32 to index
        %swap3A_866 = arith.index_cast %scan3A_301 : i32 to index
        %swap3A_867 = arith.constant 192 : index
        %swap3A_868 = tpu.vector_load %arg9[%swap3A_865, %swap3A_866, %swap3A_867] {strides = array<i32>} : memref<4x16x256xf32, #tpu.memory_space<vmem>>, vector<1x1x16xf32>,
        %swap3A_869 = vector.shape_cast %swap3A_868 : vector<1x1x16xf32> to vector<16xf32>
        %swap3A_870 = vector.shape_cast %add3A_863 : vector<16xf32> to vector<1x1x16xf32>
        tpu.vector_store %arg9[%swap3A_865, %swap3A_866, %swap3A_867], %swap3A_870 {strides = array<i32>} : memref<4x16x256xf32, #tpu.memory_space<vmem>>, vector<1x1x16xf32>,
        %mul3A_871 = arith.constant 3 : i32
        %mul3A_872 = arith.muli %mul3A_871, %scan3A_301 : i32
        %get3A_873 = arith.constant 1 : i32
        %get3A_874 = arith.index_cast %get3A_873 : i32 to index
        %get3A_875 = arith.index_cast %mul3A_872 : i32 to index
        %get3A_876 = arith.constant 208 : index
        %get3A_877 = tpu.vector_load %arg8[%get3A_874, %get3A_875, %get3A_876] {strides = array<i32>} : memref<4x48x256xf32, #tpu.memory_space<vmem>>, vector<1x1x16xf32>,
        %get3A_878 = vector.shape_cast %get3A_877 : vector<1x1x16xf32> to vector<16xf32>
        %mul3A_879 = vector.broadcast %squeeze3A : f32 to vector<16xf32>
        %mul3A_880 = arith.mulf %mul3A_879, %get3A_878 : vector<16xf32>
        %mul3A_881 = arith.constant 3 : i32
        %mul3A_882 = arith.muli %mul3A_881, %scan3A_301 : i32
        %add3A_883 = arith.constant 1 : i32
        %add3A_884 = arith.addi %mul3A_882, %add3A_883 : i32
        %get3A_885 = arith.constant 1 : i32
        %get3A_886 = arith.index_cast %get3A_885 : i32 to index
        %get3A_887 = arith.index_cast %add3A_884 : i32 to index
        %get3A_888 = arith.constant 208 : index
        %get3A_889 = tpu.vector_load %arg8[%get3A_886, %get3A_887, %get3A_888] {strides = array<i32>} : memref<4x48x256xf32, #tpu.memory_space<vmem>>, vector<1x1x16xf32>,
        %get3A_890 = vector.shape_cast %get3A_889 : vector<1x1x16xf32> to vector<16xf32>
        %mul3A_891 = vector.broadcast %squeeze3A_310 : f32 to vector<16xf32>
        %mul3A_892 = arith.mulf %mul3A_891, %get3A_890 : vector<16xf32>
        %add3A_893 = arith.addf %mul3A_880, %mul3A_892 : vector<16xf32>
        %mul3A_894 = arith.constant 3 : i32
        %mul3A_895 = arith.muli %mul3A_894, %scan3A_301 : i32
        %add3A_896 = arith.constant 2 : i32
        %add3A_897 = arith.addi %mul3A_895, %add3A_896 : i32
        %get3A_898 = arith.constant 1 : i32
        %get3A_899 = arith.index_cast %get3A_898 : i32 to index
        %get3A_900 = arith.index_cast %add3A_897 : i32 to index
        %get3A_901 = arith.constant 208 : index
        %get3A_902 = tpu.vector_load %arg8[%get3A_899, %get3A_900, %get3A_901] {strides = array<i32>} : memref<4x48x256xf32, #tpu.memory_space<vmem>>, vector<1x1x16xf32>,
        %get3A_903 = vector.shape_cast %get3A_902 : vector<1x1x16xf32> to vector<16xf32>
        %mul3A_904 = vector.broadcast %squeeze3A_312 : f32 to vector<16xf32>
        %mul3A_905 = arith.mulf %mul3A_904, %get3A_903 : vector<16xf32>
        %add3A_906 = arith.addf %add3A_893, %mul3A_905 : vector<16xf32>
        %swap3A_907 = arith.constant 1 : i32
        %swap3A_908 = arith.index_cast %swap3A_907 : i32 to index
        %swap3A_909 = arith.index_cast %scan3A_301 : i32 to index
        %swap3A_910 = arith.constant 208 : index
        %swap3A_911 = tpu.vector_load %arg9[%swap3A_908, %swap3A_909, %swap3A_910] {strides = array<i32>} : memref<4x16x256xf32, #tpu.memory_space<vmem>>, vector<1x1x16xf32>,
        %swap3A_912 = vector.shape_cast %swap3A_911 : vector<1x1x16xf32> to vector<16xf32>
        %swap3A_913 = vector.shape_cast %add3A_906 : vector<16xf32> to vector<1x1x16xf32>
        tpu.vector_store %arg9[%swap3A_908, %swap3A_909, %swap3A_910], %swap3A_913 {strides = array<i32>} : memref<4x16x256xf32, #tpu.memory_space<vmem>>, vector<1x1x16xf32>,
        %mul3A_914 = arith.constant 3 : i32
        %mul3A_915 = arith.muli %mul3A_914, %scan3A_301 : i32
        %get3A_916 = arith.constant 1 : i32
        %get3A_917 = arith.index_cast %get3A_916 : i32 to index
        %get3A_918 = arith.index_cast %mul3A_915 : i32 to index
        %get3A_919 = arith.constant 224 : index
        %get3A_920 = tpu.vector_load %arg8[%get3A_917, %get3A_918, %get3A_919] {strides = array<i32>} : memref<4x48x256xf32, #tpu.memory_space<vmem>>, vector<1x1x16xf32>,
        %get3A_921 = vector.shape_cast %get3A_920 : vector<1x1x16xf32> to vector<16xf32>
        %mul3A_922 = vector.broadcast %squeeze3A : f32 to vector<16xf32>
        %mul3A_923 = arith.mulf %mul3A_922, %get3A_921 : vector<16xf32>
        %mul3A_924 = arith.constant 3 : i32
        %mul3A_925 = arith.muli %mul3A_924, %scan3A_301 : i32
        %add3A_926 = arith.constant 1 : i32
        %add3A_927 = arith.addi %mul3A_925, %add3A_926 : i32
        %get3A_928 = arith.constant 1 : i32
        %get3A_929 = arith.index_cast %get3A_928 : i32 to index
        %get3A_930 = arith.index_cast %add3A_927 : i32 to index
        %get3A_931 = arith.constant 224 : index
        %get3A_932 = tpu.vector_load %arg8[%get3A_929, %get3A_930, %get3A_931] {strides = array<i32>} : memref<4x48x256xf32, #tpu.memory_space<vmem>>, vector<1x1x16xf32>,
        %get3A_933 = vector.shape_cast %get3A_932 : vector<1x1x16xf32> to vector<16xf32>
        %mul3A_934 = vector.broadcast %squeeze3A_310 : f32 to vector<16xf32>
        %mul3A_935 = arith.mulf %mul3A_934, %get3A_933 : vector<16xf32>
        %add3A_936 = arith.addf %mul3A_923, %mul3A_935 : vector<16xf32>
        %mul3A_937 = arith.constant 3 : i32
        %mul3A_938 = arith.muli %mul3A_937, %scan3A_301 : i32
        %add3A_939 = arith.constant 2 : i32
        %add3A_940 = arith.addi %mul3A_938, %add3A_939 : i32
        %get3A_941 = arith.constant 1 : i32
        %get3A_942 = arith.index_cast %get3A_941 : i32 to index
        %get3A_943 = arith.index_cast %add3A_940 : i32 to index
        %get3A_944 = arith.constant 224 : index
        %get3A_945 = tpu.vector_load %arg8[%get3A_942, %get3A_943, %get3A_944] {strides = array<i32>} : memref<4x48x256xf32, #tpu.memory_space<vmem>>, vector<1x1x16xf32>,
        %get3A_946 = vector.shape_cast %get3A_945 : vector<1x1x16xf32> to vector<16xf32>
        %mul3A_947 = vector.broadcast %squeeze3A_312 : f32 to vector<16xf32>
        %mul3A_948 = arith.mulf %mul3A_947, %get3A_946 : vector<16xf32>
        %add3A_949 = arith.addf %add3A_936, %mul3A_948 : vector<16xf32>
        %swap3A_950 = arith.constant 1 : i32
        %swap3A_951 = arith.index_cast %swap3A_950 : i32 to index
        %swap3A_952 = arith.index_cast %scan3A_301 : i32 to index
        %swap3A_953 = arith.constant 224 : index
        %swap3A_954 = tpu.vector_load %arg9[%swap3A_951, %swap3A_952, %swap3A_953] {strides = array<i32>} : memref<4x16x256xf32, #tpu.memory_space<vmem>>, vector<1x1x16xf32>,
        %swap3A_955 = vector.shape_cast %swap3A_954 : vector<1x1x16xf32> to vector<16xf32>
        %swap3A_956 = vector.shape_cast %add3A_949 : vector<16xf32> to vector<1x1x16xf32>
        tpu.vector_store %arg9[%swap3A_951, %swap3A_952, %swap3A_953], %swap3A_956 {strides = array<i32>} : memref<4x16x256xf32, #tpu.memory_space<vmem>>, vector<1x1x16xf32>,
        %mul3A_957 = arith.constant 3 : i32
        %mul3A_958 = arith.muli %mul3A_957, %scan3A_301 : i32
        %get3A_959 = arith.constant 1 : i32
        %get3A_960 = arith.index_cast %get3A_959 : i32 to index
        %get3A_961 = arith.index_cast %mul3A_958 : i32 to index
        %get3A_962 = arith.constant 240 : index
        %get3A_963 = tpu.vector_load %arg8[%get3A_960, %get3A_961, %get3A_962] {strides = array<i32>} : memref<4x48x256xf32, #tpu.memory_space<vmem>>, vector<1x1x16xf32>,
        %get3A_964 = vector.shape_cast %get3A_963 : vector<1x1x16xf32> to vector<16xf32>
        %mul3A_965 = vector.broadcast %squeeze3A : f32 to vector<16xf32>
        %mul3A_966 = arith.mulf %mul3A_965, %get3A_964 : vector<16xf32>
        %mul3A_967 = arith.constant 3 : i32
        %mul3A_968 = arith.muli %mul3A_967, %scan3A_301 : i32
        %add3A_969 = arith.constant 1 : i32
        %add3A_970 = arith.addi %mul3A_968, %add3A_969 : i32
        %get3A_971 = arith.constant 1 : i32
        %get3A_972 = arith.index_cast %get3A_971 : i32 to index
        %get3A_973 = arith.index_cast %add3A_970 : i32 to index
        %get3A_974 = arith.constant 240 : index
        %get3A_975 = tpu.vector_load %arg8[%get3A_972, %get3A_973, %get3A_974] {strides = array<i32>} : memref<4x48x256xf32, #tpu.memory_space<vmem>>, vector<1x1x16xf32>,
        %get3A_976 = vector.shape_cast %get3A_975 : vector<1x1x16xf32> to vector<16xf32>
        %mul3A_977 = vector.broadcast %squeeze3A_310 : f32 to vector<16xf32>
        %mul3A_978 = arith.mulf %mul3A_977, %get3A_976 : vector<16xf32>
        %add3A_979 = arith.addf %mul3A_966, %mul3A_978 : vector<16xf32>
        %mul3A_980 = arith.constant 3 : i32
        %mul3A_981 = arith.muli %mul3A_980, %scan3A_301 : i32
        %add3A_982 = arith.constant 2 : i32
        %add3A_983 = arith.addi %mul3A_981, %add3A_982 : i32
        %get3A_984 = arith.constant 1 : i32
        %get3A_985 = arith.index_cast %get3A_984 : i32 to index
        %get3A_986 = arith.index_cast %add3A_983 : i32 to index
        %get3A_987 = arith.constant 240 : index
        %get3A_988 = tpu.vector_load %arg8[%get3A_985, %get3A_986, %get3A_987] {strides = array<i32>} : memref<4x48x256xf32, #tpu.memory_space<vmem>>, vector<1x1x16xf32>,
        %get3A_989 = vector.shape_cast %get3A_988 : vector<1x1x16xf32> to vector<16xf32>
        %mul3A_990 = vector.broadcast %squeeze3A_312 : f32 to vector<16xf32>
        %mul3A_991 = arith.mulf %mul3A_990, %get3A_989 : vector<16xf32>
        %add3A_992 = arith.addf %add3A_979, %mul3A_991 : vector<16xf32>
        %swap3A_993 = arith.constant 1 : i32
        %swap3A_994 = arith.index_cast %swap3A_993 : i32 to index
        %swap3A_995 = arith.index_cast %scan3A_301 : i32 to index
        %swap3A_996 = arith.constant 240 : index
        %swap3A_997 = tpu.vector_load %arg9[%swap3A_994, %swap3A_995, %swap3A_996] {strides = array<i32>} : memref<4x16x256xf32, #tpu.memory_space<vmem>>, vector<1x1x16xf32>,
        %swap3A_998 = vector.shape_cast %swap3A_997 : vector<1x1x16xf32> to vector<16xf32>
        %swap3A_999 = vector.shape_cast %add3A_992 : vector<16xf32> to vector<1x1x16xf32>
        tpu.vector_store %arg9[%swap3A_994, %swap3A_995, %swap3A_996], %swap3A_999 {strides = array<i32>} : memref<4x16x256xf32, #tpu.memory_space<vmem>>, vector<1x1x16xf32>,
      }
      %scan3A_178 = arith.constant 16 : i32
      %mul3A_179 = arith.constant 16 : i32
      %mul3A_180 = arith.muli %add3A_145, %mul3A_179 : i32
      %add3A_181 = arith.addi %mul3A_2, %mul3A_180 : i32
      %dma_start3A_182 = arith.constant 1 : i32
      %dma_start3A_183 = arith.constant 0 : i32
      %dma_start3A_184 = arith.constant 0 : i32
      %dma_start3A_185 = tpu.memref_slice %arg9[%dma_start3A_182, %dma_start3A_183, %dma_start3A_184] : memref<4x16x256xf32, #tpu.memory_space<vmem>> -> memref<1x16x256xf32, #tpu.memory_space<vmem>>
      %dma_start3A_186 = tpu.memref_squeeze %dma_start3A_185 : memref<1x16x256xf32, #tpu.memory_space<vmem>> -> memref<16x256xf32, #tpu.memory_space<vmem>>
      %dma_start3A_187 = arith.constant 0 : i32
      %dma_start3A_188 = tpu.memref_slice %arg5[%add3A_181, %dma_start3A_187] : memref<32768x256xf32, #tpu.memory_space<hbm>> -> memref<16x256xf32, #tpu.memory_space<hbm>>
      %dma_start3A_189 = arith.constant 0 : i32
      %dma_start3A_190 = tpu.memref_slice %arg5[%add3A_181, %dma_start3A_189] : memref<32768x256xf32, #tpu.memory_space<hbm>> -> memref<16x256xf32, #tpu.memory_space<hbm>>
      %dma_start3A_191 = arith.constant 0 : i32
      %dma_start3A_192 = arith.constant 0 : i32
      %dma_start3A_193 = tpu.memref_slice %arg9[%dma_start3A_182, %dma_start3A_191, %dma_start3A_192] : memref<4x16x256xf32, #tpu.memory_space<vmem>> -> memref<1x16x256xf32, #tpu.memory_space<vmem>>
      %dma_start3A_194 = tpu.memref_squeeze %dma_start3A_193 : memref<1x16x256xf32, #tpu.memory_space<vmem>> -> memref<16x256xf32, #tpu.memory_space<vmem>>
      tpu.enqueue_dma source(%dma_start3A_194 : memref<16x256xf32, #tpu.memory_space<vmem>>) target(%dma_start3A_190 : memref<16x256xf32, #tpu.memory_space<hbm>>) target_semaphore(%arg15 : memref<!tpu.dma_semaphore, #tpu.memory_space<semaphore_mem>>)
      %mul3A_195 = arith.constant 4 : i32
      %mul3A_196 = arith.muli %mul3A_195, %scan3A_92 : i32
      %add3A_197 = arith.constant 2 : i32
      %add3A_198 = arith.addi %mul3A_196, %add3A_197 : i32
      %add3A_199 = arith.constant 3 : i32
      %add3A_200 = arith.addi %add3A_198, %add3A_199 : i32
      %lt3A_201 = arith.constant 64 : i32
      %lt3A_202 = arith.cmpi slt, %add3A_200, %lt3A_201 : i32
      %convert_element_type3A_203 = arith.extui %lt3A_202 : i1 to i32
      %cond3A_204 = arith.constant 0 : i32
      %cond3A_205 = arith.cmpi ne, %convert_element_type3A_203, %cond3A_204 : i32
      scf.if %cond3A_205 {
        %mul3A_301 = arith.constant 48 : i32
        %mul3A_302 = arith.muli %mul3A_301, %add3A_200 : i32
        %dma_start3A_303 = arith.constant 1 : i32
        %dma_start3A_304 = arith.constant 0 : i32
        %dma_start3A_305 = arith.constant 0 : i32
        %dma_start3A_306 = tpu.memref_slice %arg8[%dma_start3A_303, %dma_start3A_304, %dma_start3A_305] : memref<4x48x256xf32, #tpu.memory_space<vmem>> -> memref<1x48x256xf32, #tpu.memory_space<vmem>>
        %dma_start3A_307 = tpu.memref_squeeze %dma_start3A_306 : memref<1x48x256xf32, #tpu.memory_space<vmem>> -> memref<48x256xf32, #tpu.memory_space<vmem>>
        %dma_start3A_308 = tpu.memref_slice %arg6[%mul3A_302] : memref<3072xi32, #tpu.memory_space<vmem>> -> memref<48xi32, #tpu.memory_space<vmem>>
        %dma_start3A_309 = arith.constant 0 : i32
        %dma_start3A_310 = arith.constant 0 : i32
        %dma_start3A_311 = tpu.memref_slice %arg2[%dma_start3A_309, %dma_start3A_310] : memref<8192x256xf32, #tpu.memory_space<hbm>> -> memref<8192x256xf32, #tpu.memory_space<hbm>>
        tpu.enqueue_indirect_dma source(%dma_start3A_311 : memref<8192x256xf32, #tpu.memory_space<hbm>>) target(%dma_start3A_307 : memref<48x256xf32, #tpu.memory_space<vmem>>) offsets(%dma_start3A_308 : memref<48xi32, #tpu.memory_space<vmem>>) semaphore(%arg11 : memref<!tpu.dma_semaphore, #tpu.memory_space<semaphore_mem>>)
      } else {
      }
      %dma_wait3A_206 = arith.constant 2 : i32
      %dma_wait3A_207 = arith.constant 0 : i32
      %dma_wait3A_208 = arith.constant 0 : i32
      %dma_wait3A_209 = tpu.memref_slice %arg8[%dma_wait3A_206, %dma_wait3A_207, %dma_wait3A_208] : memref<4x48x256xf32, #tpu.memory_space<vmem>> -> memref<1x48x256xf32, #tpu.memory_space<vmem>>
      %dma_wait3A_210 = tpu.memref_squeeze %dma_wait3A_209 : memref<1x48x256xf32, #tpu.memory_space<vmem>> -> memref<48x256xf32, #tpu.memory_space<vmem>>
      %dma_wait3A_211 = arith.constant 0 : i32
      %dma_wait3A_212 = arith.constant 0 : i32
      %dma_wait3A_213 = tpu.memref_slice %arg2[%dma_wait3A_211, %dma_wait3A_212] : memref<8192x256xf32, #tpu.memory_space<hbm>> -> memref<48x256xf32, #tpu.memory_space<hbm>>
      %dma_wait3A_214 = arith.constant 0 : i32
      %dma_wait3A_215 = arith.constant 0 : i32
      %dma_wait3A_216 = tpu.memref_slice %arg8[%dma_wait3A_206, %dma_wait3A_214, %dma_wait3A_215] : memref<4x48x256xf32, #tpu.memory_space<vmem>> -> memref<1x48x256xf32, #tpu.memory_space<vmem>>
      %dma_wait3A_217 = tpu.memref_squeeze %dma_wait3A_216 : memref<1x48x256xf32, #tpu.memory_space<vmem>> -> memref<48x256xf32, #tpu.memory_space<vmem>>
      %dma_wait3A_218 = arith.constant 0 : i32
      %dma_wait3A_219 = arith.constant 0 : i32
      %dma_wait3A_220 = tpu.memref_slice %arg2[%dma_wait3A_218, %dma_wait3A_219] : memref<8192x256xf32, #tpu.memory_space<hbm>> -> memref<48x256xf32, #tpu.memory_space<hbm>>
      tpu.wait_dma2 semaphore(%arg12 : memref<!tpu.dma_semaphore, #tpu.memory_space<semaphore_mem>>) src(%dma_wait3A_220 : memref<48x256xf32, #tpu.memory_space<hbm>>) dst(%dma_wait3A_217 : memref<48x256xf32, #tpu.memory_space<vmem>>)
      %ge3A_221 = arith.constant 4 : i32
      %ge3A_222 = arith.cmpi sge, %add3A_198, %ge3A_221 : i32
      %convert_element_type3A_223 = arith.extui %ge3A_222 : i1 to i32
      %cond3A_224 = arith.constant 0 : i32
      %cond3A_225 = arith.cmpi ne, %convert_element_type3A_223, %cond3A_224 : i32
      scf.if %cond3A_225 {
        %dma_wait3A_301 = arith.constant 2 : i32
        %dma_wait3A_302 = arith.constant 0 : i32
        %dma_wait3A_303 = arith.constant 0 : i32
        %dma_wait3A_304 = tpu.memref_slice %arg9[%dma_wait3A_301, %dma_wait3A_302, %dma_wait3A_303] : memref<4x16x256xf32, #tpu.memory_space<vmem>> -> memref<1x16x256xf32, #tpu.memory_space<vmem>>
        %dma_wait3A_305 = tpu.memref_squeeze %dma_wait3A_304 : memref<1x16x256xf32, #tpu.memory_space<vmem>> -> memref<16x256xf32, #tpu.memory_space<vmem>>
        %dma_wait3A_306 = arith.constant 0 : i32
        %dma_wait3A_307 = tpu.memref_slice %arg5[%mul3A_2, %dma_wait3A_306] : memref<32768x256xf32, #tpu.memory_space<hbm>> -> memref<16x256xf32, #tpu.memory_space<hbm>>
        %dma_wait3A_308 = arith.constant 0 : i32
        %dma_wait3A_309 = tpu.memref_slice %arg5[%mul3A_2, %dma_wait3A_308] : memref<32768x256xf32, #tpu.memory_space<hbm>> -> memref<16x256xf32, #tpu.memory_space<hbm>>
        %dma_wait3A_310 = arith.constant 0 : i32
        %dma_wait3A_311 = arith.constant 0 : i32
        %dma_wait3A_312 = tpu.memref_slice %arg9[%dma_wait3A_301, %dma_wait3A_310, %dma_wait3A_311] : memref<4x16x256xf32, #tpu.memory_space<vmem>> -> memref<1x16x256xf32, #tpu.memory_space<vmem>>
        %dma_wait3A_313 = tpu.memref_squeeze %dma_wait3A_312 : memref<1x16x256xf32, #tpu.memory_space<vmem>> -> memref<16x256xf32, #tpu.memory_space<vmem>>
        tpu.wait_dma2 semaphore(%arg16 : memref<!tpu.dma_semaphore, #tpu.memory_space<semaphore_mem>>) src(%dma_wait3A_313 : memref<16x256xf32, #tpu.memory_space<vmem>>) dst(%dma_wait3A_309 : memref<16x256xf32, #tpu.memory_space<hbm>>)
      } else {
      }
      %scan3A_226 = arith.constant 0 : i32
      %scan3A_227 = arith.constant 0 : i32
      %scan3A_228 = arith.constant 16 : i32
      %scan3A_229 = arith.addi %scan3A_227, %scan3A_228 : i32
      %scan3A_230 = arith.constant 1 : i32
      scf.for %scan3A_301 = %scan3A_227 to %scan3A_229 step %scan3A_230  : i32 {
        %mul3A_302 = arith.constant 48 : i32
        %mul3A_303 = arith.muli %mul3A_302, %add3A_198 : i32
        %mul3A_304 = arith.constant 3 : i32
        %mul3A_305 = arith.muli %mul3A_304, %scan3A_301 : i32
        %add3A_306 = arith.addi %mul3A_303, %mul3A_305 : i32
        %get3A = arith.index_cast %add3A_306 : i32 to index
        %get3A_307 = tpu.vector_load %arg7[%get3A] {strides = array<i32>} : memref<3088xf32, #tpu.memory_space<vmem>>, vector<16xf32>,
        %get3A_308 = vector.shape_cast %get3A_307 : vector<16xf32> to vector<16xf32>
        %slice3A = vector.extract_strided_slice %get3A_308 {offsets = [0], sizes = [1], strides = [1]} : vector<16xf32> to vector<1xf32>
        %squeeze3A = vector.extract %slice3A[0] : f32 from vector<1xf32>
        %slice3A_309 = vector.extract_strided_slice %get3A_308 {offsets = [1], sizes = [1], strides = [1]} : vector<16xf32> to vector<1xf32>
        %squeeze3A_310 = vector.extract %slice3A_309[0] : f32 from vector<1xf32>
        %slice3A_311 = vector.extract_strided_slice %get3A_308 {offsets = [2], sizes = [1], strides = [1]} : vector<16xf32> to vector<1xf32>
        %squeeze3A_312 = vector.extract %slice3A_311[0] : f32 from vector<1xf32>
        %mul3A_313 = arith.constant 3 : i32
        %mul3A_314 = arith.muli %mul3A_313, %scan3A_301 : i32
        %get3A_315 = arith.constant 2 : i32
        %get3A_316 = arith.index_cast %get3A_315 : i32 to index
        %get3A_317 = arith.index_cast %mul3A_314 : i32 to index
        %get3A_318 = arith.constant 0 : index
        %get3A_319 = tpu.vector_load %arg8[%get3A_316, %get3A_317, %get3A_318] {strides = array<i32>} : memref<4x48x256xf32, #tpu.memory_space<vmem>>, vector<1x1x16xf32>,
        %get3A_320 = vector.shape_cast %get3A_319 : vector<1x1x16xf32> to vector<16xf32>
        %mul3A_321 = vector.broadcast %squeeze3A : f32 to vector<16xf32>
        %mul3A_322 = arith.mulf %mul3A_321, %get3A_320 : vector<16xf32>
        %mul3A_323 = arith.constant 3 : i32
        %mul3A_324 = arith.muli %mul3A_323, %scan3A_301 : i32
        %add3A_325 = arith.constant 1 : i32
        %add3A_326 = arith.addi %mul3A_324, %add3A_325 : i32
        %get3A_327 = arith.constant 2 : i32
        %get3A_328 = arith.index_cast %get3A_327 : i32 to index
        %get3A_329 = arith.index_cast %add3A_326 : i32 to index
        %get3A_330 = arith.constant 0 : index
        %get3A_331 = tpu.vector_load %arg8[%get3A_328, %get3A_329, %get3A_330] {strides = array<i32>} : memref<4x48x256xf32, #tpu.memory_space<vmem>>, vector<1x1x16xf32>,
        %get3A_332 = vector.shape_cast %get3A_331 : vector<1x1x16xf32> to vector<16xf32>
        %mul3A_333 = vector.broadcast %squeeze3A_310 : f32 to vector<16xf32>
        %mul3A_334 = arith.mulf %mul3A_333, %get3A_332 : vector<16xf32>
        %add3A_335 = arith.addf %mul3A_322, %mul3A_334 : vector<16xf32>
        %mul3A_336 = arith.constant 3 : i32
        %mul3A_337 = arith.muli %mul3A_336, %scan3A_301 : i32
        %add3A_338 = arith.constant 2 : i32
        %add3A_339 = arith.addi %mul3A_337, %add3A_338 : i32
        %get3A_340 = arith.constant 2 : i32
        %get3A_341 = arith.index_cast %get3A_340 : i32 to index
        %get3A_342 = arith.index_cast %add3A_339 : i32 to index
        %get3A_343 = arith.constant 0 : index
        %get3A_344 = tpu.vector_load %arg8[%get3A_341, %get3A_342, %get3A_343] {strides = array<i32>} : memref<4x48x256xf32, #tpu.memory_space<vmem>>, vector<1x1x16xf32>,
        %get3A_345 = vector.shape_cast %get3A_344 : vector<1x1x16xf32> to vector<16xf32>
        %mul3A_346 = vector.broadcast %squeeze3A_312 : f32 to vector<16xf32>
        %mul3A_347 = arith.mulf %mul3A_346, %get3A_345 : vector<16xf32>
        %add3A_348 = arith.addf %add3A_335, %mul3A_347 : vector<16xf32>
        %swap3A = arith.constant 2 : i32
        %swap3A_349 = arith.index_cast %swap3A : i32 to index
        %swap3A_350 = arith.index_cast %scan3A_301 : i32 to index
        %swap3A_351 = arith.constant 0 : index
        %swap3A_352 = tpu.vector_load %arg9[%swap3A_349, %swap3A_350, %swap3A_351] {strides = array<i32>} : memref<4x16x256xf32, #tpu.memory_space<vmem>>, vector<1x1x16xf32>,
        %swap3A_353 = vector.shape_cast %swap3A_352 : vector<1x1x16xf32> to vector<16xf32>
        %swap3A_354 = vector.shape_cast %add3A_348 : vector<16xf32> to vector<1x1x16xf32>
        tpu.vector_store %arg9[%swap3A_349, %swap3A_350, %swap3A_351], %swap3A_354 {strides = array<i32>} : memref<4x16x256xf32, #tpu.memory_space<vmem>>, vector<1x1x16xf32>,
        %mul3A_355 = arith.constant 3 : i32
        %mul3A_356 = arith.muli %mul3A_355, %scan3A_301 : i32
        %get3A_357 = arith.constant 2 : i32
        %get3A_358 = arith.index_cast %get3A_357 : i32 to index
        %get3A_359 = arith.index_cast %mul3A_356 : i32 to index
        %get3A_360 = arith.constant 16 : index
        %get3A_361 = tpu.vector_load %arg8[%get3A_358, %get3A_359, %get3A_360] {strides = array<i32>} : memref<4x48x256xf32, #tpu.memory_space<vmem>>, vector<1x1x16xf32>,
        %get3A_362 = vector.shape_cast %get3A_361 : vector<1x1x16xf32> to vector<16xf32>
        %mul3A_363 = vector.broadcast %squeeze3A : f32 to vector<16xf32>
        %mul3A_364 = arith.mulf %mul3A_363, %get3A_362 : vector<16xf32>
        %mul3A_365 = arith.constant 3 : i32
        %mul3A_366 = arith.muli %mul3A_365, %scan3A_301 : i32
        %add3A_367 = arith.constant 1 : i32
        %add3A_368 = arith.addi %mul3A_366, %add3A_367 : i32
        %get3A_369 = arith.constant 2 : i32
        %get3A_370 = arith.index_cast %get3A_369 : i32 to index
        %get3A_371 = arith.index_cast %add3A_368 : i32 to index
        %get3A_372 = arith.constant 16 : index
        %get3A_373 = tpu.vector_load %arg8[%get3A_370, %get3A_371, %get3A_372] {strides = array<i32>} : memref<4x48x256xf32, #tpu.memory_space<vmem>>, vector<1x1x16xf32>,
        %get3A_374 = vector.shape_cast %get3A_373 : vector<1x1x16xf32> to vector<16xf32>
        %mul3A_375 = vector.broadcast %squeeze3A_310 : f32 to vector<16xf32>
        %mul3A_376 = arith.mulf %mul3A_375, %get3A_374 : vector<16xf32>
        %add3A_377 = arith.addf %mul3A_364, %mul3A_376 : vector<16xf32>
        %mul3A_378 = arith.constant 3 : i32
        %mul3A_379 = arith.muli %mul3A_378, %scan3A_301 : i32
        %add3A_380 = arith.constant 2 : i32
        %add3A_381 = arith.addi %mul3A_379, %add3A_380 : i32
        %get3A_382 = arith.constant 2 : i32
        %get3A_383 = arith.index_cast %get3A_382 : i32 to index
        %get3A_384 = arith.index_cast %add3A_381 : i32 to index
        %get3A_385 = arith.constant 16 : index
        %get3A_386 = tpu.vector_load %arg8[%get3A_383, %get3A_384, %get3A_385] {strides = array<i32>} : memref<4x48x256xf32, #tpu.memory_space<vmem>>, vector<1x1x16xf32>,
        %get3A_387 = vector.shape_cast %get3A_386 : vector<1x1x16xf32> to vector<16xf32>
        %mul3A_388 = vector.broadcast %squeeze3A_312 : f32 to vector<16xf32>
        %mul3A_389 = arith.mulf %mul3A_388, %get3A_387 : vector<16xf32>
        %add3A_390 = arith.addf %add3A_377, %mul3A_389 : vector<16xf32>
        %swap3A_391 = arith.constant 2 : i32
        %swap3A_392 = arith.index_cast %swap3A_391 : i32 to index
        %swap3A_393 = arith.index_cast %scan3A_301 : i32 to index
        %swap3A_394 = arith.constant 16 : index
        %swap3A_395 = tpu.vector_load %arg9[%swap3A_392, %swap3A_393, %swap3A_394] {strides = array<i32>} : memref<4x16x256xf32, #tpu.memory_space<vmem>>, vector<1x1x16xf32>,
        %swap3A_396 = vector.shape_cast %swap3A_395 : vector<1x1x16xf32> to vector<16xf32>
        %swap3A_397 = vector.shape_cast %add3A_390 : vector<16xf32> to vector<1x1x16xf32>
        tpu.vector_store %arg9[%swap3A_392, %swap3A_393, %swap3A_394], %swap3A_397 {strides = array<i32>} : memref<4x16x256xf32, #tpu.memory_space<vmem>>, vector<1x1x16xf32>,
        %mul3A_398 = arith.constant 3 : i32
        %mul3A_399 = arith.muli %mul3A_398, %scan3A_301 : i32
        %get3A_400 = arith.constant 2 : i32
        %get3A_401 = arith.index_cast %get3A_400 : i32 to index
        %get3A_402 = arith.index_cast %mul3A_399 : i32 to index
        %get3A_403 = arith.constant 32 : index
        %get3A_404 = tpu.vector_load %arg8[%get3A_401, %get3A_402, %get3A_403] {strides = array<i32>} : memref<4x48x256xf32, #tpu.memory_space<vmem>>, vector<1x1x16xf32>,
        %get3A_405 = vector.shape_cast %get3A_404 : vector<1x1x16xf32> to vector<16xf32>
        %mul3A_406 = vector.broadcast %squeeze3A : f32 to vector<16xf32>
        %mul3A_407 = arith.mulf %mul3A_406, %get3A_405 : vector<16xf32>
        %mul3A_408 = arith.constant 3 : i32
        %mul3A_409 = arith.muli %mul3A_408, %scan3A_301 : i32
        %add3A_410 = arith.constant 1 : i32
        %add3A_411 = arith.addi %mul3A_409, %add3A_410 : i32
        %get3A_412 = arith.constant 2 : i32
        %get3A_413 = arith.index_cast %get3A_412 : i32 to index
        %get3A_414 = arith.index_cast %add3A_411 : i32 to index
        %get3A_415 = arith.constant 32 : index
        %get3A_416 = tpu.vector_load %arg8[%get3A_413, %get3A_414, %get3A_415] {strides = array<i32>} : memref<4x48x256xf32, #tpu.memory_space<vmem>>, vector<1x1x16xf32>,
        %get3A_417 = vector.shape_cast %get3A_416 : vector<1x1x16xf32> to vector<16xf32>
        %mul3A_418 = vector.broadcast %squeeze3A_310 : f32 to vector<16xf32>
        %mul3A_419 = arith.mulf %mul3A_418, %get3A_417 : vector<16xf32>
        %add3A_420 = arith.addf %mul3A_407, %mul3A_419 : vector<16xf32>
        %mul3A_421 = arith.constant 3 : i32
        %mul3A_422 = arith.muli %mul3A_421, %scan3A_301 : i32
        %add3A_423 = arith.constant 2 : i32
        %add3A_424 = arith.addi %mul3A_422, %add3A_423 : i32
        %get3A_425 = arith.constant 2 : i32
        %get3A_426 = arith.index_cast %get3A_425 : i32 to index
        %get3A_427 = arith.index_cast %add3A_424 : i32 to index
        %get3A_428 = arith.constant 32 : index
        %get3A_429 = tpu.vector_load %arg8[%get3A_426, %get3A_427, %get3A_428] {strides = array<i32>} : memref<4x48x256xf32, #tpu.memory_space<vmem>>, vector<1x1x16xf32>,
        %get3A_430 = vector.shape_cast %get3A_429 : vector<1x1x16xf32> to vector<16xf32>
        %mul3A_431 = vector.broadcast %squeeze3A_312 : f32 to vector<16xf32>
        %mul3A_432 = arith.mulf %mul3A_431, %get3A_430 : vector<16xf32>
        %add3A_433 = arith.addf %add3A_420, %mul3A_432 : vector<16xf32>
        %swap3A_434 = arith.constant 2 : i32
        %swap3A_435 = arith.index_cast %swap3A_434 : i32 to index
        %swap3A_436 = arith.index_cast %scan3A_301 : i32 to index
        %swap3A_437 = arith.constant 32 : index
        %swap3A_438 = tpu.vector_load %arg9[%swap3A_435, %swap3A_436, %swap3A_437] {strides = array<i32>} : memref<4x16x256xf32, #tpu.memory_space<vmem>>, vector<1x1x16xf32>,
        %swap3A_439 = vector.shape_cast %swap3A_438 : vector<1x1x16xf32> to vector<16xf32>
        %swap3A_440 = vector.shape_cast %add3A_433 : vector<16xf32> to vector<1x1x16xf32>
        tpu.vector_store %arg9[%swap3A_435, %swap3A_436, %swap3A_437], %swap3A_440 {strides = array<i32>} : memref<4x16x256xf32, #tpu.memory_space<vmem>>, vector<1x1x16xf32>,
        %mul3A_441 = arith.constant 3 : i32
        %mul3A_442 = arith.muli %mul3A_441, %scan3A_301 : i32
        %get3A_443 = arith.constant 2 : i32
        %get3A_444 = arith.index_cast %get3A_443 : i32 to index
        %get3A_445 = arith.index_cast %mul3A_442 : i32 to index
        %get3A_446 = arith.constant 48 : index
        %get3A_447 = tpu.vector_load %arg8[%get3A_444, %get3A_445, %get3A_446] {strides = array<i32>} : memref<4x48x256xf32, #tpu.memory_space<vmem>>, vector<1x1x16xf32>,
        %get3A_448 = vector.shape_cast %get3A_447 : vector<1x1x16xf32> to vector<16xf32>
        %mul3A_449 = vector.broadcast %squeeze3A : f32 to vector<16xf32>
        %mul3A_450 = arith.mulf %mul3A_449, %get3A_448 : vector<16xf32>
        %mul3A_451 = arith.constant 3 : i32
        %mul3A_452 = arith.muli %mul3A_451, %scan3A_301 : i32
        %add3A_453 = arith.constant 1 : i32
        %add3A_454 = arith.addi %mul3A_452, %add3A_453 : i32
        %get3A_455 = arith.constant 2 : i32
        %get3A_456 = arith.index_cast %get3A_455 : i32 to index
        %get3A_457 = arith.index_cast %add3A_454 : i32 to index
        %get3A_458 = arith.constant 48 : index
        %get3A_459 = tpu.vector_load %arg8[%get3A_456, %get3A_457, %get3A_458] {strides = array<i32>} : memref<4x48x256xf32, #tpu.memory_space<vmem>>, vector<1x1x16xf32>,
        %get3A_460 = vector.shape_cast %get3A_459 : vector<1x1x16xf32> to vector<16xf32>
        %mul3A_461 = vector.broadcast %squeeze3A_310 : f32 to vector<16xf32>
        %mul3A_462 = arith.mulf %mul3A_461, %get3A_460 : vector<16xf32>
        %add3A_463 = arith.addf %mul3A_450, %mul3A_462 : vector<16xf32>
        %mul3A_464 = arith.constant 3 : i32
        %mul3A_465 = arith.muli %mul3A_464, %scan3A_301 : i32
        %add3A_466 = arith.constant 2 : i32
        %add3A_467 = arith.addi %mul3A_465, %add3A_466 : i32
        %get3A_468 = arith.constant 2 : i32
        %get3A_469 = arith.index_cast %get3A_468 : i32 to index
        %get3A_470 = arith.index_cast %add3A_467 : i32 to index
        %get3A_471 = arith.constant 48 : index
        %get3A_472 = tpu.vector_load %arg8[%get3A_469, %get3A_470, %get3A_471] {strides = array<i32>} : memref<4x48x256xf32, #tpu.memory_space<vmem>>, vector<1x1x16xf32>,
        %get3A_473 = vector.shape_cast %get3A_472 : vector<1x1x16xf32> to vector<16xf32>
        %mul3A_474 = vector.broadcast %squeeze3A_312 : f32 to vector<16xf32>
        %mul3A_475 = arith.mulf %mul3A_474, %get3A_473 : vector<16xf32>
        %add3A_476 = arith.addf %add3A_463, %mul3A_475 : vector<16xf32>
        %swap3A_477 = arith.constant 2 : i32
        %swap3A_478 = arith.index_cast %swap3A_477 : i32 to index
        %swap3A_479 = arith.index_cast %scan3A_301 : i32 to index
        %swap3A_480 = arith.constant 48 : index
        %swap3A_481 = tpu.vector_load %arg9[%swap3A_478, %swap3A_479, %swap3A_480] {strides = array<i32>} : memref<4x16x256xf32, #tpu.memory_space<vmem>>, vector<1x1x16xf32>,
        %swap3A_482 = vector.shape_cast %swap3A_481 : vector<1x1x16xf32> to vector<16xf32>
        %swap3A_483 = vector.shape_cast %add3A_476 : vector<16xf32> to vector<1x1x16xf32>
        tpu.vector_store %arg9[%swap3A_478, %swap3A_479, %swap3A_480], %swap3A_483 {strides = array<i32>} : memref<4x16x256xf32, #tpu.memory_space<vmem>>, vector<1x1x16xf32>,
        %mul3A_484 = arith.constant 3 : i32
        %mul3A_485 = arith.muli %mul3A_484, %scan3A_301 : i32
        %get3A_486 = arith.constant 2 : i32
        %get3A_487 = arith.index_cast %get3A_486 : i32 to index
        %get3A_488 = arith.index_cast %mul3A_485 : i32 to index
        %get3A_489 = arith.constant 64 : index
        %get3A_490 = tpu.vector_load %arg8[%get3A_487, %get3A_488, %get3A_489] {strides = array<i32>} : memref<4x48x256xf32, #tpu.memory_space<vmem>>, vector<1x1x16xf32>,
        %get3A_491 = vector.shape_cast %get3A_490 : vector<1x1x16xf32> to vector<16xf32>
        %mul3A_492 = vector.broadcast %squeeze3A : f32 to vector<16xf32>
        %mul3A_493 = arith.mulf %mul3A_492, %get3A_491 : vector<16xf32>
        %mul3A_494 = arith.constant 3 : i32
        %mul3A_495 = arith.muli %mul3A_494, %scan3A_301 : i32
        %add3A_496 = arith.constant 1 : i32
        %add3A_497 = arith.addi %mul3A_495, %add3A_496 : i32
        %get3A_498 = arith.constant 2 : i32
        %get3A_499 = arith.index_cast %get3A_498 : i32 to index
        %get3A_500 = arith.index_cast %add3A_497 : i32 to index
        %get3A_501 = arith.constant 64 : index
        %get3A_502 = tpu.vector_load %arg8[%get3A_499, %get3A_500, %get3A_501] {strides = array<i32>} : memref<4x48x256xf32, #tpu.memory_space<vmem>>, vector<1x1x16xf32>,
        %get3A_503 = vector.shape_cast %get3A_502 : vector<1x1x16xf32> to vector<16xf32>
        %mul3A_504 = vector.broadcast %squeeze3A_310 : f32 to vector<16xf32>
        %mul3A_505 = arith.mulf %mul3A_504, %get3A_503 : vector<16xf32>
        %add3A_506 = arith.addf %mul3A_493, %mul3A_505 : vector<16xf32>
        %mul3A_507 = arith.constant 3 : i32
        %mul3A_508 = arith.muli %mul3A_507, %scan3A_301 : i32
        %add3A_509 = arith.constant 2 : i32
        %add3A_510 = arith.addi %mul3A_508, %add3A_509 : i32
        %get3A_511 = arith.constant 2 : i32
        %get3A_512 = arith.index_cast %get3A_511 : i32 to index
        %get3A_513 = arith.index_cast %add3A_510 : i32 to index
        %get3A_514 = arith.constant 64 : index
        %get3A_515 = tpu.vector_load %arg8[%get3A_512, %get3A_513, %get3A_514] {strides = array<i32>} : memref<4x48x256xf32, #tpu.memory_space<vmem>>, vector<1x1x16xf32>,
        %get3A_516 = vector.shape_cast %get3A_515 : vector<1x1x16xf32> to vector<16xf32>
        %mul3A_517 = vector.broadcast %squeeze3A_312 : f32 to vector<16xf32>
        %mul3A_518 = arith.mulf %mul3A_517, %get3A_516 : vector<16xf32>
        %add3A_519 = arith.addf %add3A_506, %mul3A_518 : vector<16xf32>
        %swap3A_520 = arith.constant 2 : i32
        %swap3A_521 = arith.index_cast %swap3A_520 : i32 to index
        %swap3A_522 = arith.index_cast %scan3A_301 : i32 to index
        %swap3A_523 = arith.constant 64 : index
        %swap3A_524 = tpu.vector_load %arg9[%swap3A_521, %swap3A_522, %swap3A_523] {strides = array<i32>} : memref<4x16x256xf32, #tpu.memory_space<vmem>>, vector<1x1x16xf32>,
        %swap3A_525 = vector.shape_cast %swap3A_524 : vector<1x1x16xf32> to vector<16xf32>
        %swap3A_526 = vector.shape_cast %add3A_519 : vector<16xf32> to vector<1x1x16xf32>
        tpu.vector_store %arg9[%swap3A_521, %swap3A_522, %swap3A_523], %swap3A_526 {strides = array<i32>} : memref<4x16x256xf32, #tpu.memory_space<vmem>>, vector<1x1x16xf32>,
        %mul3A_527 = arith.constant 3 : i32
        %mul3A_528 = arith.muli %mul3A_527, %scan3A_301 : i32
        %get3A_529 = arith.constant 2 : i32
        %get3A_530 = arith.index_cast %get3A_529 : i32 to index
        %get3A_531 = arith.index_cast %mul3A_528 : i32 to index
        %get3A_532 = arith.constant 80 : index
        %get3A_533 = tpu.vector_load %arg8[%get3A_530, %get3A_531, %get3A_532] {strides = array<i32>} : memref<4x48x256xf32, #tpu.memory_space<vmem>>, vector<1x1x16xf32>,
        %get3A_534 = vector.shape_cast %get3A_533 : vector<1x1x16xf32> to vector<16xf32>
        %mul3A_535 = vector.broadcast %squeeze3A : f32 to vector<16xf32>
        %mul3A_536 = arith.mulf %mul3A_535, %get3A_534 : vector<16xf32>
        %mul3A_537 = arith.constant 3 : i32
        %mul3A_538 = arith.muli %mul3A_537, %scan3A_301 : i32
        %add3A_539 = arith.constant 1 : i32
        %add3A_540 = arith.addi %mul3A_538, %add3A_539 : i32
        %get3A_541 = arith.constant 2 : i32
        %get3A_542 = arith.index_cast %get3A_541 : i32 to index
        %get3A_543 = arith.index_cast %add3A_540 : i32 to index
        %get3A_544 = arith.constant 80 : index
        %get3A_545 = tpu.vector_load %arg8[%get3A_542, %get3A_543, %get3A_544] {strides = array<i32>} : memref<4x48x256xf32, #tpu.memory_space<vmem>>, vector<1x1x16xf32>,
        %get3A_546 = vector.shape_cast %get3A_545 : vector<1x1x16xf32> to vector<16xf32>
        %mul3A_547 = vector.broadcast %squeeze3A_310 : f32 to vector<16xf32>
        %mul3A_548 = arith.mulf %mul3A_547, %get3A_546 : vector<16xf32>
        %add3A_549 = arith.addf %mul3A_536, %mul3A_548 : vector<16xf32>
        %mul3A_550 = arith.constant 3 : i32
        %mul3A_551 = arith.muli %mul3A_550, %scan3A_301 : i32
        %add3A_552 = arith.constant 2 : i32
        %add3A_553 = arith.addi %mul3A_551, %add3A_552 : i32
        %get3A_554 = arith.constant 2 : i32
        %get3A_555 = arith.index_cast %get3A_554 : i32 to index
        %get3A_556 = arith.index_cast %add3A_553 : i32 to index
        %get3A_557 = arith.constant 80 : index
        %get3A_558 = tpu.vector_load %arg8[%get3A_555, %get3A_556, %get3A_557] {strides = array<i32>} : memref<4x48x256xf32, #tpu.memory_space<vmem>>, vector<1x1x16xf32>,
        %get3A_559 = vector.shape_cast %get3A_558 : vector<1x1x16xf32> to vector<16xf32>
        %mul3A_560 = vector.broadcast %squeeze3A_312 : f32 to vector<16xf32>
        %mul3A_561 = arith.mulf %mul3A_560, %get3A_559 : vector<16xf32>
        %add3A_562 = arith.addf %add3A_549, %mul3A_561 : vector<16xf32>
        %swap3A_563 = arith.constant 2 : i32
        %swap3A_564 = arith.index_cast %swap3A_563 : i32 to index
        %swap3A_565 = arith.index_cast %scan3A_301 : i32 to index
        %swap3A_566 = arith.constant 80 : index
        %swap3A_567 = tpu.vector_load %arg9[%swap3A_564, %swap3A_565, %swap3A_566] {strides = array<i32>} : memref<4x16x256xf32, #tpu.memory_space<vmem>>, vector<1x1x16xf32>,
        %swap3A_568 = vector.shape_cast %swap3A_567 : vector<1x1x16xf32> to vector<16xf32>
        %swap3A_569 = vector.shape_cast %add3A_562 : vector<16xf32> to vector<1x1x16xf32>
        tpu.vector_store %arg9[%swap3A_564, %swap3A_565, %swap3A_566], %swap3A_569 {strides = array<i32>} : memref<4x16x256xf32, #tpu.memory_space<vmem>>, vector<1x1x16xf32>,
        %mul3A_570 = arith.constant 3 : i32
        %mul3A_571 = arith.muli %mul3A_570, %scan3A_301 : i32
        %get3A_572 = arith.constant 2 : i32
        %get3A_573 = arith.index_cast %get3A_572 : i32 to index
        %get3A_574 = arith.index_cast %mul3A_571 : i32 to index
        %get3A_575 = arith.constant 96 : index
        %get3A_576 = tpu.vector_load %arg8[%get3A_573, %get3A_574, %get3A_575] {strides = array<i32>} : memref<4x48x256xf32, #tpu.memory_space<vmem>>, vector<1x1x16xf32>,
        %get3A_577 = vector.shape_cast %get3A_576 : vector<1x1x16xf32> to vector<16xf32>
        %mul3A_578 = vector.broadcast %squeeze3A : f32 to vector<16xf32>
        %mul3A_579 = arith.mulf %mul3A_578, %get3A_577 : vector<16xf32>
        %mul3A_580 = arith.constant 3 : i32
        %mul3A_581 = arith.muli %mul3A_580, %scan3A_301 : i32
        %add3A_582 = arith.constant 1 : i32
        %add3A_583 = arith.addi %mul3A_581, %add3A_582 : i32
        %get3A_584 = arith.constant 2 : i32
        %get3A_585 = arith.index_cast %get3A_584 : i32 to index
        %get3A_586 = arith.index_cast %add3A_583 : i32 to index
        %get3A_587 = arith.constant 96 : index
        %get3A_588 = tpu.vector_load %arg8[%get3A_585, %get3A_586, %get3A_587] {strides = array<i32>} : memref<4x48x256xf32, #tpu.memory_space<vmem>>, vector<1x1x16xf32>,
        %get3A_589 = vector.shape_cast %get3A_588 : vector<1x1x16xf32> to vector<16xf32>
        %mul3A_590 = vector.broadcast %squeeze3A_310 : f32 to vector<16xf32>
        %mul3A_591 = arith.mulf %mul3A_590, %get3A_589 : vector<16xf32>
        %add3A_592 = arith.addf %mul3A_579, %mul3A_591 : vector<16xf32>
        %mul3A_593 = arith.constant 3 : i32
        %mul3A_594 = arith.muli %mul3A_593, %scan3A_301 : i32
        %add3A_595 = arith.constant 2 : i32
        %add3A_596 = arith.addi %mul3A_594, %add3A_595 : i32
        %get3A_597 = arith.constant 2 : i32
        %get3A_598 = arith.index_cast %get3A_597 : i32 to index
        %get3A_599 = arith.index_cast %add3A_596 : i32 to index
        %get3A_600 = arith.constant 96 : index
        %get3A_601 = tpu.vector_load %arg8[%get3A_598, %get3A_599, %get3A_600] {strides = array<i32>} : memref<4x48x256xf32, #tpu.memory_space<vmem>>, vector<1x1x16xf32>,
        %get3A_602 = vector.shape_cast %get3A_601 : vector<1x1x16xf32> to vector<16xf32>
        %mul3A_603 = vector.broadcast %squeeze3A_312 : f32 to vector<16xf32>
        %mul3A_604 = arith.mulf %mul3A_603, %get3A_602 : vector<16xf32>
        %add3A_605 = arith.addf %add3A_592, %mul3A_604 : vector<16xf32>
        %swap3A_606 = arith.constant 2 : i32
        %swap3A_607 = arith.index_cast %swap3A_606 : i32 to index
        %swap3A_608 = arith.index_cast %scan3A_301 : i32 to index
        %swap3A_609 = arith.constant 96 : index
        %swap3A_610 = tpu.vector_load %arg9[%swap3A_607, %swap3A_608, %swap3A_609] {strides = array<i32>} : memref<4x16x256xf32, #tpu.memory_space<vmem>>, vector<1x1x16xf32>,
        %swap3A_611 = vector.shape_cast %swap3A_610 : vector<1x1x16xf32> to vector<16xf32>
        %swap3A_612 = vector.shape_cast %add3A_605 : vector<16xf32> to vector<1x1x16xf32>
        tpu.vector_store %arg9[%swap3A_607, %swap3A_608, %swap3A_609], %swap3A_612 {strides = array<i32>} : memref<4x16x256xf32, #tpu.memory_space<vmem>>, vector<1x1x16xf32>,
        %mul3A_613 = arith.constant 3 : i32
        %mul3A_614 = arith.muli %mul3A_613, %scan3A_301 : i32
        %get3A_615 = arith.constant 2 : i32
        %get3A_616 = arith.index_cast %get3A_615 : i32 to index
        %get3A_617 = arith.index_cast %mul3A_614 : i32 to index
        %get3A_618 = arith.constant 112 : index
        %get3A_619 = tpu.vector_load %arg8[%get3A_616, %get3A_617, %get3A_618] {strides = array<i32>} : memref<4x48x256xf32, #tpu.memory_space<vmem>>, vector<1x1x16xf32>,
        %get3A_620 = vector.shape_cast %get3A_619 : vector<1x1x16xf32> to vector<16xf32>
        %mul3A_621 = vector.broadcast %squeeze3A : f32 to vector<16xf32>
        %mul3A_622 = arith.mulf %mul3A_621, %get3A_620 : vector<16xf32>
        %mul3A_623 = arith.constant 3 : i32
        %mul3A_624 = arith.muli %mul3A_623, %scan3A_301 : i32
        %add3A_625 = arith.constant 1 : i32
        %add3A_626 = arith.addi %mul3A_624, %add3A_625 : i32
        %get3A_627 = arith.constant 2 : i32
        %get3A_628 = arith.index_cast %get3A_627 : i32 to index
        %get3A_629 = arith.index_cast %add3A_626 : i32 to index
        %get3A_630 = arith.constant 112 : index
        %get3A_631 = tpu.vector_load %arg8[%get3A_628, %get3A_629, %get3A_630] {strides = array<i32>} : memref<4x48x256xf32, #tpu.memory_space<vmem>>, vector<1x1x16xf32>,
        %get3A_632 = vector.shape_cast %get3A_631 : vector<1x1x16xf32> to vector<16xf32>
        %mul3A_633 = vector.broadcast %squeeze3A_310 : f32 to vector<16xf32>
        %mul3A_634 = arith.mulf %mul3A_633, %get3A_632 : vector<16xf32>
        %add3A_635 = arith.addf %mul3A_622, %mul3A_634 : vector<16xf32>
        %mul3A_636 = arith.constant 3 : i32
        %mul3A_637 = arith.muli %mul3A_636, %scan3A_301 : i32
        %add3A_638 = arith.constant 2 : i32
        %add3A_639 = arith.addi %mul3A_637, %add3A_638 : i32
        %get3A_640 = arith.constant 2 : i32
        %get3A_641 = arith.index_cast %get3A_640 : i32 to index
        %get3A_642 = arith.index_cast %add3A_639 : i32 to index
        %get3A_643 = arith.constant 112 : index
        %get3A_644 = tpu.vector_load %arg8[%get3A_641, %get3A_642, %get3A_643] {strides = array<i32>} : memref<4x48x256xf32, #tpu.memory_space<vmem>>, vector<1x1x16xf32>,
        %get3A_645 = vector.shape_cast %get3A_644 : vector<1x1x16xf32> to vector<16xf32>
        %mul3A_646 = vector.broadcast %squeeze3A_312 : f32 to vector<16xf32>
        %mul3A_647 = arith.mulf %mul3A_646, %get3A_645 : vector<16xf32>
        %add3A_648 = arith.addf %add3A_635, %mul3A_647 : vector<16xf32>
        %swap3A_649 = arith.constant 2 : i32
        %swap3A_650 = arith.index_cast %swap3A_649 : i32 to index
        %swap3A_651 = arith.index_cast %scan3A_301 : i32 to index
        %swap3A_652 = arith.constant 112 : index
        %swap3A_653 = tpu.vector_load %arg9[%swap3A_650, %swap3A_651, %swap3A_652] {strides = array<i32>} : memref<4x16x256xf32, #tpu.memory_space<vmem>>, vector<1x1x16xf32>,
        %swap3A_654 = vector.shape_cast %swap3A_653 : vector<1x1x16xf32> to vector<16xf32>
        %swap3A_655 = vector.shape_cast %add3A_648 : vector<16xf32> to vector<1x1x16xf32>
        tpu.vector_store %arg9[%swap3A_650, %swap3A_651, %swap3A_652], %swap3A_655 {strides = array<i32>} : memref<4x16x256xf32, #tpu.memory_space<vmem>>, vector<1x1x16xf32>,
        %mul3A_656 = arith.constant 3 : i32
        %mul3A_657 = arith.muli %mul3A_656, %scan3A_301 : i32
        %get3A_658 = arith.constant 2 : i32
        %get3A_659 = arith.index_cast %get3A_658 : i32 to index
        %get3A_660 = arith.index_cast %mul3A_657 : i32 to index
        %get3A_661 = arith.constant 128 : index
        %get3A_662 = tpu.vector_load %arg8[%get3A_659, %get3A_660, %get3A_661] {strides = array<i32>} : memref<4x48x256xf32, #tpu.memory_space<vmem>>, vector<1x1x16xf32>,
        %get3A_663 = vector.shape_cast %get3A_662 : vector<1x1x16xf32> to vector<16xf32>
        %mul3A_664 = vector.broadcast %squeeze3A : f32 to vector<16xf32>
        %mul3A_665 = arith.mulf %mul3A_664, %get3A_663 : vector<16xf32>
        %mul3A_666 = arith.constant 3 : i32
        %mul3A_667 = arith.muli %mul3A_666, %scan3A_301 : i32
        %add3A_668 = arith.constant 1 : i32
        %add3A_669 = arith.addi %mul3A_667, %add3A_668 : i32
        %get3A_670 = arith.constant 2 : i32
        %get3A_671 = arith.index_cast %get3A_670 : i32 to index
        %get3A_672 = arith.index_cast %add3A_669 : i32 to index
        %get3A_673 = arith.constant 128 : index
        %get3A_674 = tpu.vector_load %arg8[%get3A_671, %get3A_672, %get3A_673] {strides = array<i32>} : memref<4x48x256xf32, #tpu.memory_space<vmem>>, vector<1x1x16xf32>,
        %get3A_675 = vector.shape_cast %get3A_674 : vector<1x1x16xf32> to vector<16xf32>
        %mul3A_676 = vector.broadcast %squeeze3A_310 : f32 to vector<16xf32>
        %mul3A_677 = arith.mulf %mul3A_676, %get3A_675 : vector<16xf32>
        %add3A_678 = arith.addf %mul3A_665, %mul3A_677 : vector<16xf32>
        %mul3A_679 = arith.constant 3 : i32
        %mul3A_680 = arith.muli %mul3A_679, %scan3A_301 : i32
        %add3A_681 = arith.constant 2 : i32
        %add3A_682 = arith.addi %mul3A_680, %add3A_681 : i32
        %get3A_683 = arith.constant 2 : i32
        %get3A_684 = arith.index_cast %get3A_683 : i32 to index
        %get3A_685 = arith.index_cast %add3A_682 : i32 to index
        %get3A_686 = arith.constant 128 : index
        %get3A_687 = tpu.vector_load %arg8[%get3A_684, %get3A_685, %get3A_686] {strides = array<i32>} : memref<4x48x256xf32, #tpu.memory_space<vmem>>, vector<1x1x16xf32>,
        %get3A_688 = vector.shape_cast %get3A_687 : vector<1x1x16xf32> to vector<16xf32>
        %mul3A_689 = vector.broadcast %squeeze3A_312 : f32 to vector<16xf32>
        %mul3A_690 = arith.mulf %mul3A_689, %get3A_688 : vector<16xf32>
        %add3A_691 = arith.addf %add3A_678, %mul3A_690 : vector<16xf32>
        %swap3A_692 = arith.constant 2 : i32
        %swap3A_693 = arith.index_cast %swap3A_692 : i32 to index
        %swap3A_694 = arith.index_cast %scan3A_301 : i32 to index
        %swap3A_695 = arith.constant 128 : index
        %swap3A_696 = tpu.vector_load %arg9[%swap3A_693, %swap3A_694, %swap3A_695] {strides = array<i32>} : memref<4x16x256xf32, #tpu.memory_space<vmem>>, vector<1x1x16xf32>,
        %swap3A_697 = vector.shape_cast %swap3A_696 : vector<1x1x16xf32> to vector<16xf32>
        %swap3A_698 = vector.shape_cast %add3A_691 : vector<16xf32> to vector<1x1x16xf32>
        tpu.vector_store %arg9[%swap3A_693, %swap3A_694, %swap3A_695], %swap3A_698 {strides = array<i32>} : memref<4x16x256xf32, #tpu.memory_space<vmem>>, vector<1x1x16xf32>,
        %mul3A_699 = arith.constant 3 : i32
        %mul3A_700 = arith.muli %mul3A_699, %scan3A_301 : i32
        %get3A_701 = arith.constant 2 : i32
        %get3A_702 = arith.index_cast %get3A_701 : i32 to index
        %get3A_703 = arith.index_cast %mul3A_700 : i32 to index
        %get3A_704 = arith.constant 144 : index
        %get3A_705 = tpu.vector_load %arg8[%get3A_702, %get3A_703, %get3A_704] {strides = array<i32>} : memref<4x48x256xf32, #tpu.memory_space<vmem>>, vector<1x1x16xf32>,
        %get3A_706 = vector.shape_cast %get3A_705 : vector<1x1x16xf32> to vector<16xf32>
        %mul3A_707 = vector.broadcast %squeeze3A : f32 to vector<16xf32>
        %mul3A_708 = arith.mulf %mul3A_707, %get3A_706 : vector<16xf32>
        %mul3A_709 = arith.constant 3 : i32
        %mul3A_710 = arith.muli %mul3A_709, %scan3A_301 : i32
        %add3A_711 = arith.constant 1 : i32
        %add3A_712 = arith.addi %mul3A_710, %add3A_711 : i32
        %get3A_713 = arith.constant 2 : i32
        %get3A_714 = arith.index_cast %get3A_713 : i32 to index
        %get3A_715 = arith.index_cast %add3A_712 : i32 to index
        %get3A_716 = arith.constant 144 : index
        %get3A_717 = tpu.vector_load %arg8[%get3A_714, %get3A_715, %get3A_716] {strides = array<i32>} : memref<4x48x256xf32, #tpu.memory_space<vmem>>, vector<1x1x16xf32>,
        %get3A_718 = vector.shape_cast %get3A_717 : vector<1x1x16xf32> to vector<16xf32>
        %mul3A_719 = vector.broadcast %squeeze3A_310 : f32 to vector<16xf32>
        %mul3A_720 = arith.mulf %mul3A_719, %get3A_718 : vector<16xf32>
        %add3A_721 = arith.addf %mul3A_708, %mul3A_720 : vector<16xf32>
        %mul3A_722 = arith.constant 3 : i32
        %mul3A_723 = arith.muli %mul3A_722, %scan3A_301 : i32
        %add3A_724 = arith.constant 2 : i32
        %add3A_725 = arith.addi %mul3A_723, %add3A_724 : i32
        %get3A_726 = arith.constant 2 : i32
        %get3A_727 = arith.index_cast %get3A_726 : i32 to index
        %get3A_728 = arith.index_cast %add3A_725 : i32 to index
        %get3A_729 = arith.constant 144 : index
        %get3A_730 = tpu.vector_load %arg8[%get3A_727, %get3A_728, %get3A_729] {strides = array<i32>} : memref<4x48x256xf32, #tpu.memory_space<vmem>>, vector<1x1x16xf32>,
        %get3A_731 = vector.shape_cast %get3A_730 : vector<1x1x16xf32> to vector<16xf32>
        %mul3A_732 = vector.broadcast %squeeze3A_312 : f32 to vector<16xf32>
        %mul3A_733 = arith.mulf %mul3A_732, %get3A_731 : vector<16xf32>
        %add3A_734 = arith.addf %add3A_721, %mul3A_733 : vector<16xf32>
        %swap3A_735 = arith.constant 2 : i32
        %swap3A_736 = arith.index_cast %swap3A_735 : i32 to index
        %swap3A_737 = arith.index_cast %scan3A_301 : i32 to index
        %swap3A_738 = arith.constant 144 : index
        %swap3A_739 = tpu.vector_load %arg9[%swap3A_736, %swap3A_737, %swap3A_738] {strides = array<i32>} : memref<4x16x256xf32, #tpu.memory_space<vmem>>, vector<1x1x16xf32>,
        %swap3A_740 = vector.shape_cast %swap3A_739 : vector<1x1x16xf32> to vector<16xf32>
        %swap3A_741 = vector.shape_cast %add3A_734 : vector<16xf32> to vector<1x1x16xf32>
        tpu.vector_store %arg9[%swap3A_736, %swap3A_737, %swap3A_738], %swap3A_741 {strides = array<i32>} : memref<4x16x256xf32, #tpu.memory_space<vmem>>, vector<1x1x16xf32>,
        %mul3A_742 = arith.constant 3 : i32
        %mul3A_743 = arith.muli %mul3A_742, %scan3A_301 : i32
        %get3A_744 = arith.constant 2 : i32
        %get3A_745 = arith.index_cast %get3A_744 : i32 to index
        %get3A_746 = arith.index_cast %mul3A_743 : i32 to index
        %get3A_747 = arith.constant 160 : index
        %get3A_748 = tpu.vector_load %arg8[%get3A_745, %get3A_746, %get3A_747] {strides = array<i32>} : memref<4x48x256xf32, #tpu.memory_space<vmem>>, vector<1x1x16xf32>,
        %get3A_749 = vector.shape_cast %get3A_748 : vector<1x1x16xf32> to vector<16xf32>
        %mul3A_750 = vector.broadcast %squeeze3A : f32 to vector<16xf32>
        %mul3A_751 = arith.mulf %mul3A_750, %get3A_749 : vector<16xf32>
        %mul3A_752 = arith.constant 3 : i32
        %mul3A_753 = arith.muli %mul3A_752, %scan3A_301 : i32
        %add3A_754 = arith.constant 1 : i32
        %add3A_755 = arith.addi %mul3A_753, %add3A_754 : i32
        %get3A_756 = arith.constant 2 : i32
        %get3A_757 = arith.index_cast %get3A_756 : i32 to index
        %get3A_758 = arith.index_cast %add3A_755 : i32 to index
        %get3A_759 = arith.constant 160 : index
        %get3A_760 = tpu.vector_load %arg8[%get3A_757, %get3A_758, %get3A_759] {strides = array<i32>} : memref<4x48x256xf32, #tpu.memory_space<vmem>>, vector<1x1x16xf32>,
        %get3A_761 = vector.shape_cast %get3A_760 : vector<1x1x16xf32> to vector<16xf32>
        %mul3A_762 = vector.broadcast %squeeze3A_310 : f32 to vector<16xf32>
        %mul3A_763 = arith.mulf %mul3A_762, %get3A_761 : vector<16xf32>
        %add3A_764 = arith.addf %mul3A_751, %mul3A_763 : vector<16xf32>
        %mul3A_765 = arith.constant 3 : i32
        %mul3A_766 = arith.muli %mul3A_765, %scan3A_301 : i32
        %add3A_767 = arith.constant 2 : i32
        %add3A_768 = arith.addi %mul3A_766, %add3A_767 : i32
        %get3A_769 = arith.constant 2 : i32
        %get3A_770 = arith.index_cast %get3A_769 : i32 to index
        %get3A_771 = arith.index_cast %add3A_768 : i32 to index
        %get3A_772 = arith.constant 160 : index
        %get3A_773 = tpu.vector_load %arg8[%get3A_770, %get3A_771, %get3A_772] {strides = array<i32>} : memref<4x48x256xf32, #tpu.memory_space<vmem>>, vector<1x1x16xf32>,
        %get3A_774 = vector.shape_cast %get3A_773 : vector<1x1x16xf32> to vector<16xf32>
        %mul3A_775 = vector.broadcast %squeeze3A_312 : f32 to vector<16xf32>
        %mul3A_776 = arith.mulf %mul3A_775, %get3A_774 : vector<16xf32>
        %add3A_777 = arith.addf %add3A_764, %mul3A_776 : vector<16xf32>
        %swap3A_778 = arith.constant 2 : i32
        %swap3A_779 = arith.index_cast %swap3A_778 : i32 to index
        %swap3A_780 = arith.index_cast %scan3A_301 : i32 to index
        %swap3A_781 = arith.constant 160 : index
        %swap3A_782 = tpu.vector_load %arg9[%swap3A_779, %swap3A_780, %swap3A_781] {strides = array<i32>} : memref<4x16x256xf32, #tpu.memory_space<vmem>>, vector<1x1x16xf32>,
        %swap3A_783 = vector.shape_cast %swap3A_782 : vector<1x1x16xf32> to vector<16xf32>
        %swap3A_784 = vector.shape_cast %add3A_777 : vector<16xf32> to vector<1x1x16xf32>
        tpu.vector_store %arg9[%swap3A_779, %swap3A_780, %swap3A_781], %swap3A_784 {strides = array<i32>} : memref<4x16x256xf32, #tpu.memory_space<vmem>>, vector<1x1x16xf32>,
        %mul3A_785 = arith.constant 3 : i32
        %mul3A_786 = arith.muli %mul3A_785, %scan3A_301 : i32
        %get3A_787 = arith.constant 2 : i32
        %get3A_788 = arith.index_cast %get3A_787 : i32 to index
        %get3A_789 = arith.index_cast %mul3A_786 : i32 to index
        %get3A_790 = arith.constant 176 : index
        %get3A_791 = tpu.vector_load %arg8[%get3A_788, %get3A_789, %get3A_790] {strides = array<i32>} : memref<4x48x256xf32, #tpu.memory_space<vmem>>, vector<1x1x16xf32>,
        %get3A_792 = vector.shape_cast %get3A_791 : vector<1x1x16xf32> to vector<16xf32>
        %mul3A_793 = vector.broadcast %squeeze3A : f32 to vector<16xf32>
        %mul3A_794 = arith.mulf %mul3A_793, %get3A_792 : vector<16xf32>
        %mul3A_795 = arith.constant 3 : i32
        %mul3A_796 = arith.muli %mul3A_795, %scan3A_301 : i32
        %add3A_797 = arith.constant 1 : i32
        %add3A_798 = arith.addi %mul3A_796, %add3A_797 : i32
        %get3A_799 = arith.constant 2 : i32
        %get3A_800 = arith.index_cast %get3A_799 : i32 to index
        %get3A_801 = arith.index_cast %add3A_798 : i32 to index
        %get3A_802 = arith.constant 176 : index
        %get3A_803 = tpu.vector_load %arg8[%get3A_800, %get3A_801, %get3A_802] {strides = array<i32>} : memref<4x48x256xf32, #tpu.memory_space<vmem>>, vector<1x1x16xf32>,
        %get3A_804 = vector.shape_cast %get3A_803 : vector<1x1x16xf32> to vector<16xf32>
        %mul3A_805 = vector.broadcast %squeeze3A_310 : f32 to vector<16xf32>
        %mul3A_806 = arith.mulf %mul3A_805, %get3A_804 : vector<16xf32>
        %add3A_807 = arith.addf %mul3A_794, %mul3A_806 : vector<16xf32>
        %mul3A_808 = arith.constant 3 : i32
        %mul3A_809 = arith.muli %mul3A_808, %scan3A_301 : i32
        %add3A_810 = arith.constant 2 : i32
        %add3A_811 = arith.addi %mul3A_809, %add3A_810 : i32
        %get3A_812 = arith.constant 2 : i32
        %get3A_813 = arith.index_cast %get3A_812 : i32 to index
        %get3A_814 = arith.index_cast %add3A_811 : i32 to index
        %get3A_815 = arith.constant 176 : index
        %get3A_816 = tpu.vector_load %arg8[%get3A_813, %get3A_814, %get3A_815] {strides = array<i32>} : memref<4x48x256xf32, #tpu.memory_space<vmem>>, vector<1x1x16xf32>,
        %get3A_817 = vector.shape_cast %get3A_816 : vector<1x1x16xf32> to vector<16xf32>
        %mul3A_818 = vector.broadcast %squeeze3A_312 : f32 to vector<16xf32>
        %mul3A_819 = arith.mulf %mul3A_818, %get3A_817 : vector<16xf32>
        %add3A_820 = arith.addf %add3A_807, %mul3A_819 : vector<16xf32>
        %swap3A_821 = arith.constant 2 : i32
        %swap3A_822 = arith.index_cast %swap3A_821 : i32 to index
        %swap3A_823 = arith.index_cast %scan3A_301 : i32 to index
        %swap3A_824 = arith.constant 176 : index
        %swap3A_825 = tpu.vector_load %arg9[%swap3A_822, %swap3A_823, %swap3A_824] {strides = array<i32>} : memref<4x16x256xf32, #tpu.memory_space<vmem>>, vector<1x1x16xf32>,
        %swap3A_826 = vector.shape_cast %swap3A_825 : vector<1x1x16xf32> to vector<16xf32>
        %swap3A_827 = vector.shape_cast %add3A_820 : vector<16xf32> to vector<1x1x16xf32>
        tpu.vector_store %arg9[%swap3A_822, %swap3A_823, %swap3A_824], %swap3A_827 {strides = array<i32>} : memref<4x16x256xf32, #tpu.memory_space<vmem>>, vector<1x1x16xf32>,
        %mul3A_828 = arith.constant 3 : i32
        %mul3A_829 = arith.muli %mul3A_828, %scan3A_301 : i32
        %get3A_830 = arith.constant 2 : i32
        %get3A_831 = arith.index_cast %get3A_830 : i32 to index
        %get3A_832 = arith.index_cast %mul3A_829 : i32 to index
        %get3A_833 = arith.constant 192 : index
        %get3A_834 = tpu.vector_load %arg8[%get3A_831, %get3A_832, %get3A_833] {strides = array<i32>} : memref<4x48x256xf32, #tpu.memory_space<vmem>>, vector<1x1x16xf32>,
        %get3A_835 = vector.shape_cast %get3A_834 : vector<1x1x16xf32> to vector<16xf32>
        %mul3A_836 = vector.broadcast %squeeze3A : f32 to vector<16xf32>
        %mul3A_837 = arith.mulf %mul3A_836, %get3A_835 : vector<16xf32>
        %mul3A_838 = arith.constant 3 : i32
        %mul3A_839 = arith.muli %mul3A_838, %scan3A_301 : i32
        %add3A_840 = arith.constant 1 : i32
        %add3A_841 = arith.addi %mul3A_839, %add3A_840 : i32
        %get3A_842 = arith.constant 2 : i32
        %get3A_843 = arith.index_cast %get3A_842 : i32 to index
        %get3A_844 = arith.index_cast %add3A_841 : i32 to index
        %get3A_845 = arith.constant 192 : index
        %get3A_846 = tpu.vector_load %arg8[%get3A_843, %get3A_844, %get3A_845] {strides = array<i32>} : memref<4x48x256xf32, #tpu.memory_space<vmem>>, vector<1x1x16xf32>,
        %get3A_847 = vector.shape_cast %get3A_846 : vector<1x1x16xf32> to vector<16xf32>
        %mul3A_848 = vector.broadcast %squeeze3A_310 : f32 to vector<16xf32>
        %mul3A_849 = arith.mulf %mul3A_848, %get3A_847 : vector<16xf32>
        %add3A_850 = arith.addf %mul3A_837, %mul3A_849 : vector<16xf32>
        %mul3A_851 = arith.constant 3 : i32
        %mul3A_852 = arith.muli %mul3A_851, %scan3A_301 : i32
        %add3A_853 = arith.constant 2 : i32
        %add3A_854 = arith.addi %mul3A_852, %add3A_853 : i32
        %get3A_855 = arith.constant 2 : i32
        %get3A_856 = arith.index_cast %get3A_855 : i32 to index
        %get3A_857 = arith.index_cast %add3A_854 : i32 to index
        %get3A_858 = arith.constant 192 : index
        %get3A_859 = tpu.vector_load %arg8[%get3A_856, %get3A_857, %get3A_858] {strides = array<i32>} : memref<4x48x256xf32, #tpu.memory_space<vmem>>, vector<1x1x16xf32>,
        %get3A_860 = vector.shape_cast %get3A_859 : vector<1x1x16xf32> to vector<16xf32>
        %mul3A_861 = vector.broadcast %squeeze3A_312 : f32 to vector<16xf32>
        %mul3A_862 = arith.mulf %mul3A_861, %get3A_860 : vector<16xf32>
        %add3A_863 = arith.addf %add3A_850, %mul3A_862 : vector<16xf32>
        %swap3A_864 = arith.constant 2 : i32
        %swap3A_865 = arith.index_cast %swap3A_864 : i32 to index
        %swap3A_866 = arith.index_cast %scan3A_301 : i32 to index
        %swap3A_867 = arith.constant 192 : index
        %swap3A_868 = tpu.vector_load %arg9[%swap3A_865, %swap3A_866, %swap3A_867] {strides = array<i32>} : memref<4x16x256xf32, #tpu.memory_space<vmem>>, vector<1x1x16xf32>,
        %swap3A_869 = vector.shape_cast %swap3A_868 : vector<1x1x16xf32> to vector<16xf32>
        %swap3A_870 = vector.shape_cast %add3A_863 : vector<16xf32> to vector<1x1x16xf32>
        tpu.vector_store %arg9[%swap3A_865, %swap3A_866, %swap3A_867], %swap3A_870 {strides = array<i32>} : memref<4x16x256xf32, #tpu.memory_space<vmem>>, vector<1x1x16xf32>,
        %mul3A_871 = arith.constant 3 : i32
        %mul3A_872 = arith.muli %mul3A_871, %scan3A_301 : i32
        %get3A_873 = arith.constant 2 : i32
        %get3A_874 = arith.index_cast %get3A_873 : i32 to index
        %get3A_875 = arith.index_cast %mul3A_872 : i32 to index
        %get3A_876 = arith.constant 208 : index
        %get3A_877 = tpu.vector_load %arg8[%get3A_874, %get3A_875, %get3A_876] {strides = array<i32>} : memref<4x48x256xf32, #tpu.memory_space<vmem>>, vector<1x1x16xf32>,
        %get3A_878 = vector.shape_cast %get3A_877 : vector<1x1x16xf32> to vector<16xf32>
        %mul3A_879 = vector.broadcast %squeeze3A : f32 to vector<16xf32>
        %mul3A_880 = arith.mulf %mul3A_879, %get3A_878 : vector<16xf32>
        %mul3A_881 = arith.constant 3 : i32
        %mul3A_882 = arith.muli %mul3A_881, %scan3A_301 : i32
        %add3A_883 = arith.constant 1 : i32
        %add3A_884 = arith.addi %mul3A_882, %add3A_883 : i32
        %get3A_885 = arith.constant 2 : i32
        %get3A_886 = arith.index_cast %get3A_885 : i32 to index
        %get3A_887 = arith.index_cast %add3A_884 : i32 to index
        %get3A_888 = arith.constant 208 : index
        %get3A_889 = tpu.vector_load %arg8[%get3A_886, %get3A_887, %get3A_888] {strides = array<i32>} : memref<4x48x256xf32, #tpu.memory_space<vmem>>, vector<1x1x16xf32>,
        %get3A_890 = vector.shape_cast %get3A_889 : vector<1x1x16xf32> to vector<16xf32>
        %mul3A_891 = vector.broadcast %squeeze3A_310 : f32 to vector<16xf32>
        %mul3A_892 = arith.mulf %mul3A_891, %get3A_890 : vector<16xf32>
        %add3A_893 = arith.addf %mul3A_880, %mul3A_892 : vector<16xf32>
        %mul3A_894 = arith.constant 3 : i32
        %mul3A_895 = arith.muli %mul3A_894, %scan3A_301 : i32
        %add3A_896 = arith.constant 2 : i32
        %add3A_897 = arith.addi %mul3A_895, %add3A_896 : i32
        %get3A_898 = arith.constant 2 : i32
        %get3A_899 = arith.index_cast %get3A_898 : i32 to index
        %get3A_900 = arith.index_cast %add3A_897 : i32 to index
        %get3A_901 = arith.constant 208 : index
        %get3A_902 = tpu.vector_load %arg8[%get3A_899, %get3A_900, %get3A_901] {strides = array<i32>} : memref<4x48x256xf32, #tpu.memory_space<vmem>>, vector<1x1x16xf32>,
        %get3A_903 = vector.shape_cast %get3A_902 : vector<1x1x16xf32> to vector<16xf32>
        %mul3A_904 = vector.broadcast %squeeze3A_312 : f32 to vector<16xf32>
        %mul3A_905 = arith.mulf %mul3A_904, %get3A_903 : vector<16xf32>
        %add3A_906 = arith.addf %add3A_893, %mul3A_905 : vector<16xf32>
        %swap3A_907 = arith.constant 2 : i32
        %swap3A_908 = arith.index_cast %swap3A_907 : i32 to index
        %swap3A_909 = arith.index_cast %scan3A_301 : i32 to index
        %swap3A_910 = arith.constant 208 : index
        %swap3A_911 = tpu.vector_load %arg9[%swap3A_908, %swap3A_909, %swap3A_910] {strides = array<i32>} : memref<4x16x256xf32, #tpu.memory_space<vmem>>, vector<1x1x16xf32>,
        %swap3A_912 = vector.shape_cast %swap3A_911 : vector<1x1x16xf32> to vector<16xf32>
        %swap3A_913 = vector.shape_cast %add3A_906 : vector<16xf32> to vector<1x1x16xf32>
        tpu.vector_store %arg9[%swap3A_908, %swap3A_909, %swap3A_910], %swap3A_913 {strides = array<i32>} : memref<4x16x256xf32, #tpu.memory_space<vmem>>, vector<1x1x16xf32>,
        %mul3A_914 = arith.constant 3 : i32
        %mul3A_915 = arith.muli %mul3A_914, %scan3A_301 : i32
        %get3A_916 = arith.constant 2 : i32
        %get3A_917 = arith.index_cast %get3A_916 : i32 to index
        %get3A_918 = arith.index_cast %mul3A_915 : i32 to index
        %get3A_919 = arith.constant 224 : index
        %get3A_920 = tpu.vector_load %arg8[%get3A_917, %get3A_918, %get3A_919] {strides = array<i32>} : memref<4x48x256xf32, #tpu.memory_space<vmem>>, vector<1x1x16xf32>,
        %get3A_921 = vector.shape_cast %get3A_920 : vector<1x1x16xf32> to vector<16xf32>
        %mul3A_922 = vector.broadcast %squeeze3A : f32 to vector<16xf32>
        %mul3A_923 = arith.mulf %mul3A_922, %get3A_921 : vector<16xf32>
        %mul3A_924 = arith.constant 3 : i32
        %mul3A_925 = arith.muli %mul3A_924, %scan3A_301 : i32
        %add3A_926 = arith.constant 1 : i32
        %add3A_927 = arith.addi %mul3A_925, %add3A_926 : i32
        %get3A_928 = arith.constant 2 : i32
        %get3A_929 = arith.index_cast %get3A_928 : i32 to index
        %get3A_930 = arith.index_cast %add3A_927 : i32 to index
        %get3A_931 = arith.constant 224 : index
        %get3A_932 = tpu.vector_load %arg8[%get3A_929, %get3A_930, %get3A_931] {strides = array<i32>} : memref<4x48x256xf32, #tpu.memory_space<vmem>>, vector<1x1x16xf32>,
        %get3A_933 = vector.shape_cast %get3A_932 : vector<1x1x16xf32> to vector<16xf32>
        %mul3A_934 = vector.broadcast %squeeze3A_310 : f32 to vector<16xf32>
        %mul3A_935 = arith.mulf %mul3A_934, %get3A_933 : vector<16xf32>
        %add3A_936 = arith.addf %mul3A_923, %mul3A_935 : vector<16xf32>
        %mul3A_937 = arith.constant 3 : i32
        %mul3A_938 = arith.muli %mul3A_937, %scan3A_301 : i32
        %add3A_939 = arith.constant 2 : i32
        %add3A_940 = arith.addi %mul3A_938, %add3A_939 : i32
        %get3A_941 = arith.constant 2 : i32
        %get3A_942 = arith.index_cast %get3A_941 : i32 to index
        %get3A_943 = arith.index_cast %add3A_940 : i32 to index
        %get3A_944 = arith.constant 224 : index
        %get3A_945 = tpu.vector_load %arg8[%get3A_942, %get3A_943, %get3A_944] {strides = array<i32>} : memref<4x48x256xf32, #tpu.memory_space<vmem>>, vector<1x1x16xf32>,
        %get3A_946 = vector.shape_cast %get3A_945 : vector<1x1x16xf32> to vector<16xf32>
        %mul3A_947 = vector.broadcast %squeeze3A_312 : f32 to vector<16xf32>
        %mul3A_948 = arith.mulf %mul3A_947, %get3A_946 : vector<16xf32>
        %add3A_949 = arith.addf %add3A_936, %mul3A_948 : vector<16xf32>
        %swap3A_950 = arith.constant 2 : i32
        %swap3A_951 = arith.index_cast %swap3A_950 : i32 to index
        %swap3A_952 = arith.index_cast %scan3A_301 : i32 to index
        %swap3A_953 = arith.constant 224 : index
        %swap3A_954 = tpu.vector_load %arg9[%swap3A_951, %swap3A_952, %swap3A_953] {strides = array<i32>} : memref<4x16x256xf32, #tpu.memory_space<vmem>>, vector<1x1x16xf32>,
        %swap3A_955 = vector.shape_cast %swap3A_954 : vector<1x1x16xf32> to vector<16xf32>
        %swap3A_956 = vector.shape_cast %add3A_949 : vector<16xf32> to vector<1x1x16xf32>
        tpu.vector_store %arg9[%swap3A_951, %swap3A_952, %swap3A_953], %swap3A_956 {strides = array<i32>} : memref<4x16x256xf32, #tpu.memory_space<vmem>>, vector<1x1x16xf32>,
        %mul3A_957 = arith.constant 3 : i32
        %mul3A_958 = arith.muli %mul3A_957, %scan3A_301 : i32
        %get3A_959 = arith.constant 2 : i32
        %get3A_960 = arith.index_cast %get3A_959 : i32 to index
        %get3A_961 = arith.index_cast %mul3A_958 : i32 to index
        %get3A_962 = arith.constant 240 : index
        %get3A_963 = tpu.vector_load %arg8[%get3A_960, %get3A_961, %get3A_962] {strides = array<i32>} : memref<4x48x256xf32, #tpu.memory_space<vmem>>, vector<1x1x16xf32>,
        %get3A_964 = vector.shape_cast %get3A_963 : vector<1x1x16xf32> to vector<16xf32>
        %mul3A_965 = vector.broadcast %squeeze3A : f32 to vector<16xf32>
        %mul3A_966 = arith.mulf %mul3A_965, %get3A_964 : vector<16xf32>
        %mul3A_967 = arith.constant 3 : i32
        %mul3A_968 = arith.muli %mul3A_967, %scan3A_301 : i32
        %add3A_969 = arith.constant 1 : i32
        %add3A_970 = arith.addi %mul3A_968, %add3A_969 : i32
        %get3A_971 = arith.constant 2 : i32
        %get3A_972 = arith.index_cast %get3A_971 : i32 to index
        %get3A_973 = arith.index_cast %add3A_970 : i32 to index
        %get3A_974 = arith.constant 240 : index
        %get3A_975 = tpu.vector_load %arg8[%get3A_972, %get3A_973, %get3A_974] {strides = array<i32>} : memref<4x48x256xf32, #tpu.memory_space<vmem>>, vector<1x1x16xf32>,
        %get3A_976 = vector.shape_cast %get3A_975 : vector<1x1x16xf32> to vector<16xf32>
        %mul3A_977 = vector.broadcast %squeeze3A_310 : f32 to vector<16xf32>
        %mul3A_978 = arith.mulf %mul3A_977, %get3A_976 : vector<16xf32>
        %add3A_979 = arith.addf %mul3A_966, %mul3A_978 : vector<16xf32>
        %mul3A_980 = arith.constant 3 : i32
        %mul3A_981 = arith.muli %mul3A_980, %scan3A_301 : i32
        %add3A_982 = arith.constant 2 : i32
        %add3A_983 = arith.addi %mul3A_981, %add3A_982 : i32
        %get3A_984 = arith.constant 2 : i32
        %get3A_985 = arith.index_cast %get3A_984 : i32 to index
        %get3A_986 = arith.index_cast %add3A_983 : i32 to index
        %get3A_987 = arith.constant 240 : index
        %get3A_988 = tpu.vector_load %arg8[%get3A_985, %get3A_986, %get3A_987] {strides = array<i32>} : memref<4x48x256xf32, #tpu.memory_space<vmem>>, vector<1x1x16xf32>,
        %get3A_989 = vector.shape_cast %get3A_988 : vector<1x1x16xf32> to vector<16xf32>
        %mul3A_990 = vector.broadcast %squeeze3A_312 : f32 to vector<16xf32>
        %mul3A_991 = arith.mulf %mul3A_990, %get3A_989 : vector<16xf32>
        %add3A_992 = arith.addf %add3A_979, %mul3A_991 : vector<16xf32>
        %swap3A_993 = arith.constant 2 : i32
        %swap3A_994 = arith.index_cast %swap3A_993 : i32 to index
        %swap3A_995 = arith.index_cast %scan3A_301 : i32 to index
        %swap3A_996 = arith.constant 240 : index
        %swap3A_997 = tpu.vector_load %arg9[%swap3A_994, %swap3A_995, %swap3A_996] {strides = array<i32>} : memref<4x16x256xf32, #tpu.memory_space<vmem>>, vector<1x1x16xf32>,
        %swap3A_998 = vector.shape_cast %swap3A_997 : vector<1x1x16xf32> to vector<16xf32>
        %swap3A_999 = vector.shape_cast %add3A_992 : vector<16xf32> to vector<1x1x16xf32>
        tpu.vector_store %arg9[%swap3A_994, %swap3A_995, %swap3A_996], %swap3A_999 {strides = array<i32>} : memref<4x16x256xf32, #tpu.memory_space<vmem>>, vector<1x1x16xf32>,
      }
      %scan3A_231 = arith.constant 16 : i32
      %mul3A_232 = arith.constant 16 : i32
      %mul3A_233 = arith.muli %add3A_198, %mul3A_232 : i32
      %add3A_234 = arith.addi %mul3A_2, %mul3A_233 : i32
      %dma_start3A_235 = arith.constant 2 : i32
      %dma_start3A_236 = arith.constant 0 : i32
      %dma_start3A_237 = arith.constant 0 : i32
      %dma_start3A_238 = tpu.memref_slice %arg9[%dma_start3A_235, %dma_start3A_236, %dma_start3A_237] : memref<4x16x256xf32, #tpu.memory_space<vmem>> -> memref<1x16x256xf32, #tpu.memory_space<vmem>>
      %dma_start3A_239 = tpu.memref_squeeze %dma_start3A_238 : memref<1x16x256xf32, #tpu.memory_space<vmem>> -> memref<16x256xf32, #tpu.memory_space<vmem>>
      %dma_start3A_240 = arith.constant 0 : i32
      %dma_start3A_241 = tpu.memref_slice %arg5[%add3A_234, %dma_start3A_240] : memref<32768x256xf32, #tpu.memory_space<hbm>> -> memref<16x256xf32, #tpu.memory_space<hbm>>
      %dma_start3A_242 = arith.constant 0 : i32
      %dma_start3A_243 = tpu.memref_slice %arg5[%add3A_234, %dma_start3A_242] : memref<32768x256xf32, #tpu.memory_space<hbm>> -> memref<16x256xf32, #tpu.memory_space<hbm>>
      %dma_start3A_244 = arith.constant 0 : i32
      %dma_start3A_245 = arith.constant 0 : i32
      %dma_start3A_246 = tpu.memref_slice %arg9[%dma_start3A_235, %dma_start3A_244, %dma_start3A_245] : memref<4x16x256xf32, #tpu.memory_space<vmem>> -> memref<1x16x256xf32, #tpu.memory_space<vmem>>
      %dma_start3A_247 = tpu.memref_squeeze %dma_start3A_246 : memref<1x16x256xf32, #tpu.memory_space<vmem>> -> memref<16x256xf32, #tpu.memory_space<vmem>>
      tpu.enqueue_dma source(%dma_start3A_247 : memref<16x256xf32, #tpu.memory_space<vmem>>) target(%dma_start3A_243 : memref<16x256xf32, #tpu.memory_space<hbm>>) target_semaphore(%arg16 : memref<!tpu.dma_semaphore, #tpu.memory_space<semaphore_mem>>)
      %mul3A_248 = arith.constant 4 : i32
      %mul3A_249 = arith.muli %mul3A_248, %scan3A_92 : i32
      %add3A_250 = arith.constant 3 : i32
      %add3A_251 = arith.addi %mul3A_249, %add3A_250 : i32
      %add3A_252 = arith.constant 3 : i32
      %add3A_253 = arith.addi %add3A_251, %add3A_252 : i32
      %lt3A_254 = arith.constant 64 : i32
      %lt3A_255 = arith.cmpi slt, %add3A_253, %lt3A_254 : i32
      %convert_element_type3A_256 = arith.extui %lt3A_255 : i1 to i32
      %cond3A_257 = arith.constant 0 : i32
      %cond3A_258 = arith.cmpi ne, %convert_element_type3A_256, %cond3A_257 : i32
      scf.if %cond3A_258 {
        %mul3A_301 = arith.constant 48 : i32
        %mul3A_302 = arith.muli %mul3A_301, %add3A_253 : i32
        %dma_start3A_303 = arith.constant 2 : i32
        %dma_start3A_304 = arith.constant 0 : i32
        %dma_start3A_305 = arith.constant 0 : i32
        %dma_start3A_306 = tpu.memref_slice %arg8[%dma_start3A_303, %dma_start3A_304, %dma_start3A_305] : memref<4x48x256xf32, #tpu.memory_space<vmem>> -> memref<1x48x256xf32, #tpu.memory_space<vmem>>
        %dma_start3A_307 = tpu.memref_squeeze %dma_start3A_306 : memref<1x48x256xf32, #tpu.memory_space<vmem>> -> memref<48x256xf32, #tpu.memory_space<vmem>>
        %dma_start3A_308 = tpu.memref_slice %arg6[%mul3A_302] : memref<3072xi32, #tpu.memory_space<vmem>> -> memref<48xi32, #tpu.memory_space<vmem>>
        %dma_start3A_309 = arith.constant 0 : i32
        %dma_start3A_310 = arith.constant 0 : i32
        %dma_start3A_311 = tpu.memref_slice %arg2[%dma_start3A_309, %dma_start3A_310] : memref<8192x256xf32, #tpu.memory_space<hbm>> -> memref<8192x256xf32, #tpu.memory_space<hbm>>
        tpu.enqueue_indirect_dma source(%dma_start3A_311 : memref<8192x256xf32, #tpu.memory_space<hbm>>) target(%dma_start3A_307 : memref<48x256xf32, #tpu.memory_space<vmem>>) offsets(%dma_start3A_308 : memref<48xi32, #tpu.memory_space<vmem>>) semaphore(%arg12 : memref<!tpu.dma_semaphore, #tpu.memory_space<semaphore_mem>>)
      } else {
      }
      %dma_wait3A_259 = arith.constant 3 : i32
      %dma_wait3A_260 = arith.constant 0 : i32
      %dma_wait3A_261 = arith.constant 0 : i32
      %dma_wait3A_262 = tpu.memref_slice %arg8[%dma_wait3A_259, %dma_wait3A_260, %dma_wait3A_261] : memref<4x48x256xf32, #tpu.memory_space<vmem>> -> memref<1x48x256xf32, #tpu.memory_space<vmem>>
      %dma_wait3A_263 = tpu.memref_squeeze %dma_wait3A_262 : memref<1x48x256xf32, #tpu.memory_space<vmem>> -> memref<48x256xf32, #tpu.memory_space<vmem>>
      %dma_wait3A_264 = arith.constant 0 : i32
      %dma_wait3A_265 = arith.constant 0 : i32
      %dma_wait3A_266 = tpu.memref_slice %arg2[%dma_wait3A_264, %dma_wait3A_265] : memref<8192x256xf32, #tpu.memory_space<hbm>> -> memref<48x256xf32, #tpu.memory_space<hbm>>
      %dma_wait3A_267 = arith.constant 0 : i32
      %dma_wait3A_268 = arith.constant 0 : i32
      %dma_wait3A_269 = tpu.memref_slice %arg8[%dma_wait3A_259, %dma_wait3A_267, %dma_wait3A_268] : memref<4x48x256xf32, #tpu.memory_space<vmem>> -> memref<1x48x256xf32, #tpu.memory_space<vmem>>
      %dma_wait3A_270 = tpu.memref_squeeze %dma_wait3A_269 : memref<1x48x256xf32, #tpu.memory_space<vmem>> -> memref<48x256xf32, #tpu.memory_space<vmem>>
      %dma_wait3A_271 = arith.constant 0 : i32
      %dma_wait3A_272 = arith.constant 0 : i32
      %dma_wait3A_273 = tpu.memref_slice %arg2[%dma_wait3A_271, %dma_wait3A_272] : memref<8192x256xf32, #tpu.memory_space<hbm>> -> memref<48x256xf32, #tpu.memory_space<hbm>>
      tpu.wait_dma2 semaphore(%arg13 : memref<!tpu.dma_semaphore, #tpu.memory_space<semaphore_mem>>) src(%dma_wait3A_273 : memref<48x256xf32, #tpu.memory_space<hbm>>) dst(%dma_wait3A_270 : memref<48x256xf32, #tpu.memory_space<vmem>>)
      %ge3A_274 = arith.constant 4 : i32
      %ge3A_275 = arith.cmpi sge, %add3A_251, %ge3A_274 : i32
      %convert_element_type3A_276 = arith.extui %ge3A_275 : i1 to i32
      %cond3A_277 = arith.constant 0 : i32
      %cond3A_278 = arith.cmpi ne, %convert_element_type3A_276, %cond3A_277 : i32
      scf.if %cond3A_278 {
        %dma_wait3A_301 = arith.constant 3 : i32
        %dma_wait3A_302 = arith.constant 0 : i32
        %dma_wait3A_303 = arith.constant 0 : i32
        %dma_wait3A_304 = tpu.memref_slice %arg9[%dma_wait3A_301, %dma_wait3A_302, %dma_wait3A_303] : memref<4x16x256xf32, #tpu.memory_space<vmem>> -> memref<1x16x256xf32, #tpu.memory_space<vmem>>
        %dma_wait3A_305 = tpu.memref_squeeze %dma_wait3A_304 : memref<1x16x256xf32, #tpu.memory_space<vmem>> -> memref<16x256xf32, #tpu.memory_space<vmem>>
        %dma_wait3A_306 = arith.constant 0 : i32
        %dma_wait3A_307 = tpu.memref_slice %arg5[%mul3A_2, %dma_wait3A_306] : memref<32768x256xf32, #tpu.memory_space<hbm>> -> memref<16x256xf32, #tpu.memory_space<hbm>>
        %dma_wait3A_308 = arith.constant 0 : i32
        %dma_wait3A_309 = tpu.memref_slice %arg5[%mul3A_2, %dma_wait3A_308] : memref<32768x256xf32, #tpu.memory_space<hbm>> -> memref<16x256xf32, #tpu.memory_space<hbm>>
        %dma_wait3A_310 = arith.constant 0 : i32
        %dma_wait3A_311 = arith.constant 0 : i32
        %dma_wait3A_312 = tpu.memref_slice %arg9[%dma_wait3A_301, %dma_wait3A_310, %dma_wait3A_311] : memref<4x16x256xf32, #tpu.memory_space<vmem>> -> memref<1x16x256xf32, #tpu.memory_space<vmem>>
        %dma_wait3A_313 = tpu.memref_squeeze %dma_wait3A_312 : memref<1x16x256xf32, #tpu.memory_space<vmem>> -> memref<16x256xf32, #tpu.memory_space<vmem>>
        tpu.wait_dma2 semaphore(%arg17 : memref<!tpu.dma_semaphore, #tpu.memory_space<semaphore_mem>>) src(%dma_wait3A_313 : memref<16x256xf32, #tpu.memory_space<vmem>>) dst(%dma_wait3A_309 : memref<16x256xf32, #tpu.memory_space<hbm>>)
      } else {
      }
      %scan3A_279 = arith.constant 0 : i32
      %scan3A_280 = arith.constant 0 : i32
      %scan3A_281 = arith.constant 16 : i32
      %scan3A_282 = arith.addi %scan3A_280, %scan3A_281 : i32
      %scan3A_283 = arith.constant 1 : i32
      scf.for %scan3A_301 = %scan3A_280 to %scan3A_282 step %scan3A_283  : i32 {
        %mul3A_302 = arith.constant 48 : i32
        %mul3A_303 = arith.muli %mul3A_302, %add3A_251 : i32
        %mul3A_304 = arith.constant 3 : i32
        %mul3A_305 = arith.muli %mul3A_304, %scan3A_301 : i32
        %add3A_306 = arith.addi %mul3A_303, %mul3A_305 : i32
        %get3A = arith.index_cast %add3A_306 : i32 to index
        %get3A_307 = tpu.vector_load %arg7[%get3A] {strides = array<i32>} : memref<3088xf32, #tpu.memory_space<vmem>>, vector<16xf32>,
        %get3A_308 = vector.shape_cast %get3A_307 : vector<16xf32> to vector<16xf32>
        %slice3A = vector.extract_strided_slice %get3A_308 {offsets = [0], sizes = [1], strides = [1]} : vector<16xf32> to vector<1xf32>
        %squeeze3A = vector.extract %slice3A[0] : f32 from vector<1xf32>
        %slice3A_309 = vector.extract_strided_slice %get3A_308 {offsets = [1], sizes = [1], strides = [1]} : vector<16xf32> to vector<1xf32>
        %squeeze3A_310 = vector.extract %slice3A_309[0] : f32 from vector<1xf32>
        %slice3A_311 = vector.extract_strided_slice %get3A_308 {offsets = [2], sizes = [1], strides = [1]} : vector<16xf32> to vector<1xf32>
        %squeeze3A_312 = vector.extract %slice3A_311[0] : f32 from vector<1xf32>
        %mul3A_313 = arith.constant 3 : i32
        %mul3A_314 = arith.muli %mul3A_313, %scan3A_301 : i32
        %get3A_315 = arith.constant 3 : i32
        %get3A_316 = arith.index_cast %get3A_315 : i32 to index
        %get3A_317 = arith.index_cast %mul3A_314 : i32 to index
        %get3A_318 = arith.constant 0 : index
        %get3A_319 = tpu.vector_load %arg8[%get3A_316, %get3A_317, %get3A_318] {strides = array<i32>} : memref<4x48x256xf32, #tpu.memory_space<vmem>>, vector<1x1x16xf32>,
        %get3A_320 = vector.shape_cast %get3A_319 : vector<1x1x16xf32> to vector<16xf32>
        %mul3A_321 = vector.broadcast %squeeze3A : f32 to vector<16xf32>
        %mul3A_322 = arith.mulf %mul3A_321, %get3A_320 : vector<16xf32>
        %mul3A_323 = arith.constant 3 : i32
        %mul3A_324 = arith.muli %mul3A_323, %scan3A_301 : i32
        %add3A_325 = arith.constant 1 : i32
        %add3A_326 = arith.addi %mul3A_324, %add3A_325 : i32
        %get3A_327 = arith.constant 3 : i32
        %get3A_328 = arith.index_cast %get3A_327 : i32 to index
        %get3A_329 = arith.index_cast %add3A_326 : i32 to index
        %get3A_330 = arith.constant 0 : index
        %get3A_331 = tpu.vector_load %arg8[%get3A_328, %get3A_329, %get3A_330] {strides = array<i32>} : memref<4x48x256xf32, #tpu.memory_space<vmem>>, vector<1x1x16xf32>,
        %get3A_332 = vector.shape_cast %get3A_331 : vector<1x1x16xf32> to vector<16xf32>
        %mul3A_333 = vector.broadcast %squeeze3A_310 : f32 to vector<16xf32>
        %mul3A_334 = arith.mulf %mul3A_333, %get3A_332 : vector<16xf32>
        %add3A_335 = arith.addf %mul3A_322, %mul3A_334 : vector<16xf32>
        %mul3A_336 = arith.constant 3 : i32
        %mul3A_337 = arith.muli %mul3A_336, %scan3A_301 : i32
        %add3A_338 = arith.constant 2 : i32
        %add3A_339 = arith.addi %mul3A_337, %add3A_338 : i32
        %get3A_340 = arith.constant 3 : i32
        %get3A_341 = arith.index_cast %get3A_340 : i32 to index
        %get3A_342 = arith.index_cast %add3A_339 : i32 to index
        %get3A_343 = arith.constant 0 : index
        %get3A_344 = tpu.vector_load %arg8[%get3A_341, %get3A_342, %get3A_343] {strides = array<i32>} : memref<4x48x256xf32, #tpu.memory_space<vmem>>, vector<1x1x16xf32>,
        %get3A_345 = vector.shape_cast %get3A_344 : vector<1x1x16xf32> to vector<16xf32>
        %mul3A_346 = vector.broadcast %squeeze3A_312 : f32 to vector<16xf32>
        %mul3A_347 = arith.mulf %mul3A_346, %get3A_345 : vector<16xf32>
        %add3A_348 = arith.addf %add3A_335, %mul3A_347 : vector<16xf32>
        %swap3A = arith.constant 3 : i32
        %swap3A_349 = arith.index_cast %swap3A : i32 to index
        %swap3A_350 = arith.index_cast %scan3A_301 : i32 to index
        %swap3A_351 = arith.constant 0 : index
        %swap3A_352 = tpu.vector_load %arg9[%swap3A_349, %swap3A_350, %swap3A_351] {strides = array<i32>} : memref<4x16x256xf32, #tpu.memory_space<vmem>>, vector<1x1x16xf32>,
        %swap3A_353 = vector.shape_cast %swap3A_352 : vector<1x1x16xf32> to vector<16xf32>
        %swap3A_354 = vector.shape_cast %add3A_348 : vector<16xf32> to vector<1x1x16xf32>
        tpu.vector_store %arg9[%swap3A_349, %swap3A_350, %swap3A_351], %swap3A_354 {strides = array<i32>} : memref<4x16x256xf32, #tpu.memory_space<vmem>>, vector<1x1x16xf32>,
        %mul3A_355 = arith.constant 3 : i32
        %mul3A_356 = arith.muli %mul3A_355, %scan3A_301 : i32
        %get3A_357 = arith.constant 3 : i32
        %get3A_358 = arith.index_cast %get3A_357 : i32 to index
        %get3A_359 = arith.index_cast %mul3A_356 : i32 to index
        %get3A_360 = arith.constant 16 : index
        %get3A_361 = tpu.vector_load %arg8[%get3A_358, %get3A_359, %get3A_360] {strides = array<i32>} : memref<4x48x256xf32, #tpu.memory_space<vmem>>, vector<1x1x16xf32>,
        %get3A_362 = vector.shape_cast %get3A_361 : vector<1x1x16xf32> to vector<16xf32>
        %mul3A_363 = vector.broadcast %squeeze3A : f32 to vector<16xf32>
        %mul3A_364 = arith.mulf %mul3A_363, %get3A_362 : vector<16xf32>
        %mul3A_365 = arith.constant 3 : i32
        %mul3A_366 = arith.muli %mul3A_365, %scan3A_301 : i32
        %add3A_367 = arith.constant 1 : i32
        %add3A_368 = arith.addi %mul3A_366, %add3A_367 : i32
        %get3A_369 = arith.constant 3 : i32
        %get3A_370 = arith.index_cast %get3A_369 : i32 to index
        %get3A_371 = arith.index_cast %add3A_368 : i32 to index
        %get3A_372 = arith.constant 16 : index
        %get3A_373 = tpu.vector_load %arg8[%get3A_370, %get3A_371, %get3A_372] {strides = array<i32>} : memref<4x48x256xf32, #tpu.memory_space<vmem>>, vector<1x1x16xf32>,
        %get3A_374 = vector.shape_cast %get3A_373 : vector<1x1x16xf32> to vector<16xf32>
        %mul3A_375 = vector.broadcast %squeeze3A_310 : f32 to vector<16xf32>
        %mul3A_376 = arith.mulf %mul3A_375, %get3A_374 : vector<16xf32>
        %add3A_377 = arith.addf %mul3A_364, %mul3A_376 : vector<16xf32>
        %mul3A_378 = arith.constant 3 : i32
        %mul3A_379 = arith.muli %mul3A_378, %scan3A_301 : i32
        %add3A_380 = arith.constant 2 : i32
        %add3A_381 = arith.addi %mul3A_379, %add3A_380 : i32
        %get3A_382 = arith.constant 3 : i32
        %get3A_383 = arith.index_cast %get3A_382 : i32 to index
        %get3A_384 = arith.index_cast %add3A_381 : i32 to index
        %get3A_385 = arith.constant 16 : index
        %get3A_386 = tpu.vector_load %arg8[%get3A_383, %get3A_384, %get3A_385] {strides = array<i32>} : memref<4x48x256xf32, #tpu.memory_space<vmem>>, vector<1x1x16xf32>,
        %get3A_387 = vector.shape_cast %get3A_386 : vector<1x1x16xf32> to vector<16xf32>
        %mul3A_388 = vector.broadcast %squeeze3A_312 : f32 to vector<16xf32>
        %mul3A_389 = arith.mulf %mul3A_388, %get3A_387 : vector<16xf32>
        %add3A_390 = arith.addf %add3A_377, %mul3A_389 : vector<16xf32>
        %swap3A_391 = arith.constant 3 : i32
        %swap3A_392 = arith.index_cast %swap3A_391 : i32 to index
        %swap3A_393 = arith.index_cast %scan3A_301 : i32 to index
        %swap3A_394 = arith.constant 16 : index
        %swap3A_395 = tpu.vector_load %arg9[%swap3A_392, %swap3A_393, %swap3A_394] {strides = array<i32>} : memref<4x16x256xf32, #tpu.memory_space<vmem>>, vector<1x1x16xf32>,
        %swap3A_396 = vector.shape_cast %swap3A_395 : vector<1x1x16xf32> to vector<16xf32>
        %swap3A_397 = vector.shape_cast %add3A_390 : vector<16xf32> to vector<1x1x16xf32>
        tpu.vector_store %arg9[%swap3A_392, %swap3A_393, %swap3A_394], %swap3A_397 {strides = array<i32>} : memref<4x16x256xf32, #tpu.memory_space<vmem>>, vector<1x1x16xf32>,
        %mul3A_398 = arith.constant 3 : i32
        %mul3A_399 = arith.muli %mul3A_398, %scan3A_301 : i32
        %get3A_400 = arith.constant 3 : i32
        %get3A_401 = arith.index_cast %get3A_400 : i32 to index
        %get3A_402 = arith.index_cast %mul3A_399 : i32 to index
        %get3A_403 = arith.constant 32 : index
        %get3A_404 = tpu.vector_load %arg8[%get3A_401, %get3A_402, %get3A_403] {strides = array<i32>} : memref<4x48x256xf32, #tpu.memory_space<vmem>>, vector<1x1x16xf32>,
        %get3A_405 = vector.shape_cast %get3A_404 : vector<1x1x16xf32> to vector<16xf32>
        %mul3A_406 = vector.broadcast %squeeze3A : f32 to vector<16xf32>
        %mul3A_407 = arith.mulf %mul3A_406, %get3A_405 : vector<16xf32>
        %mul3A_408 = arith.constant 3 : i32
        %mul3A_409 = arith.muli %mul3A_408, %scan3A_301 : i32
        %add3A_410 = arith.constant 1 : i32
        %add3A_411 = arith.addi %mul3A_409, %add3A_410 : i32
        %get3A_412 = arith.constant 3 : i32
        %get3A_413 = arith.index_cast %get3A_412 : i32 to index
        %get3A_414 = arith.index_cast %add3A_411 : i32 to index
        %get3A_415 = arith.constant 32 : index
        %get3A_416 = tpu.vector_load %arg8[%get3A_413, %get3A_414, %get3A_415] {strides = array<i32>} : memref<4x48x256xf32, #tpu.memory_space<vmem>>, vector<1x1x16xf32>,
        %get3A_417 = vector.shape_cast %get3A_416 : vector<1x1x16xf32> to vector<16xf32>
        %mul3A_418 = vector.broadcast %squeeze3A_310 : f32 to vector<16xf32>
        %mul3A_419 = arith.mulf %mul3A_418, %get3A_417 : vector<16xf32>
        %add3A_420 = arith.addf %mul3A_407, %mul3A_419 : vector<16xf32>
        %mul3A_421 = arith.constant 3 : i32
        %mul3A_422 = arith.muli %mul3A_421, %scan3A_301 : i32
        %add3A_423 = arith.constant 2 : i32
        %add3A_424 = arith.addi %mul3A_422, %add3A_423 : i32
        %get3A_425 = arith.constant 3 : i32
        %get3A_426 = arith.index_cast %get3A_425 : i32 to index
        %get3A_427 = arith.index_cast %add3A_424 : i32 to index
        %get3A_428 = arith.constant 32 : index
        %get3A_429 = tpu.vector_load %arg8[%get3A_426, %get3A_427, %get3A_428] {strides = array<i32>} : memref<4x48x256xf32, #tpu.memory_space<vmem>>, vector<1x1x16xf32>,
        %get3A_430 = vector.shape_cast %get3A_429 : vector<1x1x16xf32> to vector<16xf32>
        %mul3A_431 = vector.broadcast %squeeze3A_312 : f32 to vector<16xf32>
        %mul3A_432 = arith.mulf %mul3A_431, %get3A_430 : vector<16xf32>
        %add3A_433 = arith.addf %add3A_420, %mul3A_432 : vector<16xf32>
        %swap3A_434 = arith.constant 3 : i32
        %swap3A_435 = arith.index_cast %swap3A_434 : i32 to index
        %swap3A_436 = arith.index_cast %scan3A_301 : i32 to index
        %swap3A_437 = arith.constant 32 : index
        %swap3A_438 = tpu.vector_load %arg9[%swap3A_435, %swap3A_436, %swap3A_437] {strides = array<i32>} : memref<4x16x256xf32, #tpu.memory_space<vmem>>, vector<1x1x16xf32>,
        %swap3A_439 = vector.shape_cast %swap3A_438 : vector<1x1x16xf32> to vector<16xf32>
        %swap3A_440 = vector.shape_cast %add3A_433 : vector<16xf32> to vector<1x1x16xf32>
        tpu.vector_store %arg9[%swap3A_435, %swap3A_436, %swap3A_437], %swap3A_440 {strides = array<i32>} : memref<4x16x256xf32, #tpu.memory_space<vmem>>, vector<1x1x16xf32>,
        %mul3A_441 = arith.constant 3 : i32
        %mul3A_442 = arith.muli %mul3A_441, %scan3A_301 : i32
        %get3A_443 = arith.constant 3 : i32
        %get3A_444 = arith.index_cast %get3A_443 : i32 to index
        %get3A_445 = arith.index_cast %mul3A_442 : i32 to index
        %get3A_446 = arith.constant 48 : index
        %get3A_447 = tpu.vector_load %arg8[%get3A_444, %get3A_445, %get3A_446] {strides = array<i32>} : memref<4x48x256xf32, #tpu.memory_space<vmem>>, vector<1x1x16xf32>,
        %get3A_448 = vector.shape_cast %get3A_447 : vector<1x1x16xf32> to vector<16xf32>
        %mul3A_449 = vector.broadcast %squeeze3A : f32 to vector<16xf32>
        %mul3A_450 = arith.mulf %mul3A_449, %get3A_448 : vector<16xf32>
        %mul3A_451 = arith.constant 3 : i32
        %mul3A_452 = arith.muli %mul3A_451, %scan3A_301 : i32
        %add3A_453 = arith.constant 1 : i32
        %add3A_454 = arith.addi %mul3A_452, %add3A_453 : i32
        %get3A_455 = arith.constant 3 : i32
        %get3A_456 = arith.index_cast %get3A_455 : i32 to index
        %get3A_457 = arith.index_cast %add3A_454 : i32 to index
        %get3A_458 = arith.constant 48 : index
        %get3A_459 = tpu.vector_load %arg8[%get3A_456, %get3A_457, %get3A_458] {strides = array<i32>} : memref<4x48x256xf32, #tpu.memory_space<vmem>>, vector<1x1x16xf32>,
        %get3A_460 = vector.shape_cast %get3A_459 : vector<1x1x16xf32> to vector<16xf32>
        %mul3A_461 = vector.broadcast %squeeze3A_310 : f32 to vector<16xf32>
        %mul3A_462 = arith.mulf %mul3A_461, %get3A_460 : vector<16xf32>
        %add3A_463 = arith.addf %mul3A_450, %mul3A_462 : vector<16xf32>
        %mul3A_464 = arith.constant 3 : i32
        %mul3A_465 = arith.muli %mul3A_464, %scan3A_301 : i32
        %add3A_466 = arith.constant 2 : i32
        %add3A_467 = arith.addi %mul3A_465, %add3A_466 : i32
        %get3A_468 = arith.constant 3 : i32
        %get3A_469 = arith.index_cast %get3A_468 : i32 to index
        %get3A_470 = arith.index_cast %add3A_467 : i32 to index
        %get3A_471 = arith.constant 48 : index
        %get3A_472 = tpu.vector_load %arg8[%get3A_469, %get3A_470, %get3A_471] {strides = array<i32>} : memref<4x48x256xf32, #tpu.memory_space<vmem>>, vector<1x1x16xf32>,
        %get3A_473 = vector.shape_cast %get3A_472 : vector<1x1x16xf32> to vector<16xf32>
        %mul3A_474 = vector.broadcast %squeeze3A_312 : f32 to vector<16xf32>
        %mul3A_475 = arith.mulf %mul3A_474, %get3A_473 : vector<16xf32>
        %add3A_476 = arith.addf %add3A_463, %mul3A_475 : vector<16xf32>
        %swap3A_477 = arith.constant 3 : i32
        %swap3A_478 = arith.index_cast %swap3A_477 : i32 to index
        %swap3A_479 = arith.index_cast %scan3A_301 : i32 to index
        %swap3A_480 = arith.constant 48 : index
        %swap3A_481 = tpu.vector_load %arg9[%swap3A_478, %swap3A_479, %swap3A_480] {strides = array<i32>} : memref<4x16x256xf32, #tpu.memory_space<vmem>>, vector<1x1x16xf32>,
        %swap3A_482 = vector.shape_cast %swap3A_481 : vector<1x1x16xf32> to vector<16xf32>
        %swap3A_483 = vector.shape_cast %add3A_476 : vector<16xf32> to vector<1x1x16xf32>
        tpu.vector_store %arg9[%swap3A_478, %swap3A_479, %swap3A_480], %swap3A_483 {strides = array<i32>} : memref<4x16x256xf32, #tpu.memory_space<vmem>>, vector<1x1x16xf32>,
        %mul3A_484 = arith.constant 3 : i32
        %mul3A_485 = arith.muli %mul3A_484, %scan3A_301 : i32
        %get3A_486 = arith.constant 3 : i32
        %get3A_487 = arith.index_cast %get3A_486 : i32 to index
        %get3A_488 = arith.index_cast %mul3A_485 : i32 to index
        %get3A_489 = arith.constant 64 : index
        %get3A_490 = tpu.vector_load %arg8[%get3A_487, %get3A_488, %get3A_489] {strides = array<i32>} : memref<4x48x256xf32, #tpu.memory_space<vmem>>, vector<1x1x16xf32>,
        %get3A_491 = vector.shape_cast %get3A_490 : vector<1x1x16xf32> to vector<16xf32>
        %mul3A_492 = vector.broadcast %squeeze3A : f32 to vector<16xf32>
        %mul3A_493 = arith.mulf %mul3A_492, %get3A_491 : vector<16xf32>
        %mul3A_494 = arith.constant 3 : i32
        %mul3A_495 = arith.muli %mul3A_494, %scan3A_301 : i32
        %add3A_496 = arith.constant 1 : i32
        %add3A_497 = arith.addi %mul3A_495, %add3A_496 : i32
        %get3A_498 = arith.constant 3 : i32
        %get3A_499 = arith.index_cast %get3A_498 : i32 to index
        %get3A_500 = arith.index_cast %add3A_497 : i32 to index
        %get3A_501 = arith.constant 64 : index
        %get3A_502 = tpu.vector_load %arg8[%get3A_499, %get3A_500, %get3A_501] {strides = array<i32>} : memref<4x48x256xf32, #tpu.memory_space<vmem>>, vector<1x1x16xf32>,
        %get3A_503 = vector.shape_cast %get3A_502 : vector<1x1x16xf32> to vector<16xf32>
        %mul3A_504 = vector.broadcast %squeeze3A_310 : f32 to vector<16xf32>
        %mul3A_505 = arith.mulf %mul3A_504, %get3A_503 : vector<16xf32>
        %add3A_506 = arith.addf %mul3A_493, %mul3A_505 : vector<16xf32>
        %mul3A_507 = arith.constant 3 : i32
        %mul3A_508 = arith.muli %mul3A_507, %scan3A_301 : i32
        %add3A_509 = arith.constant 2 : i32
        %add3A_510 = arith.addi %mul3A_508, %add3A_509 : i32
        %get3A_511 = arith.constant 3 : i32
        %get3A_512 = arith.index_cast %get3A_511 : i32 to index
        %get3A_513 = arith.index_cast %add3A_510 : i32 to index
        %get3A_514 = arith.constant 64 : index
        %get3A_515 = tpu.vector_load %arg8[%get3A_512, %get3A_513, %get3A_514] {strides = array<i32>} : memref<4x48x256xf32, #tpu.memory_space<vmem>>, vector<1x1x16xf32>,
        %get3A_516 = vector.shape_cast %get3A_515 : vector<1x1x16xf32> to vector<16xf32>
        %mul3A_517 = vector.broadcast %squeeze3A_312 : f32 to vector<16xf32>
        %mul3A_518 = arith.mulf %mul3A_517, %get3A_516 : vector<16xf32>
        %add3A_519 = arith.addf %add3A_506, %mul3A_518 : vector<16xf32>
        %swap3A_520 = arith.constant 3 : i32
        %swap3A_521 = arith.index_cast %swap3A_520 : i32 to index
        %swap3A_522 = arith.index_cast %scan3A_301 : i32 to index
        %swap3A_523 = arith.constant 64 : index
        %swap3A_524 = tpu.vector_load %arg9[%swap3A_521, %swap3A_522, %swap3A_523] {strides = array<i32>} : memref<4x16x256xf32, #tpu.memory_space<vmem>>, vector<1x1x16xf32>,
        %swap3A_525 = vector.shape_cast %swap3A_524 : vector<1x1x16xf32> to vector<16xf32>
        %swap3A_526 = vector.shape_cast %add3A_519 : vector<16xf32> to vector<1x1x16xf32>
        tpu.vector_store %arg9[%swap3A_521, %swap3A_522, %swap3A_523], %swap3A_526 {strides = array<i32>} : memref<4x16x256xf32, #tpu.memory_space<vmem>>, vector<1x1x16xf32>,
        %mul3A_527 = arith.constant 3 : i32
        %mul3A_528 = arith.muli %mul3A_527, %scan3A_301 : i32
        %get3A_529 = arith.constant 3 : i32
        %get3A_530 = arith.index_cast %get3A_529 : i32 to index
        %get3A_531 = arith.index_cast %mul3A_528 : i32 to index
        %get3A_532 = arith.constant 80 : index
        %get3A_533 = tpu.vector_load %arg8[%get3A_530, %get3A_531, %get3A_532] {strides = array<i32>} : memref<4x48x256xf32, #tpu.memory_space<vmem>>, vector<1x1x16xf32>,
        %get3A_534 = vector.shape_cast %get3A_533 : vector<1x1x16xf32> to vector<16xf32>
        %mul3A_535 = vector.broadcast %squeeze3A : f32 to vector<16xf32>
        %mul3A_536 = arith.mulf %mul3A_535, %get3A_534 : vector<16xf32>
        %mul3A_537 = arith.constant 3 : i32
        %mul3A_538 = arith.muli %mul3A_537, %scan3A_301 : i32
        %add3A_539 = arith.constant 1 : i32
        %add3A_540 = arith.addi %mul3A_538, %add3A_539 : i32
        %get3A_541 = arith.constant 3 : i32
        %get3A_542 = arith.index_cast %get3A_541 : i32 to index
        %get3A_543 = arith.index_cast %add3A_540 : i32 to index
        %get3A_544 = arith.constant 80 : index
        %get3A_545 = tpu.vector_load %arg8[%get3A_542, %get3A_543, %get3A_544] {strides = array<i32>} : memref<4x48x256xf32, #tpu.memory_space<vmem>>, vector<1x1x16xf32>,
        %get3A_546 = vector.shape_cast %get3A_545 : vector<1x1x16xf32> to vector<16xf32>
        %mul3A_547 = vector.broadcast %squeeze3A_310 : f32 to vector<16xf32>
        %mul3A_548 = arith.mulf %mul3A_547, %get3A_546 : vector<16xf32>
        %add3A_549 = arith.addf %mul3A_536, %mul3A_548 : vector<16xf32>
        %mul3A_550 = arith.constant 3 : i32
        %mul3A_551 = arith.muli %mul3A_550, %scan3A_301 : i32
        %add3A_552 = arith.constant 2 : i32
        %add3A_553 = arith.addi %mul3A_551, %add3A_552 : i32
        %get3A_554 = arith.constant 3 : i32
        %get3A_555 = arith.index_cast %get3A_554 : i32 to index
        %get3A_556 = arith.index_cast %add3A_553 : i32 to index
        %get3A_557 = arith.constant 80 : index
        %get3A_558 = tpu.vector_load %arg8[%get3A_555, %get3A_556, %get3A_557] {strides = array<i32>} : memref<4x48x256xf32, #tpu.memory_space<vmem>>, vector<1x1x16xf32>,
        %get3A_559 = vector.shape_cast %get3A_558 : vector<1x1x16xf32> to vector<16xf32>
        %mul3A_560 = vector.broadcast %squeeze3A_312 : f32 to vector<16xf32>
        %mul3A_561 = arith.mulf %mul3A_560, %get3A_559 : vector<16xf32>
        %add3A_562 = arith.addf %add3A_549, %mul3A_561 : vector<16xf32>
        %swap3A_563 = arith.constant 3 : i32
        %swap3A_564 = arith.index_cast %swap3A_563 : i32 to index
        %swap3A_565 = arith.index_cast %scan3A_301 : i32 to index
        %swap3A_566 = arith.constant 80 : index
        %swap3A_567 = tpu.vector_load %arg9[%swap3A_564, %swap3A_565, %swap3A_566] {strides = array<i32>} : memref<4x16x256xf32, #tpu.memory_space<vmem>>, vector<1x1x16xf32>,
        %swap3A_568 = vector.shape_cast %swap3A_567 : vector<1x1x16xf32> to vector<16xf32>
        %swap3A_569 = vector.shape_cast %add3A_562 : vector<16xf32> to vector<1x1x16xf32>
        tpu.vector_store %arg9[%swap3A_564, %swap3A_565, %swap3A_566], %swap3A_569 {strides = array<i32>} : memref<4x16x256xf32, #tpu.memory_space<vmem>>, vector<1x1x16xf32>,
        %mul3A_570 = arith.constant 3 : i32
        %mul3A_571 = arith.muli %mul3A_570, %scan3A_301 : i32
        %get3A_572 = arith.constant 3 : i32
        %get3A_573 = arith.index_cast %get3A_572 : i32 to index
        %get3A_574 = arith.index_cast %mul3A_571 : i32 to index
        %get3A_575 = arith.constant 96 : index
        %get3A_576 = tpu.vector_load %arg8[%get3A_573, %get3A_574, %get3A_575] {strides = array<i32>} : memref<4x48x256xf32, #tpu.memory_space<vmem>>, vector<1x1x16xf32>,
        %get3A_577 = vector.shape_cast %get3A_576 : vector<1x1x16xf32> to vector<16xf32>
        %mul3A_578 = vector.broadcast %squeeze3A : f32 to vector<16xf32>
        %mul3A_579 = arith.mulf %mul3A_578, %get3A_577 : vector<16xf32>
        %mul3A_580 = arith.constant 3 : i32
        %mul3A_581 = arith.muli %mul3A_580, %scan3A_301 : i32
        %add3A_582 = arith.constant 1 : i32
        %add3A_583 = arith.addi %mul3A_581, %add3A_582 : i32
        %get3A_584 = arith.constant 3 : i32
        %get3A_585 = arith.index_cast %get3A_584 : i32 to index
        %get3A_586 = arith.index_cast %add3A_583 : i32 to index
        %get3A_587 = arith.constant 96 : index
        %get3A_588 = tpu.vector_load %arg8[%get3A_585, %get3A_586, %get3A_587] {strides = array<i32>} : memref<4x48x256xf32, #tpu.memory_space<vmem>>, vector<1x1x16xf32>,
        %get3A_589 = vector.shape_cast %get3A_588 : vector<1x1x16xf32> to vector<16xf32>
        %mul3A_590 = vector.broadcast %squeeze3A_310 : f32 to vector<16xf32>
        %mul3A_591 = arith.mulf %mul3A_590, %get3A_589 : vector<16xf32>
        %add3A_592 = arith.addf %mul3A_579, %mul3A_591 : vector<16xf32>
        %mul3A_593 = arith.constant 3 : i32
        %mul3A_594 = arith.muli %mul3A_593, %scan3A_301 : i32
        %add3A_595 = arith.constant 2 : i32
        %add3A_596 = arith.addi %mul3A_594, %add3A_595 : i32
        %get3A_597 = arith.constant 3 : i32
        %get3A_598 = arith.index_cast %get3A_597 : i32 to index
        %get3A_599 = arith.index_cast %add3A_596 : i32 to index
        %get3A_600 = arith.constant 96 : index
        %get3A_601 = tpu.vector_load %arg8[%get3A_598, %get3A_599, %get3A_600] {strides = array<i32>} : memref<4x48x256xf32, #tpu.memory_space<vmem>>, vector<1x1x16xf32>,
        %get3A_602 = vector.shape_cast %get3A_601 : vector<1x1x16xf32> to vector<16xf32>
        %mul3A_603 = vector.broadcast %squeeze3A_312 : f32 to vector<16xf32>
        %mul3A_604 = arith.mulf %mul3A_603, %get3A_602 : vector<16xf32>
        %add3A_605 = arith.addf %add3A_592, %mul3A_604 : vector<16xf32>
        %swap3A_606 = arith.constant 3 : i32
        %swap3A_607 = arith.index_cast %swap3A_606 : i32 to index
        %swap3A_608 = arith.index_cast %scan3A_301 : i32 to index
        %swap3A_609 = arith.constant 96 : index
        %swap3A_610 = tpu.vector_load %arg9[%swap3A_607, %swap3A_608, %swap3A_609] {strides = array<i32>} : memref<4x16x256xf32, #tpu.memory_space<vmem>>, vector<1x1x16xf32>,
        %swap3A_611 = vector.shape_cast %swap3A_610 : vector<1x1x16xf32> to vector<16xf32>
        %swap3A_612 = vector.shape_cast %add3A_605 : vector<16xf32> to vector<1x1x16xf32>
        tpu.vector_store %arg9[%swap3A_607, %swap3A_608, %swap3A_609], %swap3A_612 {strides = array<i32>} : memref<4x16x256xf32, #tpu.memory_space<vmem>>, vector<1x1x16xf32>,
        %mul3A_613 = arith.constant 3 : i32
        %mul3A_614 = arith.muli %mul3A_613, %scan3A_301 : i32
        %get3A_615 = arith.constant 3 : i32
        %get3A_616 = arith.index_cast %get3A_615 : i32 to index
        %get3A_617 = arith.index_cast %mul3A_614 : i32 to index
        %get3A_618 = arith.constant 112 : index
        %get3A_619 = tpu.vector_load %arg8[%get3A_616, %get3A_617, %get3A_618] {strides = array<i32>} : memref<4x48x256xf32, #tpu.memory_space<vmem>>, vector<1x1x16xf32>,
        %get3A_620 = vector.shape_cast %get3A_619 : vector<1x1x16xf32> to vector<16xf32>
        %mul3A_621 = vector.broadcast %squeeze3A : f32 to vector<16xf32>
        %mul3A_622 = arith.mulf %mul3A_621, %get3A_620 : vector<16xf32>
        %mul3A_623 = arith.constant 3 : i32
        %mul3A_624 = arith.muli %mul3A_623, %scan3A_301 : i32
        %add3A_625 = arith.constant 1 : i32
        %add3A_626 = arith.addi %mul3A_624, %add3A_625 : i32
        %get3A_627 = arith.constant 3 : i32
        %get3A_628 = arith.index_cast %get3A_627 : i32 to index
        %get3A_629 = arith.index_cast %add3A_626 : i32 to index
        %get3A_630 = arith.constant 112 : index
        %get3A_631 = tpu.vector_load %arg8[%get3A_628, %get3A_629, %get3A_630] {strides = array<i32>} : memref<4x48x256xf32, #tpu.memory_space<vmem>>, vector<1x1x16xf32>,
        %get3A_632 = vector.shape_cast %get3A_631 : vector<1x1x16xf32> to vector<16xf32>
        %mul3A_633 = vector.broadcast %squeeze3A_310 : f32 to vector<16xf32>
        %mul3A_634 = arith.mulf %mul3A_633, %get3A_632 : vector<16xf32>
        %add3A_635 = arith.addf %mul3A_622, %mul3A_634 : vector<16xf32>
        %mul3A_636 = arith.constant 3 : i32
        %mul3A_637 = arith.muli %mul3A_636, %scan3A_301 : i32
        %add3A_638 = arith.constant 2 : i32
        %add3A_639 = arith.addi %mul3A_637, %add3A_638 : i32
        %get3A_640 = arith.constant 3 : i32
        %get3A_641 = arith.index_cast %get3A_640 : i32 to index
        %get3A_642 = arith.index_cast %add3A_639 : i32 to index
        %get3A_643 = arith.constant 112 : index
        %get3A_644 = tpu.vector_load %arg8[%get3A_641, %get3A_642, %get3A_643] {strides = array<i32>} : memref<4x48x256xf32, #tpu.memory_space<vmem>>, vector<1x1x16xf32>,
        %get3A_645 = vector.shape_cast %get3A_644 : vector<1x1x16xf32> to vector<16xf32>
        %mul3A_646 = vector.broadcast %squeeze3A_312 : f32 to vector<16xf32>
        %mul3A_647 = arith.mulf %mul3A_646, %get3A_645 : vector<16xf32>
        %add3A_648 = arith.addf %add3A_635, %mul3A_647 : vector<16xf32>
        %swap3A_649 = arith.constant 3 : i32
        %swap3A_650 = arith.index_cast %swap3A_649 : i32 to index
        %swap3A_651 = arith.index_cast %scan3A_301 : i32 to index
        %swap3A_652 = arith.constant 112 : index
        %swap3A_653 = tpu.vector_load %arg9[%swap3A_650, %swap3A_651, %swap3A_652] {strides = array<i32>} : memref<4x16x256xf32, #tpu.memory_space<vmem>>, vector<1x1x16xf32>,
        %swap3A_654 = vector.shape_cast %swap3A_653 : vector<1x1x16xf32> to vector<16xf32>
        %swap3A_655 = vector.shape_cast %add3A_648 : vector<16xf32> to vector<1x1x16xf32>
        tpu.vector_store %arg9[%swap3A_650, %swap3A_651, %swap3A_652], %swap3A_655 {strides = array<i32>} : memref<4x16x256xf32, #tpu.memory_space<vmem>>, vector<1x1x16xf32>,
        %mul3A_656 = arith.constant 3 : i32
        %mul3A_657 = arith.muli %mul3A_656, %scan3A_301 : i32
        %get3A_658 = arith.constant 3 : i32
        %get3A_659 = arith.index_cast %get3A_658 : i32 to index
        %get3A_660 = arith.index_cast %mul3A_657 : i32 to index
        %get3A_661 = arith.constant 128 : index
        %get3A_662 = tpu.vector_load %arg8[%get3A_659, %get3A_660, %get3A_661] {strides = array<i32>} : memref<4x48x256xf32, #tpu.memory_space<vmem>>, vector<1x1x16xf32>,
        %get3A_663 = vector.shape_cast %get3A_662 : vector<1x1x16xf32> to vector<16xf32>
        %mul3A_664 = vector.broadcast %squeeze3A : f32 to vector<16xf32>
        %mul3A_665 = arith.mulf %mul3A_664, %get3A_663 : vector<16xf32>
        %mul3A_666 = arith.constant 3 : i32
        %mul3A_667 = arith.muli %mul3A_666, %scan3A_301 : i32
        %add3A_668 = arith.constant 1 : i32
        %add3A_669 = arith.addi %mul3A_667, %add3A_668 : i32
        %get3A_670 = arith.constant 3 : i32
        %get3A_671 = arith.index_cast %get3A_670 : i32 to index
        %get3A_672 = arith.index_cast %add3A_669 : i32 to index
        %get3A_673 = arith.constant 128 : index
        %get3A_674 = tpu.vector_load %arg8[%get3A_671, %get3A_672, %get3A_673] {strides = array<i32>} : memref<4x48x256xf32, #tpu.memory_space<vmem>>, vector<1x1x16xf32>,
        %get3A_675 = vector.shape_cast %get3A_674 : vector<1x1x16xf32> to vector<16xf32>
        %mul3A_676 = vector.broadcast %squeeze3A_310 : f32 to vector<16xf32>
        %mul3A_677 = arith.mulf %mul3A_676, %get3A_675 : vector<16xf32>
        %add3A_678 = arith.addf %mul3A_665, %mul3A_677 : vector<16xf32>
        %mul3A_679 = arith.constant 3 : i32
        %mul3A_680 = arith.muli %mul3A_679, %scan3A_301 : i32
        %add3A_681 = arith.constant 2 : i32
        %add3A_682 = arith.addi %mul3A_680, %add3A_681 : i32
        %get3A_683 = arith.constant 3 : i32
        %get3A_684 = arith.index_cast %get3A_683 : i32 to index
        %get3A_685 = arith.index_cast %add3A_682 : i32 to index
        %get3A_686 = arith.constant 128 : index
        %get3A_687 = tpu.vector_load %arg8[%get3A_684, %get3A_685, %get3A_686] {strides = array<i32>} : memref<4x48x256xf32, #tpu.memory_space<vmem>>, vector<1x1x16xf32>,
        %get3A_688 = vector.shape_cast %get3A_687 : vector<1x1x16xf32> to vector<16xf32>
        %mul3A_689 = vector.broadcast %squeeze3A_312 : f32 to vector<16xf32>
        %mul3A_690 = arith.mulf %mul3A_689, %get3A_688 : vector<16xf32>
        %add3A_691 = arith.addf %add3A_678, %mul3A_690 : vector<16xf32>
        %swap3A_692 = arith.constant 3 : i32
        %swap3A_693 = arith.index_cast %swap3A_692 : i32 to index
        %swap3A_694 = arith.index_cast %scan3A_301 : i32 to index
        %swap3A_695 = arith.constant 128 : index
        %swap3A_696 = tpu.vector_load %arg9[%swap3A_693, %swap3A_694, %swap3A_695] {strides = array<i32>} : memref<4x16x256xf32, #tpu.memory_space<vmem>>, vector<1x1x16xf32>,
        %swap3A_697 = vector.shape_cast %swap3A_696 : vector<1x1x16xf32> to vector<16xf32>
        %swap3A_698 = vector.shape_cast %add3A_691 : vector<16xf32> to vector<1x1x16xf32>
        tpu.vector_store %arg9[%swap3A_693, %swap3A_694, %swap3A_695], %swap3A_698 {strides = array<i32>} : memref<4x16x256xf32, #tpu.memory_space<vmem>>, vector<1x1x16xf32>,
        %mul3A_699 = arith.constant 3 : i32
        %mul3A_700 = arith.muli %mul3A_699, %scan3A_301 : i32
        %get3A_701 = arith.constant 3 : i32
        %get3A_702 = arith.index_cast %get3A_701 : i32 to index
        %get3A_703 = arith.index_cast %mul3A_700 : i32 to index
        %get3A_704 = arith.constant 144 : index
        %get3A_705 = tpu.vector_load %arg8[%get3A_702, %get3A_703, %get3A_704] {strides = array<i32>} : memref<4x48x256xf32, #tpu.memory_space<vmem>>, vector<1x1x16xf32>,
        %get3A_706 = vector.shape_cast %get3A_705 : vector<1x1x16xf32> to vector<16xf32>
        %mul3A_707 = vector.broadcast %squeeze3A : f32 to vector<16xf32>
        %mul3A_708 = arith.mulf %mul3A_707, %get3A_706 : vector<16xf32>
        %mul3A_709 = arith.constant 3 : i32
        %mul3A_710 = arith.muli %mul3A_709, %scan3A_301 : i32
        %add3A_711 = arith.constant 1 : i32
        %add3A_712 = arith.addi %mul3A_710, %add3A_711 : i32
        %get3A_713 = arith.constant 3 : i32
        %get3A_714 = arith.index_cast %get3A_713 : i32 to index
        %get3A_715 = arith.index_cast %add3A_712 : i32 to index
        %get3A_716 = arith.constant 144 : index
        %get3A_717 = tpu.vector_load %arg8[%get3A_714, %get3A_715, %get3A_716] {strides = array<i32>} : memref<4x48x256xf32, #tpu.memory_space<vmem>>, vector<1x1x16xf32>,
        %get3A_718 = vector.shape_cast %get3A_717 : vector<1x1x16xf32> to vector<16xf32>
        %mul3A_719 = vector.broadcast %squeeze3A_310 : f32 to vector<16xf32>
        %mul3A_720 = arith.mulf %mul3A_719, %get3A_718 : vector<16xf32>
        %add3A_721 = arith.addf %mul3A_708, %mul3A_720 : vector<16xf32>
        %mul3A_722 = arith.constant 3 : i32
        %mul3A_723 = arith.muli %mul3A_722, %scan3A_301 : i32
        %add3A_724 = arith.constant 2 : i32
        %add3A_725 = arith.addi %mul3A_723, %add3A_724 : i32
        %get3A_726 = arith.constant 3 : i32
        %get3A_727 = arith.index_cast %get3A_726 : i32 to index
        %get3A_728 = arith.index_cast %add3A_725 : i32 to index
        %get3A_729 = arith.constant 144 : index
        %get3A_730 = tpu.vector_load %arg8[%get3A_727, %get3A_728, %get3A_729] {strides = array<i32>} : memref<4x48x256xf32, #tpu.memory_space<vmem>>, vector<1x1x16xf32>,
        %get3A_731 = vector.shape_cast %get3A_730 : vector<1x1x16xf32> to vector<16xf32>
        %mul3A_732 = vector.broadcast %squeeze3A_312 : f32 to vector<16xf32>
        %mul3A_733 = arith.mulf %mul3A_732, %get3A_731 : vector<16xf32>
        %add3A_734 = arith.addf %add3A_721, %mul3A_733 : vector<16xf32>
        %swap3A_735 = arith.constant 3 : i32
        %swap3A_736 = arith.index_cast %swap3A_735 : i32 to index
        %swap3A_737 = arith.index_cast %scan3A_301 : i32 to index
        %swap3A_738 = arith.constant 144 : index
        %swap3A_739 = tpu.vector_load %arg9[%swap3A_736, %swap3A_737, %swap3A_738] {strides = array<i32>} : memref<4x16x256xf32, #tpu.memory_space<vmem>>, vector<1x1x16xf32>,
        %swap3A_740 = vector.shape_cast %swap3A_739 : vector<1x1x16xf32> to vector<16xf32>
        %swap3A_741 = vector.shape_cast %add3A_734 : vector<16xf32> to vector<1x1x16xf32>
        tpu.vector_store %arg9[%swap3A_736, %swap3A_737, %swap3A_738], %swap3A_741 {strides = array<i32>} : memref<4x16x256xf32, #tpu.memory_space<vmem>>, vector<1x1x16xf32>,
        %mul3A_742 = arith.constant 3 : i32
        %mul3A_743 = arith.muli %mul3A_742, %scan3A_301 : i32
        %get3A_744 = arith.constant 3 : i32
        %get3A_745 = arith.index_cast %get3A_744 : i32 to index
        %get3A_746 = arith.index_cast %mul3A_743 : i32 to index
        %get3A_747 = arith.constant 160 : index
        %get3A_748 = tpu.vector_load %arg8[%get3A_745, %get3A_746, %get3A_747] {strides = array<i32>} : memref<4x48x256xf32, #tpu.memory_space<vmem>>, vector<1x1x16xf32>,
        %get3A_749 = vector.shape_cast %get3A_748 : vector<1x1x16xf32> to vector<16xf32>
        %mul3A_750 = vector.broadcast %squeeze3A : f32 to vector<16xf32>
        %mul3A_751 = arith.mulf %mul3A_750, %get3A_749 : vector<16xf32>
        %mul3A_752 = arith.constant 3 : i32
        %mul3A_753 = arith.muli %mul3A_752, %scan3A_301 : i32
        %add3A_754 = arith.constant 1 : i32
        %add3A_755 = arith.addi %mul3A_753, %add3A_754 : i32
        %get3A_756 = arith.constant 3 : i32
        %get3A_757 = arith.index_cast %get3A_756 : i32 to index
        %get3A_758 = arith.index_cast %add3A_755 : i32 to index
        %get3A_759 = arith.constant 160 : index
        %get3A_760 = tpu.vector_load %arg8[%get3A_757, %get3A_758, %get3A_759] {strides = array<i32>} : memref<4x48x256xf32, #tpu.memory_space<vmem>>, vector<1x1x16xf32>,
        %get3A_761 = vector.shape_cast %get3A_760 : vector<1x1x16xf32> to vector<16xf32>
        %mul3A_762 = vector.broadcast %squeeze3A_310 : f32 to vector<16xf32>
        %mul3A_763 = arith.mulf %mul3A_762, %get3A_761 : vector<16xf32>
        %add3A_764 = arith.addf %mul3A_751, %mul3A_763 : vector<16xf32>
        %mul3A_765 = arith.constant 3 : i32
        %mul3A_766 = arith.muli %mul3A_765, %scan3A_301 : i32
        %add3A_767 = arith.constant 2 : i32
        %add3A_768 = arith.addi %mul3A_766, %add3A_767 : i32
        %get3A_769 = arith.constant 3 : i32
        %get3A_770 = arith.index_cast %get3A_769 : i32 to index
        %get3A_771 = arith.index_cast %add3A_768 : i32 to index
        %get3A_772 = arith.constant 160 : index
        %get3A_773 = tpu.vector_load %arg8[%get3A_770, %get3A_771, %get3A_772] {strides = array<i32>} : memref<4x48x256xf32, #tpu.memory_space<vmem>>, vector<1x1x16xf32>,
        %get3A_774 = vector.shape_cast %get3A_773 : vector<1x1x16xf32> to vector<16xf32>
        %mul3A_775 = vector.broadcast %squeeze3A_312 : f32 to vector<16xf32>
        %mul3A_776 = arith.mulf %mul3A_775, %get3A_774 : vector<16xf32>
        %add3A_777 = arith.addf %add3A_764, %mul3A_776 : vector<16xf32>
        %swap3A_778 = arith.constant 3 : i32
        %swap3A_779 = arith.index_cast %swap3A_778 : i32 to index
        %swap3A_780 = arith.index_cast %scan3A_301 : i32 to index
        %swap3A_781 = arith.constant 160 : index
        %swap3A_782 = tpu.vector_load %arg9[%swap3A_779, %swap3A_780, %swap3A_781] {strides = array<i32>} : memref<4x16x256xf32, #tpu.memory_space<vmem>>, vector<1x1x16xf32>,
        %swap3A_783 = vector.shape_cast %swap3A_782 : vector<1x1x16xf32> to vector<16xf32>
        %swap3A_784 = vector.shape_cast %add3A_777 : vector<16xf32> to vector<1x1x16xf32>
        tpu.vector_store %arg9[%swap3A_779, %swap3A_780, %swap3A_781], %swap3A_784 {strides = array<i32>} : memref<4x16x256xf32, #tpu.memory_space<vmem>>, vector<1x1x16xf32>,
        %mul3A_785 = arith.constant 3 : i32
        %mul3A_786 = arith.muli %mul3A_785, %scan3A_301 : i32
        %get3A_787 = arith.constant 3 : i32
        %get3A_788 = arith.index_cast %get3A_787 : i32 to index
        %get3A_789 = arith.index_cast %mul3A_786 : i32 to index
        %get3A_790 = arith.constant 176 : index
        %get3A_791 = tpu.vector_load %arg8[%get3A_788, %get3A_789, %get3A_790] {strides = array<i32>} : memref<4x48x256xf32, #tpu.memory_space<vmem>>, vector<1x1x16xf32>,
        %get3A_792 = vector.shape_cast %get3A_791 : vector<1x1x16xf32> to vector<16xf32>
        %mul3A_793 = vector.broadcast %squeeze3A : f32 to vector<16xf32>
        %mul3A_794 = arith.mulf %mul3A_793, %get3A_792 : vector<16xf32>
        %mul3A_795 = arith.constant 3 : i32
        %mul3A_796 = arith.muli %mul3A_795, %scan3A_301 : i32
        %add3A_797 = arith.constant 1 : i32
        %add3A_798 = arith.addi %mul3A_796, %add3A_797 : i32
        %get3A_799 = arith.constant 3 : i32
        %get3A_800 = arith.index_cast %get3A_799 : i32 to index
        %get3A_801 = arith.index_cast %add3A_798 : i32 to index
        %get3A_802 = arith.constant 176 : index
        %get3A_803 = tpu.vector_load %arg8[%get3A_800, %get3A_801, %get3A_802] {strides = array<i32>} : memref<4x48x256xf32, #tpu.memory_space<vmem>>, vector<1x1x16xf32>,
        %get3A_804 = vector.shape_cast %get3A_803 : vector<1x1x16xf32> to vector<16xf32>
        %mul3A_805 = vector.broadcast %squeeze3A_310 : f32 to vector<16xf32>
        %mul3A_806 = arith.mulf %mul3A_805, %get3A_804 : vector<16xf32>
        %add3A_807 = arith.addf %mul3A_794, %mul3A_806 : vector<16xf32>
        %mul3A_808 = arith.constant 3 : i32
        %mul3A_809 = arith.muli %mul3A_808, %scan3A_301 : i32
        %add3A_810 = arith.constant 2 : i32
        %add3A_811 = arith.addi %mul3A_809, %add3A_810 : i32
        %get3A_812 = arith.constant 3 : i32
        %get3A_813 = arith.index_cast %get3A_812 : i32 to index
        %get3A_814 = arith.index_cast %add3A_811 : i32 to index
        %get3A_815 = arith.constant 176 : index
        %get3A_816 = tpu.vector_load %arg8[%get3A_813, %get3A_814, %get3A_815] {strides = array<i32>} : memref<4x48x256xf32, #tpu.memory_space<vmem>>, vector<1x1x16xf32>,
        %get3A_817 = vector.shape_cast %get3A_816 : vector<1x1x16xf32> to vector<16xf32>
        %mul3A_818 = vector.broadcast %squeeze3A_312 : f32 to vector<16xf32>
        %mul3A_819 = arith.mulf %mul3A_818, %get3A_817 : vector<16xf32>
        %add3A_820 = arith.addf %add3A_807, %mul3A_819 : vector<16xf32>
        %swap3A_821 = arith.constant 3 : i32
        %swap3A_822 = arith.index_cast %swap3A_821 : i32 to index
        %swap3A_823 = arith.index_cast %scan3A_301 : i32 to index
        %swap3A_824 = arith.constant 176 : index
        %swap3A_825 = tpu.vector_load %arg9[%swap3A_822, %swap3A_823, %swap3A_824] {strides = array<i32>} : memref<4x16x256xf32, #tpu.memory_space<vmem>>, vector<1x1x16xf32>,
        %swap3A_826 = vector.shape_cast %swap3A_825 : vector<1x1x16xf32> to vector<16xf32>
        %swap3A_827 = vector.shape_cast %add3A_820 : vector<16xf32> to vector<1x1x16xf32>
        tpu.vector_store %arg9[%swap3A_822, %swap3A_823, %swap3A_824], %swap3A_827 {strides = array<i32>} : memref<4x16x256xf32, #tpu.memory_space<vmem>>, vector<1x1x16xf32>,
        %mul3A_828 = arith.constant 3 : i32
        %mul3A_829 = arith.muli %mul3A_828, %scan3A_301 : i32
        %get3A_830 = arith.constant 3 : i32
        %get3A_831 = arith.index_cast %get3A_830 : i32 to index
        %get3A_832 = arith.index_cast %mul3A_829 : i32 to index
        %get3A_833 = arith.constant 192 : index
        %get3A_834 = tpu.vector_load %arg8[%get3A_831, %get3A_832, %get3A_833] {strides = array<i32>} : memref<4x48x256xf32, #tpu.memory_space<vmem>>, vector<1x1x16xf32>,
        %get3A_835 = vector.shape_cast %get3A_834 : vector<1x1x16xf32> to vector<16xf32>
        %mul3A_836 = vector.broadcast %squeeze3A : f32 to vector<16xf32>
        %mul3A_837 = arith.mulf %mul3A_836, %get3A_835 : vector<16xf32>
        %mul3A_838 = arith.constant 3 : i32
        %mul3A_839 = arith.muli %mul3A_838, %scan3A_301 : i32
        %add3A_840 = arith.constant 1 : i32
        %add3A_841 = arith.addi %mul3A_839, %add3A_840 : i32
        %get3A_842 = arith.constant 3 : i32
        %get3A_843 = arith.index_cast %get3A_842 : i32 to index
        %get3A_844 = arith.index_cast %add3A_841 : i32 to index
        %get3A_845 = arith.constant 192 : index
        %get3A_846 = tpu.vector_load %arg8[%get3A_843, %get3A_844, %get3A_845] {strides = array<i32>} : memref<4x48x256xf32, #tpu.memory_space<vmem>>, vector<1x1x16xf32>,
        %get3A_847 = vector.shape_cast %get3A_846 : vector<1x1x16xf32> to vector<16xf32>
        %mul3A_848 = vector.broadcast %squeeze3A_310 : f32 to vector<16xf32>
        %mul3A_849 = arith.mulf %mul3A_848, %get3A_847 : vector<16xf32>
        %add3A_850 = arith.addf %mul3A_837, %mul3A_849 : vector<16xf32>
        %mul3A_851 = arith.constant 3 : i32
        %mul3A_852 = arith.muli %mul3A_851, %scan3A_301 : i32
        %add3A_853 = arith.constant 2 : i32
        %add3A_854 = arith.addi %mul3A_852, %add3A_853 : i32
        %get3A_855 = arith.constant 3 : i32
        %get3A_856 = arith.index_cast %get3A_855 : i32 to index
        %get3A_857 = arith.index_cast %add3A_854 : i32 to index
        %get3A_858 = arith.constant 192 : index
        %get3A_859 = tpu.vector_load %arg8[%get3A_856, %get3A_857, %get3A_858] {strides = array<i32>} : memref<4x48x256xf32, #tpu.memory_space<vmem>>, vector<1x1x16xf32>,
        %get3A_860 = vector.shape_cast %get3A_859 : vector<1x1x16xf32> to vector<16xf32>
        %mul3A_861 = vector.broadcast %squeeze3A_312 : f32 to vector<16xf32>
        %mul3A_862 = arith.mulf %mul3A_861, %get3A_860 : vector<16xf32>
        %add3A_863 = arith.addf %add3A_850, %mul3A_862 : vector<16xf32>
        %swap3A_864 = arith.constant 3 : i32
        %swap3A_865 = arith.index_cast %swap3A_864 : i32 to index
        %swap3A_866 = arith.index_cast %scan3A_301 : i32 to index
        %swap3A_867 = arith.constant 192 : index
        %swap3A_868 = tpu.vector_load %arg9[%swap3A_865, %swap3A_866, %swap3A_867] {strides = array<i32>} : memref<4x16x256xf32, #tpu.memory_space<vmem>>, vector<1x1x16xf32>,
        %swap3A_869 = vector.shape_cast %swap3A_868 : vector<1x1x16xf32> to vector<16xf32>
        %swap3A_870 = vector.shape_cast %add3A_863 : vector<16xf32> to vector<1x1x16xf32>
        tpu.vector_store %arg9[%swap3A_865, %swap3A_866, %swap3A_867], %swap3A_870 {strides = array<i32>} : memref<4x16x256xf32, #tpu.memory_space<vmem>>, vector<1x1x16xf32>,
        %mul3A_871 = arith.constant 3 : i32
        %mul3A_872 = arith.muli %mul3A_871, %scan3A_301 : i32
        %get3A_873 = arith.constant 3 : i32
        %get3A_874 = arith.index_cast %get3A_873 : i32 to index
        %get3A_875 = arith.index_cast %mul3A_872 : i32 to index
        %get3A_876 = arith.constant 208 : index
        %get3A_877 = tpu.vector_load %arg8[%get3A_874, %get3A_875, %get3A_876] {strides = array<i32>} : memref<4x48x256xf32, #tpu.memory_space<vmem>>, vector<1x1x16xf32>,
        %get3A_878 = vector.shape_cast %get3A_877 : vector<1x1x16xf32> to vector<16xf32>
        %mul3A_879 = vector.broadcast %squeeze3A : f32 to vector<16xf32>
        %mul3A_880 = arith.mulf %mul3A_879, %get3A_878 : vector<16xf32>
        %mul3A_881 = arith.constant 3 : i32
        %mul3A_882 = arith.muli %mul3A_881, %scan3A_301 : i32
        %add3A_883 = arith.constant 1 : i32
        %add3A_884 = arith.addi %mul3A_882, %add3A_883 : i32
        %get3A_885 = arith.constant 3 : i32
        %get3A_886 = arith.index_cast %get3A_885 : i32 to index
        %get3A_887 = arith.index_cast %add3A_884 : i32 to index
        %get3A_888 = arith.constant 208 : index
        %get3A_889 = tpu.vector_load %arg8[%get3A_886, %get3A_887, %get3A_888] {strides = array<i32>} : memref<4x48x256xf32, #tpu.memory_space<vmem>>, vector<1x1x16xf32>,
        %get3A_890 = vector.shape_cast %get3A_889 : vector<1x1x16xf32> to vector<16xf32>
        %mul3A_891 = vector.broadcast %squeeze3A_310 : f32 to vector<16xf32>
        %mul3A_892 = arith.mulf %mul3A_891, %get3A_890 : vector<16xf32>
        %add3A_893 = arith.addf %mul3A_880, %mul3A_892 : vector<16xf32>
        %mul3A_894 = arith.constant 3 : i32
        %mul3A_895 = arith.muli %mul3A_894, %scan3A_301 : i32
        %add3A_896 = arith.constant 2 : i32
        %add3A_897 = arith.addi %mul3A_895, %add3A_896 : i32
        %get3A_898 = arith.constant 3 : i32
        %get3A_899 = arith.index_cast %get3A_898 : i32 to index
        %get3A_900 = arith.index_cast %add3A_897 : i32 to index
        %get3A_901 = arith.constant 208 : index
        %get3A_902 = tpu.vector_load %arg8[%get3A_899, %get3A_900, %get3A_901] {strides = array<i32>} : memref<4x48x256xf32, #tpu.memory_space<vmem>>, vector<1x1x16xf32>,
        %get3A_903 = vector.shape_cast %get3A_902 : vector<1x1x16xf32> to vector<16xf32>
        %mul3A_904 = vector.broadcast %squeeze3A_312 : f32 to vector<16xf32>
        %mul3A_905 = arith.mulf %mul3A_904, %get3A_903 : vector<16xf32>
        %add3A_906 = arith.addf %add3A_893, %mul3A_905 : vector<16xf32>
        %swap3A_907 = arith.constant 3 : i32
        %swap3A_908 = arith.index_cast %swap3A_907 : i32 to index
        %swap3A_909 = arith.index_cast %scan3A_301 : i32 to index
        %swap3A_910 = arith.constant 208 : index
        %swap3A_911 = tpu.vector_load %arg9[%swap3A_908, %swap3A_909, %swap3A_910] {strides = array<i32>} : memref<4x16x256xf32, #tpu.memory_space<vmem>>, vector<1x1x16xf32>,
        %swap3A_912 = vector.shape_cast %swap3A_911 : vector<1x1x16xf32> to vector<16xf32>
        %swap3A_913 = vector.shape_cast %add3A_906 : vector<16xf32> to vector<1x1x16xf32>
        tpu.vector_store %arg9[%swap3A_908, %swap3A_909, %swap3A_910], %swap3A_913 {strides = array<i32>} : memref<4x16x256xf32, #tpu.memory_space<vmem>>, vector<1x1x16xf32>,
        %mul3A_914 = arith.constant 3 : i32
        %mul3A_915 = arith.muli %mul3A_914, %scan3A_301 : i32
        %get3A_916 = arith.constant 3 : i32
        %get3A_917 = arith.index_cast %get3A_916 : i32 to index
        %get3A_918 = arith.index_cast %mul3A_915 : i32 to index
        %get3A_919 = arith.constant 224 : index
        %get3A_920 = tpu.vector_load %arg8[%get3A_917, %get3A_918, %get3A_919] {strides = array<i32>} : memref<4x48x256xf32, #tpu.memory_space<vmem>>, vector<1x1x16xf32>,
        %get3A_921 = vector.shape_cast %get3A_920 : vector<1x1x16xf32> to vector<16xf32>
        %mul3A_922 = vector.broadcast %squeeze3A : f32 to vector<16xf32>
        %mul3A_923 = arith.mulf %mul3A_922, %get3A_921 : vector<16xf32>
        %mul3A_924 = arith.constant 3 : i32
        %mul3A_925 = arith.muli %mul3A_924, %scan3A_301 : i32
        %add3A_926 = arith.constant 1 : i32
        %add3A_927 = arith.addi %mul3A_925, %add3A_926 : i32
        %get3A_928 = arith.constant 3 : i32
        %get3A_929 = arith.index_cast %get3A_928 : i32 to index
        %get3A_930 = arith.index_cast %add3A_927 : i32 to index
        %get3A_931 = arith.constant 224 : index
        %get3A_932 = tpu.vector_load %arg8[%get3A_929, %get3A_930, %get3A_931] {strides = array<i32>} : memref<4x48x256xf32, #tpu.memory_space<vmem>>, vector<1x1x16xf32>,
        %get3A_933 = vector.shape_cast %get3A_932 : vector<1x1x16xf32> to vector<16xf32>
        %mul3A_934 = vector.broadcast %squeeze3A_310 : f32 to vector<16xf32>
        %mul3A_935 = arith.mulf %mul3A_934, %get3A_933 : vector<16xf32>
        %add3A_936 = arith.addf %mul3A_923, %mul3A_935 : vector<16xf32>
        %mul3A_937 = arith.constant 3 : i32
        %mul3A_938 = arith.muli %mul3A_937, %scan3A_301 : i32
        %add3A_939 = arith.constant 2 : i32
        %add3A_940 = arith.addi %mul3A_938, %add3A_939 : i32
        %get3A_941 = arith.constant 3 : i32
        %get3A_942 = arith.index_cast %get3A_941 : i32 to index
        %get3A_943 = arith.index_cast %add3A_940 : i32 to index
        %get3A_944 = arith.constant 224 : index
        %get3A_945 = tpu.vector_load %arg8[%get3A_942, %get3A_943, %get3A_944] {strides = array<i32>} : memref<4x48x256xf32, #tpu.memory_space<vmem>>, vector<1x1x16xf32>,
        %get3A_946 = vector.shape_cast %get3A_945 : vector<1x1x16xf32> to vector<16xf32>
        %mul3A_947 = vector.broadcast %squeeze3A_312 : f32 to vector<16xf32>
        %mul3A_948 = arith.mulf %mul3A_947, %get3A_946 : vector<16xf32>
        %add3A_949 = arith.addf %add3A_936, %mul3A_948 : vector<16xf32>
        %swap3A_950 = arith.constant 3 : i32
        %swap3A_951 = arith.index_cast %swap3A_950 : i32 to index
        %swap3A_952 = arith.index_cast %scan3A_301 : i32 to index
        %swap3A_953 = arith.constant 224 : index
        %swap3A_954 = tpu.vector_load %arg9[%swap3A_951, %swap3A_952, %swap3A_953] {strides = array<i32>} : memref<4x16x256xf32, #tpu.memory_space<vmem>>, vector<1x1x16xf32>,
        %swap3A_955 = vector.shape_cast %swap3A_954 : vector<1x1x16xf32> to vector<16xf32>
        %swap3A_956 = vector.shape_cast %add3A_949 : vector<16xf32> to vector<1x1x16xf32>
        tpu.vector_store %arg9[%swap3A_951, %swap3A_952, %swap3A_953], %swap3A_956 {strides = array<i32>} : memref<4x16x256xf32, #tpu.memory_space<vmem>>, vector<1x1x16xf32>,
        %mul3A_957 = arith.constant 3 : i32
        %mul3A_958 = arith.muli %mul3A_957, %scan3A_301 : i32
        %get3A_959 = arith.constant 3 : i32
        %get3A_960 = arith.index_cast %get3A_959 : i32 to index
        %get3A_961 = arith.index_cast %mul3A_958 : i32 to index
        %get3A_962 = arith.constant 240 : index
        %get3A_963 = tpu.vector_load %arg8[%get3A_960, %get3A_961, %get3A_962] {strides = array<i32>} : memref<4x48x256xf32, #tpu.memory_space<vmem>>, vector<1x1x16xf32>,
        %get3A_964 = vector.shape_cast %get3A_963 : vector<1x1x16xf32> to vector<16xf32>
        %mul3A_965 = vector.broadcast %squeeze3A : f32 to vector<16xf32>
        %mul3A_966 = arith.mulf %mul3A_965, %get3A_964 : vector<16xf32>
        %mul3A_967 = arith.constant 3 : i32
        %mul3A_968 = arith.muli %mul3A_967, %scan3A_301 : i32
        %add3A_969 = arith.constant 1 : i32
        %add3A_970 = arith.addi %mul3A_968, %add3A_969 : i32
        %get3A_971 = arith.constant 3 : i32
        %get3A_972 = arith.index_cast %get3A_971 : i32 to index
        %get3A_973 = arith.index_cast %add3A_970 : i32 to index
        %get3A_974 = arith.constant 240 : index
        %get3A_975 = tpu.vector_load %arg8[%get3A_972, %get3A_973, %get3A_974] {strides = array<i32>} : memref<4x48x256xf32, #tpu.memory_space<vmem>>, vector<1x1x16xf32>,
        %get3A_976 = vector.shape_cast %get3A_975 : vector<1x1x16xf32> to vector<16xf32>
        %mul3A_977 = vector.broadcast %squeeze3A_310 : f32 to vector<16xf32>
        %mul3A_978 = arith.mulf %mul3A_977, %get3A_976 : vector<16xf32>
        %add3A_979 = arith.addf %mul3A_966, %mul3A_978 : vector<16xf32>
        %mul3A_980 = arith.constant 3 : i32
        %mul3A_981 = arith.muli %mul3A_980, %scan3A_301 : i32
        %add3A_982 = arith.constant 2 : i32
        %add3A_983 = arith.addi %mul3A_981, %add3A_982 : i32
        %get3A_984 = arith.constant 3 : i32
        %get3A_985 = arith.index_cast %get3A_984 : i32 to index
        %get3A_986 = arith.index_cast %add3A_983 : i32 to index
        %get3A_987 = arith.constant 240 : index
        %get3A_988 = tpu.vector_load %arg8[%get3A_985, %get3A_986, %get3A_987] {strides = array<i32>} : memref<4x48x256xf32, #tpu.memory_space<vmem>>, vector<1x1x16xf32>,
        %get3A_989 = vector.shape_cast %get3A_988 : vector<1x1x16xf32> to vector<16xf32>
        %mul3A_990 = vector.broadcast %squeeze3A_312 : f32 to vector<16xf32>
        %mul3A_991 = arith.mulf %mul3A_990, %get3A_989 : vector<16xf32>
        %add3A_992 = arith.addf %add3A_979, %mul3A_991 : vector<16xf32>
        %swap3A_993 = arith.constant 3 : i32
        %swap3A_994 = arith.index_cast %swap3A_993 : i32 to index
        %swap3A_995 = arith.index_cast %scan3A_301 : i32 to index
        %swap3A_996 = arith.constant 240 : index
        %swap3A_997 = tpu.vector_load %arg9[%swap3A_994, %swap3A_995, %swap3A_996] {strides = array<i32>} : memref<4x16x256xf32, #tpu.memory_space<vmem>>, vector<1x1x16xf32>,
        %swap3A_998 = vector.shape_cast %swap3A_997 : vector<1x1x16xf32> to vector<16xf32>
        %swap3A_999 = vector.shape_cast %add3A_992 : vector<16xf32> to vector<1x1x16xf32>
        tpu.vector_store %arg9[%swap3A_994, %swap3A_995, %swap3A_996], %swap3A_999 {strides = array<i32>} : memref<4x16x256xf32, #tpu.memory_space<vmem>>, vector<1x1x16xf32>,
      }
      %scan3A_284 = arith.constant 16 : i32
      %mul3A_285 = arith.constant 16 : i32
      %mul3A_286 = arith.muli %add3A_251, %mul3A_285 : i32
      %add3A_287 = arith.addi %mul3A_2, %mul3A_286 : i32
      %dma_start3A_288 = arith.constant 3 : i32
      %dma_start3A_289 = arith.constant 0 : i32
      %dma_start3A_290 = arith.constant 0 : i32
      %dma_start3A_291 = tpu.memref_slice %arg9[%dma_start3A_288, %dma_start3A_289, %dma_start3A_290] : memref<4x16x256xf32, #tpu.memory_space<vmem>> -> memref<1x16x256xf32, #tpu.memory_space<vmem>>
      %dma_start3A_292 = tpu.memref_squeeze %dma_start3A_291 : memref<1x16x256xf32, #tpu.memory_space<vmem>> -> memref<16x256xf32, #tpu.memory_space<vmem>>
      %dma_start3A_293 = arith.constant 0 : i32
      %dma_start3A_294 = tpu.memref_slice %arg5[%add3A_287, %dma_start3A_293] : memref<32768x256xf32, #tpu.memory_space<hbm>> -> memref<16x256xf32, #tpu.memory_space<hbm>>
      %dma_start3A_295 = arith.constant 0 : i32
      %dma_start3A_296 = tpu.memref_slice %arg5[%add3A_287, %dma_start3A_295] : memref<32768x256xf32, #tpu.memory_space<hbm>> -> memref<16x256xf32, #tpu.memory_space<hbm>>
      %dma_start3A_297 = arith.constant 0 : i32
      %dma_start3A_298 = arith.constant 0 : i32
      %dma_start3A_299 = tpu.memref_slice %arg9[%dma_start3A_288, %dma_start3A_297, %dma_start3A_298] : memref<4x16x256xf32, #tpu.memory_space<vmem>> -> memref<1x16x256xf32, #tpu.memory_space<vmem>>
      %dma_start3A_300 = tpu.memref_squeeze %dma_start3A_299 : memref<1x16x256xf32, #tpu.memory_space<vmem>> -> memref<16x256xf32, #tpu.memory_space<vmem>>
      tpu.enqueue_dma source(%dma_start3A_300 : memref<16x256xf32, #tpu.memory_space<vmem>>) target(%dma_start3A_296 : memref<16x256xf32, #tpu.memory_space<hbm>>) target_semaphore(%arg17 : memref<!tpu.dma_semaphore, #tpu.memory_space<semaphore_mem>>)
    }
    %scan3A_40 = arith.constant 16 : i32
    %dma_wait3A = arith.constant 0 : i32
    %dma_wait3A_41 = arith.constant 0 : i32
    %dma_wait3A_42 = arith.constant 0 : i32
    %dma_wait3A_43 = tpu.memref_slice %arg9[%dma_wait3A, %dma_wait3A_41, %dma_wait3A_42] : memref<4x16x256xf32, #tpu.memory_space<vmem>> -> memref<1x16x256xf32, #tpu.memory_space<vmem>>
    %dma_wait3A_44 = tpu.memref_squeeze %dma_wait3A_43 : memref<1x16x256xf32, #tpu.memory_space<vmem>> -> memref<16x256xf32, #tpu.memory_space<vmem>>
    %dma_wait3A_45 = arith.constant 0 : i32
    %dma_wait3A_46 = tpu.memref_slice %arg5[%mul3A_2, %dma_wait3A_45] : memref<32768x256xf32, #tpu.memory_space<hbm>> -> memref<16x256xf32, #tpu.memory_space<hbm>>
    %dma_wait3A_47 = arith.constant 0 : i32
    %dma_wait3A_48 = tpu.memref_slice %arg5[%mul3A_2, %dma_wait3A_47] : memref<32768x256xf32, #tpu.memory_space<hbm>> -> memref<16x256xf32, #tpu.memory_space<hbm>>
    %dma_wait3A_49 = arith.constant 0 : i32
    %dma_wait3A_50 = arith.constant 0 : i32
    %dma_wait3A_51 = tpu.memref_slice %arg9[%dma_wait3A, %dma_wait3A_49, %dma_wait3A_50] : memref<4x16x256xf32, #tpu.memory_space<vmem>> -> memref<1x16x256xf32, #tpu.memory_space<vmem>>
    %dma_wait3A_52 = tpu.memref_squeeze %dma_wait3A_51 : memref<1x16x256xf32, #tpu.memory_space<vmem>> -> memref<16x256xf32, #tpu.memory_space<vmem>>
    tpu.wait_dma2 semaphore(%arg14 : memref<!tpu.dma_semaphore, #tpu.memory_space<semaphore_mem>>) src(%dma_wait3A_52 : memref<16x256xf32, #tpu.memory_space<vmem>>) dst(%dma_wait3A_48 : memref<16x256xf32, #tpu.memory_space<hbm>>)
    %dma_wait3A_53 = arith.constant 1 : i32
    %dma_wait3A_54 = arith.constant 0 : i32
    %dma_wait3A_55 = arith.constant 0 : i32
    %dma_wait3A_56 = tpu.memref_slice %arg9[%dma_wait3A_53, %dma_wait3A_54, %dma_wait3A_55] : memref<4x16x256xf32, #tpu.memory_space<vmem>> -> memref<1x16x256xf32, #tpu.memory_space<vmem>>
    %dma_wait3A_57 = tpu.memref_squeeze %dma_wait3A_56 : memref<1x16x256xf32, #tpu.memory_space<vmem>> -> memref<16x256xf32, #tpu.memory_space<vmem>>
    %dma_wait3A_58 = arith.constant 0 : i32
    %dma_wait3A_59 = tpu.memref_slice %arg5[%mul3A_2, %dma_wait3A_58] : memref<32768x256xf32, #tpu.memory_space<hbm>> -> memref<16x256xf32, #tpu.memory_space<hbm>>
    %dma_wait3A_60 = arith.constant 0 : i32
    %dma_wait3A_61 = tpu.memref_slice %arg5[%mul3A_2, %dma_wait3A_60] : memref<32768x256xf32, #tpu.memory_space<hbm>> -> memref<16x256xf32, #tpu.memory_space<hbm>>
    %dma_wait3A_62 = arith.constant 0 : i32
    %dma_wait3A_63 = arith.constant 0 : i32
    %dma_wait3A_64 = tpu.memref_slice %arg9[%dma_wait3A_53, %dma_wait3A_62, %dma_wait3A_63] : memref<4x16x256xf32, #tpu.memory_space<vmem>> -> memref<1x16x256xf32, #tpu.memory_space<vmem>>
    %dma_wait3A_65 = tpu.memref_squeeze %dma_wait3A_64 : memref<1x16x256xf32, #tpu.memory_space<vmem>> -> memref<16x256xf32, #tpu.memory_space<vmem>>
    tpu.wait_dma2 semaphore(%arg15 : memref<!tpu.dma_semaphore, #tpu.memory_space<semaphore_mem>>) src(%dma_wait3A_65 : memref<16x256xf32, #tpu.memory_space<vmem>>) dst(%dma_wait3A_61 : memref<16x256xf32, #tpu.memory_space<hbm>>)
    %dma_wait3A_66 = arith.constant 2 : i32
    %dma_wait3A_67 = arith.constant 0 : i32
    %dma_wait3A_68 = arith.constant 0 : i32
    %dma_wait3A_69 = tpu.memref_slice %arg9[%dma_wait3A_66, %dma_wait3A_67, %dma_wait3A_68] : memref<4x16x256xf32, #tpu.memory_space<vmem>> -> memref<1x16x256xf32, #tpu.memory_space<vmem>>
    %dma_wait3A_70 = tpu.memref_squeeze %dma_wait3A_69 : memref<1x16x256xf32, #tpu.memory_space<vmem>> -> memref<16x256xf32, #tpu.memory_space<vmem>>
    %dma_wait3A_71 = arith.constant 0 : i32
    %dma_wait3A_72 = tpu.memref_slice %arg5[%mul3A_2, %dma_wait3A_71] : memref<32768x256xf32, #tpu.memory_space<hbm>> -> memref<16x256xf32, #tpu.memory_space<hbm>>
    %dma_wait3A_73 = arith.constant 0 : i32
    %dma_wait3A_74 = tpu.memref_slice %arg5[%mul3A_2, %dma_wait3A_73] : memref<32768x256xf32, #tpu.memory_space<hbm>> -> memref<16x256xf32, #tpu.memory_space<hbm>>
    %dma_wait3A_75 = arith.constant 0 : i32
    %dma_wait3A_76 = arith.constant 0 : i32
    %dma_wait3A_77 = tpu.memref_slice %arg9[%dma_wait3A_66, %dma_wait3A_75, %dma_wait3A_76] : memref<4x16x256xf32, #tpu.memory_space<vmem>> -> memref<1x16x256xf32, #tpu.memory_space<vmem>>
    %dma_wait3A_78 = tpu.memref_squeeze %dma_wait3A_77 : memref<1x16x256xf32, #tpu.memory_space<vmem>> -> memref<16x256xf32, #tpu.memory_space<vmem>>
    tpu.wait_dma2 semaphore(%arg16 : memref<!tpu.dma_semaphore, #tpu.memory_space<semaphore_mem>>) src(%dma_wait3A_78 : memref<16x256xf32, #tpu.memory_space<vmem>>) dst(%dma_wait3A_74 : memref<16x256xf32, #tpu.memory_space<hbm>>)
    %dma_wait3A_79 = arith.constant 3 : i32
    %dma_wait3A_80 = arith.constant 0 : i32
    %dma_wait3A_81 = arith.constant 0 : i32
    %dma_wait3A_82 = tpu.memref_slice %arg9[%dma_wait3A_79, %dma_wait3A_80, %dma_wait3A_81] : memref<4x16x256xf32, #tpu.memory_space<vmem>> -> memref<1x16x256xf32, #tpu.memory_space<vmem>>
    %dma_wait3A_83 = tpu.memref_squeeze %dma_wait3A_82 : memref<1x16x256xf32, #tpu.memory_space<vmem>> -> memref<16x256xf32, #tpu.memory_space<vmem>>
    %dma_wait3A_84 = arith.constant 0 : i32
    %dma_wait3A_85 = tpu.memref_slice %arg5[%mul3A_2, %dma_wait3A_84] : memref<32768x256xf32, #tpu.memory_space<hbm>> -> memref<16x256xf32, #tpu.memory_space<hbm>>
    %dma_wait3A_86 = arith.constant 0 : i32
    %dma_wait3A_87 = tpu.memref_slice %arg5[%mul3A_2, %dma_wait3A_86] : memref<32768x256xf32, #tpu.memory_space<hbm>> -> memref<16x256xf32, #tpu.memory_space<hbm>>
    %dma_wait3A_88 = arith.constant 0 : i32
    %dma_wait3A_89 = arith.constant 0 : i32
    %dma_wait3A_90 = tpu.memref_slice %arg9[%dma_wait3A_79, %dma_wait3A_88, %dma_wait3A_89] : memref<4x16x256xf32, #tpu.memory_space<vmem>> -> memref<1x16x256xf32, #tpu.memory_space<vmem>>
    %dma_wait3A_91 = tpu.memref_squeeze %dma_wait3A_90 : memref<1x16x256xf32, #tpu.memory_space<vmem>> -> memref<16x256xf32, #tpu.memory_space<vmem>>
    tpu.wait_dma2 semaphore(%arg17 : memref<!tpu.dma_semaphore, #tpu.memory_space<semaphore_mem>>) src(%dma_wait3A_91 : memref<16x256xf32, #tpu.memory_space<vmem>>) dst(%dma_wait3A_87 : memref<16x256xf32, #tpu.memory_space<hbm>>)
    return
  }
}

module attributes {stable_mosaic.version = 14 : i64} {
  func.func @_knn_body(%arg0: i32, %arg1: i32, %arg2: memref<1x2048x3xf32, #tpu.memory_space<vmem>>, %arg3: memref<1x1024x3xf32, #tpu.memory_space<vmem>>, %arg4: memref<1x2048x3xi32, #tpu.memory_space<vmem>>, %arg5: memref<1x2048x3xf32, #tpu.memory_space<vmem>>) attributes {dimension_semantics = [#tpu.dimension_semantics<arbitrary>, #tpu.dimension_semantics<arbitrary>], iteration_bounds = array<i64: 8, 2>, scalar_prefetch = 0 : i64, scratch_operands = 0 : i64, tpu.core_type = #tpu.core_type<tc>, window_params = [{transform_indices = @transform_0, window_bounds = array<i64: 1, 2048, 3>}, {transform_indices = @transform_1, window_bounds = array<i64: 1, 1024, 3>}, {transform_indices = @transform_2, window_bounds = array<i64: 1, 2048, 3>}, {transform_indices = @transform_3, window_bounds = array<i64: 1, 2048, 3>}]} {
    %get3A = arith.constant 0 : index
    %get3A_0 = arith.constant 0 : index
    %get3A_1 = arith.constant 0 : index
    %get3A_2 = vector.load %arg2[%get3A, %get3A_0, %get3A_1] : memref<1x2048x3xf32, #tpu.memory_space<vmem>>, vector<1x2048x3xf32>
    %get3A_3 = vector.shape_cast %get3A_2 : vector<1x2048x3xf32> to vector<2048x3xf32>
    %get3A_4 = arith.constant 0 : index
    %get3A_5 = arith.constant 0 : index
    %get3A_6 = arith.constant 0 : index
    %get3A_7 = vector.load %arg3[%get3A_4, %get3A_5, %get3A_6] : memref<1x1024x3xf32, #tpu.memory_space<vmem>>, vector<1x1024x3xf32>
    %get3A_8 = vector.shape_cast %get3A_7 : vector<1x1024x3xf32> to vector<1024x3xf32>
    %dot_general3A = arith.constant dense<0.000000e+00> : vector<2048x1024xf32>
    %dot_general3A_9 = tpu.matmul %get3A_3, %get3A_8, %dot_general3A {dimension_numbers = #tpu.dot_dimension_numbers<[1], [1], [0], [0], [0, 0, 1, 0], [], []>, transpose_lhs_hint = false} : vector<2048x3xf32>, vector<1024x3xf32>, vector<2048x1024xf32> -> vector<2048x1024xf32>
    %mul3A = arith.mulf %get3A_3, %get3A_3 : vector<2048x3xf32>
    %reduce_sum3A = arith.constant dense<0.000000e+00> : vector<2048xf32>
    %reduce_sum3A_10 = vector.multi_reduction <add>, %mul3A, %reduce_sum3A [1] : vector<2048x3xf32> to vector<2048xf32>
    %broadcast_in_dim3A = vector.shape_cast %reduce_sum3A_10 : vector<2048xf32> to vector<2048x1xf32>
    %mul3A_11 = arith.mulf %get3A_8, %get3A_8 : vector<1024x3xf32>
    %reduce_sum3A_12 = arith.constant dense<0.000000e+00> : vector<1024xf32>
    %reduce_sum3A_13 = vector.multi_reduction <add>, %mul3A_11, %reduce_sum3A_12 [1] : vector<1024x3xf32> to vector<1024xf32>
    %broadcast_in_dim3A_14 = vector.shape_cast %reduce_sum3A_13 : vector<1024xf32> to vector<1x1024xf32>
    %add3A = vector.broadcast %broadcast_in_dim3A : vector<2048x1xf32> to vector<2048x1024xf32>
    %add3A_15 = vector.broadcast %broadcast_in_dim3A_14 : vector<1x1024xf32> to vector<2048x1024xf32>
    %add3A_16 = arith.addf %add3A, %add3A_15 : vector<2048x1024xf32>
    %mul3A_17 = arith.constant 2.000000e+00 : f32
    %mul3A_18 = vector.broadcast %mul3A_17 : f32 to vector<2048x1024xf32>
    %mul3A_19 = arith.mulf %mul3A_18, %dot_general3A_9 : vector<2048x1024xf32>
    %sub3A = arith.subf %add3A_16, %mul3A_19 : vector<2048x1024xf32>
    %iota3A = tpu.iota {dimensions = array<i32: 1>} : vector<2048x1024xi32>
    %reduce_min3A = arith.constant dense<0x7F800000> : vector<2048xf32>
    %reduce_min3A_20 = vector.multi_reduction <minimumf>, %sub3A, %reduce_min3A [1] : vector<2048x1024xf32> to vector<2048xf32>
    %broadcast_in_dim3A_21 = vector.shape_cast %reduce_min3A_20 : vector<2048xf32> to vector<2048x1xf32>
    %eq3A = vector.broadcast %broadcast_in_dim3A_21 : vector<2048x1xf32> to vector<2048x1024xf32>
    %eq3A_22 = arith.cmpf oeq, %sub3A, %eq3A : vector<2048x1024xf32>
    %jit3A = arith.constant 1024 : i32
    %broadcast_in_dim3A_23 = vector.broadcast %jit3A : i32 to vector<2048x1024xi32>
    %select_n3A = arith.select %eq3A_22, %iota3A, %broadcast_in_dim3A_23 : vector<2048x1024xi1>, vector<2048x1024xi32>
    %reduce_min3A_24 = arith.constant dense<2147483647> : vector<2048xi32>
    %reduce_min3A_25 = vector.multi_reduction <minsi>, %select_n3A, %reduce_min3A_24 [1] : vector<2048x1024xi32> to vector<2048xi32>
    %broadcast_in_dim3A_26 = vector.shape_cast %reduce_min3A_25 : vector<2048xi32> to vector<2048x1xi32>
    %jit3A_27 = arith.constant 0x7F800000 : f32
    %broadcast_in_dim3A_28 = vector.broadcast %jit3A_27 : f32 to vector<2048x1024xf32>
    %select_n3A_29 = arith.select %eq3A_22, %broadcast_in_dim3A_28, %sub3A : vector<2048x1024xi1>, vector<2048x1024xf32>
    %reduce_min3A_30 = arith.constant dense<0x7F800000> : vector<2048xf32>
    %reduce_min3A_31 = vector.multi_reduction <minimumf>, %select_n3A_29, %reduce_min3A_30 [1] : vector<2048x1024xf32> to vector<2048xf32>
    %broadcast_in_dim3A_32 = vector.shape_cast %reduce_min3A_31 : vector<2048xf32> to vector<2048x1xf32>
    %eq3A_33 = vector.broadcast %broadcast_in_dim3A_32 : vector<2048x1xf32> to vector<2048x1024xf32>
    %eq3A_34 = arith.cmpf oeq, %select_n3A_29, %eq3A_33 : vector<2048x1024xf32>
    %jit3A_35 = arith.constant 1024 : i32
    %broadcast_in_dim3A_36 = vector.broadcast %jit3A_35 : i32 to vector<2048x1024xi32>
    %select_n3A_37 = arith.select %eq3A_34, %iota3A, %broadcast_in_dim3A_36 : vector<2048x1024xi1>, vector<2048x1024xi32>
    %reduce_min3A_38 = arith.constant dense<2147483647> : vector<2048xi32>
    %reduce_min3A_39 = vector.multi_reduction <minsi>, %select_n3A_37, %reduce_min3A_38 [1] : vector<2048x1024xi32> to vector<2048xi32>
    %broadcast_in_dim3A_40 = vector.shape_cast %reduce_min3A_39 : vector<2048xi32> to vector<2048x1xi32>
    %jit3A_41 = arith.constant 0x7F800000 : f32
    %broadcast_in_dim3A_42 = vector.broadcast %jit3A_41 : f32 to vector<2048x1024xf32>
    %select_n3A_43 = arith.select %eq3A_34, %broadcast_in_dim3A_42, %select_n3A_29 : vector<2048x1024xi1>, vector<2048x1024xf32>
    %reduce_min3A_44 = arith.constant dense<0x7F800000> : vector<2048xf32>
    %reduce_min3A_45 = vector.multi_reduction <minimumf>, %select_n3A_43, %reduce_min3A_44 [1] : vector<2048x1024xf32> to vector<2048xf32>
    %broadcast_in_dim3A_46 = vector.shape_cast %reduce_min3A_45 : vector<2048xf32> to vector<2048x1xf32>
    %eq3A_47 = vector.broadcast %broadcast_in_dim3A_46 : vector<2048x1xf32> to vector<2048x1024xf32>
    %eq3A_48 = arith.cmpf oeq, %select_n3A_43, %eq3A_47 : vector<2048x1024xf32>
    %jit3A_49 = arith.constant 1024 : i32
    %broadcast_in_dim3A_50 = vector.broadcast %jit3A_49 : i32 to vector<2048x1024xi32>
    %select_n3A_51 = arith.select %eq3A_48, %iota3A, %broadcast_in_dim3A_50 : vector<2048x1024xi1>, vector<2048x1024xi32>
    %reduce_min3A_52 = arith.constant dense<2147483647> : vector<2048xi32>
    %reduce_min3A_53 = vector.multi_reduction <minsi>, %select_n3A_51, %reduce_min3A_52 [1] : vector<2048x1024xi32> to vector<2048xi32>
    %broadcast_in_dim3A_54 = vector.shape_cast %reduce_min3A_53 : vector<2048xi32> to vector<2048x1xi32>
    %concatenate3A = tpu.concatenate %broadcast_in_dim3A_21, %broadcast_in_dim3A_32, %broadcast_in_dim3A_46 in 1 : vector<2048x1xf32>, vector<2048x1xf32>, vector<2048x1xf32> -> vector<2048x3xf32>
    %concatenate3A_55 = tpu.concatenate %broadcast_in_dim3A_26, %broadcast_in_dim3A_40, %broadcast_in_dim3A_54 in 1 : vector<2048x1xi32>, vector<2048x1xi32>, vector<2048x1xi32> -> vector<2048x3xi32>
    %add3A_56 = arith.constant 9.99999993E-9 : f32
    %add3A_57 = vector.broadcast %add3A_56 : f32 to vector<2048x3xf32>
    %add3A_58 = arith.addf %concatenate3A, %add3A_57 : vector<2048x3xf32>
    %div3A = arith.constant 1.000000e+00 : f32
    %div3A_59 = vector.broadcast %div3A : f32 to vector<2048x3xf32>
    %div3A_60 = arith.divf %div3A_59, %add3A_58 : vector<2048x3xf32>
    %reduce_sum3A_61 = arith.constant dense<0.000000e+00> : vector<2048xf32>
    %reduce_sum3A_62 = vector.multi_reduction <add>, %div3A_60, %reduce_sum3A_61 [1] : vector<2048x3xf32> to vector<2048xf32>
    %broadcast_in_dim3A_63 = vector.shape_cast %reduce_sum3A_62 : vector<2048xf32> to vector<2048x1xf32>
    %div3A_64 = vector.broadcast %broadcast_in_dim3A_63 : vector<2048x1xf32> to vector<2048x3xf32>
    %div3A_65 = arith.divf %div3A_60, %div3A_64 : vector<2048x3xf32>
    %swap3A = arith.constant 0 : index
    %swap3A_66 = arith.constant 0 : index
    %swap3A_67 = arith.constant 0 : index
    %swap3A_68 = vector.load %arg5[%swap3A, %swap3A_66, %swap3A_67] : memref<1x2048x3xf32, #tpu.memory_space<vmem>>, vector<1x2048x3xf32>
    %swap3A_69 = vector.shape_cast %swap3A_68 : vector<1x2048x3xf32> to vector<2048x3xf32>
    %swap3A_70 = vector.shape_cast %div3A_65 : vector<2048x3xf32> to vector<1x2048x3xf32>
    tpu.vector_store %arg5[%swap3A, %swap3A_66, %swap3A_67], %swap3A_70 {strides = array<i32>} : memref<1x2048x3xf32, #tpu.memory_space<vmem>>, vector<1x2048x3xf32>,
    %mul3A_71 = arith.constant 1024 : i32
    %mul3A_72 = arith.muli %arg0, %mul3A_71 : i32
    %add3A_73 = vector.broadcast %mul3A_72 : i32 to vector<2048x3xi32>
    %add3A_74 = arith.addi %concatenate3A_55, %add3A_73 : vector<2048x3xi32>
    %swap3A_75 = arith.constant 0 : index
    %swap3A_76 = arith.constant 0 : index
    %swap3A_77 = arith.constant 0 : index
    %swap3A_78 = vector.load %arg4[%swap3A_75, %swap3A_76, %swap3A_77] : memref<1x2048x3xi32, #tpu.memory_space<vmem>>, vector<1x2048x3xi32>
    %swap3A_79 = vector.shape_cast %swap3A_78 : vector<1x2048x3xi32> to vector<2048x3xi32>
    %swap3A_80 = vector.shape_cast %add3A_74 : vector<2048x3xi32> to vector<1x2048x3xi32>
    tpu.vector_store %arg4[%swap3A_75, %swap3A_76, %swap3A_77], %swap3A_80 {strides = array<i32>} : memref<1x2048x3xi32, #tpu.memory_space<vmem>>, vector<1x2048x3xi32>,
    return
  }
  func.func @transform_0(%arg0: i32, %arg1: i32) -> (i32, i32, i32) {
    %c0_i32 = arith.constant 0 : i32
    %c0_i32_0 = arith.constant 0 : i32
    return %arg0, %arg1, %c0_i32 : i32, i32, i32
  }
  func.func @transform_1(%arg0: i32, %arg1: i32) -> (i32, i32, i32) {
    %c0_i32 = arith.constant 0 : i32
    %c0_i32_0 = arith.constant 0 : i32
    %c0_i32_1 = arith.constant 0 : i32
    return %arg0, %c0_i32, %c0_i32_0 : i32, i32, i32
  }
  func.func @transform_2(%arg0: i32, %arg1: i32) -> (i32, i32, i32) {
    %c0_i32 = arith.constant 0 : i32
    %c0_i32_0 = arith.constant 0 : i32
    return %arg0, %arg1, %c0_i32 : i32, i32, i32
  }
  func.func @transform_3(%arg0: i32, %arg1: i32) -> (i32, i32, i32) {
    %c0_i32 = arith.constant 0 : i32
    %c0_i32_0 = arith.constant 0 : i32
    return %arg0, %arg1, %c0_i32 : i32, i32, i32
  }
}

module attributes {stable_mosaic.version = 14 : i64} {
  func.func @_mlp1_body(%arg0: i32, %arg1: i32, %arg2: memref<1x2048x256xf32, #tpu.memory_space<vmem>>, %arg3: memref<1x2048x128xf32, #tpu.memory_space<vmem>>, %arg4: memref<256x384xf32, #tpu.memory_space<vmem>>, %arg5: memref<1x2048x256xbf16, #tpu.memory_space<vmem>>, %arg6: memref<2x256xf32, #tpu.memory_space<vmem>>) attributes {dimension_semantics = [#tpu.dimension_semantics<arbitrary>, #tpu.dimension_semantics<arbitrary>], iteration_bounds = array<i64: 8, 2>, scalar_prefetch = 0 : i64, scratch_operands = 0 : i64, tpu.core_type = #tpu.core_type<tc>, window_params = [{transform_indices = @transform_0, window_bounds = array<i64: 1, 2048, 256>}, {transform_indices = @transform_1, window_bounds = array<i64: 1, 2048, 128>}, {pipeline_mode = #tpu.pipeline_mode<synchronous>, transform_indices = @transform_2, window_bounds = array<i64: 256, 384>}, {transform_indices = @transform_3, window_bounds = array<i64: 1, 2048, 256>}, {pipeline_mode = #tpu.pipeline_mode<synchronous>, transform_indices = @transform_4, window_bounds = array<i64: 2, 256>}]} {
    %get3A = arith.constant 0 : index
    %get3A_0 = arith.constant 0 : index
    %get3A_1 = arith.constant 0 : index
    %get3A_2 = vector.load %arg2[%get3A, %get3A_0, %get3A_1] : memref<1x2048x256xf32, #tpu.memory_space<vmem>>, vector<1x2048x256xf32>
    %get3A_3 = vector.shape_cast %get3A_2 : vector<1x2048x256xf32> to vector<2048x256xf32>
    %get3A_4 = arith.constant 0 : index
    %get3A_5 = arith.constant 0 : index
    %get3A_6 = arith.constant 0 : index
    %get3A_7 = vector.load %arg3[%get3A_4, %get3A_5, %get3A_6] : memref<1x2048x128xf32, #tpu.memory_space<vmem>>, vector<1x2048x128xf32>
    %get3A_8 = vector.shape_cast %get3A_7 : vector<1x2048x128xf32> to vector<2048x128xf32>
    %concatenate3A = tpu.concatenate %get3A_3, %get3A_8 in 1 : vector<2048x256xf32>, vector<2048x128xf32> -> vector<2048x384xf32>
    %get3A_9 = arith.constant 0 : index
    %get3A_10 = arith.constant 0 : index
    %get3A_11 = vector.load %arg4[%get3A_9, %get3A_10] : memref<256x384xf32, #tpu.memory_space<vmem>>, vector<256x384xf32>
    %dot_general3A = arith.constant dense<0.000000e+00> : vector<2048x256xf32>
    %dot_general3A_12 = tpu.matmul %concatenate3A, %get3A_11, %dot_general3A {dimension_numbers = #tpu.dot_dimension_numbers<[1], [1], [0], [0], [0, 0, 1, 0], [], []>, transpose_lhs_hint = false} : vector<2048x384xf32>, vector<256x384xf32>, vector<2048x256xf32> -> vector<2048x256xf32>
    %eq3A = arith.constant 0 : i32
    %eq3A_13 = arith.cmpi eq, %arg0, %eq3A : i32
    %eq3A_14 = arith.constant 0 : i32
    %eq3A_15 = arith.cmpi eq, %arg1, %eq3A_14 : i32
    %and3A = arith.andi %eq3A_13, %eq3A_15 : i1
    %convert_element_type3A = arith.extui %and3A : i1 to i32
    %cond3A = arith.constant 0 : i32
    %cond3A_16 = arith.cmpi ne, %convert_element_type3A, %cond3A : i32
    scf.if %cond3A_16 {
      %broadcast_in_dim3A_40 = arith.constant 0.000000e+00 : f32
      %broadcast_in_dim3A_41 = vector.broadcast %broadcast_in_dim3A_40 : f32 to vector<2x256xf32>
      %swap3A_42 = arith.constant 0 : index
      %swap3A_43 = arith.constant 0 : index
      %swap3A_44 = vector.load %arg6[%swap3A_42, %swap3A_43] : memref<2x256xf32, #tpu.memory_space<vmem>>, vector<2x256xf32>
      tpu.vector_store %arg6[%swap3A_42, %swap3A_43], %broadcast_in_dim3A_41 {strides = array<i32>} : memref<2x256xf32, #tpu.memory_space<vmem>>, vector<2x256xf32>,
    } else {
    }
    %convert_element_type3A_17 = arith.truncf %dot_general3A_12 : vector<2048x256xf32> to vector<2048x256xbf16>
    %swap3A = arith.constant 0 : index
    %swap3A_18 = arith.constant 0 : index
    %swap3A_19 = arith.constant 0 : index
    %swap3A_20 = vector.load %arg5[%swap3A, %swap3A_18, %swap3A_19] : memref<1x2048x256xbf16, #tpu.memory_space<vmem>>, vector<1x2048x256xbf16>
    %swap3A_21 = vector.shape_cast %swap3A_20 : vector<1x2048x256xbf16> to vector<2048x256xbf16>
    %swap3A_22 = vector.shape_cast %convert_element_type3A_17 : vector<2048x256xbf16> to vector<1x2048x256xbf16>
    tpu.vector_store %arg5[%swap3A, %swap3A_18, %swap3A_19], %swap3A_22 {strides = array<i32>} : memref<1x2048x256xbf16, #tpu.memory_space<vmem>>, vector<1x2048x256xbf16>,
    %get3A_23 = arith.constant 0 : index
    %get3A_24 = arith.constant 0 : index
    %get3A_25 = vector.load %arg6[%get3A_23, %get3A_24] : memref<2x256xf32, #tpu.memory_space<vmem>>, vector<1x256xf32>
    %reduce_sum3A = arith.constant dense<0.000000e+00> : vector<256xf32>
    %reduce_sum3A_26 = vector.multi_reduction <add>, %dot_general3A_12, %reduce_sum3A [0] : vector<2048x256xf32> to vector<256xf32>
    %broadcast_in_dim3A = vector.shape_cast %reduce_sum3A_26 : vector<256xf32> to vector<1x256xf32>
    %add3A = arith.addf %get3A_25, %broadcast_in_dim3A : vector<1x256xf32>
    %swap3A_27 = arith.constant 0 : index
    %swap3A_28 = arith.constant 0 : index
    %swap3A_29 = vector.load %arg6[%swap3A_27, %swap3A_28] : memref<2x256xf32, #tpu.memory_space<vmem>>, vector<1x256xf32>
    tpu.vector_store %arg6[%swap3A_27, %swap3A_28], %add3A {strides = array<i32>} : memref<2x256xf32, #tpu.memory_space<vmem>>, vector<1x256xf32>,
    %get3A_30 = arith.constant 1 : index
    %get3A_31 = arith.constant 0 : index
    %get3A_32 = vector.load %arg6[%get3A_30, %get3A_31] : memref<2x256xf32, #tpu.memory_space<vmem>>, vector<1x256xf32>
    %mul3A = arith.mulf %dot_general3A_12, %dot_general3A_12 : vector<2048x256xf32>
    %reduce_sum3A_33 = arith.constant dense<0.000000e+00> : vector<256xf32>
    %reduce_sum3A_34 = vector.multi_reduction <add>, %mul3A, %reduce_sum3A_33 [0] : vector<2048x256xf32> to vector<256xf32>
    %broadcast_in_dim3A_35 = vector.shape_cast %reduce_sum3A_34 : vector<256xf32> to vector<1x256xf32>
    %add3A_36 = arith.addf %get3A_32, %broadcast_in_dim3A_35 : vector<1x256xf32>
    %swap3A_37 = arith.constant 1 : index
    %swap3A_38 = arith.constant 0 : index
    %swap3A_39 = vector.load %arg6[%swap3A_37, %swap3A_38] : memref<2x256xf32, #tpu.memory_space<vmem>>, vector<1x256xf32>
    tpu.vector_store %arg6[%swap3A_37, %swap3A_38], %add3A_36 {strides = array<i32>} : memref<2x256xf32, #tpu.memory_space<vmem>>, vector<1x256xf32>,
    return
  }
  func.func @transform_0(%arg0: i32, %arg1: i32) -> (i32, i32, i32) {
    %c0_i32 = arith.constant 0 : i32
    %c0_i32_0 = arith.constant 0 : i32
    return %arg0, %arg1, %c0_i32 : i32, i32, i32
  }
  func.func @transform_1(%arg0: i32, %arg1: i32) -> (i32, i32, i32) {
    %c0_i32 = arith.constant 0 : i32
    %c0_i32_0 = arith.constant 0 : i32
    return %arg0, %arg1, %c0_i32 : i32, i32, i32
  }
  func.func @transform_2(%arg0: i32, %arg1: i32) -> (i32, i32) {
    %c0_i32 = arith.constant 0 : i32
    %c0_i32_0 = arith.constant 0 : i32
    %c0_i32_1 = arith.constant 0 : i32
    return %c0_i32, %c0_i32_0 : i32, i32
  }
  func.func @transform_3(%arg0: i32, %arg1: i32) -> (i32, i32, i32) {
    %c0_i32 = arith.constant 0 : i32
    %c0_i32_0 = arith.constant 0 : i32
    return %arg0, %arg1, %c0_i32 : i32, i32, i32
  }
  func.func @transform_4(%arg0: i32, %arg1: i32) -> (i32, i32) {
    %c0_i32 = arith.constant 0 : i32
    %c0_i32_0 = arith.constant 0 : i32
    %c0_i32_1 = arith.constant 0 : i32
    return %c0_i32, %c0_i32_0 : i32, i32
  }
}

module attributes {stable_mosaic.version = 14 : i64} {
  func.func @_mlp2_body(%arg0: i32, %arg1: i32, %arg2: memref<1x2048x256xbf16, #tpu.memory_space<vmem>>, %arg3: memref<2x256xf32, #tpu.memory_space<vmem>>, %arg4: memref<1x256xf32, #tpu.memory_space<vmem>>, %arg5: memref<1x256xf32, #tpu.memory_space<vmem>>, %arg6: memref<256x256xf32, #tpu.memory_space<vmem>>, %arg7: memref<1x2048x256xbf16, #tpu.memory_space<vmem>>, %arg8: memref<2x256xf32, #tpu.memory_space<vmem>>) attributes {dimension_semantics = [#tpu.dimension_semantics<arbitrary>, #tpu.dimension_semantics<arbitrary>], iteration_bounds = array<i64: 8, 2>, scalar_prefetch = 0 : i64, scratch_operands = 0 : i64, tpu.core_type = #tpu.core_type<tc>, window_params = [{transform_indices = @transform_0, window_bounds = array<i64: 1, 2048, 256>}, {pipeline_mode = #tpu.pipeline_mode<synchronous>, transform_indices = @transform_1, window_bounds = array<i64: 2, 256>}, {pipeline_mode = #tpu.pipeline_mode<synchronous>, transform_indices = @transform_2, window_bounds = array<i64: 1, 256>}, {pipeline_mode = #tpu.pipeline_mode<synchronous>, transform_indices = @transform_3, window_bounds = array<i64: 1, 256>}, {pipeline_mode = #tpu.pipeline_mode<synchronous>, transform_indices = @transform_4, window_bounds = array<i64: 256, 256>}, {transform_indices = @transform_5, window_bounds = array<i64: 1, 2048, 256>}, {pipeline_mode = #tpu.pipeline_mode<synchronous>, transform_indices = @transform_6, window_bounds = array<i64: 2, 256>}]} {
    %get3A = arith.constant 0 : index
    %get3A_0 = arith.constant 0 : index
    %get3A_1 = vector.load %arg3[%get3A, %get3A_0] : memref<2x256xf32, #tpu.memory_space<vmem>>, vector<1x256xf32>
    %div3A = arith.constant 3.276800e+04 : f32
    %div3A_2 = vector.broadcast %div3A : f32 to vector<1x256xf32>
    %div3A_3 = arith.divf %get3A_1, %div3A_2 : vector<1x256xf32>
    %get3A_4 = arith.constant 1 : index
    %get3A_5 = arith.constant 0 : index
    %get3A_6 = vector.load %arg3[%get3A_4, %get3A_5] : memref<2x256xf32, #tpu.memory_space<vmem>>, vector<1x256xf32>
    %div3A_7 = arith.constant 3.276800e+04 : f32
    %div3A_8 = vector.broadcast %div3A_7 : f32 to vector<1x256xf32>
    %div3A_9 = arith.divf %get3A_6, %div3A_8 : vector<1x256xf32>
    %mul3A = arith.mulf %div3A_3, %div3A_3 : vector<1x256xf32>
    %sub3A = arith.subf %div3A_9, %mul3A : vector<1x256xf32>
    %get3A_10 = arith.constant 0 : index
    %get3A_11 = arith.constant 0 : index
    %get3A_12 = vector.load %arg4[%get3A_10, %get3A_11] : memref<1x256xf32, #tpu.memory_space<vmem>>, vector<1x256xf32>
    %add3A = arith.constant 9.99999974E-6 : f32
    %add3A_13 = vector.broadcast %add3A : f32 to vector<1x256xf32>
    %add3A_14 = arith.addf %sub3A, %add3A_13 : vector<1x256xf32>
    %rsqrt3A = math.rsqrt %add3A_14 : vector<1x256xf32>
    %mul3A_15 = arith.mulf %get3A_12, %rsqrt3A : vector<1x256xf32>
    %get3A_16 = arith.constant 0 : index
    %get3A_17 = arith.constant 0 : index
    %get3A_18 = vector.load %arg5[%get3A_16, %get3A_17] : memref<1x256xf32, #tpu.memory_space<vmem>>, vector<1x256xf32>
    %mul3A_19 = arith.mulf %div3A_3, %mul3A_15 : vector<1x256xf32>
    %sub3A_20 = arith.subf %get3A_18, %mul3A_19 : vector<1x256xf32>
    %get3A_21 = arith.constant 0 : index
    %get3A_22 = arith.constant 0 : index
    %get3A_23 = arith.constant 0 : index
    %get3A_24 = vector.load %arg2[%get3A_21, %get3A_22, %get3A_23] : memref<1x2048x256xbf16, #tpu.memory_space<vmem>>, vector<1x2048x256xbf16>
    %get3A_25 = vector.shape_cast %get3A_24 : vector<1x2048x256xbf16> to vector<2048x256xbf16>
    %convert_element_type3A = arith.extf %get3A_25 : vector<2048x256xbf16> to vector<2048x256xf32>
    %mul3A_26 = vector.broadcast %mul3A_15 : vector<1x256xf32> to vector<2048x256xf32>
    %mul3A_27 = arith.mulf %convert_element_type3A, %mul3A_26 : vector<2048x256xf32>
    %add3A_28 = vector.broadcast %sub3A_20 : vector<1x256xf32> to vector<2048x256xf32>
    %add3A_29 = arith.addf %mul3A_27, %add3A_28 : vector<2048x256xf32>
    %max3A = arith.constant 0.000000e+00 : f32
    %max3A_30 = vector.broadcast %max3A : f32 to vector<2048x256xf32>
    %max3A_31 = arith.maximumf %add3A_29, %max3A_30 : vector<2048x256xf32>
    %get3A_32 = arith.constant 0 : index
    %get3A_33 = arith.constant 0 : index
    %get3A_34 = vector.load %arg6[%get3A_32, %get3A_33] : memref<256x256xf32, #tpu.memory_space<vmem>>, vector<256x256xf32>
    %dot_general3A = arith.constant dense<0.000000e+00> : vector<2048x256xf32>
    %dot_general3A_35 = tpu.matmul %max3A_31, %get3A_34, %dot_general3A {dimension_numbers = #tpu.dot_dimension_numbers<[1], [1], [0], [0], [0, 0, 1, 0], [], []>, transpose_lhs_hint = false} : vector<2048x256xf32>, vector<256x256xf32>, vector<2048x256xf32> -> vector<2048x256xf32>
    %eq3A = arith.constant 0 : i32
    %eq3A_36 = arith.cmpi eq, %arg0, %eq3A : i32
    %eq3A_37 = arith.constant 0 : i32
    %eq3A_38 = arith.cmpi eq, %arg1, %eq3A_37 : i32
    %and3A = arith.andi %eq3A_36, %eq3A_38 : i1
    %convert_element_type3A_39 = arith.extui %and3A : i1 to i32
    %cond3A = arith.constant 0 : i32
    %cond3A_40 = arith.cmpi ne, %convert_element_type3A_39, %cond3A : i32
    scf.if %cond3A_40 {
      %broadcast_in_dim3A_66 = arith.constant 0.000000e+00 : f32
      %broadcast_in_dim3A_67 = vector.broadcast %broadcast_in_dim3A_66 : f32 to vector<2x256xf32>
      %swap3A_68 = arith.constant 0 : index
      %swap3A_69 = arith.constant 0 : index
      %swap3A_70 = vector.load %arg8[%swap3A_68, %swap3A_69] : memref<2x256xf32, #tpu.memory_space<vmem>>, vector<2x256xf32>
      tpu.vector_store %arg8[%swap3A_68, %swap3A_69], %broadcast_in_dim3A_67 {strides = array<i32>} : memref<2x256xf32, #tpu.memory_space<vmem>>, vector<2x256xf32>,
    } else {
    }
    %convert_element_type3A_41 = arith.truncf %dot_general3A_35 : vector<2048x256xf32> to vector<2048x256xbf16>
    %swap3A = arith.constant 0 : index
    %swap3A_42 = arith.constant 0 : index
    %swap3A_43 = arith.constant 0 : index
    %swap3A_44 = vector.load %arg7[%swap3A, %swap3A_42, %swap3A_43] : memref<1x2048x256xbf16, #tpu.memory_space<vmem>>, vector<1x2048x256xbf16>
    %swap3A_45 = vector.shape_cast %swap3A_44 : vector<1x2048x256xbf16> to vector<2048x256xbf16>
    %swap3A_46 = vector.shape_cast %convert_element_type3A_41 : vector<2048x256xbf16> to vector<1x2048x256xbf16>
    tpu.vector_store %arg7[%swap3A, %swap3A_42, %swap3A_43], %swap3A_46 {strides = array<i32>} : memref<1x2048x256xbf16, #tpu.memory_space<vmem>>, vector<1x2048x256xbf16>,
    %get3A_47 = arith.constant 0 : index
    %get3A_48 = arith.constant 0 : index
    %get3A_49 = vector.load %arg8[%get3A_47, %get3A_48] : memref<2x256xf32, #tpu.memory_space<vmem>>, vector<1x256xf32>
    %reduce_sum3A = arith.constant dense<0.000000e+00> : vector<256xf32>
    %reduce_sum3A_50 = vector.multi_reduction <add>, %dot_general3A_35, %reduce_sum3A [0] : vector<2048x256xf32> to vector<256xf32>
    %broadcast_in_dim3A = vector.shape_cast %reduce_sum3A_50 : vector<256xf32> to vector<1x256xf32>
    %add3A_51 = arith.addf %get3A_49, %broadcast_in_dim3A : vector<1x256xf32>
    %swap3A_52 = arith.constant 0 : index
    %swap3A_53 = arith.constant 0 : index
    %swap3A_54 = vector.load %arg8[%swap3A_52, %swap3A_53] : memref<2x256xf32, #tpu.memory_space<vmem>>, vector<1x256xf32>
    tpu.vector_store %arg8[%swap3A_52, %swap3A_53], %add3A_51 {strides = array<i32>} : memref<2x256xf32, #tpu.memory_space<vmem>>, vector<1x256xf32>,
    %get3A_55 = arith.constant 1 : index
    %get3A_56 = arith.constant 0 : index
    %get3A_57 = vector.load %arg8[%get3A_55, %get3A_56] : memref<2x256xf32, #tpu.memory_space<vmem>>, vector<1x256xf32>
    %mul3A_58 = arith.mulf %dot_general3A_35, %dot_general3A_35 : vector<2048x256xf32>
    %reduce_sum3A_59 = arith.constant dense<0.000000e+00> : vector<256xf32>
    %reduce_sum3A_60 = vector.multi_reduction <add>, %mul3A_58, %reduce_sum3A_59 [0] : vector<2048x256xf32> to vector<256xf32>
    %broadcast_in_dim3A_61 = vector.shape_cast %reduce_sum3A_60 : vector<256xf32> to vector<1x256xf32>
    %add3A_62 = arith.addf %get3A_57, %broadcast_in_dim3A_61 : vector<1x256xf32>
    %swap3A_63 = arith.constant 1 : index
    %swap3A_64 = arith.constant 0 : index
    %swap3A_65 = vector.load %arg8[%swap3A_63, %swap3A_64] : memref<2x256xf32, #tpu.memory_space<vmem>>, vector<1x256xf32>
    tpu.vector_store %arg8[%swap3A_63, %swap3A_64], %add3A_62 {strides = array<i32>} : memref<2x256xf32, #tpu.memory_space<vmem>>, vector<1x256xf32>,
    return
  }
  func.func @transform_0(%arg0: i32, %arg1: i32) -> (i32, i32, i32) {
    %c0_i32 = arith.constant 0 : i32
    %c0_i32_0 = arith.constant 0 : i32
    return %arg0, %arg1, %c0_i32 : i32, i32, i32
  }
  func.func @transform_1(%arg0: i32, %arg1: i32) -> (i32, i32) {
    %c0_i32 = arith.constant 0 : i32
    %c0_i32_0 = arith.constant 0 : i32
    %c0_i32_1 = arith.constant 0 : i32
    return %c0_i32, %c0_i32_0 : i32, i32
  }
  func.func @transform_2(%arg0: i32, %arg1: i32) -> (i32, i32) {
    %c0_i32 = arith.constant 0 : i32
    %c0_i32_0 = arith.constant 0 : i32
    %c0_i32_1 = arith.constant 0 : i32
    return %c0_i32, %c0_i32_0 : i32, i32
  }
  func.func @transform_3(%arg0: i32, %arg1: i32) -> (i32, i32) {
    %c0_i32 = arith.constant 0 : i32
    %c0_i32_0 = arith.constant 0 : i32
    %c0_i32_1 = arith.constant 0 : i32
    return %c0_i32, %c0_i32_0 : i32, i32
  }
  func.func @transform_4(%arg0: i32, %arg1: i32) -> (i32, i32) {
    %c0_i32 = arith.constant 0 : i32
    %c0_i32_0 = arith.constant 0 : i32
    %c0_i32_1 = arith.constant 0 : i32
    return %c0_i32, %c0_i32_0 : i32, i32
  }
  func.func @transform_5(%arg0: i32, %arg1: i32) -> (i32, i32, i32) {
    %c0_i32 = arith.constant 0 : i32
    %c0_i32_0 = arith.constant 0 : i32
    return %arg0, %arg1, %c0_i32 : i32, i32, i32
  }
  func.func @transform_6(%arg0: i32, %arg1: i32) -> (i32, i32) {
    %c0_i32 = arith.constant 0 : i32
    %c0_i32_0 = arith.constant 0 : i32
    %c0_i32_1 = arith.constant 0 : i32
    return %c0_i32, %c0_i32_0 : i32, i32
  }
}

module attributes {stable_mosaic.version = 14 : i64} {
  func.func @_bn_relu_body(%arg0: i32, %arg1: i32, %arg2: memref<1x2048x256xbf16, #tpu.memory_space<vmem>>, %arg3: memref<2x256xf32, #tpu.memory_space<vmem>>, %arg4: memref<1x256xf32, #tpu.memory_space<vmem>>, %arg5: memref<1x256xf32, #tpu.memory_space<vmem>>, %arg6: memref<1x2048x256xf32, #tpu.memory_space<vmem>>) attributes {dimension_semantics = [#tpu.dimension_semantics<arbitrary>, #tpu.dimension_semantics<arbitrary>], iteration_bounds = array<i64: 8, 2>, scalar_prefetch = 0 : i64, scratch_operands = 0 : i64, tpu.core_type = #tpu.core_type<tc>, window_params = [{transform_indices = @transform_0, window_bounds = array<i64: 1, 2048, 256>}, {pipeline_mode = #tpu.pipeline_mode<synchronous>, transform_indices = @transform_1, window_bounds = array<i64: 2, 256>}, {pipeline_mode = #tpu.pipeline_mode<synchronous>, transform_indices = @transform_2, window_bounds = array<i64: 1, 256>}, {pipeline_mode = #tpu.pipeline_mode<synchronous>, transform_indices = @transform_3, window_bounds = array<i64: 1, 256>}, {transform_indices = @transform_4, window_bounds = array<i64: 1, 2048, 256>}]} {
    %get3A = arith.constant 0 : index
    %get3A_0 = arith.constant 0 : index
    %get3A_1 = vector.load %arg3[%get3A, %get3A_0] : memref<2x256xf32, #tpu.memory_space<vmem>>, vector<1x256xf32>
    %div3A = arith.constant 3.276800e+04 : f32
    %div3A_2 = vector.broadcast %div3A : f32 to vector<1x256xf32>
    %div3A_3 = arith.divf %get3A_1, %div3A_2 : vector<1x256xf32>
    %get3A_4 = arith.constant 1 : index
    %get3A_5 = arith.constant 0 : index
    %get3A_6 = vector.load %arg3[%get3A_4, %get3A_5] : memref<2x256xf32, #tpu.memory_space<vmem>>, vector<1x256xf32>
    %div3A_7 = arith.constant 3.276800e+04 : f32
    %div3A_8 = vector.broadcast %div3A_7 : f32 to vector<1x256xf32>
    %div3A_9 = arith.divf %get3A_6, %div3A_8 : vector<1x256xf32>
    %mul3A = arith.mulf %div3A_3, %div3A_3 : vector<1x256xf32>
    %sub3A = arith.subf %div3A_9, %mul3A : vector<1x256xf32>
    %get3A_10 = arith.constant 0 : index
    %get3A_11 = arith.constant 0 : index
    %get3A_12 = vector.load %arg4[%get3A_10, %get3A_11] : memref<1x256xf32, #tpu.memory_space<vmem>>, vector<1x256xf32>
    %add3A = arith.constant 9.99999974E-6 : f32
    %add3A_13 = vector.broadcast %add3A : f32 to vector<1x256xf32>
    %add3A_14 = arith.addf %sub3A, %add3A_13 : vector<1x256xf32>
    %rsqrt3A = math.rsqrt %add3A_14 : vector<1x256xf32>
    %mul3A_15 = arith.mulf %get3A_12, %rsqrt3A : vector<1x256xf32>
    %get3A_16 = arith.constant 0 : index
    %get3A_17 = arith.constant 0 : index
    %get3A_18 = vector.load %arg5[%get3A_16, %get3A_17] : memref<1x256xf32, #tpu.memory_space<vmem>>, vector<1x256xf32>
    %mul3A_19 = arith.mulf %div3A_3, %mul3A_15 : vector<1x256xf32>
    %sub3A_20 = arith.subf %get3A_18, %mul3A_19 : vector<1x256xf32>
    %get3A_21 = arith.constant 0 : index
    %get3A_22 = arith.constant 0 : index
    %get3A_23 = arith.constant 0 : index
    %get3A_24 = vector.load %arg2[%get3A_21, %get3A_22, %get3A_23] : memref<1x2048x256xbf16, #tpu.memory_space<vmem>>, vector<1x2048x256xbf16>
    %get3A_25 = vector.shape_cast %get3A_24 : vector<1x2048x256xbf16> to vector<2048x256xbf16>
    %convert_element_type3A = arith.extf %get3A_25 : vector<2048x256xbf16> to vector<2048x256xf32>
    %mul3A_26 = vector.broadcast %mul3A_15 : vector<1x256xf32> to vector<2048x256xf32>
    %mul3A_27 = arith.mulf %convert_element_type3A, %mul3A_26 : vector<2048x256xf32>
    %add3A_28 = vector.broadcast %sub3A_20 : vector<1x256xf32> to vector<2048x256xf32>
    %add3A_29 = arith.addf %mul3A_27, %add3A_28 : vector<2048x256xf32>
    %max3A = arith.constant 0.000000e+00 : f32
    %max3A_30 = vector.broadcast %max3A : f32 to vector<2048x256xf32>
    %max3A_31 = arith.maximumf %add3A_29, %max3A_30 : vector<2048x256xf32>
    %swap3A = arith.constant 0 : index
    %swap3A_32 = arith.constant 0 : index
    %swap3A_33 = arith.constant 0 : index
    %swap3A_34 = vector.load %arg6[%swap3A, %swap3A_32, %swap3A_33] : memref<1x2048x256xf32, #tpu.memory_space<vmem>>, vector<1x2048x256xf32>
    %swap3A_35 = vector.shape_cast %swap3A_34 : vector<1x2048x256xf32> to vector<2048x256xf32>
    %swap3A_36 = vector.shape_cast %max3A_31 : vector<2048x256xf32> to vector<1x2048x256xf32>
    tpu.vector_store %arg6[%swap3A, %swap3A_32, %swap3A_33], %swap3A_36 {strides = array<i32>} : memref<1x2048x256xf32, #tpu.memory_space<vmem>>, vector<1x2048x256xf32>,
    return
  }
  func.func @transform_0(%arg0: i32, %arg1: i32) -> (i32, i32, i32) {
    %c0_i32 = arith.constant 0 : i32
    %c0_i32_0 = arith.constant 0 : i32
    return %arg0, %arg1, %c0_i32 : i32, i32, i32
  }
  func.func @transform_1(%arg0: i32, %arg1: i32) -> (i32, i32) {
    %c0_i32 = arith.constant 0 : i32
    %c0_i32_0 = arith.constant 0 : i32
    %c0_i32_1 = arith.constant 0 : i32
    return %c0_i32, %c0_i32_0 : i32, i32
  }
  func.func @transform_2(%arg0: i32, %arg1: i32) -> (i32, i32) {
    %c0_i32 = arith.constant 0 : i32
    %c0_i32_0 = arith.constant 0 : i32
    %c0_i32_1 = arith.constant 0 : i32
    return %c0_i32, %c0_i32_0 : i32, i32
  }
  func.func @transform_3(%arg0: i32, %arg1: i32) -> (i32, i32) {
    %c0_i32 = arith.constant 0 : i32
    %c0_i32_0 = arith.constant 0 : i32
    %c0_i32_1 = arith.constant 0 : i32
    return %c0_i32, %c0_i32_0 : i32, i32
  }
  func.func @transform_4(%arg0: i32, %arg1: i32) -> (i32, i32, i32) {
    %c0_i32 = arith.constant 0 : i32
    %c0_i32_0 = arith.constant 0 : i32
    return %arg0, %arg1, %c0_i32 : i32, i32, i32
  }
}

</mosaic_0001>

<sc_bundles>
// kernel: kernel.7.cloned.1.call-start
scs
__scs_entry_jumppad:
0x0: {  	(pc) =	sbr.rel $0x88, $3  }
0x1: {  	(tag) =	ssettag $0x0;
	lr =	simm.s32 $0x1  }
0x2: {  	[smem:$0x3F97] =	sst lr;
	_ =	strace $0xD0000000  }
0x3: {  	_ = 	snop  }
0x4: {  	_ = 	snop  }
0x5: {  	_ = 	snop  }
0x6: {  	_ = 	snop  }
0x7: {  	_ = 	snop  }
__scs_overlays_trampoline_lowered:
0x8: {  	[smem:$0x3FA6] =	sst s0  }
0x9: {  	[smem:$0x3FA7] =	sst s1  }
0xa: {  	[smem:$0x3FA8] =	sst s2  }
0xb: {  	[smem:$0x3FA9] =	sst s3  }
0xc: {  	[smem:$0x3FAA] =	sst s4  }
0xd: {  	[smem:$0x3FAB] =	sst s5  }
0xe: {  	[smem:$0x3FAC] =	sst s6  }
0xf: {  	[smem:$0x3FAD] =	sst s7  }
0x10: {  	[smem:$0x3FAE] =	sst s8  }
0x11: {  	[smem:$0x3FAF] =	sst s9;
	s0 =	simm.s32 @!p0 $0x0  }
0x12: {  	s1 =	sld [smem:$0x3F95];
	s0 =	simm.s32 @p0 $0x1  }
0x13: {  	[smem:$0x3FB0] =	sst s0;
	s0 =	simm.s32 @!p1 $0x0  }
0x14: {  	s2 =	sld [smem:$0x3F94];
	s0 =	simm.s32 @p1 $0x1  }
0x15: {  	[smem:$0x3FB1] =	sst s0;
	s0 =	simm.s32 @!p2 $0x0  }
0x16: {  	s3 =	sld [smem:$0x3FDB];
	s0 =	simm.s32 @p2 $0x1  }
0x17: {  	s4 =	simm.s32 $0x1BF5;
	[smem:$0x3FB3] =	sst s0  }
0x18: {  	s0 =	sld [smem:$0x3F96];
	_ =	swait.ge [sflag:s4], $0x0  }
0x19: {  	s7 =	sld [smem:$0x3F97]  }
0x1a: {  	s8 =	sadd.s32 $0xFFFFE003, lr  }
0x1b: {  	s9 =	sadd.s32 $0xFFFFFEF7, lr;
	s5 =	simm.s32 $0xFFFFFFFF;
	p2 =	slt.u32 s8, $0xFFFFF086  }
0x1c: {  	p1 =	slt.u32 s9, $0xF7A;
	s5 =	simm.s32 @!p2 $0x0  }
0x1d: {  	s5 =	simm.s32 @p1 $0x1;
	p0 =	seq.s32 s7, s2  }
0x1e: {  	s7 =	smul.u32 @!p0 $0xF7A, s2;
	p2 =	seq.s32 @!p0 s5, $0x0  }
0x1f: {  	s9 =	smul.u32 $0xF7A, s1;
	s8 =	simm.s32 @!p0 $0x1BF5;
	p2 =	por !p2, p0  }
0x20: {  	[sflag:s8] =	ssyncset.s32 @!p0 $0xFFFFF086;
	s6 =	sadd.s32 @!p0 s3, s7;
	s7 =	simm.s32 @!p0 $0x108  }
0x21: {  	s3 =	sadd.s32 s3, s9;
	s6 =	sadd.s32 @!p0 $0x88, s6;
	s7 =	simm.s32 @p2 $0x1082  }
0x22: {  	[simem:s7], [sflag:s8] =	dma.local @!p0 [hbm:s6], $0xF7A  }
0x23: {  	s9 =	sor.u32 $0xD0000000, s2;
	s6 =	simm.s32 $0x108;
	_ =	swait.ge @!p0 [sflag:s8], $0x0  }
0x24: {  	s3 =	sadd.s32 $0x88, s3;
	s6 =	simm.s32 @!p1 $0x1082;
	[sflag:s4] =	ssyncset.s32 $0xFFFFF086  }
0x25: {  	[simem:s6], [sflag:s4] =	dma.local [hbm:s3], $0xF7A  }
0x26: {  	[smem:$0x3F97] =	sst s1;
	(tag) =	ssettag s2;
	_ =	strace s9  }
0x27: {  	s1 =	sld [smem:$0x3FA7]  }
0x28: {  	s2 =	sld [smem:$0x3FA8]  }
0x29: {  	s4 =	sld [smem:$0x3FAA]  }
0x2a: {  	p0 =	seq.s32 s5, $0x0;
	s5 =	sld [smem:$0x3FAB]  }
0x2b: {  	s6 =	sld [smem:$0x3FAC]  }
0x2c: {  	s7 =	sld [smem:$0x3FAD]  }
0x2d: {  	s3 =	simm.s32 $0x108;
	s8 =	sld [smem:$0x3FAE]  }
0x2e: {  	s3 =	simm.s32 @!p0 $0x1082;
	s9 =	sld [smem:$0x3FAF]  }
0x2f: {  	lr =	sadd.s32 s0, s3;
	s0 =	sld [smem:$0x3FA6]  }
0x30: {  	s3 =	sld [smem:$0x3FA9]  }
0x31: {  	[smem:$0x3FB2] =	sst s10  }
0x32: {  	s10 =	sld [smem:$0x3FB0];
	_ =	sdelay $0x3  }
0x33: {  	p0 =	seq.s32 s10, $0x1;
	s10 =	sld [smem:$0x3FB2];
	_ =	sdelay $0x3  }
0x34: {  	[smem:$0x3FB2] =	sst s10  }
0x35: {  	s10 =	sld [smem:$0x3FB1];
	_ =	sdelay $0x3  }
0x36: {  	p1 =	seq.s32 s10, $0x1;
	s10 =	sld [smem:$0x3FB2];
	_ =	sdelay $0x3  }
0x37: {  	[smem:$0x3FB2] =	sst s10  }
0x38: {  	s10 =	sld [smem:$0x3FB3]  }
0x39: {  	_ = 	snop;
	(pc) =	sbr.ind lr, $3  }
0x3a: {  	_ = 	snop  }
0x3b: {  	_ = 	snop  }
0x3c: {  	p2 =	seq.s32 s10, $0x1;
	s10 =	sld [smem:$0x3FB2]  }
0x3d: {  	_ =	shalt  }
0x3e: {  	_ =	shalt  }
0x3f: {  	_ =	shalt  }
0x40: {  	_ =	shalt  }
0x41: {  	_ =	shalt  }
0x42: {  	_ =	shalt  }
0x43: {  	_ =	shalt  }
0x44: {  	_ =	shalt  }
0x45: {  	_ =	shalt  }
0x46: {  	_ =	shalt  }
0x47: {  	_ =	shalt  }
0x48: {  	_ =	shalt  }
0x49: {  	_ =	shalt  }
0x4a: {  	_ =	shalt  }
0x4b: {  	_ =	shalt  }
0x4c: {  	_ =	shalt  }
0x4d: {  	_ =	shalt  }
0x4e: {  	_ =	shalt  }
0x4f: {  	_ =	shalt  }
0x50: {  	_ =	shalt  }
0x51: {  	_ =	shalt  }
0x52: {  	_ =	shalt  }
0x53: {  	_ =	shalt  }
0x54: {  	_ =	shalt  }
0x55: {  	_ =	shalt  }
0x56: {  	_ =	shalt  }
0x57: {  	_ =	shalt  }
0x58: {  	_ =	shalt  }
0x59: {  	_ =	shalt  }
0x5a: {  	_ =	shalt  }
0x5b: {  	_ =	shalt  }
0x5c: {  	_ =	shalt  }
0x5d: {  	_ =	shalt  }
0x5e: {  	_ =	shalt  }
0x5f: {  	_ =	shalt  }
0x60: {  	_ =	shalt  }
0x61: {  	_ =	shalt  }
0x62: {  	_ =	shalt  }
0x63: {  	_ =	shalt  }
0x64: {  	_ =	shalt  }
0x65: {  	_ =	shalt  }
0x66: {  	_ =	shalt  }
0x67: {  	_ =	shalt  }
0x68: {  	_ =	shalt  }
0x69: {  	_ =	shalt  }
0x6a: {  	_ =	shalt  }
0x6b: {  	_ =	shalt  }
0x6c: {  	_ =	shalt  }
0x6d: {  	_ =	shalt  }
0x6e: {  	_ =	shalt  }
0x6f: {  	_ =	shalt  }
0x70: {  	_ =	shalt  }
0x71: {  	_ =	shalt  }
0x72: {  	_ =	shalt  }
0x73: {  	_ =	shalt  }
0x74: {  	_ =	shalt  }
0x75: {  	_ =	shalt  }
0x76: {  	_ =	shalt  }
0x77: {  	_ =	shalt  }
0x78: {  	_ =	shalt  }
0x79: {  	_ =	shalt  }
0x7a: {  	_ =	shalt  }
0x7b: {  	_ =	shalt  }
0x7c: {  	_ =	shalt  }
0x7d: {  	_ =	shalt  }
0x7e: {  	_ =	shalt  }
0x7f: {  	_ =	shalt  }
0x80: {  	_ =	shalt  }
0x81: {  	_ =	shalt  }
0x82: {  	_ =	shalt  }
0x83: {  	_ =	shalt  }
0x84: {  	_ =	shalt  }
0x85: {  	_ =	shalt  }
0x86: {  	_ =	shalt  }
0x87: {  	_ =	shalt  }
.Lfunc_end0:
.L_simem_size_0:
called_computation_lowered:
.L_overlay_start_0:
0x88: {  	s2 =	sld [smem:$0x3FD9]  }
0x89: {  	s3 =	sld [smem:$0x3FFE];
	_ =	sdelay $0x1  }
0x8a: {  	s1 =	srdreg.scid  }
0x8b: {  	s0 =	sand.u32 $0x1, s1  }
0x8c: {  	s17 =	sshll.u32 s0, $0xA;
	s2 =	sadd.s32 s3, s2  }
0x8d: {  	s2 =	sadd.s32 s2, s17  }
0x8e: {  	[smem:$0x3FBE] =	sst s2  }
0x8f: {  	_ = 	snop  }
0x90: {  	s2 =	sld [smem:$0x3FC6]  }
0x91: {  	s18 =	sld [smem:$0x3FD0];
	(tm) =	ssettm $0x1  }
0x92: {  	s4 =	sld [smem:$0x3FFB];
	_ =	sdelay $0x3  }
0x93: {  	_ =	strace s4  }
0x94: {  	s4 =	sld [smem:$0x3FFC];
	_ =	sdelay $0x3  }
0x95: {  	_ =	strace s4  }
0x96: {  	s4 =	sld [smem:$0x3FFD];
	_ =	sdelay $0x3  }
0x97: {  	_ =	strace s4  }
0x98: {  	_ =	strace $0x8FFFFFFF  }
0x99: {  	s19 =	sld [smem:$0x3FDB];
	_ =	sdelay $0x1  }
0x9a: {  	s5 =	simm.s32 $_scs_section_size  }
0x9b: {  	s6 =	simm.s32 $_size__tile_overlayer_lowered;
	s7 =	simm.s32 $_tile_overlayer_lowered  }
0x9c: {  	s22 =	simm.s32 $0x1BFF;
	s21 =	sshll.u32 s7, $0x1;
	s4 =	sadd.s32 s5, s19  }
0x9d: {  	s8 =	simm.s32 $0x0;
	s20 =	sshll.u32 s6, $0x1;
	s6 =	sadd.s32 s21, s4  }
0x9e: {  	[timem:s8], [sflag:s22] =	dma.local [hbm:s6], s20  }
0x9f: {  	_ =	swait.ge [sflag:s22], s20  }
0xa0: {  	s5 =	ssub.s32 $0x0, s20;
	[sflag:s22] =	ssyncset.done $0x0  }
0xa1: {  	[sflag:s22] =	ssyncadd.s32 s5;
	_ =	sdelay $0x1  }
0xa2: {  	s23 =	simm.s32 $0x1B8B  }
0xa3: {  	_ =	swait.ge [sflag:s23], $0x1  }
0xa4: {  	[sflag:s23] =	ssyncset.done $0x0  }
0xa5: {  	s25 =	simm.s32 $0x1B8E;
	s24 =	sld [smem:$0x3FFE];
	[sflag:s23] =	ssyncadd.s32 $0xFFFFFFFF  }
0xa6: {  	s26 =	simm.s32 $execute0_lowered;
	[smem:$0x3FD2] =	sst s25  }
0xa7: {  	s6 =	sshll.u32 s26, $0x1;
	_ =	strace $0x80000046;
	[dreg:$0x1] =	wrdreg $0xFFFFFFFF  }
0xa8: {  	s28 =	simm.s32 $_size_execute0_lowered;
	s4 =	sadd.s32 s4, s6;
	[dreg:$0x0] =	wrdreg $0x0  }
0xa9: {  	s6 =	sshll.u32 s28, $0x1;
	[dreg:$0x2] =	wrdreg s4  }
0xaa: {  	[dreg:$0x3] =	wrdreg s6  }
0xab: {  	[dreg:$0x4] =	wrdreg $0xC0  }
0xac: {  	_ =	task [dreg:s8], $0x5FFFF  }
0xad: {  	[dreg:$0x1] =	wrdreg $0xFFFFFFFF  }
0xae: {  	[dreg:$0x0] =	wrdreg $0x60  }
0xaf: {  	[dreg:$0x2] =	wrdreg s2  }
0xb0: {  	[dreg:$0x3] =	wrdreg s24  }
0xb1: {  	[dreg:$0x4] =	wrdreg s18  }
0xb2: {  	[dreg:$0x5] =	wrdreg $0x9  }
0xb3: {  	_ =	task.clear_ibuf [dreg:s8], $0x6FFFF;
	_ =	strace $0x90000046  }
0xb4: {  	s29 =	simm.s32 $0x9;
	_ =	strace $0x80000048  }
0xb5: {  	_ =	swait.ge [sflag:s29], $0x1  }
0xb6: {  	[sflag:s29] =	ssyncadd.s32 $0xFFFFFFFF  }
0xb7: {  	_ =	strace $0x90000048  }
0xb8: {  	_ =	sfence  }
0xb9: {  	s30 =	sld [smem:$0x0];
	_ =	sdelay $0x2  }
0xba: {  	s31 =	sshll.u32 s1, $0xD;
	s1 =	sshrl.u32 s1, $0x2  }
0xbb: {  	s3 =	sand.u32 $0x4000, s31;
	s1 =	sadd.s32 s1, s30  }
0xbc: {  	s0 =	sor.u32 s3, s0;
	s1 =	sshll.u32 s1, $0x11  }
0xbd: {  	s0 =	sor.u32 s1, s0  }
0xbe: {  	s0 =	sadd.s32 $0x8F2B, s0  }
0xbf: {  	[sflag:s0] =	ssyncadd.remote.s32 $0x1  }
0xc0: {  	_ =	sfence.sel $0xFFFF  }
0xc1: {  	[dreg:$0x0] =	wrdreg $0xFFFFFFFF;
	(pc) =	sbr.abs _section_cstart, $3  }
0xc2: {  	[dreg:$0x1] =	wrdreg $0xFFFFFFFF  }
0xc3: {  	_ =	task.clear_ibuf [dreg:s8], $0x2FFFF;
	_ =	strace $0x9FFFFFFF  }
0xc4: {  	(tm) =	ssettm $0x7FFFFFFF  }
0xc5: {  	_ =	shalt  }
tec
execute0_lowered:
.L_overlay_start_1:
0x0: {  	(tag) =	ssettag $0x1  }
0x1: {  	s1 =	rddreg [dreg:$0x0]  }
0x2: {  	s0 =	rddreg [dreg:$0x1]  }
0x3: {  	s2 =	srdreg.scid;
	s3 =	stileid.u32  }
0x4: {  	s4 =	rddreg [dreg:$0x2];
	s8 =	simm.s32 $0x6;
	s10 =	simm.s32 $0x3  }
0x5: {  	s11 =	simm.s32 $0x7;
	s12 =	simm.s32 $0xF880;
	s13 =	simm.s32 $0x4  }
0x6: {  	s14 =	simm.s32 $0x8;
	s2 =	sand.u32 $0x1, s2;
	s5 =	sshll.u32 s3, $0x1  }
0x7: {  	s3 =	simm.s32 $0x0;
	s5 =	sor.u32 s2, s5;
	s2 =	ssub.s32 $0x2, s2  }
0x8: {  	[smem:$0x7FF] =	sst s3;
	s6 =	smul.u32 $0x180, s5;
	s7 =	sshrl.u32 s2, $0x1  }
0x9: {  	s15 =	simm.s32 $0x10880;
	_ =	strace $0x80000047;
	s2 =	ssub.s32 s2, s7  }
0xa: {  	s5 =	sshll.u32 s5, $0xF;
	s0 =	sadd.s32 s6, s0;
	s31 =	smax.u32 s2, $0x1  }
0xb: {  	v2 =	vlaneseq.u32;
	s7 =	simm.s32 $0x2;
	s6 =	sadd.s32 $0x81C00, s0;
	[dreg:$0x6] =	wrdreg s31  }
0xc: {  	vm0 =	vmmov $0xffff;
	v1 =	vshrl.u32 v2, $0x3;
	s2 =	simm.s32 $0x0;
	s0 =	sadd.s32 $0x84C00, s0;
	[dreg:$0x4] =	wrdreg s6  }
0xd: {  	v0 =	vand.u32 $0x7, v2;
	v2 =	vor.u32 $0x8, v2;
	v1 =	vmul.u32 $0x8, v1;
	[dreg:$0x5] =	wrdreg s0;
	s6 =	sadd.s32 s4, s5;
	s4 =	simm.s32 $0x1  }
.LBB2_1:
0xe: {  	[dreg:$0x7] =	wrdreg s2  }
0xf: {  	s0 =	rddreg [dreg:$0x4];
	s29 =	simm.s32 $0x9  }
0x10: {  	[tilespmem:s3], [sflag:$0x9] =	stream.linear.gather [hbm4b:s0+s3], $0xC00, $0x38;
	[tilespmem:$0x11880] =	vst v63  }
0x11: {  	_ =	swait.ge [sflag:s29], $0xC00  }
0x12: {  	[sflag:s29] =	ssyncset.done $0x0  }
0x13: {  	s16 =	simm.s32 $0xC00;
	s30 =	rddreg [dreg:$0x5];
	[sflag:s29] =	ssyncadd.s32 $0xFFFFF400  }
0x14: {  	[tilespmem:s16], [sflag:$0x9] =	stream.linear.gather [hbm4b:s30+s3], $0xC00, $0x38;
	[tilespmem:$0x11880] =	vst v63  }
0x15: {  	_ =	swait.ge [sflag:s29], $0xC00  }
0x16: {  	[sflag:s29] =	ssyncset.done $0x0  }
0x17: {  	[sflag:s29] =	ssyncadd.s32 $0xFFFFF400  }
0x18: {  	v3 =	vld [tilespmem:$0x0];
	_ =	sdelay $0x4  }
0x19: {  	v4 =	vshll.u32 v3, $0x1  }
0x1a: {  	v3 =	vand.u32 $0x7, v3;
	v4 =	vand.u32 $0xFFFFFFF0, v4  }
0x1b: {  	v3 =	vor.u32 v3, v4  }
0x1c: {  	v4 =	vperm.xlane v3, v0;
	_ =	sdelay $0x1  }
0x1d: {  	v3 =	vperm.xlane v3, v2;
	v4 =	vadd.s32 v1, v4;
	_ =	sdelay $0x1  }
0x1e: {  	v3 =	vadd.s32 v1, v3;
	_ =	sdelay $0x1  }
0x1f: {  	s31 =	simm.s32 $0x1880  }
0x20: {  	[tilespmem:s31], [sflag:$0x1] =	stream.indirect_vreg.gather [hbm4b:s1+s3], $0x80, v4, vm0, $0xb8;
	[tilespmem:$0x11880] =	vst v63  }
0x21: {  	s2 =	simm.s32 $0x2080  }
0x22: {  	[tilespmem:s2], [sflag:$0x1] =	stream.indirect_vreg.gather [hbm4b:s1+s3], $0x80, v3, vm0, $0xb8;
	[tilespmem:$0x11880] =	vst v63  }
0x23: {  	v3 =	vld [tilespmem:$0x10];
	_ =	sdelay $0x4  }
0x24: {  	v56 =	vshll.u32 v3, $0x1  }
0x25: {  	v3 =	vand.u32 $0x7, v3;
	v4 =	vand.u32 $0xFFFFFFF0, v56  }
0x26: {  	v3 =	vor.u32 v3, v4  }
0x27: {  	v4 =	vperm.xlane v3, v0;
	_ =	sdelay $0x1  }
0x28: {  	v3 =	vperm.xlane v3, v2;
	v4 =	vadd.s32 v1, v4;
	_ =	sdelay $0x1  }
0x29: {  	v3 =	vadd.s32 v1, v3;
	_ =	sdelay $0x1  }
0x2a: {  	s5 =	simm.s32 $0x2880  }
0x2b: {  	[tilespmem:s5], [sflag:$0x1] =	stream.indirect_vreg.gather [hbm4b:s1+s3], $0x80, v4, vm0, $0xb8;
	[tilespmem:$0x11880] =	vst v63  }
0x2c: {  	s9 =	simm.s32 $0x3080  }
0x2d: {  	[tilespmem:s9], [sflag:$0x1] =	stream.indirect_vreg.gather [hbm4b:s1+s3], $0x80, v3, vm0, $0xb8;
	[tilespmem:$0x11880] =	vst v63  }
0x2e: {  	v3 =	vld [tilespmem:$0x20];
	_ =	sdelay $0x4  }
0x2f: {  	v57 =	vshll.u32 v3, $0x1  }
0x30: {  	v3 =	vand.u32 $0x7, v3;
	v4 =	vand.u32 $0xFFFFFFF0, v57  }
0x31: {  	v3 =	vor.u32 v3, v4  }
0x32: {  	v4 =	vperm.xlane v3, v0;
	_ =	sdelay $0x1  }
0x33: {  	v3 =	vperm.xlane v3, v2;
	v4 =	vadd.s32 v1, v4;
	_ =	sdelay $0x1  }
0x34: {  	v3 =	vadd.s32 v1, v3;
	_ =	sdelay $0x1  }
0x35: {  	s17 =	simm.s32 $0x3880  }
0x36: {  	[tilespmem:s17], [sflag:$0x1] =	stream.indirect_vreg.gather [hbm4b:s1+s3], $0x80, v4, vm0, $0xb8;
	[tilespmem:$0x11880] =	vst v63  }
0x37: {  	s18 =	simm.s32 $0x4080  }
0x38: {  	[tilespmem:s18], [sflag:$0x1] =	stream.indirect_vreg.gather [hbm4b:s1+s3], $0x80, v3, vm0, $0xb8;
	[tilespmem:$0x11880] =	vst v63  }
0x39: {  	v3 =	vld [tilespmem:$0x30];
	_ =	sdelay $0x4  }
0x3a: {  	v58 =	vshll.u32 v3, $0x1  }
0x3b: {  	v3 =	vand.u32 $0x7, v3;
	v4 =	vand.u32 $0xFFFFFFF0, v58  }
0x3c: {  	v3 =	vor.u32 v3, v4  }
0x3d: {  	v4 =	vperm.xlane v3, v0;
	_ =	sdelay $0x1  }
0x3e: {  	v3 =	vperm.xlane v3, v2;
	v4 =	vadd.s32 v1, v4;
	_ =	sdelay $0x1  }
0x3f: {  	v3 =	vadd.s32 v1, v3;
	_ =	sdelay $0x1  }
0x40: {  	s19 =	simm.s32 $0x4880  }
0x41: {  	[tilespmem:s19], [sflag:$0x2] =	stream.indirect_vreg.gather [hbm4b:s1+s3], $0x80, v4, vm0, $0xb8;
	[tilespmem:$0x11880] =	vst v63  }
0x42: {  	s20 =	simm.s32 $0x5080  }
0x43: {  	[tilespmem:s20], [sflag:$0x2] =	stream.indirect_vreg.gather [hbm4b:s1+s3], $0x80, v3, vm0, $0xb8;
	[tilespmem:$0x11880] =	vst v63  }
0x44: {  	v3 =	vld [tilespmem:$0x40];
	_ =	sdelay $0x4  }
0x45: {  	v59 =	vshll.u32 v3, $0x1  }
0x46: {  	v3 =	vand.u32 $0x7, v3;
	v4 =	vand.u32 $0xFFFFFFF0, v59  }
0x47: {  	v3 =	vor.u32 v3, v4  }
0x48: {  	v4 =	vperm.xlane v3, v0;
	_ =	sdelay $0x1  }
0x49: {  	v3 =	vperm.xlane v3, v2;
	v4 =	vadd.s32 v1, v4;
	_ =	sdelay $0x1  }
0x4a: {  	v3 =	vadd.s32 v1, v3;
	_ =	sdelay $0x1  }
0x4b: {  	s21 =	simm.s32 $0x5880  }
0x4c: {  	[tilespmem:s21], [sflag:$0x2] =	stream.indirect_vreg.gather [hbm4b:s1+s3], $0x80, v4, vm0, $0xb8;
	[tilespmem:$0x11880] =	vst v63  }
0x4d: {  	s22 =	simm.s32 $0x6080  }
0x4e: {  	[tilespmem:s22], [sflag:$0x2] =	stream.indirect_vreg.gather [hbm4b:s1+s3], $0x80, v3, vm0, $0xb8;
	[tilespmem:$0x11880] =	vst v63  }
0x4f: {  	v3 =	vld [tilespmem:$0x50];
	_ =	sdelay $0x4  }
0x50: {  	v60 =	vshll.u32 v3, $0x1  }
0x51: {  	v3 =	vand.u32 $0x7, v3;
	v4 =	vand.u32 $0xFFFFFFF0, v60  }
0x52: {  	v3 =	vor.u32 v3, v4  }
0x53: {  	v4 =	vperm.xlane v3, v0;
	_ =	sdelay $0x1  }
0x54: {  	v3 =	vperm.xlane v3, v2;
	v4 =	vadd.s32 v1, v4;
	_ =	sdelay $0x1  }
0x55: {  	v3 =	vadd.s32 v1, v3;
	_ =	sdelay $0x1  }
0x56: {  	s23 =	simm.s32 $0x6880  }
0x57: {  	[tilespmem:s23], [sflag:$0x2] =	stream.indirect_vreg.gather [hbm4b:s1+s3], $0x80, v4, vm0, $0xb8;
	[tilespmem:$0x11880] =	vst v63  }
0x58: {  	s24 =	simm.s32 $0x7080  }
0x59: {  	[tilespmem:s24], [sflag:$0x2] =	stream.indirect_vreg.gather [hbm4b:s1+s3], $0x80, v3, vm0, $0xb8;
	[tilespmem:$0x11880] =	vst v63  }
0x5a: {  	v3 =	vld [tilespmem:$0x60];
	_ =	sdelay $0x4  }
0x5b: {  	v61 =	vshll.u32 v3, $0x1  }
0x5c: {  	v3 =	vand.u32 $0x7, v3;
	v4 =	vand.u32 $0xFFFFFFF0, v61  }
0x5d: {  	v3 =	vor.u32 v3, v4  }
0x5e: {  	v4 =	vperm.xlane v3, v0;
	_ =	sdelay $0x1  }
0x5f: {  	v3 =	vperm.xlane v3, v2;
	v4 =	vadd.s32 v1, v4;
	_ =	sdelay $0x1  }
0x60: {  	v3 =	vadd.s32 v1, v3;
	_ =	sdelay $0x1  }
0x61: {  	s25 =	simm.s32 $0x7880  }
0x62: {  	[tilespmem:s25], [sflag:$0x3] =	stream.indirect_vreg.gather [hbm4b:s1+s3], $0x80, v4, vm0, $0xb8;
	[tilespmem:$0x11880] =	vst v63  }
0x63: {  	s26 =	simm.s32 $0x8080  }
0x64: {  	[tilespmem:s26], [sflag:$0x3] =	stream.indirect_vreg.gather [hbm4b:s1+s3], $0x80, v3, vm0, $0xb8;
	[tilespmem:$0x11880] =	vst v63  }
0x65: {  	v3 =	vld [tilespmem:$0x70];
	_ =	sdelay $0x4  }
0x66: {  	v62 =	vshll.u32 v3, $0x1  }
0x67: {  	v3 =	vand.u32 $0x7, v3;
	v4 =	vand.u32 $0xFFFFFFF0, v62  }
0x68: {  	v3 =	vor.u32 v3, v4  }
0x69: {  	v4 =	vperm.xlane v3, v0;
	_ =	sdelay $0x1  }
0x6a: {  	v3 =	vperm.xlane v3, v2;
	v4 =	vadd.s32 v1, v4;
	_ =	sdelay $0x1  }
0x6b: {  	v3 =	vadd.s32 v1, v3;
	_ =	sdelay $0x1  }
0x6c: {  	s28 =	simm.s32 $0x8880  }
0x6d: {  	[tilespmem:s28], [sflag:$0x3] =	stream.indirect_vreg.gather [hbm4b:s1+s3], $0x80, v4, vm0, $0xb8;
	[tilespmem:$0x11880] =	vst v63  }
0x6e: {  	s29 =	simm.s32 $0x9080  }
0x6f: {  	[tilespmem:s29], [sflag:$0x3] =	stream.indirect_vreg.gather [hbm4b:s1+s3], $0x80, v3, vm0, $0xb8;
	[tilespmem:$0x11880] =	vst v63  }
0x70: {  	v3 =	vld [tilespmem:$0x80];
	_ =	sdelay $0x4  }
0x71: {  	v63 =	vshll.u32 v3, $0x1  }
0x72: {  	v3 =	vand.u32 $0x7, v3;
	v4 =	vand.u32 $0xFFFFFFF0, v63  }
0x73: {  	v3 =	vor.u32 v3, v4  }
0x74: {  	v4 =	vperm.xlane v3, v0;
	_ =	sdelay $0x1  }
0x75: {  	v3 =	vperm.xlane v3, v2;
	v4 =	vadd.s32 v1, v4;
	_ =	sdelay $0x1  }
0x76: {  	v3 =	vadd.s32 v1, v3;
	_ =	sdelay $0x1  }
0x77: {  	s30 =	simm.s32 $0x9880;
	s31 =	simm.s32 $0xA080;
	s17 =	simm.s32 $0xC30  }
0x78: {  	[tilespmem:s30], [sflag:$0x3] =	stream.indirect_vreg.gather [hbm4b:s1+s3], $0x80, v4, vm0, $0xb8;
	[tilespmem:$0x11880] =	vst v63  }
0x79: {  	s18 =	simm.s32 $0xC60;
	s19 =	simm.s32 $0xC90;
	s20 =	simm.s32 $0x0  }
0x7a: {  	[tilespmem:s31], [sflag:$0x3] =	stream.indirect_vreg.gather [hbm4b:s1+s3], $0x80, v3, vm0, $0xb8;
	[tilespmem:$0x11880] =	vst v63  }
.LBB2_2:
0x7b: {  	s21 =	sshllo.u32 s20, $0x2  }
0x7c: {  	s0 =	smul.u32 $0xC0, s21;
	_ =	sdelay $0x1  }
0x7d: {  	s0 =	sshra.s32 s0, $0x2  }
0x7e: {  	v3 =	vld [tilespmem:s0+$0x0];
	_ =	sdelay $0x4  }
0x7f: {  	v4 =	vshll.u32 v3, $0x1  }
0x80: {  	v3 =	vand.u32 $0x7, v3;
	v4 =	vand.u32 $0xFFFFFFF0, v4  }
0x81: {  	v3 =	vor.u32 v3, v4  }
0x82: {  	v4 =	vperm.xlane v3, v0;
	_ =	sdelay $0x1  }
0x83: {  	v3 =	vperm.xlane v3, v2;
	v4 =	vadd.s32 v1, v4;
	_ =	sdelay $0x1  }
0x84: {  	v3 =	vadd.s32 v1, v3;
	_ =	sdelay $0x1  }
0x85: {  	s2 =	simm.s32 $0xA880  }
0x86: {  	[tilespmem:s2], [sflag:$0x4] =	stream.indirect_vreg.gather [hbm4b:s1+s3], $0x80, v4, vm0, $0xb8;
	[tilespmem:$0x11880] =	vst v63  }
0x87: {  	s5 =	simm.s32 $0xB080  }
0x88: {  	[tilespmem:s5], [sflag:$0x4] =	stream.indirect_vreg.gather [hbm4b:s1+s3], $0x80, v3, vm0, $0xb8;
	[tilespmem:$0x11880] =	vst v63  }
0x89: {  	v3 =	vld [tilespmem:s0+$0x10];
	_ =	sdelay $0x4  }
0x8a: {  	v4 =	vshll.u32 v3, $0x1  }
0x8b: {  	v3 =	vand.u32 $0x7, v3;
	v4 =	vand.u32 $0xFFFFFFF0, v4  }
0x8c: {  	v3 =	vor.u32 v3, v4  }
0x8d: {  	v4 =	vperm.xlane v3, v0;
	_ =	sdelay $0x1  }
0x8e: {  	v3 =	vperm.xlane v3, v2;
	v4 =	vadd.s32 v1, v4;
	_ =	sdelay $0x1  }
0x8f: {  	v3 =	vadd.s32 v1, v3;
	_ =	sdelay $0x1  }
0x90: {  	s9 =	simm.s32 $0xB880  }
0x91: {  	[tilespmem:s9], [sflag:$0x4] =	stream.indirect_vreg.gather [hbm4b:s1+s3], $0x80, v4, vm0, $0xb8;
	[tilespmem:$0x11880] =	vst v63  }
0x92: {  	s22 =	simm.s32 $0xC080  }
0x93: {  	[tilespmem:s22], [sflag:$0x4] =	stream.indirect_vreg.gather [hbm4b:s1+s3], $0x80, v3, vm0, $0xb8;
	[tilespmem:$0x11880] =	vst v63  }
0x94: {  	v3 =	vld [tilespmem:s0+$0x20];
	_ =	sdelay $0x4  }
0x95: {  	v4 =	vshll.u32 v3, $0x1  }
0x96: {  	v3 =	vand.u32 $0x7, v3;
	v4 =	vand.u32 $0xFFFFFFF0, v4  }
0x97: {  	v3 =	vor.u32 v3, v4  }
0x98: {  	v4 =	vperm.xlane v3, v0;
	_ =	sdelay $0x1  }
0x99: {  	v3 =	vperm.xlane v3, v2;
	v4 =	vadd.s32 v1, v4;
	_ =	sdelay $0x1  }
0x9a: {  	v3 =	vadd.s32 v1, v3;
	_ =	sdelay $0x1  }
0x9b: {  	s23 =	simm.s32 $0xC880  }
0x9c: {  	[tilespmem:s23], [sflag:$0x4] =	stream.indirect_vreg.gather [hbm4b:s1+s3], $0x80, v4, vm0, $0xb8;
	[tilespmem:$0x11880] =	vst v63  }
0x9d: {  	s24 =	simm.s32 $0xD080  }
0x9e: {  	[tilespmem:s24], [sflag:$0x4] =	stream.indirect_vreg.gather [hbm4b:s1+s3], $0x80, v3, vm0, $0xb8;
	[tilespmem:$0x11880] =	vst v63  }
0x9f: {  	_ =	swait.ge [sflag:s4], $0x3000  }
0xa0: {  	p0 =	seq.s32 s20, $0x0;
	[sflag:s4] =	ssyncset.done $0x0  }
0xa1: {  	s0 =	simm.s32 @!p0 $0x5;
	[sflag:s4] =	ssyncadd.s32 $0xFFFFD000  }
0xa2: {  	s25 =	simm.s32 $0x100;
	_ =	swait.ge @!p0 [sflag:s0], $0x1000  }
0xa3: {  	s26 =	simm.s32 $0x80;
	s24 =	simm.s32 $0x0;
	[sflag:s0] =	ssyncset.done @!p0 $0x0  }
0xa4: {  	s5 =	sand.u32 $0x3800, s24;
	s9 =	sand.u32 $0x380, s24;
	[sflag:s0] =	ssyncadd.s32 @!p0 $0xFFFFF000  }
0xa5: {  	s2 =	sand.u32 $0x380, s26;
	s26 =	sor.u32 s9, s5;
	s0 =	sand.u32 $0x7800, s25;
	v3 =	vld [tilespmem:s16+$0x0]  }
0xa6: {  	s5 =	simm.s32 $0x200;
	s9 =	simm.s32 $0x100;
	s25 =	sor.u32 s2, s0;
	v6 =	vld [tilespmem:s26+$0x1880]  }
0xa7: {  	s0 =	sand.u32 $0x7800, s5;
	s2 =	sand.u32 $0x380, s9;
	v7 =	vld [tilespmem:s25+$0x1880]  }
0xa8: {  	s28 =	sor.u32 s2, s0  }
0xa9: {  	v8 =	vld [tilespmem:s28+$0x1880]  }
0xaa: {  	v5 =	vbroadcast v3, $0x0;
	v4 =	vbroadcast v3, $0x1  }
0xab: {  	v3 =	vbroadcast v3, $0x2  }
0xac: {  	v6 =	vmul.f32 v6, v5;
	v7 =	vmul.f32 v7, v4;
	_ =	sdelay $0x1  }
0xad: {  	v6 =	vadd.f32 v7, v6;
	v7 =	vmul.f32 v8, v3;
	_ =	sdelay $0x1  }
0xae: {  	s22 =	sand.u32 $0x800, s24;
	s23 =	sand.u32 $0x380, s24;
	v6 =	vadd.f32 v7, v6  }
0xaf: {  	s29 =	sor.u32 s23, s22  }
0xb0: {  	[tilespmem:s29+$0xD880] =	vst v6  }
0xb1: {  	v6 =	vld [tilespmem:s26+$0x1890]  }
0xb2: {  	v7 =	vld [tilespmem:s25+$0x1890];
	_ =	sdelay $0x1  }
0xb3: {  	v8 =	vld [tilespmem:s28+$0x1890];
	_ =	sdelay $0x2  }
0xb4: {  	v6 =	vmul.f32 v6, v5;
	v7 =	vmul.f32 v7, v4;
	_ =	sdelay $0x1  }
0xb5: {  	v6 =	vadd.f32 v7, v6;
	v7 =	vmul.f32 v8, v3;
	_ =	sdelay $0x1  }
0xb6: {  	v6 =	vadd.f32 v7, v6;
	_ =	sdelay $0x1  }
0xb7: {  	[tilespmem:s29+$0xD890] =	vst v6  }
0xb8: {  	v6 =	vld [tilespmem:s26+$0x18A0]  }
0xb9: {  	v7 =	vld [tilespmem:s25+$0x18A0];
	_ =	sdelay $0x1  }
0xba: {  	v8 =	vld [tilespmem:s28+$0x18A0];
	_ =	sdelay $0x2  }
0xbb: {  	v6 =	vmul.f32 v6, v5;
	v7 =	vmul.f32 v7, v4;
	_ =	sdelay $0x1  }
0xbc: {  	v8 =	vmul.f32 v8, v3;
	v6 =	vadd.f32 v7, v6;
	_ =	sdelay $0x1  }
0xbd: {  	v6 =	vadd.f32 v8, v6;
	_ =	sdelay $0x1  }
0xbe: {  	[tilespmem:s29+$0xD8A0] =	vst v6  }
0xbf: {  	v6 =	vld [tilespmem:s26+$0x18B0]  }
0xc0: {  	v7 =	vld [tilespmem:s25+$0x18B0];
	_ =	sdelay $0x1  }
0xc1: {  	v8 =	vld [tilespmem:s28+$0x18B0];
	_ =	sdelay $0x2  }
0xc2: {  	v6 =	vmul.f32 v6, v5;
	v7 =	vmul.f32 v7, v4;
	_ =	sdelay $0x1  }
0xc3: {  	v6 =	vadd.f32 v7, v6;
	v7 =	vmul.f32 v8, v3;
	_ =	sdelay $0x1  }
0xc4: {  	v6 =	vadd.f32 v7, v6;
	_ =	sdelay $0x1  }
0xc5: {  	[tilespmem:s29+$0xD8B0] =	vst v6  }
0xc6: {  	v6 =	vld [tilespmem:s26+$0x18C0]  }
0xc7: {  	v7 =	vld [tilespmem:s25+$0x18C0];
	_ =	sdelay $0x1  }
0xc8: {  	v8 =	vld [tilespmem:s28+$0x18C0];
	_ =	sdelay $0x2  }
0xc9: {  	v6 =	vmul.f32 v6, v5;
	v7 =	vmul.f32 v7, v4;
	_ =	sdelay $0x1  }
0xca: {  	v8 =	vmul.f32 v8, v3;
	v6 =	vadd.f32 v7, v6;
	_ =	sdelay $0x1  }
0xcb: {  	v6 =	vadd.f32 v8, v6;
	_ =	sdelay $0x1  }
0xcc: {  	[tilespmem:s29+$0xD8C0] =	vst v6  }
0xcd: {  	v6 =	vld [tilespmem:s26+$0x18D0]  }
0xce: {  	v7 =	vld [tilespmem:s25+$0x18D0];
	_ =	sdelay $0x1  }
0xcf: {  	v8 =	vld [tilespmem:s28+$0x18D0];
	_ =	sdelay $0x2  }
0xd0: {  	v6 =	vmul.f32 v6, v5;
	v7 =	vmul.f32 v7, v4;
	_ =	sdelay $0x1  }
0xd1: {  	v8 =	vmul.f32 v8, v3;
	v6 =	vadd.f32 v7, v6;
	_ =	sdelay $0x1  }
0xd2: {  	v6 =	vadd.f32 v8, v6;
	_ =	sdelay $0x1  }
0xd3: {  	[tilespmem:s29+$0xD8D0] =	vst v6  }
0xd4: {  	v6 =	vld [tilespmem:s26+$0x18E0]  }
0xd5: {  	v7 =	vld [tilespmem:s25+$0x18E0];
	_ =	sdelay $0x1  }
0xd6: {  	v8 =	vld [tilespmem:s28+$0x18E0];
	_ =	sdelay $0x2  }
0xd7: {  	v6 =	vmul.f32 v6, v5;
	v7 =	vmul.f32 v7, v4;
	_ =	sdelay $0x1  }
0xd8: {  	v8 =	vmul.f32 v8, v3;
	v6 =	vadd.f32 v7, v6;
	_ =	sdelay $0x1  }
0xd9: {  	v6 =	vadd.f32 v8, v6;
	_ =	sdelay $0x1  }
0xda: {  	[tilespmem:s29+$0xD8E0] =	vst v6  }
0xdb: {  	v6 =	vld [tilespmem:s26+$0x18F0]  }
0xdc: {  	v7 =	vld [tilespmem:s25+$0x18F0];
	_ =	sdelay $0x1  }
0xdd: {  	v8 =	vld [tilespmem:s28+$0x18F0];
	_ =	sdelay $0x2  }
0xde: {  	v6 =	vmul.f32 v6, v5;
	v7 =	vmul.f32 v7, v4;
	_ =	sdelay $0x1  }
0xdf: {  	v8 =	vmul.f32 v8, v3;
	v6 =	vadd.f32 v7, v6;
	_ =	sdelay $0x1  }
0xe0: {  	v6 =	vadd.f32 v8, v6;
	_ =	sdelay $0x1  }
0xe1: {  	[tilespmem:s29+$0xD8F0] =	vst v6  }
0xe2: {  	v6 =	vld [tilespmem:s26+$0x1C80]  }
0xe3: {  	v7 =	vld [tilespmem:s25+$0x1C80];
	_ =	sdelay $0x1  }
0xe4: {  	v8 =	vld [tilespmem:s28+$0x1C80];
	_ =	sdelay $0x2  }
0xe5: {  	v6 =	vmul.f32 v6, v5;
	v7 =	vmul.f32 v7, v4;
	_ =	sdelay $0x1  }
0xe6: {  	v8 =	vmul.f32 v8, v3;
	v6 =	vadd.f32 v7, v6;
	_ =	sdelay $0x1  }
0xe7: {  	v6 =	vadd.f32 v8, v6;
	_ =	sdelay $0x1  }
0xe8: {  	[tilespmem:s29+$0xDC80] =	vst v6  }
0xe9: {  	v6 =	vld [tilespmem:s26+$0x1C90]  }
0xea: {  	v7 =	vld [tilespmem:s25+$0x1C90];
	_ =	sdelay $0x1  }
0xeb: {  	v8 =	vld [tilespmem:s28+$0x1C90];
	_ =	sdelay $0x2  }
0xec: {  	v6 =	vmul.f32 v6, v5;
	v7 =	vmul.f32 v7, v4;
	_ =	sdelay $0x1  }
0xed: {  	v8 =	vmul.f32 v8, v3;
	v6 =	vadd.f32 v7, v6;
	_ =	sdelay $0x1  }
0xee: {  	v6 =	vadd.f32 v8, v6;
	_ =	sdelay $0x1  }
0xef: {  	[tilespmem:s29+$0xDC90] =	vst v6  }
0xf0: {  	v6 =	vld [tilespmem:s26+$0x1CA0]  }
0xf1: {  	v7 =	vld [tilespmem:s25+$0x1CA0];
	_ =	sdelay $0x1  }
0xf2: {  	v8 =	vld [tilespmem:s28+$0x1CA0];
	_ =	sdelay $0x2  }
0xf3: {  	v6 =	vmul.f32 v6, v5;
	v7 =	vmul.f32 v7, v4;
	_ =	sdelay $0x1  }
0xf4: {  	v8 =	vmul.f32 v8, v3;
	v6 =	vadd.f32 v7, v6;
	_ =	sdelay $0x1  }
0xf5: {  	v6 =	vadd.f32 v8, v6;
	_ =	sdelay $0x1  }
0xf6: {  	[tilespmem:s29+$0xDCA0] =	vst v6  }
0xf7: {  	v6 =	vld [tilespmem:s26+$0x1CB0]  }
0xf8: {  	v7 =	vld [tilespmem:s25+$0x1CB0];
	_ =	sdelay $0x1  }
0xf9: {  	v8 =	vld [tilespmem:s28+$0x1CB0];
	_ =	sdelay $0x2  }
0xfa: {  	v6 =	vmul.f32 v6, v5;
	v7 =	vmul.f32 v7, v4;
	_ =	sdelay $0x1  }
0xfb: {  	v6 =	vadd.f32 v7, v6;
	v7 =	vmul.f32 v8, v3;
	_ =	sdelay $0x1  }
0xfc: {  	v6 =	vadd.f32 v7, v6;
	_ =	sdelay $0x1  }
0xfd: {  	[tilespmem:s29+$0xDCB0] =	vst v6  }
0xfe: {  	v6 =	vld [tilespmem:s25+$0x1CC0]  }
0xff: {  	v7 =	vld [tilespmem:s26+$0x1CC0];
	_ =	sdelay $0x1  }
0x100: {  	v8 =	vld [tilespmem:s28+$0x1CC0];
	_ =	sdelay $0x2  }
0x101: {  	v6 =	vmul.f32 v6, v4;
	v7 =	vmul.f32 v7, v5;
	_ =	sdelay $0x1  }
0x102: {  	v8 =	vmul.f32 v8, v3;
	v6 =	vadd.f32 v6, v7;
	_ =	sdelay $0x1  }
0x103: {  	v6 =	vadd.f32 v8, v6;
	_ =	sdelay $0x1  }
0x104: {  	[tilespmem:s29+$0xDCC0] =	vst v6  }
0x105: {  	v6 =	vld [tilespmem:s26+$0x1CD0]  }
0x106: {  	v7 =	vld [tilespmem:s25+$0x1CD0];
	_ =	sdelay $0x1  }
0x107: {  	v8 =	vld [tilespmem:s28+$0x1CD0];
	_ =	sdelay $0x2  }
0x108: {  	v6 =	vmul.f32 v6, v5;
	v7 =	vmul.f32 v7, v4;
	_ =	sdelay $0x1  }
0x109: {  	v8 =	vmul.f32 v8, v3;
	v6 =	vadd.f32 v7, v6;
	_ =	sdelay $0x1  }
0x10a: {  	v6 =	vadd.f32 v8, v6;
	_ =	sdelay $0x1  }
0x10b: {  	[tilespmem:s29+$0xDCD0] =	vst v6  }
0x10c: {  	v6 =	vld [tilespmem:s26+$0x1CE0]  }
0x10d: {  	v7 =	vld [tilespmem:s25+$0x1CE0]  }
0x10e: {  	s30 =	simm.s32 $0x180;
	s31 =	simm.s32 $0x0;
	s23 =	sshll.u32 s20, $0x2;
	v8 =	vld [tilespmem:s28+$0x1CE0]  }
0x10f: {  	s22 =	smul.u32 $0x300, s20;
	s2 =	sadd.s32 $0x3, s16;
	s0 =	simm.s32 $0x0  }
.LBB2_3:
0x110: {  	s24 =	sadd.s32 $0x80, s24;
	s0 =	sadd.s32 $0x100, s0;
	s31 =	sadd.s32 $0x300, s31  }
0x111: {  	p1 =	sne.s32 s30, $0x1680;
	s5 =	smov.u32 s30;
	s30 =	sadd.s32 $0x180, s30;
	v6 =	vmul.f32 v6, v5  }
0x112: {  	v7 =	vmul.f32 v7, v4  }
0x113: {  	v8 =	vmul.f32 v8, v3  }
0x114: {  	v6 =	vadd.f32 v7, v6;
	_ =	sdelay $0x1  }
0x115: {  	v6 =	vadd.f32 v8, v6;
	_ =	sdelay $0x1  }
0x116: {  	[tilespmem:s29+$0xDCE0] =	vst v6  }
0x117: {  	v6 =	vld [tilespmem:s26+$0x1CF0]  }
0x118: {  	v7 =	vld [tilespmem:s25+$0x1CF0]  }
0x119: {  	v8 =	vld [tilespmem:s28+$0x1CF0];
	_ =	sdelay $0x2  }
0x11a: {  	v5 =	vmul.f32 v6, v5  }
0x11b: {  	s9 =	sadd.s32 $0x100, s31;
	s25 =	sadd.s32 $0x80, s5;
	v4 =	vmul.f32 v7, v4  }
0x11c: {  	s9 =	sand.u32 $0x7800, s9;
	s25 =	sand.u32 $0x380, s25;
	v3 =	vmul.f32 v8, v3  }
0x11d: {  	s25 =	sor.u32 s25, s9;
	v4 =	vadd.f32 v4, v5;
	_ =	sdelay $0x1  }
0x11e: {  	v3 =	vadd.f32 v3, v4;
	_ =	sdelay $0x1  }
0x11f: {  	s26 =	sand.u32 $0x380, s5;
	s9 =	sand.u32 $0x3800, s31;
	[tilespmem:s29+$0xDCF0] =	vst v3  }
0x120: {  	s26 =	sor.u32 s26, s9;
	v3 =	vld [tilespmem:s2+$0x0]  }
0x121: {  	s5 =	sadd.s32 $0x100, s5;
	s9 =	sadd.s32 $0x200, s31;
	v6 =	vld [tilespmem:s26+$0x1880]  }
0x122: {  	s5 =	sand.u32 $0x380, s5;
	s9 =	sand.u32 $0x7800, s9;
	v7 =	vld [tilespmem:s25+$0x1880]  }
0x123: {  	s28 =	sor.u32 s5, s9  }
0x124: {  	v8 =	vld [tilespmem:s28+$0x1880]  }
0x125: {  	v5 =	vbroadcast v3, $0x0;
	v4 =	vbroadcast v3, $0x1  }
0x126: {  	v3 =	vbroadcast v3, $0x2  }
0x127: {  	v6 =	vmul.f32 v6, v5;
	v7 =	vmul.f32 v7, v4;
	_ =	sdelay $0x1  }
0x128: {  	v6 =	vadd.f32 v7, v6;
	v7 =	vmul.f32 v8, v3;
	_ =	sdelay $0x1  }
0x129: {  	s5 =	sand.u32 $0x800, s0;
	s9 =	sand.u32 $0x380, s24;
	v6 =	vadd.f32 v7, v6  }
0x12a: {  	s29 =	sor.u32 s9, s5  }
0x12b: {  	[tilespmem:s29+$0xD880] =	vst v6  }
0x12c: {  	v6 =	vld [tilespmem:s26+$0x1890]  }
0x12d: {  	v7 =	vld [tilespmem:s25+$0x1890];
	_ =	sdelay $0x1  }
0x12e: {  	v8 =	vld [tilespmem:s28+$0x1890];
	_ =	sdelay $0x1  }
0x12f: {  	v6 =	vmul.f32 v6, v5  }
0x130: {  	v7 =	vmul.f32 v7, v4;
	_ =	sdelay $0x1  }
0x131: {  	v6 =	vadd.f32 v7, v6;
	v7 =	vmul.f32 v8, v3;
	_ =	sdelay $0x1  }
0x132: {  	v6 =	vadd.f32 v7, v6;
	_ =	sdelay $0x1  }
0x133: {  	[tilespmem:s29+$0xD890] =	vst v6  }
0x134: {  	v6 =	vld [tilespmem:s26+$0x18A0]  }
0x135: {  	v7 =	vld [tilespmem:s25+$0x18A0]  }
0x136: {  	v8 =	vld [tilespmem:s28+$0x18A0];
	_ =	sdelay $0x2  }
0x137: {  	v6 =	vmul.f32 v6, v5  }
0x138: {  	v7 =	vmul.f32 v7, v4  }
0x139: {  	v8 =	vmul.f32 v8, v3  }
0x13a: {  	v6 =	vadd.f32 v7, v6;
	_ =	sdelay $0x1  }
0x13b: {  	v6 =	vadd.f32 v8, v6;
	_ =	sdelay $0x1  }
0x13c: {  	[tilespmem:s29+$0xD8A0] =	vst v6  }
0x13d: {  	v6 =	vld [tilespmem:s26+$0x18B0]  }
0x13e: {  	v7 =	vld [tilespmem:s25+$0x18B0];
	_ =	sdelay $0x1  }
0x13f: {  	v8 =	vld [tilespmem:s28+$0x18B0];
	_ =	sdelay $0x1  }
0x140: {  	v6 =	vmul.f32 v6, v5  }
0x141: {  	v7 =	vmul.f32 v7, v4;
	_ =	sdelay $0x1  }
0x142: {  	v6 =	vadd.f32 v7, v6;
	v7 =	vmul.f32 v8, v3;
	_ =	sdelay $0x1  }
0x143: {  	v6 =	vadd.f32 v7, v6;
	_ =	sdelay $0x1  }
0x144: {  	[tilespmem:s29+$0xD8B0] =	vst v6  }
0x145: {  	v6 =	vld [tilespmem:s26+$0x18C0]  }
0x146: {  	v7 =	vld [tilespmem:s25+$0x18C0]  }
0x147: {  	v8 =	vld [tilespmem:s28+$0x18C0];
	_ =	sdelay $0x2  }
0x148: {  	v6 =	vmul.f32 v6, v5  }
0x149: {  	v7 =	vmul.f32 v7, v4  }
0x14a: {  	v8 =	vmul.f32 v8, v3  }
0x14b: {  	v6 =	vadd.f32 v7, v6;
	_ =	sdelay $0x1  }
0x14c: {  	v6 =	vadd.f32 v8, v6;
	_ =	sdelay $0x1  }
0x14d: {  	[tilespmem:s29+$0xD8C0] =	vst v6  }
0x14e: {  	v6 =	vld [tilespmem:s26+$0x18D0]  }
0x14f: {  	v7 =	vld [tilespmem:s25+$0x18D0]  }
0x150: {  	v8 =	vld [tilespmem:s28+$0x18D0];
	_ =	sdelay $0x2  }
0x151: {  	v6 =	vmul.f32 v6, v5  }
0x152: {  	v7 =	vmul.f32 v7, v4  }
0x153: {  	v8 =	vmul.f32 v8, v3  }
0x154: {  	v6 =	vadd.f32 v7, v6;
	_ =	sdelay $0x1  }
0x155: {  	v6 =	vadd.f32 v8, v6;
	_ =	sdelay $0x1  }
0x156: {  	[tilespmem:s29+$0xD8D0] =	vst v6  }
0x157: {  	v6 =	vld [tilespmem:s26+$0x18E0]  }
0x158: {  	v7 =	vld [tilespmem:s25+$0x18E0]  }
0x159: {  	v8 =	vld [tilespmem:s28+$0x18E0];
	_ =	sdelay $0x2  }
0x15a: {  	v6 =	vmul.f32 v6, v5  }
0x15b: {  	v7 =	vmul.f32 v7, v4  }
0x15c: {  	v8 =	vmul.f32 v8, v3  }
0x15d: {  	v6 =	vadd.f32 v7, v6;
	_ =	sdelay $0x1  }
0x15e: {  	v6 =	vadd.f32 v8, v6;
	_ =	sdelay $0x1  }
0x15f: {  	[tilespmem:s29+$0xD8E0] =	vst v6  }
0x160: {  	v6 =	vld [tilespmem:s26+$0x18F0]  }
0x161: {  	v7 =	vld [tilespmem:s25+$0x18F0]  }
0x162: {  	v8 =	vld [tilespmem:s28+$0x18F0];
	_ =	sdelay $0x2  }
0x163: {  	v6 =	vmul.f32 v6, v5  }
0x164: {  	v7 =	vmul.f32 v7, v4  }
0x165: {  	v8 =	vmul.f32 v8, v3  }
0x166: {  	v6 =	vadd.f32 v7, v6;
	_ =	sdelay $0x1  }
0x167: {  	v6 =	vadd.f32 v8, v6;
	_ =	sdelay $0x1  }
0x168: {  	[tilespmem:s29+$0xD8F0] =	vst v6  }
0x169: {  	v6 =	vld [tilespmem:s26+$0x1C80]  }
0x16a: {  	v7 =	vld [tilespmem:s25+$0x1C80]  }
0x16b: {  	v8 =	vld [tilespmem:s28+$0x1C80];
	_ =	sdelay $0x2  }
0x16c: {  	v6 =	vmul.f32 v6, v5  }
0x16d: {  	v7 =	vmul.f32 v7, v4  }
0x16e: {  	v8 =	vmul.f32 v8, v3  }
0x16f: {  	v6 =	vadd.f32 v7, v6;
	_ =	sdelay $0x1  }
0x170: {  	v6 =	vadd.f32 v8, v6;
	_ =	sdelay $0x1  }
0x171: {  	[tilespmem:s29+$0xDC80] =	vst v6  }
0x172: {  	v6 =	vld [tilespmem:s26+$0x1C90]  }
0x173: {  	v7 =	vld [tilespmem:s25+$0x1C90]  }
0x174: {  	v8 =	vld [tilespmem:s28+$0x1C90];
	_ =	sdelay $0x2  }
0x175: {  	v6 =	vmul.f32 v6, v5  }
0x176: {  	v7 =	vmul.f32 v7, v4  }
0x177: {  	v8 =	vmul.f32 v8, v3  }
0x178: {  	v6 =	vadd.f32 v7, v6;
	_ =	sdelay $0x1  }
0x179: {  	v6 =	vadd.f32 v8, v6;
	_ =	sdelay $0x1  }
0x17a: {  	[tilespmem:s29+$0xDC90] =	vst v6  }
0x17b: {  	v6 =	vld [tilespmem:s26+$0x1CA0]  }
0x17c: {  	v7 =	vld [tilespmem:s25+$0x1CA0]  }
0x17d: {  	v8 =	vld [tilespmem:s28+$0x1CA0];
	_ =	sdelay $0x2  }
0x17e: {  	v6 =	vmul.f32 v6, v5  }
0x17f: {  	v7 =	vmul.f32 v7, v4  }
0x180: {  	v8 =	vmul.f32 v8, v3  }
0x181: {  	v6 =	vadd.f32 v7, v6;
	_ =	sdelay $0x1  }
0x182: {  	v6 =	vadd.f32 v8, v6;
	_ =	sdelay $0x1  }
0x183: {  	[tilespmem:s29+$0xDCA0] =	vst v6  }
0x184: {  	v6 =	vld [tilespmem:s26+$0x1CB0]  }
0x185: {  	v7 =	vld [tilespmem:s25+$0x1CB0]  }
0x186: {  	v8 =	vld [tilespmem:s28+$0x1CB0];
	_ =	sdelay $0x2  }
0x187: {  	v6 =	vmul.f32 v6, v5  }
0x188: {  	v7 =	vmul.f32 v7, v4;
	_ =	sdelay $0x1  }
0x189: {  	v6 =	vadd.f32 v7, v6;
	v7 =	vmul.f32 v8, v3;
	_ =	sdelay $0x1  }
0x18a: {  	v6 =	vadd.f32 v7, v6;
	_ =	sdelay $0x1  }
0x18b: {  	[tilespmem:s29+$0xDCB0] =	vst v6  }
0x18c: {  	v6 =	vld [tilespmem:s25+$0x1CC0]  }
0x18d: {  	v7 =	vld [tilespmem:s26+$0x1CC0]  }
0x18e: {  	v8 =	vld [tilespmem:s28+$0x1CC0];
	_ =	sdelay $0x2  }
0x18f: {  	v6 =	vmul.f32 v6, v4  }
0x190: {  	v7 =	vmul.f32 v7, v5  }
0x191: {  	v8 =	vmul.f32 v8, v3  }
0x192: {  	v6 =	vadd.f32 v6, v7;
	_ =	sdelay $0x1  }
0x193: {  	v6 =	vadd.f32 v8, v6;
	_ =	sdelay $0x1  }
0x194: {  	[tilespmem:s29+$0xDCC0] =	vst v6  }
0x195: {  	v6 =	vld [tilespmem:s26+$0x1CD0]  }
0x196: {  	v7 =	vld [tilespmem:s25+$0x1CD0]  }
0x197: {  	v8 =	vld [tilespmem:s28+$0x1CD0];
	_ =	sdelay $0x2  }
0x198: {  	v6 =	vmul.f32 v6, v5  }
0x199: {  	v7 =	vmul.f32 v7, v4  }
0x19a: {  	v8 =	vmul.f32 v8, v3  }
0x19b: {  	v6 =	vadd.f32 v7, v6;
	_ =	sdelay $0x1  }
0x19c: {  	v6 =	vadd.f32 v8, v6;
	_ =	sdelay $0x1  }
.Ltmp0:
0x19d: {  	[tilespmem:s29+$0xDCD0] =	vst v6;
	(pc) =	sbr.rel @p1 .LBB2_3-.Ltmp0, $4  }
0x19e: {  	v6 =	vld [tilespmem:s26+$0x1CE0]  }
0x19f: {  	v7 =	vld [tilespmem:s25+$0x1CE0]  }
0x1a0: {  	v8 =	vld [tilespmem:s28+$0x1CE0]  }
0x1a1: {  	s2 =	sadd.s32 $0x3, s2  }
0x1a2: {  	_ =	sdelay $0x1  }
0x1a3: {  	v6 =	vmul.f32 v6, v5;
	v7 =	vmul.f32 v7, v4;
	_ =	sdelay $0x1  }
0x1a4: {  	v8 =	vmul.f32 v8, v3;
	v6 =	vadd.f32 v7, v6;
	_ =	sdelay $0x1  }
0x1a5: {  	v6 =	vadd.f32 v8, v6;
	_ =	sdelay $0x1  }
0x1a6: {  	[tilespmem:s29+$0xDCE0] =	vst v6  }
0x1a7: {  	v6 =	vld [tilespmem:s26+$0x1CF0]  }
0x1a8: {  	v60 =	vld [tilespmem:s25+$0x1CF0];
	_ =	sdelay $0x1  }
0x1a9: {  	v61 =	vld [tilespmem:s28+$0x1CF0];
	_ =	sdelay $0x2  }
0x1aa: {  	v62 =	vmul.f32 v6, v5;
	v63 =	vmul.f32 v60, v4;
	_ =	sdelay $0x1  }
0x1ab: {  	p1 =	sne.s32 s20, $0xF;
	v3 =	vmul.f32 v61, v3;
	v4 =	vadd.f32 v63, v62  }
.Ltmp1:
0x1ac: {  	_ = 	snop;
	(pc) =	sbr.rel @p1 .LBB2_6-.Ltmp1, $4  }
0x1ad: {  	v3 =	vadd.f32 v3, v4  }
0x1ae: {  	s0 =	sshll.u32 s20, $0xB  }
0x1af: {  	s2 =	simm.s32 $0xD880;
	s0 =	sadd.s32 s0, s6;
	[tilespmem:s29+$0xDCF0] =	vst v3  }
0x1b0: {  	[hbm4b:s0+s3] =	stream.linear.scatter [tilespmem:s2], [sflag:$0x5], $0x1000, $0x38;
	[tilespmem:$0x11880] =	vst v63  }
.Ltmp2:
0x1b1: {  	(pc) =	sbr.rel .LBB2_7-.Ltmp2, $4  }
0x1b2: {  	_ = 	snop  }
0x1b3: {  	_ =	swait.ge [sflag:s7], $0x3000  }
0x1b4: {  	[sflag:s7] =	ssyncset.done $0x0  }
0x1b5: {  	[sflag:s7] =	ssyncadd.s32 $0xFFFFD000  }
.LBB2_6:
0x1b6: {  	s0 =	sshra.s32 s22, $0x2  }
0x1b7: {  	v3 =	vld [tilespmem:s0+$0xC0];
	_ =	sdelay $0x4  }
0x1b8: {  	v4 =	vshll.u32 v3, $0x1  }
0x1b9: {  	v3 =	vand.u32 $0x7, v3;
	v4 =	vand.u32 $0xFFFFFFF0, v4  }
0x1ba: {  	v3 =	vor.u32 v3, v4  }
0x1bb: {  	v4 =	vperm.xlane v3, v0;
	_ =	sdelay $0x1  }
0x1bc: {  	v3 =	vperm.xlane v3, v2;
	v4 =	vadd.s32 v1, v4;
	_ =	sdelay $0x1  }
0x1bd: {  	v3 =	vadd.s32 v1, v3;
	_ =	sdelay $0x1  }
0x1be: {  	s2 =	simm.s32 $0x1880  }
0x1bf: {  	[tilespmem:s2], [sflag:$0x1] =	stream.indirect_vreg.gather [hbm4b:s1+s3], $0x80, v4, vm0, $0xb8;
	[tilespmem:$0x11880] =	vst v63  }
0x1c0: {  	s26 =	simm.s32 $0x2080  }
0x1c1: {  	[tilespmem:s26], [sflag:$0x1] =	stream.indirect_vreg.gather [hbm4b:s1+s3], $0x80, v3, vm0, $0xb8;
	[tilespmem:$0x11880] =	vst v63  }
0x1c2: {  	v3 =	vld [tilespmem:s0+$0xD0];
	_ =	sdelay $0x4  }
0x1c3: {  	v62 =	vshll.u32 v3, $0x1  }
0x1c4: {  	v3 =	vand.u32 $0x7, v3;
	v4 =	vand.u32 $0xFFFFFFF0, v62  }
0x1c5: {  	v3 =	vor.u32 v3, v4  }
0x1c6: {  	v4 =	vperm.xlane v3, v0;
	_ =	sdelay $0x1  }
0x1c7: {  	v3 =	vperm.xlane v3, v2;
	v4 =	vadd.s32 v1, v4;
	_ =	sdelay $0x1  }
0x1c8: {  	v3 =	vadd.s32 v1, v3;
	_ =	sdelay $0x1  }
0x1c9: {  	s28 =	simm.s32 $0x2880  }
0x1ca: {  	[tilespmem:s28], [sflag:$0x1] =	stream.indirect_vreg.gather [hbm4b:s1+s3], $0x80, v4, vm0, $0xb8;
	[tilespmem:$0x11880] =	vst v63  }
0x1cb: {  	s29 =	simm.s32 $0x3080  }
0x1cc: {  	[tilespmem:s29], [sflag:$0x1] =	stream.indirect_vreg.gather [hbm4b:s1+s3], $0x80, v3, vm0, $0xb8;
	[tilespmem:$0x11880] =	vst v63  }
0x1cd: {  	v3 =	vld [tilespmem:s0+$0xE0];
	_ =	sdelay $0x4  }
0x1ce: {  	v63 =	vshll.u32 v3, $0x1  }
0x1cf: {  	v3 =	vand.u32 $0x7, v3;
	v4 =	vand.u32 $0xFFFFFFF0, v63  }
0x1d0: {  	v3 =	vor.u32 v3, v4  }
0x1d1: {  	v4 =	vperm.xlane v3, v0;
	_ =	sdelay $0x1  }
0x1d2: {  	v3 =	vperm.xlane v3, v2;
	v4 =	vadd.s32 v1, v4;
	_ =	sdelay $0x1  }
0x1d3: {  	v3 =	vadd.s32 v1, v3;
	_ =	sdelay $0x1  }
0x1d4: {  	s30 =	simm.s32 $0x3880  }
0x1d5: {  	[tilespmem:s30], [sflag:$0x1] =	stream.indirect_vreg.gather [hbm4b:s1+s3], $0x80, v4, vm0, $0xb8;
	[tilespmem:$0x11880] =	vst v63  }
.Ltmp3:
0x1d6: {  	s31 =	simm.s32 $0x4080;
	(pc) =	sbr.rel @p0 .LBB2_8-.Ltmp3, $4  }
0x1d7: {  	[tilespmem:s31], [sflag:$0x1] =	stream.indirect_vreg.gather [hbm4b:s1+s3], $0x80, v3, vm0, $0xb8;
	[tilespmem:$0x11880] =	vst v63  }
0x1d8: {  	_ =	swait.ge [sflag:s7], $0x3000  }
0x1d9: {  	[sflag:s7] =	ssyncset.done $0x0  }
0x1da: {  	[sflag:s7] =	ssyncadd.s32 $0xFFFFD000  }
.LBB2_7:
0x1db: {  	_ =	swait.ge [sflag:s8], $0x1000  }
0x1dc: {  	[sflag:s8] =	ssyncset.done $0x0  }
0x1dd: {  	[sflag:s8] =	ssyncadd.s32 $0xFFFFF000  }
.LBB2_8:
0x1de: {  	s24 =	simm.s32 $0x0;
	s0 =	simm.s32 $0x100  }
0x1df: {  	s2 =	simm.s32 $0x80;
	s5 =	sand.u32 $0x3800, s24;
	s9 =	sand.u32 $0x380, s24  }
0x1e0: {  	v3 =	vld [tilespmem:s17+$0x0];
	s0 =	sand.u32 $0x7800, s0;
	s2 =	sand.u32 $0x380, s2;
	s26 =	sor.u32 s9, s5  }
0x1e1: {  	s25 =	sor.u32 s2, s0;
	s5 =	simm.s32 $0x200;
	s9 =	simm.s32 $0x100;
	v6 =	vld [tilespmem:s26+$0x4880]  }
0x1e2: {  	v7 =	vld [tilespmem:s25+$0x4880];
	s0 =	sand.u32 $0x7800, s5;
	s2 =	sand.u32 $0x380, s9  }
0x1e3: {  	s28 =	sor.u32 s2, s0  }
0x1e4: {  	v8 =	vld [tilespmem:s28+$0x4880]  }
0x1e5: {  	v5 =	vbroadcast v3, $0x0;
	v4 =	vbroadcast v3, $0x1  }
0x1e6: {  	v3 =	vbroadcast v3, $0x2  }
0x1e7: {  	v6 =	vmul.f32 v6, v5;
	v7 =	vmul.f32 v7, v4;
	_ =	sdelay $0x1  }
0x1e8: {  	v6 =	vadd.f32 v7, v6;
	v7 =	vmul.f32 v8, v3;
	_ =	sdelay $0x1  }
0x1e9: {  	s5 =	sand.u32 $0x800, s24;
	s9 =	sand.u32 $0x380, s24;
	v6 =	vadd.f32 v7, v6  }
0x1ea: {  	s2 =	sor.u32 s9, s5  }
0x1eb: {  	[tilespmem:s2+$0xE880] =	vst v6  }
0x1ec: {  	v6 =	vld [tilespmem:s26+$0x4890]  }
0x1ed: {  	v7 =	vld [tilespmem:s25+$0x4890];
	_ =	sdelay $0x1  }
0x1ee: {  	v8 =	vld [tilespmem:s28+$0x4890];
	_ =	sdelay $0x2  }
0x1ef: {  	v6 =	vmul.f32 v6, v5;
	v7 =	vmul.f32 v7, v4;
	_ =	sdelay $0x1  }
0x1f0: {  	v8 =	vmul.f32 v8, v3;
	v6 =	vadd.f32 v7, v6;
	_ =	sdelay $0x1  }
0x1f1: {  	v6 =	vadd.f32 v8, v6;
	_ =	sdelay $0x1  }
0x1f2: {  	[tilespmem:s2+$0xE890] =	vst v6  }
0x1f3: {  	v6 =	vld [tilespmem:s26+$0x48A0]  }
0x1f4: {  	v7 =	vld [tilespmem:s25+$0x48A0];
	_ =	sdelay $0x1  }
0x1f5: {  	v8 =	vld [tilespmem:s28+$0x48A0];
	_ =	sdelay $0x2  }
0x1f6: {  	v6 =	vmul.f32 v6, v5;
	v7 =	vmul.f32 v7, v4;
	_ =	sdelay $0x1  }
0x1f7: {  	v6 =	vadd.f32 v7, v6;
	v7 =	vmul.f32 v8, v3;
	_ =	sdelay $0x1  }
0x1f8: {  	v6 =	vadd.f32 v7, v6;
	_ =	sdelay $0x1  }
0x1f9: {  	[tilespmem:s2+$0xE8A0] =	vst v6  }
0x1fa: {  	v6 =	vld [tilespmem:s26+$0x48B0]  }
0x1fb: {  	v7 =	vld [tilespmem:s25+$0x48B0];
	_ =	sdelay $0x1  }
0x1fc: {  	v8 =	vld [tilespmem:s28+$0x48B0];
	_ =	sdelay $0x2  }
0x1fd: {  	v6 =	vmul.f32 v6, v5;
	v7 =	vmul.f32 v7, v4;
	_ =	sdelay $0x1  }
0x1fe: {  	v6 =	vadd.f32 v7, v6;
	v7 =	vmul.f32 v8, v3;
	_ =	sdelay $0x1  }
0x1ff: {  	v6 =	vadd.f32 v7, v6;
	_ =	sdelay $0x1  }
0x200: {  	[tilespmem:s2+$0xE8B0] =	vst v6  }
0x201: {  	v6 =	vld [tilespmem:s26+$0x48C0]  }
0x202: {  	v7 =	vld [tilespmem:s25+$0x48C0];
	_ =	sdelay $0x1  }
0x203: {  	v8 =	vld [tilespmem:s28+$0x48C0];
	_ =	sdelay $0x2  }
0x204: {  	v6 =	vmul.f32 v6, v5;
	v7 =	vmul.f32 v7, v4;
	_ =	sdelay $0x1  }
0x205: {  	v8 =	vmul.f32 v8, v3;
	v6 =	vadd.f32 v7, v6;
	_ =	sdelay $0x1  }
0x206: {  	v6 =	vadd.f32 v8, v6;
	_ =	sdelay $0x1  }
0x207: {  	[tilespmem:s2+$0xE8C0] =	vst v6  }
0x208: {  	v6 =	vld [tilespmem:s26+$0x48D0]  }
0x209: {  	v7 =	vld [tilespmem:s25+$0x48D0];
	_ =	sdelay $0x1  }
0x20a: {  	v8 =	vld [tilespmem:s28+$0x48D0];
	_ =	sdelay $0x2  }
0x20b: {  	v6 =	vmul.f32 v6, v5;
	v7 =	vmul.f32 v7, v4;
	_ =	sdelay $0x1  }
0x20c: {  	v8 =	vmul.f32 v8, v3;
	v6 =	vadd.f32 v7, v6;
	_ =	sdelay $0x1  }
0x20d: {  	v6 =	vadd.f32 v8, v6;
	_ =	sdelay $0x1  }
0x20e: {  	[tilespmem:s2+$0xE8D0] =	vst v6  }
0x20f: {  	v6 =	vld [tilespmem:s26+$0x48E0]  }
0x210: {  	v7 =	vld [tilespmem:s25+$0x48E0];
	_ =	sdelay $0x1  }
0x211: {  	v8 =	vld [tilespmem:s28+$0x48E0];
	_ =	sdelay $0x2  }
0x212: {  	v6 =	vmul.f32 v6, v5;
	v7 =	vmul.f32 v7, v4;
	_ =	sdelay $0x1  }
0x213: {  	v6 =	vadd.f32 v7, v6;
	v7 =	vmul.f32 v8, v3;
	_ =	sdelay $0x1  }
0x214: {  	v6 =	vadd.f32 v7, v6;
	_ =	sdelay $0x1  }
0x215: {  	[tilespmem:s2+$0xE8E0] =	vst v6  }
0x216: {  	v6 =	vld [tilespmem:s26+$0x48F0]  }
0x217: {  	v7 =	vld [tilespmem:s25+$0x48F0];
	_ =	sdelay $0x1  }
0x218: {  	v8 =	vld [tilespmem:s28+$0x48F0];
	_ =	sdelay $0x2  }
0x219: {  	v6 =	vmul.f32 v6, v5;
	v7 =	vmul.f32 v7, v4;
	_ =	sdelay $0x1  }
0x21a: {  	v6 =	vadd.f32 v7, v6;
	v7 =	vmul.f32 v8, v3;
	_ =	sdelay $0x1  }
0x21b: {  	v6 =	vadd.f32 v7, v6;
	_ =	sdelay $0x1  }
0x21c: {  	[tilespmem:s2+$0xE8F0] =	vst v6  }
0x21d: {  	v6 =	vld [tilespmem:s26+$0x4C80]  }
0x21e: {  	v7 =	vld [tilespmem:s25+$0x4C80];
	_ =	sdelay $0x1  }
0x21f: {  	v8 =	vld [tilespmem:s28+$0x4C80];
	_ =	sdelay $0x2  }
0x220: {  	v6 =	vmul.f32 v6, v5;
	v7 =	vmul.f32 v7, v4;
	_ =	sdelay $0x1  }
0x221: {  	v6 =	vadd.f32 v7, v6;
	v7 =	vmul.f32 v8, v3;
	_ =	sdelay $0x1  }
0x222: {  	s0 =	sor.u32 s5, s24;
	v6 =	vadd.f32 v7, v6  }
0x223: {  	s5 =	sor.u32 $0x1400, s0  }
0x224: {  	[tilespmem:s5+$0xD880] =	vst v6  }
0x225: {  	v6 =	vld [tilespmem:s25+$0x4C90]  }
0x226: {  	v7 =	vld [tilespmem:s26+$0x4C90];
	_ =	sdelay $0x1  }
0x227: {  	v8 =	vld [tilespmem:s28+$0x4C90];
	_ =	sdelay $0x2  }
0x228: {  	v6 =	vmul.f32 v6, v4;
	v7 =	vmul.f32 v7, v5;
	_ =	sdelay $0x1  }
0x229: {  	v8 =	vmul.f32 v8, v3;
	v6 =	vadd.f32 v6, v7;
	_ =	sdelay $0x1  }
0x22a: {  	v6 =	vadd.f32 v8, v6;
	_ =	sdelay $0x1  }
0x22b: {  	[tilespmem:s5+$0xD890] =	vst v6  }
0x22c: {  	v6 =	vld [tilespmem:s26+$0x4CA0]  }
0x22d: {  	v7 =	vld [tilespmem:s25+$0x4CA0];
	_ =	sdelay $0x1  }
0x22e: {  	v8 =	vld [tilespmem:s28+$0x4CA0];
	_ =	sdelay $0x2  }
0x22f: {  	v6 =	vmul.f32 v6, v5;
	v7 =	vmul.f32 v7, v4;
	_ =	sdelay $0x1  }
0x230: {  	v8 =	vmul.f32 v8, v3;
	v6 =	vadd.f32 v7, v6;
	_ =	sdelay $0x1  }
0x231: {  	v6 =	vadd.f32 v8, v6;
	_ =	sdelay $0x1  }
0x232: {  	[tilespmem:s5+$0xD8A0] =	vst v6  }
0x233: {  	v6 =	vld [tilespmem:s26+$0x4CB0]  }
0x234: {  	v7 =	vld [tilespmem:s25+$0x4CB0];
	_ =	sdelay $0x1  }
0x235: {  	v8 =	vld [tilespmem:s28+$0x4CB0];
	_ =	sdelay $0x2  }
0x236: {  	v6 =	vmul.f32 v6, v5;
	v7 =	vmul.f32 v7, v4;
	_ =	sdelay $0x1  }
0x237: {  	v8 =	vmul.f32 v8, v3;
	v6 =	vadd.f32 v7, v6;
	_ =	sdelay $0x1  }
0x238: {  	v6 =	vadd.f32 v8, v6;
	_ =	sdelay $0x1  }
0x239: {  	[tilespmem:s5+$0xD8B0] =	vst v6  }
0x23a: {  	v6 =	vld [tilespmem:s26+$0x4CC0]  }
0x23b: {  	v7 =	vld [tilespmem:s25+$0x4CC0];
	_ =	sdelay $0x1  }
0x23c: {  	v8 =	vld [tilespmem:s28+$0x4CC0];
	_ =	sdelay $0x2  }
0x23d: {  	v6 =	vmul.f32 v6, v5;
	v7 =	vmul.f32 v7, v4;
	_ =	sdelay $0x1  }
0x23e: {  	v6 =	vadd.f32 v7, v6;
	v7 =	vmul.f32 v8, v3;
	_ =	sdelay $0x1  }
0x23f: {  	v6 =	vadd.f32 v7, v6;
	_ =	sdelay $0x1  }
0x240: {  	[tilespmem:s5+$0xD8C0] =	vst v6  }
0x241: {  	v6 =	vld [tilespmem:s26+$0x4CD0]  }
0x242: {  	v7 =	vld [tilespmem:s25+$0x4CD0];
	_ =	sdelay $0x1  }
0x243: {  	v8 =	vld [tilespmem:s28+$0x4CD0];
	_ =	sdelay $0x2  }
0x244: {  	v6 =	vmul.f32 v6, v5;
	v7 =	vmul.f32 v7, v4;
	_ =	sdelay $0x1  }
0x245: {  	v8 =	vmul.f32 v8, v3;
	v6 =	vadd.f32 v7, v6;
	_ =	sdelay $0x1  }
0x246: {  	v6 =	vadd.f32 v8, v6;
	_ =	sdelay $0x1  }
0x247: {  	[tilespmem:s5+$0xD8D0] =	vst v6  }
0x248: {  	v6 =	vld [tilespmem:s26+$0x4CE0]  }
0x249: {  	v8 =	vld [tilespmem:s25+$0x4CE0]  }
0x24a: {  	v7 =	vld [tilespmem:s28+$0x4CE0]  }
0x24b: {  	s29 =	sor.u32 $0x1, s23;
	s30 =	simm.s32 $0x180  }
0x24c: {  	s31 =	sadd.s32 $0x3, s17;
	s0 =	simm.s32 $0x0;
	s2 =	simm.s32 $0x0  }
.LBB2_9:
0x24d: {  	s24 =	sadd.s32 $0x80, s24;
	s2 =	sadd.s32 $0x100, s2;
	s0 =	sadd.s32 $0x300, s0  }
0x24e: {  	p2 =	sne.s32 s30, $0x1680;
	v6 =	vmul.f32 v6, v5;
	s9 =	smov.u32 s30;
	s30 =	sadd.s32 $0x180, s30;
	v8 =	vmul.f32 v8, v4  }
0x24f: {  	v7 =	vmul.f32 v7, v3  }
0x250: {  	v6 =	vadd.f32 v8, v6;
	_ =	sdelay $0x1  }
0x251: {  	v6 =	vadd.f32 v7, v6;
	_ =	sdelay $0x1  }
0x252: {  	[tilespmem:s5+$0xD8E0] =	vst v6  }
0x253: {  	v6 =	vld [tilespmem:s26+$0x4CF0]  }
0x254: {  	v7 =	vld [tilespmem:s25+$0x4CF0]  }
0x255: {  	v8 =	vld [tilespmem:s28+$0x4CF0];
	_ =	sdelay $0x2  }
0x256: {  	v5 =	vmul.f32 v6, v5  }
0x257: {  	v4 =	vmul.f32 v7, v4  }
0x258: {  	s26 =	sadd.s32 $0x80, s9;
	s25 =	sadd.s32 $0x100, s0;
	v3 =	vmul.f32 v8, v3  }
0x259: {  	s26 =	sand.u32 $0x380, s26;
	s25 =	sand.u32 $0x7800, s25;
	v4 =	vadd.f32 v4, v5  }
0x25a: {  	s25 =	sor.u32 s26, s25  }
0x25b: {  	v3 =	vadd.f32 v3, v4;
	_ =	sdelay $0x1  }
0x25c: {  	s28 =	sand.u32 $0x380, s9;
	s26 =	sand.u32 $0x3800, s0;
	[tilespmem:s5+$0xD8F0] =	vst v3  }
0x25d: {  	s26 =	sor.u32 s28, s26;
	v3 =	vld [tilespmem:s31+$0x0]  }
0x25e: {  	s9 =	sadd.s32 $0x100, s9;
	s5 =	sadd.s32 $0x200, s0;
	v6 =	vld [tilespmem:s26+$0x4880]  }
0x25f: {  	s9 =	sand.u32 $0x380, s9;
	s5 =	sand.u32 $0x7800, s5;
	v7 =	vld [tilespmem:s25+$0x4880]  }
0x260: {  	s28 =	sor.u32 s9, s5  }
0x261: {  	v8 =	vld [tilespmem:s28+$0x4880]  }
0x262: {  	v5 =	vbroadcast v3, $0x0;
	v4 =	vbroadcast v3, $0x1  }
0x263: {  	v3 =	vbroadcast v3, $0x2  }
0x264: {  	v6 =	vmul.f32 v6, v5;
	v7 =	vmul.f32 v7, v4;
	_ =	sdelay $0x1  }
0x265: {  	v6 =	vadd.f32 v7, v6;
	v7 =	vmul.f32 v8, v3;
	_ =	sdelay $0x1  }
0x266: {  	s5 =	sand.u32 $0x800, s2;
	s9 =	sand.u32 $0x380, s24;
	v6 =	vadd.f32 v7, v6  }
0x267: {  	s9 =	sor.u32 s9, s5;
	s5 =	sor.u32 s5, s24  }
0x268: {  	[tilespmem:s9+$0xE880] =	vst v6  }
0x269: {  	v6 =	vld [tilespmem:s26+$0x4890]  }
0x26a: {  	v7 =	vld [tilespmem:s25+$0x4890]  }
0x26b: {  	v8 =	vld [tilespmem:s28+$0x4890];
	_ =	sdelay $0x2  }
0x26c: {  	v6 =	vmul.f32 v6, v5  }
0x26d: {  	v7 =	vmul.f32 v7, v4  }
0x26e: {  	v8 =	vmul.f32 v8, v3  }
0x26f: {  	v6 =	vadd.f32 v7, v6;
	_ =	sdelay $0x1  }
0x270: {  	v6 =	vadd.f32 v8, v6;
	_ =	sdelay $0x1  }
0x271: {  	[tilespmem:s9+$0xE890] =	vst v6  }
0x272: {  	v6 =	vld [tilespmem:s26+$0x48A0]  }
0x273: {  	v7 =	vld [tilespmem:s25+$0x48A0];
	_ =	sdelay $0x1  }
0x274: {  	v8 =	vld [tilespmem:s28+$0x48A0];
	_ =	sdelay $0x1  }
0x275: {  	v6 =	vmul.f32 v6, v5  }
0x276: {  	v7 =	vmul.f32 v7, v4;
	_ =	sdelay $0x1  }
0x277: {  	v6 =	vadd.f32 v7, v6;
	v7 =	vmul.f32 v8, v3;
	_ =	sdelay $0x1  }
0x278: {  	v6 =	vadd.f32 v7, v6;
	_ =	sdelay $0x1  }
0x279: {  	[tilespmem:s9+$0xE8A0] =	vst v6  }
0x27a: {  	v6 =	vld [tilespmem:s26+$0x48B0]  }
0x27b: {  	v7 =	vld [tilespmem:s25+$0x48B0];
	_ =	sdelay $0x1  }
0x27c: {  	v8 =	vld [tilespmem:s28+$0x48B0];
	_ =	sdelay $0x1  }
0x27d: {  	v6 =	vmul.f32 v6, v5  }
0x27e: {  	v7 =	vmul.f32 v7, v4;
	_ =	sdelay $0x1  }
0x27f: {  	v6 =	vadd.f32 v7, v6;
	v7 =	vmul.f32 v8, v3;
	_ =	sdelay $0x1  }
0x280: {  	v6 =	vadd.f32 v7, v6;
	_ =	sdelay $0x1  }
0x281: {  	[tilespmem:s9+$0xE8B0] =	vst v6  }
0x282: {  	v6 =	vld [tilespmem:s26+$0x48C0]  }
0x283: {  	v7 =	vld [tilespmem:s25+$0x48C0]  }
0x284: {  	v8 =	vld [tilespmem:s28+$0x48C0];
	_ =	sdelay $0x2  }
0x285: {  	v6 =	vmul.f32 v6, v5  }
0x286: {  	v7 =	vmul.f32 v7, v4  }
0x287: {  	v8 =	vmul.f32 v8, v3  }
0x288: {  	v6 =	vadd.f32 v7, v6;
	_ =	sdelay $0x1  }
0x289: {  	v6 =	vadd.f32 v8, v6;
	_ =	sdelay $0x1  }
0x28a: {  	[tilespmem:s9+$0xE8C0] =	vst v6  }
0x28b: {  	v6 =	vld [tilespmem:s26+$0x48D0]  }
0x28c: {  	v7 =	vld [tilespmem:s25+$0x48D0]  }
0x28d: {  	v8 =	vld [tilespmem:s28+$0x48D0];
	_ =	sdelay $0x2  }
0x28e: {  	v6 =	vmul.f32 v6, v5  }
0x28f: {  	v7 =	vmul.f32 v7, v4  }
0x290: {  	v8 =	vmul.f32 v8, v3  }
0x291: {  	v6 =	vadd.f32 v7, v6;
	_ =	sdelay $0x1  }
0x292: {  	v6 =	vadd.f32 v8, v6;
	_ =	sdelay $0x1  }
0x293: {  	[tilespmem:s9+$0xE8D0] =	vst v6  }
0x294: {  	v6 =	vld [tilespmem:s26+$0x48E0]  }
0x295: {  	v7 =	vld [tilespmem:s25+$0x48E0];
	_ =	sdelay $0x1  }
0x296: {  	v8 =	vld [tilespmem:s28+$0x48E0];
	_ =	sdelay $0x1  }
0x297: {  	v6 =	vmul.f32 v6, v5  }
0x298: {  	v7 =	vmul.f32 v7, v4;
	_ =	sdelay $0x1  }
0x299: {  	v6 =	vadd.f32 v7, v6;
	v7 =	vmul.f32 v8, v3;
	_ =	sdelay $0x1  }
0x29a: {  	v6 =	vadd.f32 v7, v6;
	_ =	sdelay $0x1  }
0x29b: {  	[tilespmem:s9+$0xE8E0] =	vst v6  }
0x29c: {  	v6 =	vld [tilespmem:s26+$0x48F0]  }
0x29d: {  	v7 =	vld [tilespmem:s25+$0x48F0]  }
0x29e: {  	v8 =	vld [tilespmem:s28+$0x48F0];
	_ =	sdelay $0x2  }
0x29f: {  	v6 =	vmul.f32 v6, v5  }
0x2a0: {  	v7 =	vmul.f32 v7, v4;
	_ =	sdelay $0x1  }
0x2a1: {  	v6 =	vadd.f32 v7, v6;
	v7 =	vmul.f32 v8, v3;
	_ =	sdelay $0x1  }
0x2a2: {  	v6 =	vadd.f32 v7, v6;
	_ =	sdelay $0x1  }
0x2a3: {  	[tilespmem:s9+$0xE8F0] =	vst v6  }
0x2a4: {  	v6 =	vld [tilespmem:s26+$0x4C80]  }
0x2a5: {  	v7 =	vld [tilespmem:s25+$0x4C80]  }
0x2a6: {  	v8 =	vld [tilespmem:s28+$0x4C80];
	_ =	sdelay $0x2  }
0x2a7: {  	v6 =	vmul.f32 v6, v5  }
0x2a8: {  	v7 =	vmul.f32 v7, v4;
	_ =	sdelay $0x1  }
0x2a9: {  	v6 =	vadd.f32 v7, v6;
	v7 =	vmul.f32 v8, v3;
	_ =	sdelay $0x1  }
0x2aa: {  	v6 =	vadd.f32 v7, v6  }
0x2ab: {  	s5 =	sor.u32 $0x1400, s5  }
0x2ac: {  	[tilespmem:s5+$0xD880] =	vst v6  }
0x2ad: {  	v6 =	vld [tilespmem:s25+$0x4C90]  }
0x2ae: {  	v7 =	vld [tilespmem:s26+$0x4C90]  }
0x2af: {  	v8 =	vld [tilespmem:s28+$0x4C90];
	_ =	sdelay $0x2  }
0x2b0: {  	v6 =	vmul.f32 v6, v4  }
0x2b1: {  	v7 =	vmul.f32 v7, v5  }
0x2b2: {  	v8 =	vmul.f32 v8, v3  }
0x2b3: {  	v6 =	vadd.f32 v6, v7;
	_ =	sdelay $0x1  }
0x2b4: {  	v6 =	vadd.f32 v8, v6;
	_ =	sdelay $0x1  }
0x2b5: {  	[tilespmem:s5+$0xD890] =	vst v6  }
0x2b6: {  	v6 =	vld [tilespmem:s26+$0x4CA0]  }
0x2b7: {  	v7 =	vld [tilespmem:s25+$0x4CA0]  }
0x2b8: {  	v8 =	vld [tilespmem:s28+$0x4CA0];
	_ =	sdelay $0x2  }
0x2b9: {  	v6 =	vmul.f32 v6, v5  }
0x2ba: {  	v7 =	vmul.f32 v7, v4  }
0x2bb: {  	v8 =	vmul.f32 v8, v3  }
0x2bc: {  	v6 =	vadd.f32 v7, v6;
	_ =	sdelay $0x1  }
0x2bd: {  	v6 =	vadd.f32 v8, v6;
	_ =	sdelay $0x1  }
0x2be: {  	[tilespmem:s5+$0xD8A0] =	vst v6  }
0x2bf: {  	v6 =	vld [tilespmem:s26+$0x4CB0]  }
0x2c0: {  	v7 =	vld [tilespmem:s25+$0x4CB0]  }
0x2c1: {  	v8 =	vld [tilespmem:s28+$0x4CB0];
	_ =	sdelay $0x2  }
0x2c2: {  	v6 =	vmul.f32 v6, v5  }
0x2c3: {  	v7 =	vmul.f32 v7, v4  }
0x2c4: {  	v8 =	vmul.f32 v8, v3  }
0x2c5: {  	v6 =	vadd.f32 v7, v6;
	_ =	sdelay $0x1  }
0x2c6: {  	v6 =	vadd.f32 v8, v6;
	_ =	sdelay $0x1  }
0x2c7: {  	[tilespmem:s5+$0xD8B0] =	vst v6  }
0x2c8: {  	v6 =	vld [tilespmem:s26+$0x4CC0]  }
0x2c9: {  	v7 =	vld [tilespmem:s25+$0x4CC0]  }
0x2ca: {  	v8 =	vld [tilespmem:s28+$0x4CC0];
	_ =	sdelay $0x2  }
0x2cb: {  	v6 =	vmul.f32 v6, v5  }
0x2cc: {  	v7 =	vmul.f32 v7, v4;
	_ =	sdelay $0x1  }
0x2cd: {  	v6 =	vadd.f32 v7, v6;
	v7 =	vmul.f32 v8, v3;
	_ =	sdelay $0x1  }
0x2ce: {  	v6 =	vadd.f32 v7, v6;
	_ =	sdelay $0x1  }
0x2cf: {  	[tilespmem:s5+$0xD8C0] =	vst v6  }
0x2d0: {  	v6 =	vld [tilespmem:s26+$0x4CD0]  }
0x2d1: {  	v7 =	vld [tilespmem:s25+$0x4CD0]  }
0x2d2: {  	v8 =	vld [tilespmem:s28+$0x4CD0];
	_ =	sdelay $0x2  }
0x2d3: {  	v6 =	vmul.f32 v6, v5  }
0x2d4: {  	v7 =	vmul.f32 v7, v4  }
0x2d5: {  	v8 =	vmul.f32 v8, v3  }
0x2d6: {  	v6 =	vadd.f32 v7, v6;
	_ =	sdelay $0x1  }
0x2d7: {  	v6 =	vadd.f32 v8, v6;
	_ =	sdelay $0x1  }
0x2d8: {  	[tilespmem:s5+$0xD8D0] =	vst v6  }
.Ltmp4:
0x2d9: {  	v6 =	vld [tilespmem:s26+$0x4CE0];
	(pc) =	sbr.rel @p2 .LBB2_9-.Ltmp4, $3  }
0x2da: {  	v8 =	vld [tilespmem:s25+$0x4CE0]  }
0x2db: {  	v7 =	vld [tilespmem:s28+$0x4CE0];
	_ =	sdelay $0x1  }
0x2dc: {  	s31 =	sadd.s32 $0x3, s31  }
0x2dd: {  	_ = 	snop  }
0x2de: {  	v6 =	vmul.f32 v6, v5;
	v8 =	vmul.f32 v8, v4;
	_ =	sdelay $0x1  }
0x2df: {  	v7 =	vmul.f32 v7, v3;
	v6 =	vadd.f32 v8, v6;
	_ =	sdelay $0x1  }
0x2e0: {  	v6 =	vadd.f32 v7, v6;
	_ =	sdelay $0x1  }
0x2e1: {  	[tilespmem:s5+$0xD8E0] =	vst v6  }
0x2e2: {  	v6 =	vld [tilespmem:s26+$0x4CF0]  }
0x2e3: {  	v60 =	vld [tilespmem:s25+$0x4CF0];
	_ =	sdelay $0x1  }
0x2e4: {  	v61 =	vld [tilespmem:s28+$0x4CF0];
	_ =	sdelay $0x2  }
0x2e5: {  	v62 =	vmul.f32 v6, v5;
	v63 =	vmul.f32 v60, v4;
	_ =	sdelay $0x1  }
0x2e6: {  	v3 =	vmul.f32 v61, v3;
	v4 =	vadd.f32 v63, v62  }
.Ltmp5:
0x2e7: {  	_ = 	snop;
	(pc) =	sbr.rel @p1 .LBB2_12-.Ltmp5, $4  }
0x2e8: {  	v3 =	vadd.f32 v3, v4  }
0x2e9: {  	s0 =	sshll.u32 s29, $0x9  }
0x2ea: {  	s2 =	simm.s32 $0xE880;
	s0 =	sadd.s32 s0, s6;
	[tilespmem:s5+$0xD8F0] =	vst v3  }
0x2eb: {  	[hbm4b:s0+s3] =	stream.linear.scatter [tilespmem:s2], [sflag:$0x6], $0x1000, $0x38;
	[tilespmem:$0x11880] =	vst v63  }
.Ltmp6:
0x2ec: {  	(pc) =	sbr.rel .LBB2_13-.Ltmp6, $4  }
0x2ed: {  	_ = 	snop  }
0x2ee: {  	_ =	swait.ge [sflag:s10], $0x3000  }
0x2ef: {  	[sflag:s10] =	ssyncset.done $0x0  }
0x2f0: {  	[sflag:s10] =	ssyncadd.s32 $0xFFFFD000  }
.LBB2_12:
0x2f1: {  	s0 =	sshra.s32 s22, $0x2  }
0x2f2: {  	v3 =	vld [tilespmem:s0+$0xF0];
	_ =	sdelay $0x4  }
0x2f3: {  	v4 =	vshll.u32 v3, $0x1  }
0x2f4: {  	v3 =	vand.u32 $0x7, v3;
	v4 =	vand.u32 $0xFFFFFFF0, v4  }
0x2f5: {  	v3 =	vor.u32 v3, v4  }
0x2f6: {  	v4 =	vperm.xlane v3, v0;
	_ =	sdelay $0x1  }
0x2f7: {  	v3 =	vperm.xlane v3, v2;
	v4 =	vadd.s32 v1, v4;
	_ =	sdelay $0x1  }
0x2f8: {  	v3 =	vadd.s32 v1, v3;
	_ =	sdelay $0x1  }
0x2f9: {  	s2 =	simm.s32 $0x4880  }
0x2fa: {  	[tilespmem:s2], [sflag:$0x2] =	stream.indirect_vreg.gather [hbm4b:s1+s3], $0x80, v4, vm0, $0xb8;
	[tilespmem:$0x11880] =	vst v63  }
0x2fb: {  	s26 =	simm.s32 $0x5080  }
0x2fc: {  	[tilespmem:s26], [sflag:$0x2] =	stream.indirect_vreg.gather [hbm4b:s1+s3], $0x80, v3, vm0, $0xb8;
	[tilespmem:$0x11880] =	vst v63  }
0x2fd: {  	v3 =	vld [tilespmem:s0+$0x100];
	_ =	sdelay $0x4  }
0x2fe: {  	v62 =	vshll.u32 v3, $0x1  }
0x2ff: {  	v3 =	vand.u32 $0x7, v3;
	v4 =	vand.u32 $0xFFFFFFF0, v62  }
0x300: {  	v3 =	vor.u32 v3, v4  }
0x301: {  	v4 =	vperm.xlane v3, v0;
	_ =	sdelay $0x1  }
0x302: {  	v3 =	vperm.xlane v3, v2;
	v4 =	vadd.s32 v1, v4;
	_ =	sdelay $0x1  }
0x303: {  	v3 =	vadd.s32 v1, v3;
	_ =	sdelay $0x1  }
0x304: {  	s28 =	simm.s32 $0x5880  }
0x305: {  	[tilespmem:s28], [sflag:$0x2] =	stream.indirect_vreg.gather [hbm4b:s1+s3], $0x80, v4, vm0, $0xb8;
	[tilespmem:$0x11880] =	vst v63  }
0x306: {  	s29 =	simm.s32 $0x6080  }
0x307: {  	[tilespmem:s29], [sflag:$0x2] =	stream.indirect_vreg.gather [hbm4b:s1+s3], $0x80, v3, vm0, $0xb8;
	[tilespmem:$0x11880] =	vst v63  }
0x308: {  	v3 =	vld [tilespmem:s0+$0x110];
	_ =	sdelay $0x4  }
0x309: {  	v63 =	vshll.u32 v3, $0x1  }
0x30a: {  	v3 =	vand.u32 $0x7, v3;
	v4 =	vand.u32 $0xFFFFFFF0, v63  }
0x30b: {  	v3 =	vor.u32 v3, v4  }
0x30c: {  	v4 =	vperm.xlane v3, v0;
	_ =	sdelay $0x1  }
0x30d: {  	v3 =	vperm.xlane v3, v2;
	v4 =	vadd.s32 v1, v4;
	_ =	sdelay $0x1  }
0x30e: {  	v3 =	vadd.s32 v1, v3;
	_ =	sdelay $0x1  }
0x30f: {  	s30 =	simm.s32 $0x6880  }
0x310: {  	[tilespmem:s30], [sflag:$0x2] =	stream.indirect_vreg.gather [hbm4b:s1+s3], $0x80, v4, vm0, $0xb8;
	[tilespmem:$0x11880] =	vst v63  }
.Ltmp7:
0x311: {  	s31 =	simm.s32 $0x7080;
	(pc) =	sbr.rel @p0 .LBB2_14-.Ltmp7, $4  }
0x312: {  	[tilespmem:s31], [sflag:$0x2] =	stream.indirect_vreg.gather [hbm4b:s1+s3], $0x80, v3, vm0, $0xb8;
	[tilespmem:$0x11880] =	vst v63  }
0x313: {  	_ =	swait.ge [sflag:s10], $0x3000  }
0x314: {  	[sflag:s10] =	ssyncset.done $0x0  }
0x315: {  	[sflag:s10] =	ssyncadd.s32 $0xFFFFD000  }
.LBB2_13:
0x316: {  	_ =	swait.ge [sflag:s11], $0x1000  }
0x317: {  	[sflag:s11] =	ssyncset.done $0x0  }
0x318: {  	[sflag:s11] =	ssyncadd.s32 $0xFFFFF000  }
.LBB2_14:
0x319: {  	s24 =	simm.s32 $0x0;
	s0 =	simm.s32 $0x100  }
0x31a: {  	s2 =	simm.s32 $0x80;
	s5 =	sand.u32 $0x3800, s24;
	s9 =	sand.u32 $0x380, s24  }
0x31b: {  	v3 =	vld [tilespmem:s18+$0x0];
	s0 =	sand.u32 $0x7800, s0;
	s2 =	sand.u32 $0x380, s2;
	s26 =	sor.u32 s9, s5  }
0x31c: {  	s25 =	sor.u32 s2, s0;
	s2 =	simm.s32 $0x200;
	s5 =	simm.s32 $0x100;
	v6 =	vld [tilespmem:s26+$0x7880]  }
0x31d: {  	v7 =	vld [tilespmem:s25+$0x7880];
	s0 =	sand.u32 $0x7800, s2;
	s2 =	sand.u32 $0x380, s5  }
0x31e: {  	s28 =	sor.u32 s2, s0  }
0x31f: {  	v8 =	vld [tilespmem:s28+$0x7880]  }
0x320: {  	v5 =	vbroadcast v3, $0x0;
	v4 =	vbroadcast v3, $0x1  }
0x321: {  	v3 =	vbroadcast v3, $0x2  }
0x322: {  	v6 =	vmul.f32 v6, v5;
	v7 =	vmul.f32 v7, v4;
	_ =	sdelay $0x1  }
0x323: {  	v6 =	vadd.f32 v7, v6;
	v7 =	vmul.f32 v8, v3;
	_ =	sdelay $0x1  }
0x324: {  	s31 =	sand.u32 $0x380, s24;
	s9 =	sand.u32 $0x800, s24;
	v6 =	vadd.f32 v7, v6  }
0x325: {  	s2 =	sor.u32 s31, s9  }
0x326: {  	[tilespmem:s2+$0xF880] =	vst v6  }
0x327: {  	v6 =	vld [tilespmem:s26+$0x7890]  }
0x328: {  	v7 =	vld [tilespmem:s25+$0x7890];
	_ =	sdelay $0x1  }
0x329: {  	v8 =	vld [tilespmem:s28+$0x7890];
	_ =	sdelay $0x2  }
0x32a: {  	v6 =	vmul.f32 v6, v5;
	v7 =	vmul.f32 v7, v4;
	_ =	sdelay $0x1  }
0x32b: {  	v8 =	vmul.f32 v8, v3;
	v6 =	vadd.f32 v7, v6;
	_ =	sdelay $0x1  }
0x32c: {  	v6 =	vadd.f32 v8, v6;
	_ =	sdelay $0x1  }
0x32d: {  	[tilespmem:s2+$0xF890] =	vst v6  }
0x32e: {  	v6 =	vld [tilespmem:s26+$0x78A0]  }
0x32f: {  	v7 =	vld [tilespmem:s25+$0x78A0];
	_ =	sdelay $0x1  }
0x330: {  	v8 =	vld [tilespmem:s28+$0x78A0];
	_ =	sdelay $0x2  }
0x331: {  	v6 =	vmul.f32 v6, v5;
	v7 =	vmul.f32 v7, v4;
	_ =	sdelay $0x1  }
0x332: {  	v6 =	vadd.f32 v7, v6;
	v7 =	vmul.f32 v8, v3;
	_ =	sdelay $0x1  }
0x333: {  	v6 =	vadd.f32 v7, v6;
	_ =	sdelay $0x1  }
0x334: {  	[tilespmem:s2+$0xF8A0] =	vst v6  }
0x335: {  	v6 =	vld [tilespmem:s26+$0x78B0]  }
0x336: {  	v7 =	vld [tilespmem:s25+$0x78B0];
	_ =	sdelay $0x1  }
0x337: {  	v8 =	vld [tilespmem:s28+$0x78B0];
	_ =	sdelay $0x2  }
0x338: {  	v6 =	vmul.f32 v6, v5;
	v7 =	vmul.f32 v7, v4;
	_ =	sdelay $0x1  }
0x339: {  	v6 =	vadd.f32 v7, v6;
	v7 =	vmul.f32 v8, v3;
	_ =	sdelay $0x1  }
0x33a: {  	v6 =	vadd.f32 v7, v6;
	_ =	sdelay $0x1  }
0x33b: {  	[tilespmem:s2+$0xF8B0] =	vst v6  }
0x33c: {  	v6 =	vld [tilespmem:s26+$0x78C0]  }
0x33d: {  	v7 =	vld [tilespmem:s25+$0x78C0];
	_ =	sdelay $0x1  }
0x33e: {  	v8 =	vld [tilespmem:s28+$0x78C0];
	_ =	sdelay $0x2  }
0x33f: {  	v6 =	vmul.f32 v6, v5;
	v7 =	vmul.f32 v7, v4;
	_ =	sdelay $0x1  }
0x340: {  	v8 =	vmul.f32 v8, v3;
	v6 =	vadd.f32 v7, v6;
	_ =	sdelay $0x1  }
0x341: {  	v6 =	vadd.f32 v8, v6;
	_ =	sdelay $0x1  }
0x342: {  	[tilespmem:s2+$0xF8C0] =	vst v6  }
0x343: {  	v6 =	vld [tilespmem:s26+$0x78D0]  }
0x344: {  	v7 =	vld [tilespmem:s25+$0x78D0];
	_ =	sdelay $0x1  }
0x345: {  	v8 =	vld [tilespmem:s28+$0x78D0];
	_ =	sdelay $0x2  }
0x346: {  	v6 =	vmul.f32 v6, v5;
	v7 =	vmul.f32 v7, v4;
	_ =	sdelay $0x1  }
0x347: {  	v8 =	vmul.f32 v8, v3;
	v6 =	vadd.f32 v7, v6;
	_ =	sdelay $0x1  }
0x348: {  	v6 =	vadd.f32 v8, v6;
	_ =	sdelay $0x1  }
0x349: {  	[tilespmem:s2+$0xF8D0] =	vst v6  }
0x34a: {  	v6 =	vld [tilespmem:s26+$0x78E0]  }
0x34b: {  	v7 =	vld [tilespmem:s25+$0x78E0];
	_ =	sdelay $0x1  }
0x34c: {  	v8 =	vld [tilespmem:s28+$0x78E0];
	_ =	sdelay $0x2  }
0x34d: {  	v6 =	vmul.f32 v6, v5;
	v7 =	vmul.f32 v7, v4;
	_ =	sdelay $0x1  }
0x34e: {  	v6 =	vadd.f32 v7, v6;
	v7 =	vmul.f32 v8, v3;
	_ =	sdelay $0x1  }
0x34f: {  	v6 =	vadd.f32 v7, v6;
	_ =	sdelay $0x1  }
0x350: {  	[tilespmem:s2+$0xF8E0] =	vst v6  }
0x351: {  	v6 =	vld [tilespmem:s26+$0x78F0]  }
0x352: {  	v7 =	vld [tilespmem:s25+$0x78F0];
	_ =	sdelay $0x1  }
0x353: {  	v8 =	vld [tilespmem:s28+$0x78F0];
	_ =	sdelay $0x2  }
0x354: {  	v6 =	vmul.f32 v6, v5;
	v7 =	vmul.f32 v7, v4;
	_ =	sdelay $0x1  }
0x355: {  	v6 =	vadd.f32 v7, v6;
	v7 =	vmul.f32 v8, v3;
	_ =	sdelay $0x1  }
0x356: {  	v6 =	vadd.f32 v7, v6;
	_ =	sdelay $0x1  }
0x357: {  	[tilespmem:s2+$0xF8F0] =	vst v6  }
0x358: {  	v6 =	vld [tilespmem:s26+$0x7C80]  }
0x359: {  	v7 =	vld [tilespmem:s25+$0x7C80];
	_ =	sdelay $0x1  }
0x35a: {  	v8 =	vld [tilespmem:s28+$0x7C80];
	_ =	sdelay $0x2  }
0x35b: {  	v6 =	vmul.f32 v6, v5;
	v7 =	vmul.f32 v7, v4;
	_ =	sdelay $0x1  }
0x35c: {  	v6 =	vadd.f32 v7, v6;
	v7 =	vmul.f32 v8, v3;
	_ =	sdelay $0x1  }
0x35d: {  	s0 =	sor.u32 s9, s24;
	v6 =	vadd.f32 v7, v6  }
0x35e: {  	s5 =	sor.u32 $0x2400, s0  }
0x35f: {  	[tilespmem:s5+$0xD880] =	vst v6  }
0x360: {  	v6 =	vld [tilespmem:s25+$0x7C90]  }
0x361: {  	v7 =	vld [tilespmem:s26+$0x7C90];
	_ =	sdelay $0x1  }
0x362: {  	v8 =	vld [tilespmem:s28+$0x7C90];
	_ =	sdelay $0x2  }
0x363: {  	v6 =	vmul.f32 v6, v4;
	v7 =	vmul.f32 v7, v5;
	_ =	sdelay $0x1  }
0x364: {  	v8 =	vmul.f32 v8, v3;
	v6 =	vadd.f32 v6, v7;
	_ =	sdelay $0x1  }
0x365: {  	v6 =	vadd.f32 v8, v6;
	_ =	sdelay $0x1  }
0x366: {  	[tilespmem:s5+$0xD890] =	vst v6  }
0x367: {  	v6 =	vld [tilespmem:s26+$0x7CA0]  }
0x368: {  	v7 =	vld [tilespmem:s25+$0x7CA0];
	_ =	sdelay $0x1  }
0x369: {  	v8 =	vld [tilespmem:s28+$0x7CA0];
	_ =	sdelay $0x2  }
0x36a: {  	v6 =	vmul.f32 v6, v5;
	v7 =	vmul.f32 v7, v4;
	_ =	sdelay $0x1  }
0x36b: {  	v8 =	vmul.f32 v8, v3;
	v6 =	vadd.f32 v7, v6;
	_ =	sdelay $0x1  }
0x36c: {  	v6 =	vadd.f32 v8, v6;
	_ =	sdelay $0x1  }
0x36d: {  	[tilespmem:s5+$0xD8A0] =	vst v6  }
0x36e: {  	v6 =	vld [tilespmem:s26+$0x7CB0]  }
0x36f: {  	v7 =	vld [tilespmem:s25+$0x7CB0];
	_ =	sdelay $0x1  }
0x370: {  	v8 =	vld [tilespmem:s28+$0x7CB0];
	_ =	sdelay $0x2  }
0x371: {  	v6 =	vmul.f32 v6, v5;
	v7 =	vmul.f32 v7, v4;
	_ =	sdelay $0x1  }
0x372: {  	v8 =	vmul.f32 v8, v3;
	v6 =	vadd.f32 v7, v6;
	_ =	sdelay $0x1  }
0x373: {  	v6 =	vadd.f32 v8, v6;
	_ =	sdelay $0x1  }
0x374: {  	[tilespmem:s5+$0xD8B0] =	vst v6  }
0x375: {  	v6 =	vld [tilespmem:s26+$0x7CC0]  }
0x376: {  	v7 =	vld [tilespmem:s25+$0x7CC0];
	_ =	sdelay $0x1  }
0x377: {  	v8 =	vld [tilespmem:s28+$0x7CC0];
	_ =	sdelay $0x2  }
0x378: {  	v6 =	vmul.f32 v6, v5;
	v7 =	vmul.f32 v7, v4;
	_ =	sdelay $0x1  }
0x379: {  	v6 =	vadd.f32 v7, v6;
	v7 =	vmul.f32 v8, v3;
	_ =	sdelay $0x1  }
0x37a: {  	v6 =	vadd.f32 v7, v6;
	_ =	sdelay $0x1  }
0x37b: {  	[tilespmem:s5+$0xD8C0] =	vst v6  }
0x37c: {  	v6 =	vld [tilespmem:s26+$0x7CD0]  }
0x37d: {  	v7 =	vld [tilespmem:s25+$0x7CD0];
	_ =	sdelay $0x1  }
0x37e: {  	v8 =	vld [tilespmem:s28+$0x7CD0];
	_ =	sdelay $0x2  }
0x37f: {  	v6 =	vmul.f32 v6, v5;
	v7 =	vmul.f32 v7, v4;
	_ =	sdelay $0x1  }
0x380: {  	v8 =	vmul.f32 v8, v3;
	v6 =	vadd.f32 v7, v6;
	_ =	sdelay $0x1  }
0x381: {  	v6 =	vadd.f32 v8, v6;
	_ =	sdelay $0x1  }
0x382: {  	[tilespmem:s5+$0xD8D0] =	vst v6  }
0x383: {  	v6 =	vld [tilespmem:s26+$0x7CE0]  }
0x384: {  	v8 =	vld [tilespmem:s25+$0x7CE0]  }
0x385: {  	v7 =	vld [tilespmem:s28+$0x7CE0]  }
0x386: {  	s23 =	sor.u32 $0x2, s23;
	s29 =	simm.s32 $0x180  }
0x387: {  	s30 =	sadd.s32 $0x3, s18;
	s0 =	simm.s32 $0x0;
	s2 =	simm.s32 $0x0  }
.LBB2_15:
0x388: {  	s24 =	sadd.s32 $0x80, s24;
	s2 =	sadd.s32 $0x100, s2;
	s0 =	sadd.s32 $0x300, s0  }
0x389: {  	p2 =	sne.s32 s29, $0x1680;
	v6 =	vmul.f32 v6, v5;
	s9 =	smov.u32 s29;
	s29 =	sadd.s32 $0x180, s29;
	v8 =	vmul.f32 v8, v4  }
0x38a: {  	v7 =	vmul.f32 v7, v3  }
0x38b: {  	v6 =	vadd.f32 v8, v6;
	_ =	sdelay $0x1  }
0x38c: {  	v6 =	vadd.f32 v7, v6;
	_ =	sdelay $0x1  }
0x38d: {  	[tilespmem:s5+$0xD8E0] =	vst v6  }
0x38e: {  	v6 =	vld [tilespmem:s26+$0x7CF0]  }
0x38f: {  	v7 =	vld [tilespmem:s25+$0x7CF0]  }
0x390: {  	v8 =	vld [tilespmem:s28+$0x7CF0];
	_ =	sdelay $0x2  }
0x391: {  	v5 =	vmul.f32 v6, v5  }
0x392: {  	v4 =	vmul.f32 v7, v4  }
0x393: {  	s26 =	sadd.s32 $0x80, s9;
	s25 =	sadd.s32 $0x100, s0;
	v3 =	vmul.f32 v8, v3  }
0x394: {  	s26 =	sand.u32 $0x380, s26;
	s25 =	sand.u32 $0x7800, s25;
	v4 =	vadd.f32 v4, v5  }
0x395: {  	s25 =	sor.u32 s26, s25  }
0x396: {  	v3 =	vadd.f32 v3, v4;
	_ =	sdelay $0x1  }
0x397: {  	s28 =	sand.u32 $0x380, s9;
	s26 =	sand.u32 $0x3800, s0;
	[tilespmem:s5+$0xD8F0] =	vst v3  }
0x398: {  	s26 =	sor.u32 s28, s26;
	v3 =	vld [tilespmem:s30+$0x0]  }
0x399: {  	s9 =	sadd.s32 $0x100, s9;
	s5 =	sadd.s32 $0x200, s0;
	v6 =	vld [tilespmem:s26+$0x7880]  }
0x39a: {  	s9 =	sand.u32 $0x380, s9;
	s5 =	sand.u32 $0x7800, s5;
	v7 =	vld [tilespmem:s25+$0x7880]  }
0x39b: {  	s28 =	sor.u32 s9, s5  }
0x39c: {  	v8 =	vld [tilespmem:s28+$0x7880]  }
0x39d: {  	v5 =	vbroadcast v3, $0x0;
	v4 =	vbroadcast v3, $0x1  }
0x39e: {  	v3 =	vbroadcast v3, $0x2  }
0x39f: {  	v6 =	vmul.f32 v6, v5;
	v7 =	vmul.f32 v7, v4;
	_ =	sdelay $0x1  }
0x3a0: {  	v6 =	vadd.f32 v7, v6;
	v7 =	vmul.f32 v8, v3;
	_ =	sdelay $0x1  }
0x3a1: {  	s5 =	sand.u32 $0x800, s2;
	s9 =	sand.u32 $0x380, s24;
	v6 =	vadd.f32 v7, v6  }
0x3a2: {  	s9 =	sor.u32 s9, s5;
	s5 =	sor.u32 s5, s24  }
0x3a3: {  	[tilespmem:s9+$0xF880] =	vst v6  }
0x3a4: {  	v6 =	vld [tilespmem:s26+$0x7890]  }
0x3a5: {  	v7 =	vld [tilespmem:s25+$0x7890]  }
0x3a6: {  	v8 =	vld [tilespmem:s28+$0x7890];
	_ =	sdelay $0x2  }
0x3a7: {  	v6 =	vmul.f32 v6, v5  }
0x3a8: {  	v7 =	vmul.f32 v7, v4  }
0x3a9: {  	v8 =	vmul.f32 v8, v3  }
0x3aa: {  	v6 =	vadd.f32 v7, v6;
	_ =	sdelay $0x1  }
0x3ab: {  	v6 =	vadd.f32 v8, v6;
	_ =	sdelay $0x1  }
0x3ac: {  	[tilespmem:s9+$0xF890] =	vst v6  }
0x3ad: {  	v6 =	vld [tilespmem:s26+$0x78A0]  }
0x3ae: {  	v7 =	vld [tilespmem:s25+$0x78A0];
	_ =	sdelay $0x1  }
0x3af: {  	v8 =	vld [tilespmem:s28+$0x78A0];
	_ =	sdelay $0x1  }
0x3b0: {  	v6 =	vmul.f32 v6, v5  }
0x3b1: {  	v7 =	vmul.f32 v7, v4;
	_ =	sdelay $0x1  }
0x3b2: {  	v6 =	vadd.f32 v7, v6;
	v7 =	vmul.f32 v8, v3;
	_ =	sdelay $0x1  }
0x3b3: {  	v6 =	vadd.f32 v7, v6;
	_ =	sdelay $0x1  }
0x3b4: {  	[tilespmem:s9+$0xF8A0] =	vst v6  }
0x3b5: {  	v6 =	vld [tilespmem:s26+$0x78B0]  }
0x3b6: {  	v7 =	vld [tilespmem:s25+$0x78B0];
	_ =	sdelay $0x1  }
0x3b7: {  	v8 =	vld [tilespmem:s28+$0x78B0];
	_ =	sdelay $0x1  }
0x3b8: {  	v6 =	vmul.f32 v6, v5  }
0x3b9: {  	v7 =	vmul.f32 v7, v4;
	_ =	sdelay $0x1  }
0x3ba: {  	v6 =	vadd.f32 v7, v6;
	v7 =	vmul.f32 v8, v3;
	_ =	sdelay $0x1  }
0x3bb: {  	v6 =	vadd.f32 v7, v6;
	_ =	sdelay $0x1  }
0x3bc: {  	[tilespmem:s9+$0xF8B0] =	vst v6  }
0x3bd: {  	v6 =	vld [tilespmem:s26+$0x78C0]  }
0x3be: {  	v7 =	vld [tilespmem:s25+$0x78C0]  }
0x3bf: {  	v8 =	vld [tilespmem:s28+$0x78C0];
	_ =	sdelay $0x2  }
0x3c0: {  	v6 =	vmul.f32 v6, v5  }
0x3c1: {  	v7 =	vmul.f32 v7, v4  }
0x3c2: {  	v8 =	vmul.f32 v8, v3  }
0x3c3: {  	v6 =	vadd.f32 v7, v6;
	_ =	sdelay $0x1  }
0x3c4: {  	v6 =	vadd.f32 v8, v6;
	_ =	sdelay $0x1  }
0x3c5: {  	[tilespmem:s9+$0xF8C0] =	vst v6  }
0x3c6: {  	v6 =	vld [tilespmem:s26+$0x78D0]  }
0x3c7: {  	v7 =	vld [tilespmem:s25+$0x78D0]  }
0x3c8: {  	v8 =	vld [tilespmem:s28+$0x78D0];
	_ =	sdelay $0x2  }
0x3c9: {  	v6 =	vmul.f32 v6, v5  }
0x3ca: {  	v7 =	vmul.f32 v7, v4  }
0x3cb: {  	v8 =	vmul.f32 v8, v3  }
0x3cc: {  	v6 =	vadd.f32 v7, v6;
	_ =	sdelay $0x1  }
0x3cd: {  	v6 =	vadd.f32 v8, v6;
	_ =	sdelay $0x1  }
0x3ce: {  	[tilespmem:s9+$0xF8D0] =	vst v6  }
0x3cf: {  	v6 =	vld [tilespmem:s26+$0x78E0]  }
0x3d0: {  	v7 =	vld [tilespmem:s25+$0x78E0];
	_ =	sdelay $0x1  }
0x3d1: {  	v8 =	vld [tilespmem:s28+$0x78E0];
	_ =	sdelay $0x1  }
0x3d2: {  	v6 =	vmul.f32 v6, v5  }
0x3d3: {  	v7 =	vmul.f32 v7, v4;
	_ =	sdelay $0x1  }
0x3d4: {  	v6 =	vadd.f32 v7, v6;
	v7 =	vmul.f32 v8, v3;
	_ =	sdelay $0x1  }
0x3d5: {  	v6 =	vadd.f32 v7, v6;
	_ =	sdelay $0x1  }
0x3d6: {  	[tilespmem:s9+$0xF8E0] =	vst v6  }
0x3d7: {  	v6 =	vld [tilespmem:s26+$0x78F0]  }
0x3d8: {  	v7 =	vld [tilespmem:s25+$0x78F0]  }
0x3d9: {  	v8 =	vld [tilespmem:s28+$0x78F0];
	_ =	sdelay $0x2  }
0x3da: {  	v6 =	vmul.f32 v6, v5  }
0x3db: {  	v7 =	vmul.f32 v7, v4;
	_ =	sdelay $0x1  }
0x3dc: {  	v6 =	vadd.f32 v7, v6;
	v7 =	vmul.f32 v8, v3;
	_ =	sdelay $0x1  }
0x3dd: {  	v6 =	vadd.f32 v7, v6;
	_ =	sdelay $0x1  }
0x3de: {  	[tilespmem:s9+$0xF8F0] =	vst v6  }
0x3df: {  	v6 =	vld [tilespmem:s26+$0x7C80]  }
0x3e0: {  	v7 =	vld [tilespmem:s25+$0x7C80]  }
0x3e1: {  	v8 =	vld [tilespmem:s28+$0x7C80];
	_ =	sdelay $0x2  }
0x3e2: {  	v6 =	vmul.f32 v6, v5  }
0x3e3: {  	v7 =	vmul.f32 v7, v4;
	_ =	sdelay $0x1  }
0x3e4: {  	v6 =	vadd.f32 v7, v6;
	v7 =	vmul.f32 v8, v3;
	_ =	sdelay $0x1  }
0x3e5: {  	v6 =	vadd.f32 v7, v6  }
0x3e6: {  	s5 =	sor.u32 $0x2400, s5  }
0x3e7: {  	[tilespmem:s5+$0xD880] =	vst v6  }
0x3e8: {  	v6 =	vld [tilespmem:s25+$0x7C90]  }
0x3e9: {  	v7 =	vld [tilespmem:s26+$0x7C90]  }
0x3ea: {  	v8 =	vld [tilespmem:s28+$0x7C90];
	_ =	sdelay $0x2  }
0x3eb: {  	v6 =	vmul.f32 v6, v4  }
0x3ec: {  	v7 =	vmul.f32 v7, v5  }
0x3ed: {  	v8 =	vmul.f32 v8, v3  }
0x3ee: {  	v6 =	vadd.f32 v6, v7;
	_ =	sdelay $0x1  }
0x3ef: {  	v6 =	vadd.f32 v8, v6;
	_ =	sdelay $0x1  }
0x3f0: {  	[tilespmem:s5+$0xD890] =	vst v6  }
0x3f1: {  	v6 =	vld [tilespmem:s26+$0x7CA0]  }
0x3f2: {  	v7 =	vld [tilespmem:s25+$0x7CA0]  }
0x3f3: {  	v8 =	vld [tilespmem:s28+$0x7CA0];
	_ =	sdelay $0x2  }
0x3f4: {  	v6 =	vmul.f32 v6, v5  }
0x3f5: {  	v7 =	vmul.f32 v7, v4  }
0x3f6: {  	v8 =	vmul.f32 v8, v3  }
0x3f7: {  	v6 =	vadd.f32 v7, v6;
	_ =	sdelay $0x1  }
0x3f8: {  	v6 =	vadd.f32 v8, v6;
	_ =	sdelay $0x1  }
0x3f9: {  	[tilespmem:s5+$0xD8A0] =	vst v6  }
0x3fa: {  	v6 =	vld [tilespmem:s26+$0x7CB0]  }
0x3fb: {  	v7 =	vld [tilespmem:s25+$0x7CB0]  }
0x3fc: {  	v8 =	vld [tilespmem:s28+$0x7CB0];
	_ =	sdelay $0x2  }
0x3fd: {  	v6 =	vmul.f32 v6, v5  }
0x3fe: {  	v7 =	vmul.f32 v7, v4  }
0x3ff: {  	v8 =	vmul.f32 v8, v3  }
0x400: {  	v6 =	vadd.f32 v7, v6;
	_ =	sdelay $0x1  }
0x401: {  	v6 =	vadd.f32 v8, v6;
	_ =	sdelay $0x1  }
0x402: {  	[tilespmem:s5+$0xD8B0] =	vst v6  }
0x403: {  	v6 =	vld [tilespmem:s26+$0x7CC0]  }
0x404: {  	v7 =	vld [tilespmem:s25+$0x7CC0]  }
0x405: {  	v8 =	vld [tilespmem:s28+$0x7CC0];
	_ =	sdelay $0x2  }
0x406: {  	v6 =	vmul.f32 v6, v5  }
0x407: {  	v7 =	vmul.f32 v7, v4;
	_ =	sdelay $0x1  }
0x408: {  	v6 =	vadd.f32 v7, v6;
	v7 =	vmul.f32 v8, v3;
	_ =	sdelay $0x1  }
0x409: {  	v6 =	vadd.f32 v7, v6;
	_ =	sdelay $0x1  }
0x40a: {  	[tilespmem:s5+$0xD8C0] =	vst v6  }
0x40b: {  	v6 =	vld [tilespmem:s26+$0x7CD0]  }
0x40c: {  	v7 =	vld [tilespmem:s25+$0x7CD0]  }
0x40d: {  	v8 =	vld [tilespmem:s28+$0x7CD0];
	_ =	sdelay $0x2  }
0x40e: {  	v6 =	vmul.f32 v6, v5  }
0x40f: {  	v7 =	vmul.f32 v7, v4  }
0x410: {  	v8 =	vmul.f32 v8, v3  }
0x411: {  	v6 =	vadd.f32 v7, v6;
	_ =	sdelay $0x1  }
0x412: {  	v6 =	vadd.f32 v8, v6;
	_ =	sdelay $0x1  }
0x413: {  	[tilespmem:s5+$0xD8D0] =	vst v6  }
.Ltmp8:
0x414: {  	v6 =	vld [tilespmem:s26+$0x7CE0];
	(pc) =	sbr.rel @p2 .LBB2_15-.Ltmp8, $3  }
0x415: {  	v8 =	vld [tilespmem:s25+$0x7CE0]  }
0x416: {  	v7 =	vld [tilespmem:s28+$0x7CE0];
	_ =	sdelay $0x1  }
0x417: {  	s30 =	sadd.s32 $0x3, s30  }
0x418: {  	_ = 	snop  }
0x419: {  	v6 =	vmul.f32 v6, v5;
	v8 =	vmul.f32 v8, v4;
	_ =	sdelay $0x1  }
0x41a: {  	v7 =	vmul.f32 v7, v3;
	v6 =	vadd.f32 v8, v6;
	_ =	sdelay $0x1  }
0x41b: {  	v6 =	vadd.f32 v7, v6;
	_ =	sdelay $0x1  }
0x41c: {  	[tilespmem:s5+$0xD8E0] =	vst v6  }
0x41d: {  	v6 =	vld [tilespmem:s26+$0x7CF0]  }
0x41e: {  	v60 =	vld [tilespmem:s25+$0x7CF0];
	_ =	sdelay $0x1  }
0x41f: {  	v61 =	vld [tilespmem:s28+$0x7CF0];
	_ =	sdelay $0x2  }
0x420: {  	v62 =	vmul.f32 v6, v5;
	v63 =	vmul.f32 v60, v4;
	_ =	sdelay $0x1  }
0x421: {  	v3 =	vmul.f32 v61, v3;
	v4 =	vadd.f32 v63, v62  }
.Ltmp9:
0x422: {  	_ = 	snop;
	(pc) =	sbr.rel @p1 .LBB2_18-.Ltmp9, $4  }
0x423: {  	v3 =	vadd.f32 v3, v4  }
0x424: {  	s0 =	sshll.u32 s23, $0x9  }
0x425: {  	s0 =	sadd.s32 s0, s6;
	[tilespmem:s5+$0xD8F0] =	vst v3  }
0x426: {  	[hbm4b:s0+s3] =	stream.linear.scatter [tilespmem:s12], [sflag:$0x7], $0x1000, $0x38;
	[tilespmem:$0x11880] =	vst v63  }
.Ltmp10:
0x427: {  	(pc) =	sbr.rel .LBB2_19-.Ltmp10, $4  }
0x428: {  	_ = 	snop  }
0x429: {  	_ =	swait.ge [sflag:s13], $0x3000  }
0x42a: {  	[sflag:s13] =	ssyncset.done $0x0  }
0x42b: {  	[sflag:s13] =	ssyncadd.s32 $0xFFFFD000  }
.LBB2_18:
0x42c: {  	s0 =	sshra.s32 s22, $0x2  }
0x42d: {  	v3 =	vld [tilespmem:s0+$0x120];
	_ =	sdelay $0x4  }
0x42e: {  	v4 =	vshll.u32 v3, $0x1  }
0x42f: {  	v3 =	vand.u32 $0x7, v3;
	v4 =	vand.u32 $0xFFFFFFF0, v4  }
0x430: {  	v3 =	vor.u32 v3, v4  }
0x431: {  	v4 =	vperm.xlane v3, v0;
	_ =	sdelay $0x1  }
0x432: {  	v3 =	vperm.xlane v3, v2;
	v4 =	vadd.s32 v1, v4;
	_ =	sdelay $0x1  }
0x433: {  	v3 =	vadd.s32 v1, v3;
	_ =	sdelay $0x1  }
0x434: {  	s2 =	simm.s32 $0x7880  }
0x435: {  	[tilespmem:s2], [sflag:$0x3] =	stream.indirect_vreg.gather [hbm4b:s1+s3], $0x80, v4, vm0, $0xb8;
	[tilespmem:$0x11880] =	vst v63  }
0x436: {  	s26 =	simm.s32 $0x8080  }
0x437: {  	[tilespmem:s26], [sflag:$0x3] =	stream.indirect_vreg.gather [hbm4b:s1+s3], $0x80, v3, vm0, $0xb8;
	[tilespmem:$0x11880] =	vst v63  }
0x438: {  	v3 =	vld [tilespmem:s0+$0x130];
	_ =	sdelay $0x4  }
0x439: {  	v62 =	vshll.u32 v3, $0x1  }
0x43a: {  	v3 =	vand.u32 $0x7, v3;
	v4 =	vand.u32 $0xFFFFFFF0, v62  }
0x43b: {  	v3 =	vor.u32 v3, v4  }
0x43c: {  	v4 =	vperm.xlane v3, v0;
	_ =	sdelay $0x1  }
0x43d: {  	v3 =	vperm.xlane v3, v2;
	v4 =	vadd.s32 v1, v4;
	_ =	sdelay $0x1  }
0x43e: {  	v3 =	vadd.s32 v1, v3;
	_ =	sdelay $0x1  }
0x43f: {  	s28 =	simm.s32 $0x8880  }
0x440: {  	[tilespmem:s28], [sflag:$0x3] =	stream.indirect_vreg.gather [hbm4b:s1+s3], $0x80, v4, vm0, $0xb8;
	[tilespmem:$0x11880] =	vst v63  }
0x441: {  	s29 =	simm.s32 $0x9080  }
0x442: {  	[tilespmem:s29], [sflag:$0x3] =	stream.indirect_vreg.gather [hbm4b:s1+s3], $0x80, v3, vm0, $0xb8;
	[tilespmem:$0x11880] =	vst v63  }
0x443: {  	v3 =	vld [tilespmem:s0+$0x140];
	_ =	sdelay $0x4  }
0x444: {  	v63 =	vshll.u32 v3, $0x1  }
0x445: {  	v3 =	vand.u32 $0x7, v3;
	v4 =	vand.u32 $0xFFFFFFF0, v63  }
0x446: {  	v3 =	vor.u32 v3, v4  }
0x447: {  	v4 =	vperm.xlane v3, v0;
	_ =	sdelay $0x1  }
0x448: {  	v3 =	vperm.xlane v3, v2;
	v4 =	vadd.s32 v1, v4;
	_ =	sdelay $0x1  }
0x449: {  	v3 =	vadd.s32 v1, v3;
	_ =	sdelay $0x1  }
0x44a: {  	s30 =	simm.s32 $0x9880  }
0x44b: {  	[tilespmem:s30], [sflag:$0x3] =	stream.indirect_vreg.gather [hbm4b:s1+s3], $0x80, v4, vm0, $0xb8;
	[tilespmem:$0x11880] =	vst v63  }
.Ltmp11:
0x44c: {  	s31 =	simm.s32 $0xA080;
	(pc) =	sbr.rel @p0 .LBB2_20-.Ltmp11, $4  }
0x44d: {  	[tilespmem:s31], [sflag:$0x3] =	stream.indirect_vreg.gather [hbm4b:s1+s3], $0x80, v3, vm0, $0xb8;
	[tilespmem:$0x11880] =	vst v63  }
0x44e: {  	_ =	swait.ge [sflag:s13], $0x3000  }
0x44f: {  	[sflag:s13] =	ssyncset.done $0x0  }
0x450: {  	[sflag:s13] =	ssyncadd.s32 $0xFFFFD000  }
.LBB2_19:
0x451: {  	_ =	swait.ge [sflag:s14], $0x1000  }
0x452: {  	[sflag:s14] =	ssyncset.done $0x0  }
0x453: {  	[sflag:s14] =	ssyncadd.s32 $0xFFFFF000  }
.LBB2_20:
0x454: {  	s0 =	simm.s32 $0x100;
	s2 =	simm.s32 $0x80  }
0x455: {  	s22 =	simm.s32 $0x0;
	s0 =	sand.u32 $0x7800, s0;
	s2 =	sand.u32 $0x380, s2  }
0x456: {  	v4 =	vld [tilespmem:s19+$0x0];
	s9 =	sand.u32 $0x3800, s22;
	s24 =	sand.u32 $0x380, s22;
	s23 =	sor.u32 s2, s0  }
0x457: {  	s25 =	simm.s32 $0x200;
	s26 =	simm.s32 $0x100;
	s24 =	sor.u32 s24, s9;
	v6 =	vld [tilespmem:s23+$0xA880]  }
0x458: {  	s0 =	sand.u32 $0x7800, s25;
	s2 =	sand.u32 $0x380, s26;
	v7 =	vld [tilespmem:s24+$0xA880]  }
0x459: {  	s25 =	sor.u32 s2, s0  }
0x45a: {  	v8 =	vld [tilespmem:s25+$0xA880]  }
0x45b: {  	v5 =	vbroadcast v4, $0x0;
	v3 =	vbroadcast v4, $0x1  }
0x45c: {  	v4 =	vbroadcast v4, $0x2  }
0x45d: {  	v7 =	vmul.f32 v7, v5;
	v6 =	vmul.f32 v6, v3;
	_ =	sdelay $0x1  }
0x45e: {  	v6 =	vadd.f32 v6, v7;
	v7 =	vmul.f32 v8, v4  }
0x45f: {  	s30 =	sand.u32 $0x800, s22;
	s31 =	sand.u32 $0x380, s22  }
0x460: {  	s2 =	sor.u32 s31, s30;
	v6 =	vadd.f32 v7, v6  }
0x461: {  	s2 =	sadd.s32 $0xD880, s2  }
0x462: {  	[tilespmem:s2+$0x3000] =	vst v6  }
0x463: {  	v6 =	vld [tilespmem:s24+$0xA890]  }
0x464: {  	v7 =	vld [tilespmem:s23+$0xA890];
	_ =	sdelay $0x1  }
0x465: {  	v8 =	vld [tilespmem:s25+$0xA890];
	_ =	sdelay $0x2  }
0x466: {  	v6 =	vmul.f32 v6, v5;
	v7 =	vmul.f32 v7, v3;
	_ =	sdelay $0x1  }
0x467: {  	v6 =	vadd.f32 v7, v6;
	v7 =	vmul.f32 v8, v4;
	_ =	sdelay $0x1  }
0x468: {  	v6 =	vadd.f32 v7, v6;
	_ =	sdelay $0x1  }
0x469: {  	[tilespmem:s2+$0x3010] =	vst v6  }
0x46a: {  	v6 =	vld [tilespmem:s24+$0xA8A0]  }
0x46b: {  	v7 =	vld [tilespmem:s23+$0xA8A0];
	_ =	sdelay $0x1  }
0x46c: {  	v8 =	vld [tilespmem:s25+$0xA8A0];
	_ =	sdelay $0x2  }
0x46d: {  	v6 =	vmul.f32 v6, v5;
	v7 =	vmul.f32 v7, v3;
	_ =	sdelay $0x1  }
0x46e: {  	v6 =	vadd.f32 v7, v6;
	v7 =	vmul.f32 v8, v4;
	_ =	sdelay $0x1  }
0x46f: {  	v6 =	vadd.f32 v7, v6;
	_ =	sdelay $0x1  }
0x470: {  	[tilespmem:s2+$0x3020] =	vst v6  }
0x471: {  	v6 =	vld [tilespmem:s24+$0xA8B0]  }
0x472: {  	v7 =	vld [tilespmem:s23+$0xA8B0];
	_ =	sdelay $0x1  }
0x473: {  	v8 =	vld [tilespmem:s25+$0xA8B0];
	_ =	sdelay $0x2  }
0x474: {  	v6 =	vmul.f32 v6, v5;
	v7 =	vmul.f32 v7, v3;
	_ =	sdelay $0x1  }
0x475: {  	v8 =	vmul.f32 v8, v4;
	v6 =	vadd.f32 v7, v6;
	_ =	sdelay $0x1  }
0x476: {  	v6 =	vadd.f32 v8, v6;
	_ =	sdelay $0x1  }
0x477: {  	[tilespmem:s2+$0x3030] =	vst v6  }
0x478: {  	v6 =	vld [tilespmem:s24+$0xA8C0]  }
0x479: {  	v7 =	vld [tilespmem:s23+$0xA8C0];
	_ =	sdelay $0x1  }
0x47a: {  	v8 =	vld [tilespmem:s25+$0xA8C0];
	_ =	sdelay $0x2  }
0x47b: {  	v6 =	vmul.f32 v6, v5;
	v7 =	vmul.f32 v7, v3;
	_ =	sdelay $0x1  }
0x47c: {  	v8 =	vmul.f32 v8, v4;
	v6 =	vadd.f32 v7, v6;
	_ =	sdelay $0x1  }
0x47d: {  	v6 =	vadd.f32 v8, v6;
	_ =	sdelay $0x1  }
0x47e: {  	[tilespmem:s2+$0x3040] =	vst v6  }
0x47f: {  	v6 =	vld [tilespmem:s24+$0xA8D0]  }
0x480: {  	v7 =	vld [tilespmem:s23+$0xA8D0];
	_ =	sdelay $0x1  }
0x481: {  	v8 =	vld [tilespmem:s25+$0xA8D0];
	_ =	sdelay $0x2  }
0x482: {  	v6 =	vmul.f32 v6, v5;
	v7 =	vmul.f32 v7, v3;
	_ =	sdelay $0x1  }
0x483: {  	v8 =	vmul.f32 v8, v4;
	v6 =	vadd.f32 v7, v6;
	_ =	sdelay $0x1  }
0x484: {  	v6 =	vadd.f32 v8, v6;
	_ =	sdelay $0x1  }
0x485: {  	[tilespmem:s2+$0x3050] =	vst v6  }
0x486: {  	v6 =	vld [tilespmem:s24+$0xA8E0]  }
0x487: {  	v7 =	vld [tilespmem:s23+$0xA8E0];
	_ =	sdelay $0x1  }
0x488: {  	v8 =	vld [tilespmem:s25+$0xA8E0];
	_ =	sdelay $0x2  }
0x489: {  	v6 =	vmul.f32 v6, v5;
	v7 =	vmul.f32 v7, v3;
	_ =	sdelay $0x1  }
0x48a: {  	v8 =	vmul.f32 v8, v4;
	v6 =	vadd.f32 v7, v6;
	_ =	sdelay $0x1  }
0x48b: {  	v6 =	vadd.f32 v8, v6;
	_ =	sdelay $0x1  }
0x48c: {  	[tilespmem:s2+$0x3060] =	vst v6  }
0x48d: {  	v6 =	vld [tilespmem:s24+$0xA8F0]  }
0x48e: {  	v7 =	vld [tilespmem:s23+$0xA8F0];
	_ =	sdelay $0x1  }
0x48f: {  	v8 =	vld [tilespmem:s25+$0xA8F0];
	_ =	sdelay $0x2  }
0x490: {  	v6 =	vmul.f32 v6, v5;
	v7 =	vmul.f32 v7, v3;
	_ =	sdelay $0x1  }
0x491: {  	v8 =	vmul.f32 v8, v4;
	v6 =	vadd.f32 v7, v6;
	_ =	sdelay $0x1  }
0x492: {  	v6 =	vadd.f32 v8, v6;
	_ =	sdelay $0x1  }
0x493: {  	[tilespmem:s2+$0x3070] =	vst v6  }
0x494: {  	v6 =	vld [tilespmem:s24+$0xAC80]  }
0x495: {  	v7 =	vld [tilespmem:s23+$0xAC80];
	_ =	sdelay $0x1  }
0x496: {  	v8 =	vld [tilespmem:s25+$0xAC80];
	_ =	sdelay $0x2  }
0x497: {  	v6 =	vmul.f32 v6, v5;
	v7 =	vmul.f32 v7, v3;
	_ =	sdelay $0x1  }
0x498: {  	v8 =	vmul.f32 v8, v4;
	v6 =	vadd.f32 v7, v6;
	_ =	sdelay $0x1  }
0x499: {  	s0 =	sor.u32 s30, s22;
	v6 =	vadd.f32 v8, v6  }
0x49a: {  	s0 =	sor.u32 $0x3400, s0  }
0x49b: {  	[tilespmem:s0+$0xD880] =	vst v6  }
0x49c: {  	v6 =	vld [tilespmem:s24+$0xAC90]  }
0x49d: {  	v7 =	vld [tilespmem:s23+$0xAC90];
	_ =	sdelay $0x1  }
0x49e: {  	v8 =	vld [tilespmem:s25+$0xAC90];
	_ =	sdelay $0x2  }
0x49f: {  	v6 =	vmul.f32 v6, v5;
	v7 =	vmul.f32 v7, v3;
	_ =	sdelay $0x1  }
0x4a0: {  	v8 =	vmul.f32 v8, v4;
	v6 =	vadd.f32 v7, v6;
	_ =	sdelay $0x1  }
0x4a1: {  	v6 =	vadd.f32 v8, v6;
	_ =	sdelay $0x1  }
0x4a2: {  	[tilespmem:s0+$0xD890] =	vst v6  }
0x4a3: {  	v6 =	vld [tilespmem:s24+$0xACA0]  }
0x4a4: {  	v7 =	vld [tilespmem:s23+$0xACA0];
	_ =	sdelay $0x1  }
0x4a5: {  	v8 =	vld [tilespmem:s25+$0xACA0];
	_ =	sdelay $0x2  }
0x4a6: {  	v6 =	vmul.f32 v6, v5;
	v7 =	vmul.f32 v7, v3;
	_ =	sdelay $0x1  }
0x4a7: {  	v8 =	vmul.f32 v8, v4;
	v6 =	vadd.f32 v7, v6;
	_ =	sdelay $0x1  }
0x4a8: {  	v6 =	vadd.f32 v8, v6;
	_ =	sdelay $0x1  }
0x4a9: {  	[tilespmem:s0+$0xD8A0] =	vst v6  }
0x4aa: {  	v6 =	vld [tilespmem:s23+$0xACB0]  }
0x4ab: {  	v7 =	vld [tilespmem:s24+$0xACB0];
	_ =	sdelay $0x1  }
0x4ac: {  	v8 =	vld [tilespmem:s25+$0xACB0];
	_ =	sdelay $0x2  }
0x4ad: {  	v6 =	vmul.f32 v6, v3;
	v7 =	vmul.f32 v7, v5;
	_ =	sdelay $0x1  }
0x4ae: {  	v8 =	vmul.f32 v8, v4;
	v6 =	vadd.f32 v6, v7;
	_ =	sdelay $0x1  }
0x4af: {  	v6 =	vadd.f32 v8, v6;
	_ =	sdelay $0x1  }
0x4b0: {  	[tilespmem:s0+$0xD8B0] =	vst v6  }
0x4b1: {  	v6 =	vld [tilespmem:s24+$0xACC0]  }
0x4b2: {  	v7 =	vld [tilespmem:s23+$0xACC0];
	_ =	sdelay $0x1  }
0x4b3: {  	v8 =	vld [tilespmem:s25+$0xACC0];
	_ =	sdelay $0x2  }
0x4b4: {  	v6 =	vmul.f32 v6, v5;
	v7 =	vmul.f32 v7, v3;
	_ =	sdelay $0x1  }
0x4b5: {  	v8 =	vmul.f32 v8, v4;
	v6 =	vadd.f32 v7, v6;
	_ =	sdelay $0x1  }
0x4b6: {  	v6 =	vadd.f32 v8, v6;
	_ =	sdelay $0x1  }
0x4b7: {  	[tilespmem:s0+$0xD8C0] =	vst v6  }
0x4b8: {  	v6 =	vld [tilespmem:s24+$0xACD0]  }
0x4b9: {  	v7 =	vld [tilespmem:s23+$0xACD0];
	_ =	sdelay $0x1  }
0x4ba: {  	v8 =	vld [tilespmem:s25+$0xACD0];
	_ =	sdelay $0x2  }
0x4bb: {  	v6 =	vmul.f32 v6, v5;
	v7 =	vmul.f32 v7, v3;
	_ =	sdelay $0x1  }
0x4bc: {  	v8 =	vmul.f32 v8, v4;
	v6 =	vadd.f32 v7, v6;
	_ =	sdelay $0x1  }
0x4bd: {  	v6 =	vadd.f32 v8, v6;
	_ =	sdelay $0x1  }
0x4be: {  	[tilespmem:s0+$0xD8D0] =	vst v6  }
0x4bf: {  	v7 =	vld [tilespmem:s24+$0xACE0]  }
0x4c0: {  	v8 =	vld [tilespmem:s23+$0xACE0]  }
0x4c1: {  	v6 =	vld [tilespmem:s25+$0xACE0];
	_ =	sdelay $0x1  }
0x4c2: {  	s28 =	sadd.s32 $0x3, s19  }
0x4c3: {  	s29 =	simm.s32 $0x0;
	s26 =	simm.s32 $0x180;
	s2 =	simm.s32 $0x0;
	v7 =	vmul.f32 v7, v5  }
.LBB2_21:
0x4c4: {  	v8 =	vmul.f32 v8, v3;
	s22 =	sadd.s32 $0x80, s22;
	s29 =	sadd.s32 $0x100, s29;
	s2 =	sadd.s32 $0x300, s2  }
0x4c5: {  	p0 =	sne.s32 s26, $0x1680;
	s5 =	smov.u32 s26;
	s26 =	sadd.s32 $0x180, s26;
	v6 =	vmul.f32 v6, v4  }
0x4c6: {  	v7 =	vadd.f32 v8, v7;
	_ =	sdelay $0x1  }
0x4c7: {  	v6 =	vadd.f32 v6, v7;
	_ =	sdelay $0x1  }
0x4c8: {  	[tilespmem:s0+$0xD8E0] =	vst v6  }
0x4c9: {  	v6 =	vld [tilespmem:s24+$0xACF0]  }
0x4ca: {  	v7 =	vld [tilespmem:s23+$0xACF0]  }
0x4cb: {  	v8 =	vld [tilespmem:s25+$0xACF0];
	_ =	sdelay $0x2  }
0x4cc: {  	v5 =	vmul.f32 v6, v5  }
0x4cd: {  	v3 =	vmul.f32 v7, v3  }
0x4ce: {  	v4 =	vmul.f32 v8, v4  }
0x4cf: {  	s9 =	sadd.s32 $0x100, s2;
	s23 =	sadd.s32 $0x80, s5;
	v3 =	vadd.f32 v3, v5  }
0x4d0: {  	s9 =	sand.u32 $0x7800, s9;
	s23 =	sand.u32 $0x380, s23  }
0x4d1: {  	s23 =	sor.u32 s23, s9;
	v3 =	vadd.f32 v4, v3;
	_ =	sdelay $0x1  }
0x4d2: {  	[tilespmem:s0+$0xD8F0] =	vst v3  }
0x4d3: {  	s9 =	sand.u32 $0x380, s5;
	s0 =	sand.u32 $0x3800, s2;
	v4 =	vld [tilespmem:s28+$0x0]  }
0x4d4: {  	s5 =	sadd.s32 $0x100, s5;
	s24 =	sor.u32 s9, s0;
	s0 =	sadd.s32 $0x200, s2;
	v6 =	vld [tilespmem:s23+$0xA880]  }
0x4d5: {  	s5 =	sand.u32 $0x380, s5;
	s0 =	sand.u32 $0x7800, s0;
	v7 =	vld [tilespmem:s24+$0xA880]  }
0x4d6: {  	s25 =	sor.u32 s5, s0  }
0x4d7: {  	v8 =	vld [tilespmem:s25+$0xA880]  }
0x4d8: {  	v5 =	vbroadcast v4, $0x0;
	v3 =	vbroadcast v4, $0x1  }
0x4d9: {  	v4 =	vbroadcast v4, $0x2  }
0x4da: {  	v7 =	vmul.f32 v7, v5;
	v6 =	vmul.f32 v6, v3;
	_ =	sdelay $0x1  }
0x4db: {  	v6 =	vadd.f32 v6, v7;
	v7 =	vmul.f32 v8, v4  }
0x4dc: {  	s0 =	sand.u32 $0x800, s29;
	s5 =	sand.u32 $0x380, s22  }
0x4dd: {  	s5 =	sor.u32 s5, s0;
	s0 =	sor.u32 s0, s22;
	v6 =	vadd.f32 v7, v6  }
0x4de: {  	s5 =	sadd.s32 $0xD880, s5  }
0x4df: {  	[tilespmem:s5+$0x3000] =	vst v6  }
0x4e0: {  	v6 =	vld [tilespmem:s24+$0xA890]  }
0x4e1: {  	v7 =	vld [tilespmem:s23+$0xA890];
	_ =	sdelay $0x1  }
0x4e2: {  	v8 =	vld [tilespmem:s25+$0xA890];
	_ =	sdelay $0x1  }
0x4e3: {  	v6 =	vmul.f32 v6, v5  }
0x4e4: {  	v7 =	vmul.f32 v7, v3;
	_ =	sdelay $0x1  }
0x4e5: {  	v6 =	vadd.f32 v7, v6;
	v7 =	vmul.f32 v8, v4;
	_ =	sdelay $0x1  }
0x4e6: {  	v6 =	vadd.f32 v7, v6;
	_ =	sdelay $0x1  }
0x4e7: {  	[tilespmem:s5+$0x3010] =	vst v6  }
0x4e8: {  	v6 =	vld [tilespmem:s24+$0xA8A0]  }
0x4e9: {  	v7 =	vld [tilespmem:s23+$0xA8A0];
	_ =	sdelay $0x1  }
0x4ea: {  	v8 =	vld [tilespmem:s25+$0xA8A0];
	_ =	sdelay $0x1  }
0x4eb: {  	v6 =	vmul.f32 v6, v5  }
0x4ec: {  	v7 =	vmul.f32 v7, v3;
	_ =	sdelay $0x1  }
0x4ed: {  	v6 =	vadd.f32 v7, v6;
	v7 =	vmul.f32 v8, v4;
	_ =	sdelay $0x1  }
0x4ee: {  	v6 =	vadd.f32 v7, v6;
	_ =	sdelay $0x1  }
0x4ef: {  	[tilespmem:s5+$0x3020] =	vst v6  }
0x4f0: {  	v6 =	vld [tilespmem:s24+$0xA8B0]  }
0x4f1: {  	v7 =	vld [tilespmem:s23+$0xA8B0]  }
0x4f2: {  	v8 =	vld [tilespmem:s25+$0xA8B0];
	_ =	sdelay $0x2  }
0x4f3: {  	v6 =	vmul.f32 v6, v5  }
0x4f4: {  	v7 =	vmul.f32 v7, v3  }
0x4f5: {  	v8 =	vmul.f32 v8, v4  }
0x4f6: {  	v6 =	vadd.f32 v7, v6;
	_ =	sdelay $0x1  }
0x4f7: {  	v6 =	vadd.f32 v8, v6;
	_ =	sdelay $0x1  }
0x4f8: {  	[tilespmem:s5+$0x3030] =	vst v6  }
0x4f9: {  	v6 =	vld [tilespmem:s24+$0xA8C0]  }
0x4fa: {  	v7 =	vld [tilespmem:s23+$0xA8C0]  }
0x4fb: {  	v8 =	vld [tilespmem:s25+$0xA8C0];
	_ =	sdelay $0x2  }
0x4fc: {  	v6 =	vmul.f32 v6, v5  }
0x4fd: {  	v7 =	vmul.f32 v7, v3  }
0x4fe: {  	v8 =	vmul.f32 v8, v4  }
0x4ff: {  	v6 =	vadd.f32 v7, v6;
	_ =	sdelay $0x1  }
0x500: {  	v6 =	vadd.f32 v8, v6;
	_ =	sdelay $0x1  }
0x501: {  	[tilespmem:s5+$0x3040] =	vst v6  }
0x502: {  	v6 =	vld [tilespmem:s24+$0xA8D0]  }
0x503: {  	v7 =	vld [tilespmem:s23+$0xA8D0]  }
0x504: {  	v8 =	vld [tilespmem:s25+$0xA8D0];
	_ =	sdelay $0x2  }
0x505: {  	v6 =	vmul.f32 v6, v5  }
0x506: {  	v7 =	vmul.f32 v7, v3  }
0x507: {  	v8 =	vmul.f32 v8, v4  }
0x508: {  	v6 =	vadd.f32 v7, v6;
	_ =	sdelay $0x1  }
0x509: {  	v6 =	vadd.f32 v8, v6;
	_ =	sdelay $0x1  }
0x50a: {  	[tilespmem:s5+$0x3050] =	vst v6  }
0x50b: {  	v6 =	vld [tilespmem:s24+$0xA8E0]  }
0x50c: {  	v7 =	vld [tilespmem:s23+$0xA8E0]  }
0x50d: {  	v8 =	vld [tilespmem:s25+$0xA8E0];
	_ =	sdelay $0x2  }
0x50e: {  	v6 =	vmul.f32 v6, v5  }
0x50f: {  	v7 =	vmul.f32 v7, v3  }
0x510: {  	v8 =	vmul.f32 v8, v4  }
0x511: {  	v6 =	vadd.f32 v7, v6;
	_ =	sdelay $0x1  }
0x512: {  	v6 =	vadd.f32 v8, v6;
	_ =	sdelay $0x1  }
0x513: {  	[tilespmem:s5+$0x3060] =	vst v6  }
0x514: {  	v6 =	vld [tilespmem:s24+$0xA8F0]  }
0x515: {  	v7 =	vld [tilespmem:s23+$0xA8F0]  }
0x516: {  	v8 =	vld [tilespmem:s25+$0xA8F0];
	_ =	sdelay $0x2  }
0x517: {  	v6 =	vmul.f32 v6, v5  }
0x518: {  	v7 =	vmul.f32 v7, v3  }
0x519: {  	v8 =	vmul.f32 v8, v4  }
0x51a: {  	v6 =	vadd.f32 v7, v6;
	_ =	sdelay $0x1  }
0x51b: {  	v6 =	vadd.f32 v8, v6;
	_ =	sdelay $0x1  }
0x51c: {  	[tilespmem:s5+$0x3070] =	vst v6  }
0x51d: {  	v6 =	vld [tilespmem:s24+$0xAC80]  }
0x51e: {  	v7 =	vld [tilespmem:s23+$0xAC80]  }
0x51f: {  	v8 =	vld [tilespmem:s25+$0xAC80];
	_ =	sdelay $0x2  }
0x520: {  	v6 =	vmul.f32 v6, v5  }
0x521: {  	v7 =	vmul.f32 v7, v3  }
0x522: {  	v8 =	vmul.f32 v8, v4  }
0x523: {  	v6 =	vadd.f32 v7, v6;
	_ =	sdelay $0x1  }
0x524: {  	v6 =	vadd.f32 v8, v6  }
0x525: {  	s0 =	sor.u32 $0x3400, s0  }
0x526: {  	[tilespmem:s0+$0xD880] =	vst v6  }
0x527: {  	v6 =	vld [tilespmem:s24+$0xAC90]  }
0x528: {  	v7 =	vld [tilespmem:s23+$0xAC90]  }
0x529: {  	v8 =	vld [tilespmem:s25+$0xAC90];
	_ =	sdelay $0x2  }
0x52a: {  	v6 =	vmul.f32 v6, v5  }
0x52b: {  	v7 =	vmul.f32 v7, v3  }
0x52c: {  	v8 =	vmul.f32 v8, v4  }
0x52d: {  	v6 =	vadd.f32 v7, v6;
	_ =	sdelay $0x1  }
0x52e: {  	v6 =	vadd.f32 v8, v6;
	_ =	sdelay $0x1  }
0x52f: {  	[tilespmem:s0+$0xD890] =	vst v6  }
0x530: {  	v6 =	vld [tilespmem:s24+$0xACA0]  }
0x531: {  	v7 =	vld [tilespmem:s23+$0xACA0]  }
0x532: {  	v8 =	vld [tilespmem:s25+$0xACA0];
	_ =	sdelay $0x2  }
0x533: {  	v6 =	vmul.f32 v6, v5  }
0x534: {  	v7 =	vmul.f32 v7, v3  }
0x535: {  	v8 =	vmul.f32 v8, v4  }
0x536: {  	v6 =	vadd.f32 v7, v6;
	_ =	sdelay $0x1  }
0x537: {  	v6 =	vadd.f32 v8, v6;
	_ =	sdelay $0x1  }
0x538: {  	[tilespmem:s0+$0xD8A0] =	vst v6  }
0x539: {  	v6 =	vld [tilespmem:s23+$0xACB0]  }
0x53a: {  	v7 =	vld [tilespmem:s24+$0xACB0]  }
0x53b: {  	v8 =	vld [tilespmem:s25+$0xACB0];
	_ =	sdelay $0x2  }
0x53c: {  	v6 =	vmul.f32 v6, v3  }
0x53d: {  	v7 =	vmul.f32 v7, v5  }
0x53e: {  	v8 =	vmul.f32 v8, v4  }
0x53f: {  	v6 =	vadd.f32 v6, v7;
	_ =	sdelay $0x1  }
0x540: {  	v6 =	vadd.f32 v8, v6;
	_ =	sdelay $0x1  }
0x541: {  	[tilespmem:s0+$0xD8B0] =	vst v6  }
0x542: {  	v6 =	vld [tilespmem:s24+$0xACC0]  }
0x543: {  	v7 =	vld [tilespmem:s23+$0xACC0]  }
0x544: {  	v8 =	vld [tilespmem:s25+$0xACC0];
	_ =	sdelay $0x2  }
0x545: {  	v6 =	vmul.f32 v6, v5  }
0x546: {  	v7 =	vmul.f32 v7, v3  }
0x547: {  	v8 =	vmul.f32 v8, v4  }
0x548: {  	v6 =	vadd.f32 v7, v6;
	_ =	sdelay $0x1  }
0x549: {  	v6 =	vadd.f32 v8, v6;
	_ =	sdelay $0x1  }
0x54a: {  	[tilespmem:s0+$0xD8C0] =	vst v6  }
0x54b: {  	v6 =	vld [tilespmem:s24+$0xACD0]  }
0x54c: {  	v7 =	vld [tilespmem:s23+$0xACD0]  }
0x54d: {  	v8 =	vld [tilespmem:s25+$0xACD0];
	_ =	sdelay $0x2  }
0x54e: {  	v6 =	vmul.f32 v6, v5  }
0x54f: {  	v7 =	vmul.f32 v7, v3  }
0x550: {  	v8 =	vmul.f32 v8, v4  }
0x551: {  	v6 =	vadd.f32 v7, v6;
	_ =	sdelay $0x1  }
0x552: {  	v6 =	vadd.f32 v8, v6;
	_ =	sdelay $0x1  }
0x553: {  	[tilespmem:s0+$0xD8D0] =	vst v6  }
0x554: {  	v7 =	vld [tilespmem:s24+$0xACE0]  }
.Ltmp12:
0x555: {  	v8 =	vld [tilespmem:s23+$0xACE0];
	(pc) =	sbr.rel @p0 .LBB2_21-.Ltmp12, $2  }
0x556: {  	v6 =	vld [tilespmem:s25+$0xACE0];
	_ =	sdelay $0x2  }
0x557: {  	s28 =	sadd.s32 $0x3, s28;
	v7 =	vmul.f32 v7, v5  }
0x558: {  	v8 =	vmul.f32 v8, v3;
	_ =	sdelay $0x1  }
0x559: {  	v6 =	vmul.f32 v6, v4;
	v7 =	vadd.f32 v8, v7;
	_ =	sdelay $0x1  }
0x55a: {  	v6 =	vadd.f32 v6, v7;
	_ =	sdelay $0x1  }
0x55b: {  	[tilespmem:s0+$0xD8E0] =	vst v6  }
0x55c: {  	v6 =	vld [tilespmem:s24+$0xACF0]  }
0x55d: {  	v61 =	vld [tilespmem:s23+$0xACF0];
	_ =	sdelay $0x1  }
0x55e: {  	v62 =	vld [tilespmem:s25+$0xACF0];
	_ =	sdelay $0x2  }
0x55f: {  	v5 =	vmul.f32 v6, v5;
	v3 =	vmul.f32 v61, v3  }
0x560: {  	s20 =	sadd.s32 $0x1, s20  }
0x561: {  	p0 =	sne.s32 s20, $0x10;
	v63 =	vmul.f32 v62, v4;
	v3 =	vadd.f32 v3, v5  }
.Ltmp13:
0x562: {  	_ = 	snop;
	(pc) =	sbr.rel @p0 .LBB2_2-.Ltmp13, $4  }
0x563: {  	v3 =	vadd.f32 v63, v3  }
0x564: {  	s2 =	sshll.u32 s21, $0x9;
	s16 =	sadd.s32 $0xC0, s16;
	s17 =	sadd.s32 $0xC0, s17  }
0x565: {  	s18 =	sadd.s32 $0xC0, s18;
	s19 =	sadd.s32 $0xC0, s19;
	s31 =	sadd.s32 s2, s6;
	[tilespmem:s0+$0xD8F0] =	vst v3  }
0x566: {  	[hbm4b:s31+s3] =	stream.linear.scatter [tilespmem:s15], [sflag:$0x8], $0x1000, $0x38;
	[tilespmem:$0x11880] =	vst v63  }
0x567: {  	s0 =	simm.s32 $0x5  }
0x568: {  	_ =	swait.ge [sflag:s0], $0x1000  }
0x569: {  	[sflag:s0] =	ssyncset.done $0x0  }
0x56a: {  	[sflag:s0] =	ssyncadd.s32 $0xFFFFF000  }
0x56b: {  	_ =	swait.ge [sflag:s8], $0x1000  }
0x56c: {  	[sflag:s8] =	ssyncset.done $0x0  }
0x56d: {  	[sflag:s8] =	ssyncadd.s32 $0xFFFFF000  }
0x56e: {  	_ =	swait.ge [sflag:s11], $0x1000  }
0x56f: {  	[sflag:s11] =	ssyncset.done $0x0  }
0x570: {  	[sflag:s11] =	ssyncadd.s32 $0xFFFFF000  }
0x571: {  	_ =	swait.ge [sflag:s14], $0x1000  }
0x572: {  	s2 =	rddreg [dreg:$0x7]  }
0x573: {  	s31 =	rddreg [dreg:$0x6];
	s2 =	sadd.s32 $0x1, s2  }
0x574: {  	p0 =	sne.s32 s2, s31  }
.Ltmp14:
0x575: {  	_ = 	snop;
	(pc) =	sbr.rel @p0 .LBB2_1-.Ltmp14, $3  }
0x576: {  	_ =	sdelay $0x1  }
0x577: {  	[sflag:s14] =	ssyncset.done $0x0  }
0x578: {  	[sflag:s14] =	ssyncadd.s32 $0xFFFFF000  }
0x579: {  	_ =	sfence.sel $0x180000  }
0x57a: {  	[bflag:$0x0] =	sbarrier.arrive $0xFFFF  }
0x57b: {  	_ =	strace $0x90000047  }
0x57c: {  	s0 =	stileid.u32;
	[bflag:$0x2] =	sbarrier.arrive $0xFFFF  }
0x57d: {  	p0 =	sne.s32 s0, $0x0;
	s0 =	rddreg [dreg:$0x3]  }
0x57e: {  	s0 =	sadd.s32 @!p0 $0x100000, s0  }
0x57f: {  	[sflag:s0] =	ssyncadd.tile.s32 @!p0 $0x1;
	_ =	shalt  }
.Lfunc_end2:
_tile_overlayer_lowered:
.L_overlay_start_2:
0x580: {  	(tag) =	ssettag $0x2  }
0x581: {  	s0 =	rddreg [dreg:$0x0];
	s2 =	stileid.u32  }
0x582: {  	s1 =	rddreg [dreg:$0x1];
	p0 =	sne.s32 s2, $0x0  }
0x583: {  	s3 =	rddreg [dreg:$0x2];
	[bflag:$0x3] =	sbarrier.arrive $0xFFFF;
	s2 =	simm.s32 @!p0 $0x1C09  }
0x584: {  	[timem:s3], [sflag:s2] =	dma.local @!p0 [hbm:s0], s1  }
0x585: {  	s0 =	simm.s32 @!p0 $0x9  }
0x586: {  	_ =	swait.ge @!p0 [sflag:s0], s1  }
0x587: {  	s1 =	ssub.s32 @!p0 $0x0, s1;
	[sflag:s0] =	ssyncset.done @!p0 $0x0  }
0x588: {  	[sflag:s0] =	ssyncadd.s32 @!p0 s1  }
0x589: {  	[bflag:$0x3] =	sbarrier.arrive $0xFFFF  }
0x58a: {  	_ =	shalt  }

</sc_bundles>
